<compile_context>
chip_gen: v7x
topology: tpu7x:2x2x1
jax: 0.10.2.dev20260603
libtpu: 0.0.44.dev20260713+nightly
codegen_flags: <defaults>
</compile_context>

<pallas_src>
import jax
import jax.numpy as jnp
from jax import lax
from jax.experimental import pallas as pl
from jax.experimental.pallas import tpu as pltpu
from jax.experimental.pallas import tpu_sc as plsc

N = 10000
EH = 160000
D = 128
RP = 480
NBP = 56
LANES = 16
NSUB = 16
EPT = EH // NSUB
BLK = 80
NBLK = EPT // BLK
HB = BLK
ZCH = BLK
NCHUNK = N // ZCH
CPT = (NCHUNK + NSUB - 1) // NSUB

_sc_mesh = plsc.VectorSubcoreMesh(core_axis_name="c", subcore_axis_name="s", num_cores=2)



def _sc_body(heads_hbm, tails_hbm, types_hbm, nf_hbm, rel_hbm,
             acc_hbm, dinvw_hbm,
             head_v, tail_v, type_v, wblk_v, nfr_v, relr_v, outr_v,
             sem1, sem2, sem3, acc_sh, rel_sh):
    s = lax.axis_index("s")
    c = lax.axis_index("c")
    zero16 = jnp.zeros((LANES,), jnp.float32)
    one16 = jnp.ones((LANES,), jnp.float32)

    def fillz(r, _):
        for ch in range(D // LANES):
            outr_v[r, pl.ds(ch * LANES, LANES)] = zero16
        return 0

    def fillo(r, _):
        for ch in range(D // LANES):
            relr_v[r, pl.ds(ch * LANES, LANES)] = one16
        return 0

    lax.fori_loop(0, ZCH, fillz, 0)
    lax.fori_loop(0, HB, fillo, 0)

    @pl.when(s == 0)
    def _():
        pltpu.sync_copy(rel_hbm, rel_sh)

    for k in range(CPT):
        idx = s + NSUB * k

        @pl.when(idx < NCHUNK)
        def _(idx=idx):
            pltpu.sync_copy(outr_v, acc_sh.at[pl.ds(idx * ZCH, ZCH)])
    plsc.subcore_barrier()

    def hblk(b, _):
        base = c * EH + s * EPT + b * HB
        pltpu.sync_copy(heads_hbm.at[pl.ds(base, HB)], head_v)
        pltpu.sync_copy(relr_v, acc_sh.at[head_v], add=True)
        return 0
    lax.fori_loop(0, EPT // HB, hblk, 0)
    plsc.subcore_barrier()

    for k in range(CPT):
        idx = s + NSUB * k

        @pl.when(idx < NCHUNK)
        def _(idx=idx):
            r0 = idx * ZCH
            pltpu.sync_copy(acc_sh.at[pl.ds(r0, ZCH)], nfr_v)

            def conv(r, _):
                x = nfr_v[r, pl.ds(0, LANES)]
                sq = x * (1.0 / 64.0) + 8.0
                for _n in range(9):
                    sq = 0.5 * (sq + x / sq)
                y = jnp.where(x > 0.5, 1.0 / sq, 0.0)
                for ch in range(D // LANES):
                    nfr_v[r, pl.ds(ch * LANES, LANES)] = y
                return 0
            lax.fori_loop(0, ZCH, conv, 0)
            pltpu.sync_copy(nfr_v, dinvw_hbm.at[pl.ds(c * N + r0, ZCH)])
            pltpu.sync_copy(outr_v, acc_sh.at[pl.ds(r0, ZCH)])
    plsc.subcore_barrier()

    def blk(b, _):
        base = c * EH + s * EPT + b * BLK
        ci1 = pltpu.async_copy(heads_hbm.at[pl.ds(base, BLK)], head_v, sem1)
        ci2 = pltpu.async_copy(tails_hbm.at[pl.ds(base, BLK)], tail_v, sem2)
        ci3 = pltpu.async_copy(types_hbm.at[pl.ds(base, BLK)], type_v, sem3)
        ci1.wait()
        ci2.wait()
        ci3.wait()
        cp1 = pltpu.async_copy(nf_hbm.at[tail_v], nfr_v, sem1)
        cp2 = pltpu.async_copy(rel_sh.at[type_v], relr_v, sem2)
        off = c * N
        for g in range(BLK // LANES):
            sl = pl.ds(g * LANES, LANES)
            tail_v[sl] = tail_v[sl] + off
        cp3 = pltpu.async_copy(dinvw_hbm.at[tail_v], wblk_v, sem3)
        cp1.wait()
        cp2.wait()
        cp3.wait()
        def ecomp(e, _):
            wj = wblk_v[e, pl.ds(0, LANES)]
            for ch in range(D // LANES):
                sl = pl.ds(ch * LANES, LANES)
                outr_v[e, sl] = wj * (nfr_v[e, sl] - relr_v[e, sl])
            return 0
        lax.fori_loop(0, BLK, ecomp, 0)
        pltpu.sync_copy(outr_v, acc_sh.at[head_v], add=True)
        return 0
    lax.fori_loop(0, NBLK, blk, 0)
    plsc.subcore_barrier()

    for k in range(CPT):
        idx = s + NSUB * k

        @pl.when(idx < NCHUNK)
        def _(idx=idx):
            r0 = idx * ZCH
            pltpu.sync_copy(acc_sh.at[pl.ds(r0, ZCH)],
                            acc_hbm.at[pl.ds(c * N + r0, ZCH)])
    plsc.subcore_barrier()


def _sc_pass(heads_f, tails_f, types_f, nf, relp):
    k = pl.kernel(
        _sc_body,
        out_type=(jax.ShapeDtypeStruct((2 * N, D), jnp.float32),
                  jax.ShapeDtypeStruct((2 * N, D), jnp.float32)),
        mesh=_sc_mesh,
        scratch_types=[
            pltpu.VMEM((BLK,), jnp.int32),
            pltpu.VMEM((BLK,), jnp.int32),
            pltpu.VMEM((BLK,), jnp.int32),
            pltpu.VMEM((BLK, D), jnp.float32),
            pltpu.VMEM((BLK, D), jnp.float32),
            pltpu.VMEM((BLK, D), jnp.float32),
            pltpu.VMEM((BLK, D), jnp.float32),
            pltpu.SemaphoreType.DMA,
            pltpu.SemaphoreType.DMA,
            pltpu.SemaphoreType.DMA,
            pltpu.VMEM_SHARED((N, D), jnp.float32),
            pltpu.VMEM_SHARED((RP, D), jnp.float32),
        ],
    )
    return k(heads_f, tails_f, types_f, nf, relp)



def _rel_body(rw_ref, basis_ref, loop_ref, wr_ref, rel_ref, out2_ref):
    rel_main = jnp.dot(rw_ref[...], basis_ref[...],
                       preferred_element_type=jnp.float32)
    rows = lax.broadcasted_iota(jnp.int32, (RP, D), 0)
    rel = jnp.where(rows == 2 * 237, loop_ref[0:1, :], rel_main)
    rel_ref[...] = rel
    out2_ref[...] = jnp.dot(rel, wr_ref[...], preferred_element_type=jnp.float32)


def _tc_rel(rw_pad, basis_pad, loop8, weight_rel):
    return pl.pallas_call(
        _rel_body,
        out_shape=(jax.ShapeDtypeStruct((RP, D), jnp.float32),
                   jax.ShapeDtypeStruct((RP, D), jnp.float32)),
    )(rw_pad, basis_pad, loop8, weight_rel)


def _final_body(accin_ref, accout_ref, din_ref, dout_ref, nf_ref, loop_ref,
                win_ref, wout_ref, wloop_ref, out_ref):
    a = jnp.dot(din_ref[...] * accin_ref[...], win_ref[...],
                preferred_element_type=jnp.float32)
    a += jnp.dot(dout_ref[...] * accout_ref[...], wout_ref[...],
                 preferred_element_type=jnp.float32)
    a += jnp.dot(nf_ref[...] - loop_ref[0:1, :], wloop_ref[...],
                 preferred_element_type=jnp.float32)
    out_ref[...] = jnp.tanh(a * (1.0 / 3.0))


def _tc_final(acc_in, acc_out, dinv_in, dinv_out, nf, loop8, w_in, w_out, w_loop):
    BR = 1000
    grid = (N // BR,)
    row_bs = pl.BlockSpec((BR, D), lambda i: (i, 0))
    col_bs = pl.BlockSpec((BR, 1), lambda i: (i, 0))
    full_bs = pl.BlockSpec((D, D), lambda i: (0, 0))
    loop_bs = pl.BlockSpec((8, D), lambda i: (0, 0))
    return pl.pallas_call(
        _final_body,
        grid=grid,
        in_specs=[row_bs, row_bs, col_bs, col_bs, row_bs, loop_bs,
                  full_bs, full_bs, full_bs],
        out_specs=row_bs,
        out_shape=jax.ShapeDtypeStruct((N, D), jnp.float32),
    )(acc_in, acc_out, dinv_in, dinv_out, nf, loop8, w_in, w_out, w_loop)



def kernel(nodes_features, edge_index, edge_type, basis_vector, rel_weight,
           weight_rel, loop_rel, w_in, w_out, w_loop):
    nf = nodes_features
    heads_f = edge_index[0]
    tails_f = edge_index[1]
    types_f = edge_type

    rw_pad = jnp.pad(rel_weight, ((0, RP - 474), (0, NBP - 50)))
    basis_pad = jnp.pad(basis_vector, ((0, NBP - 50), (0, 0)))
    loop8 = jnp.broadcast_to(loop_rel, (8, D))
    relp, out2p = _tc_rel(rw_pad, basis_pad, loop8, weight_rel)
    out_2 = out2p[:475]

    acc, dinvw = _sc_pass(heads_f, tails_f, types_f, nf, relp)
    dinv2 = dinvw[:, 0].reshape(2, N)

    out = _tc_final(acc[:N], acc[N:], dinv2[0][:, None], dinv2[1][:, None],
                    nf, loop8, w_in, w_out, w_loop)
    return (out, out_2)

# --- scband reference (transcript-rebuilt; emitter-appended) ---
"""Pipeline reference for scband-comp-gcn-basis-86045374808383 (READ-ONLY COPY).

The authoritative reference and input builder live on the scoring server;
editing this copy changes nothing except your own understanding.
"""

import jax, jax.numpy as jnp
import numpy as np

N = 10000
E = 320000
D = 128
R = 237
NB = 50


def setup_inputs(seed: int = 0) -> dict:
    key = jax.random.key(seed)
    ks = jax.random.split(key, 10)
    nodes_features = jax.random.normal(ks[0], (N, D), dtype=jnp.float32)
    edge_index = jax.random.randint(ks[1], (2, E), 0, N, dtype=jnp.int32)
    edge_type = jax.random.randint(ks[2], (E,), 0, 2 * R, dtype=jnp.int32)
    s = 0.1
    basis_vector = jax.random.normal(ks[3], (NB, D), dtype=jnp.float32) * s
    rel_weight = jax.random.normal(ks[4], (2 * R, NB), dtype=jnp.float32) * s
    weight_rel = jax.random.normal(ks[5], (D, D), dtype=jnp.float32) * s
    loop_rel = jax.random.normal(ks[6], (1, D), dtype=jnp.float32) * s
    w_in = jax.random.normal(ks[7], (D, D), dtype=jnp.float32) * s
    w_out = jax.random.normal(ks[8], (D, D), dtype=jnp.float32) * s
    w_loop = jax.random.normal(ks[9], (D, D), dtype=jnp.float32) * s
    return {"nodes_features": nodes_features, "edge_index": edge_index, "edge_type": edge_type,
            "basis_vector": basis_vector, "rel_weight": rel_weight, "weight_rel": weight_rel,
            "loop_rel": loop_rel, "w_in": w_in, "w_out": w_out, "w_loop": w_loop}


def reference(nodes_features, edge_index, edge_type, basis_vector, rel_weight, weight_rel, loop_rel, w_in, w_out, w_loop):
    num_nodes = nodes_features.shape[0]
    # relation embeddings from basis decomposition + self-loop relation
    rel_emb = jnp.concatenate([rel_weight @ basis_vector, loop_rel], axis=0)  # (2R+1, D)
    num_edges = edge_index.shape[1] // 2
    in_index = edge_index[:, :num_edges]
    out_index = edge_index[:, num_edges:]
    in_type = edge_type[:num_edges]
    out_type = edge_type[num_edges:]
    ar = jnp.arange(num_nodes, dtype=edge_index.dtype)
    loop_index = jnp.stack([ar, ar])
    loop_type = jnp.full((num_nodes,), rel_emb.shape[0] - 1, dtype=edge_type.dtype)

    def normalization(ei):
        head, tail = ei[0], ei[1]
        edge_weight = jnp.ones(head.shape[0], dtype=jnp.float32)
        degree = jax.ops.segment_sum(edge_weight, head, num_segments=num_nodes)
        degree_inv = jnp.power(degree, -0.5)
        degree_inv = jnp.where(jnp.isinf(degree_inv), 0.0, degree_inv)
        return degree_inv[head] * edge_weight * degree_inv[tail]

    in_norm = normalization(in_index)
    out_norm = normalization(out_index)

    def propagate(ei, et, norm, w):
        rel = jnp.take(rel_emb, et, axis=0)          # gather relation embeddings
        nf = jnp.take(nodes_features, ei[1], axis=0)  # gather tail node features
        out = nf - rel                                 # comp_type='sub'
        out = out @ w
        if norm is not None:
            out = out * norm[:, None]
        return jax.ops.segment_sum(out, ei[0], num_segments=num_nodes)  # scatter-add by head

    in_res = propagate(in_index, in_type, in_norm, w_in)
    loop_res = propagate(loop_index, loop_type, None, w_loop)
    out_res = propagate(out_index, out_type, out_norm, w_out)
    # dropout is identity in deterministic/eval reference
    out = in_res * (1.0 / 3.0) + out_res * (1.0 / 3.0) + loop_res * (1.0 / 3.0)
    out_2 = rel_emb @ weight_rel
    return (jnp.tanh(out), out_2)

if __name__ == "__main__":
    import jax
    _d = setup_inputs()
    print(jax.jit(kernel)(*tuple(_d.values())))

</pallas_src>

<mosaic_0001>
#map = affine_map<(d0, d1) -> (0)>
#map1 = affine_map<(d0, d1) -> (0, 0)>
module attributes {stable_mosaic.version = 14 : i64} {
  func.func @_sc_body(%arg0: i32, %arg1: i32, %arg2: memref<320000xi32, #tpu.memory_space<hbm>>, %arg3: memref<320000xi32, #tpu.memory_space<hbm>>, %arg4: memref<320000xi32, #tpu.memory_space<hbm>>, %arg5: memref<10000x128xf32, #tpu.memory_space<hbm>>, %arg6: memref<480x128xf32, #tpu.memory_space<hbm>>, %arg7: memref<20000x128xf32, #tpu.memory_space<hbm>>, %arg8: memref<20000x128xf32, #tpu.memory_space<hbm>>, %arg9: memref<80xi32, #tpu.memory_space<vmem>>, %arg10: memref<80xi32, #tpu.memory_space<vmem>>, %arg11: memref<80xi32, #tpu.memory_space<vmem>>, %arg12: memref<80x128xf32, #tpu.memory_space<vmem>>, %arg13: memref<80x128xf32, #tpu.memory_space<vmem>>, %arg14: memref<80x128xf32, #tpu.memory_space<vmem>>, %arg15: memref<80x128xf32, #tpu.memory_space<vmem>>, %arg16: memref<!tpu.dma_semaphore, #tpu.memory_space<semaphore_mem>>, %arg17: memref<!tpu.dma_semaphore, #tpu.memory_space<semaphore_mem>>, %arg18: memref<!tpu.dma_semaphore, #tpu.memory_space<semaphore_mem>>, %arg19: memref<10000x128xf32, #tpu.memory_space<vmem_shared>>, %arg20: memref<480x128xf32, #tpu.memory_space<vmem_shared>>) attributes {dimension_semantics = [#tpu.dimension_semantics<core_parallel>, #tpu.dimension_semantics<subcore_parallel>], iteration_bounds = array<i64: 2, 16>, scalar_prefetch = 0 : i64, scratch_operands = 12 : i64, tpu.core_type = #tpu.core_type<sc_vector_subcore>, window_params = [{transform_indices = #map}, {transform_indices = #map}, {transform_indices = #map}, {transform_indices = #map1}, {transform_indices = #map1}, {transform_indices = #map1}, {transform_indices = #map1}]} {
    %broadcast_in_dim3A = arith.constant 0.000000e+00 : f32
    %broadcast_in_dim3A_0 = vector.broadcast %broadcast_in_dim3A : f32 to vector<16xf32>
    %broadcast_in_dim3A_1 = arith.constant 1.000000e+00 : f32
    %broadcast_in_dim3A_2 = vector.broadcast %broadcast_in_dim3A_1 : f32 to vector<16xf32>
    %scan3A = arith.constant 0 : i32
    %scan3A_3 = arith.constant 0 : i32
    %scan3A_4 = arith.constant 80 : i32
    %scan3A_5 = arith.addi %scan3A_3, %scan3A_4 : i32
    %scan3A_6 = arith.constant 1 : i32
    %scan3A_7 = scf.for %scan3A_202 = %scan3A_3 to %scan3A_5 step %scan3A_6 iter_args(%scan3A_203 = %scan3A) -> (i32)  : i32 {
      %swap3A = arith.index_cast %scan3A_202 : i32 to index
      %swap3A_204 = arith.constant 0 : index
      %swap3A_205 = tpu.vector_load %arg15[%swap3A, %swap3A_204] {strides = array<i32>} : memref<80x128xf32, #tpu.memory_space<vmem>>, vector<1x16xf32>,
      %swap3A_206 = vector.shape_cast %swap3A_205 : vector<1x16xf32> to vector<16xf32>
      %swap3A_207 = vector.shape_cast %broadcast_in_dim3A_0 : vector<16xf32> to vector<1x16xf32>
      tpu.vector_store %arg15[%swap3A, %swap3A_204], %swap3A_207 {strides = array<i32>} : memref<80x128xf32, #tpu.memory_space<vmem>>, vector<1x16xf32>,
      %swap3A_208 = arith.index_cast %scan3A_202 : i32 to index
      %swap3A_209 = arith.constant 16 : index
      %swap3A_210 = tpu.vector_load %arg15[%swap3A_208, %swap3A_209] {strides = array<i32>} : memref<80x128xf32, #tpu.memory_space<vmem>>, vector<1x16xf32>,
      %swap3A_211 = vector.shape_cast %swap3A_210 : vector<1x16xf32> to vector<16xf32>
      %swap3A_212 = vector.shape_cast %broadcast_in_dim3A_0 : vector<16xf32> to vector<1x16xf32>
      tpu.vector_store %arg15[%swap3A_208, %swap3A_209], %swap3A_212 {strides = array<i32>} : memref<80x128xf32, #tpu.memory_space<vmem>>, vector<1x16xf32>,
      %swap3A_213 = arith.index_cast %scan3A_202 : i32 to index
      %swap3A_214 = arith.constant 32 : index
      %swap3A_215 = tpu.vector_load %arg15[%swap3A_213, %swap3A_214] {strides = array<i32>} : memref<80x128xf32, #tpu.memory_space<vmem>>, vector<1x16xf32>,
      %swap3A_216 = vector.shape_cast %swap3A_215 : vector<1x16xf32> to vector<16xf32>
      %swap3A_217 = vector.shape_cast %broadcast_in_dim3A_0 : vector<16xf32> to vector<1x16xf32>
      tpu.vector_store %arg15[%swap3A_213, %swap3A_214], %swap3A_217 {strides = array<i32>} : memref<80x128xf32, #tpu.memory_space<vmem>>, vector<1x16xf32>,
      %swap3A_218 = arith.index_cast %scan3A_202 : i32 to index
      %swap3A_219 = arith.constant 48 : index
      %swap3A_220 = tpu.vector_load %arg15[%swap3A_218, %swap3A_219] {strides = array<i32>} : memref<80x128xf32, #tpu.memory_space<vmem>>, vector<1x16xf32>,
      %swap3A_221 = vector.shape_cast %swap3A_220 : vector<1x16xf32> to vector<16xf32>
      %swap3A_222 = vector.shape_cast %broadcast_in_dim3A_0 : vector<16xf32> to vector<1x16xf32>
      tpu.vector_store %arg15[%swap3A_218, %swap3A_219], %swap3A_222 {strides = array<i32>} : memref<80x128xf32, #tpu.memory_space<vmem>>, vector<1x16xf32>,
      %swap3A_223 = arith.index_cast %scan3A_202 : i32 to index
      %swap3A_224 = arith.constant 64 : index
      %swap3A_225 = tpu.vector_load %arg15[%swap3A_223, %swap3A_224] {strides = array<i32>} : memref<80x128xf32, #tpu.memory_space<vmem>>, vector<1x16xf32>,
      %swap3A_226 = vector.shape_cast %swap3A_225 : vector<1x16xf32> to vector<16xf32>
      %swap3A_227 = vector.shape_cast %broadcast_in_dim3A_0 : vector<16xf32> to vector<1x16xf32>
      tpu.vector_store %arg15[%swap3A_223, %swap3A_224], %swap3A_227 {strides = array<i32>} : memref<80x128xf32, #tpu.memory_space<vmem>>, vector<1x16xf32>,
      %swap3A_228 = arith.index_cast %scan3A_202 : i32 to index
      %swap3A_229 = arith.constant 80 : index
      %swap3A_230 = tpu.vector_load %arg15[%swap3A_228, %swap3A_229] {strides = array<i32>} : memref<80x128xf32, #tpu.memory_space<vmem>>, vector<1x16xf32>,
      %swap3A_231 = vector.shape_cast %swap3A_230 : vector<1x16xf32> to vector<16xf32>
      %swap3A_232 = vector.shape_cast %broadcast_in_dim3A_0 : vector<16xf32> to vector<1x16xf32>
      tpu.vector_store %arg15[%swap3A_228, %swap3A_229], %swap3A_232 {strides = array<i32>} : memref<80x128xf32, #tpu.memory_space<vmem>>, vector<1x16xf32>,
      %swap3A_233 = arith.index_cast %scan3A_202 : i32 to index
      %swap3A_234 = arith.constant 96 : index
      %swap3A_235 = tpu.vector_load %arg15[%swap3A_233, %swap3A_234] {strides = array<i32>} : memref<80x128xf32, #tpu.memory_space<vmem>>, vector<1x16xf32>,
      %swap3A_236 = vector.shape_cast %swap3A_235 : vector<1x16xf32> to vector<16xf32>
      %swap3A_237 = vector.shape_cast %broadcast_in_dim3A_0 : vector<16xf32> to vector<1x16xf32>
      tpu.vector_store %arg15[%swap3A_233, %swap3A_234], %swap3A_237 {strides = array<i32>} : memref<80x128xf32, #tpu.memory_space<vmem>>, vector<1x16xf32>,
      %swap3A_238 = arith.index_cast %scan3A_202 : i32 to index
      %swap3A_239 = arith.constant 112 : index
      %swap3A_240 = tpu.vector_load %arg15[%swap3A_238, %swap3A_239] {strides = array<i32>} : memref<80x128xf32, #tpu.memory_space<vmem>>, vector<1x16xf32>,
      %swap3A_241 = vector.shape_cast %swap3A_240 : vector<1x16xf32> to vector<16xf32>
      %swap3A_242 = vector.shape_cast %broadcast_in_dim3A_0 : vector<16xf32> to vector<1x16xf32>
      tpu.vector_store %arg15[%swap3A_238, %swap3A_239], %swap3A_242 {strides = array<i32>} : memref<80x128xf32, #tpu.memory_space<vmem>>, vector<1x16xf32>,
      %scan3A_243 = arith.constant 0 : i32
      scf.yield %scan3A_243 : i32
    }
    %scan3A_8 = arith.constant 80 : i32
    %scan3A_9 = arith.constant 0 : i32
    %scan3A_10 = arith.constant 0 : i32
    %scan3A_11 = arith.constant 80 : i32
    %scan3A_12 = arith.addi %scan3A_10, %scan3A_11 : i32
    %scan3A_13 = arith.constant 1 : i32
    %scan3A_14 = scf.for %scan3A_202 = %scan3A_10 to %scan3A_12 step %scan3A_13 iter_args(%scan3A_203 = %scan3A_9) -> (i32)  : i32 {
      %swap3A = arith.index_cast %scan3A_202 : i32 to index
      %swap3A_204 = arith.constant 0 : index
      %swap3A_205 = tpu.vector_load %arg14[%swap3A, %swap3A_204] {strides = array<i32>} : memref<80x128xf32, #tpu.memory_space<vmem>>, vector<1x16xf32>,
      %swap3A_206 = vector.shape_cast %swap3A_205 : vector<1x16xf32> to vector<16xf32>
      %swap3A_207 = vector.shape_cast %broadcast_in_dim3A_2 : vector<16xf32> to vector<1x16xf32>
      tpu.vector_store %arg14[%swap3A, %swap3A_204], %swap3A_207 {strides = array<i32>} : memref<80x128xf32, #tpu.memory_space<vmem>>, vector<1x16xf32>,
      %swap3A_208 = arith.index_cast %scan3A_202 : i32 to index
      %swap3A_209 = arith.constant 16 : index
      %swap3A_210 = tpu.vector_load %arg14[%swap3A_208, %swap3A_209] {strides = array<i32>} : memref<80x128xf32, #tpu.memory_space<vmem>>, vector<1x16xf32>,
      %swap3A_211 = vector.shape_cast %swap3A_210 : vector<1x16xf32> to vector<16xf32>
      %swap3A_212 = vector.shape_cast %broadcast_in_dim3A_2 : vector<16xf32> to vector<1x16xf32>
      tpu.vector_store %arg14[%swap3A_208, %swap3A_209], %swap3A_212 {strides = array<i32>} : memref<80x128xf32, #tpu.memory_space<vmem>>, vector<1x16xf32>,
      %swap3A_213 = arith.index_cast %scan3A_202 : i32 to index
      %swap3A_214 = arith.constant 32 : index
      %swap3A_215 = tpu.vector_load %arg14[%swap3A_213, %swap3A_214] {strides = array<i32>} : memref<80x128xf32, #tpu.memory_space<vmem>>, vector<1x16xf32>,
      %swap3A_216 = vector.shape_cast %swap3A_215 : vector<1x16xf32> to vector<16xf32>
      %swap3A_217 = vector.shape_cast %broadcast_in_dim3A_2 : vector<16xf32> to vector<1x16xf32>
      tpu.vector_store %arg14[%swap3A_213, %swap3A_214], %swap3A_217 {strides = array<i32>} : memref<80x128xf32, #tpu.memory_space<vmem>>, vector<1x16xf32>,
      %swap3A_218 = arith.index_cast %scan3A_202 : i32 to index
      %swap3A_219 = arith.constant 48 : index
      %swap3A_220 = tpu.vector_load %arg14[%swap3A_218, %swap3A_219] {strides = array<i32>} : memref<80x128xf32, #tpu.memory_space<vmem>>, vector<1x16xf32>,
      %swap3A_221 = vector.shape_cast %swap3A_220 : vector<1x16xf32> to vector<16xf32>
      %swap3A_222 = vector.shape_cast %broadcast_in_dim3A_2 : vector<16xf32> to vector<1x16xf32>
      tpu.vector_store %arg14[%swap3A_218, %swap3A_219], %swap3A_222 {strides = array<i32>} : memref<80x128xf32, #tpu.memory_space<vmem>>, vector<1x16xf32>,
      %swap3A_223 = arith.index_cast %scan3A_202 : i32 to index
      %swap3A_224 = arith.constant 64 : index
      %swap3A_225 = tpu.vector_load %arg14[%swap3A_223, %swap3A_224] {strides = array<i32>} : memref<80x128xf32, #tpu.memory_space<vmem>>, vector<1x16xf32>,
      %swap3A_226 = vector.shape_cast %swap3A_225 : vector<1x16xf32> to vector<16xf32>
      %swap3A_227 = vector.shape_cast %broadcast_in_dim3A_2 : vector<16xf32> to vector<1x16xf32>
      tpu.vector_store %arg14[%swap3A_223, %swap3A_224], %swap3A_227 {strides = array<i32>} : memref<80x128xf32, #tpu.memory_space<vmem>>, vector<1x16xf32>,
      %swap3A_228 = arith.index_cast %scan3A_202 : i32 to index
      %swap3A_229 = arith.constant 80 : index
      %swap3A_230 = tpu.vector_load %arg14[%swap3A_228, %swap3A_229] {strides = array<i32>} : memref<80x128xf32, #tpu.memory_space<vmem>>, vector<1x16xf32>,
      %swap3A_231 = vector.shape_cast %swap3A_230 : vector<1x16xf32> to vector<16xf32>
      %swap3A_232 = vector.shape_cast %broadcast_in_dim3A_2 : vector<16xf32> to vector<1x16xf32>
      tpu.vector_store %arg14[%swap3A_228, %swap3A_229], %swap3A_232 {strides = array<i32>} : memref<80x128xf32, #tpu.memory_space<vmem>>, vector<1x16xf32>,
      %swap3A_233 = arith.index_cast %scan3A_202 : i32 to index
      %swap3A_234 = arith.constant 96 : index
      %swap3A_235 = tpu.vector_load %arg14[%swap3A_233, %swap3A_234] {strides = array<i32>} : memref<80x128xf32, #tpu.memory_space<vmem>>, vector<1x16xf32>,
      %swap3A_236 = vector.shape_cast %swap3A_235 : vector<1x16xf32> to vector<16xf32>
      %swap3A_237 = vector.shape_cast %broadcast_in_dim3A_2 : vector<16xf32> to vector<1x16xf32>
      tpu.vector_store %arg14[%swap3A_233, %swap3A_234], %swap3A_237 {strides = array<i32>} : memref<80x128xf32, #tpu.memory_space<vmem>>, vector<1x16xf32>,
      %swap3A_238 = arith.index_cast %scan3A_202 : i32 to index
      %swap3A_239 = arith.constant 112 : index
      %swap3A_240 = tpu.vector_load %arg14[%swap3A_238, %swap3A_239] {strides = array<i32>} : memref<80x128xf32, #tpu.memory_space<vmem>>, vector<1x16xf32>,
      %swap3A_241 = vector.shape_cast %swap3A_240 : vector<1x16xf32> to vector<16xf32>
      %swap3A_242 = vector.shape_cast %broadcast_in_dim3A_2 : vector<16xf32> to vector<1x16xf32>
      tpu.vector_store %arg14[%swap3A_238, %swap3A_239], %swap3A_242 {strides = array<i32>} : memref<80x128xf32, #tpu.memory_space<vmem>>, vector<1x16xf32>,
      %scan3A_243 = arith.constant 0 : i32
      scf.yield %scan3A_243 : i32
    }
    %scan3A_15 = arith.constant 80 : i32
    %eq3A = arith.constant 0 : i32
    %eq3A_16 = arith.cmpi eq, %arg1, %eq3A : i32
    %convert_element_type3A = arith.extui %eq3A_16 : i1 to i32
    %cond3A = arith.constant 0 : i32
    %cond3A_17 = arith.cmpi ne, %convert_element_type3A, %cond3A : i32
    scf.if %cond3A_17 {
      "tpu.region"() ({
        %run_scoped3A = tpu.sem_alloc : memref<!tpu.dma_semaphore, #tpu.memory_space<semaphore_mem>>
        tpu.enqueue_dma source(%arg6 : memref<480x128xf32, #tpu.memory_space<hbm>>) target(%arg20 : memref<480x128xf32, #tpu.memory_space<vmem_shared>>) target_semaphore(%run_scoped3A : memref<!tpu.dma_semaphore, #tpu.memory_space<semaphore_mem>>)
        tpu.wait_dma2 semaphore(%run_scoped3A : memref<!tpu.dma_semaphore, #tpu.memory_space<semaphore_mem>>) src(%arg6 : memref<480x128xf32, #tpu.memory_space<hbm>>) dst(%arg20 : memref<480x128xf32, #tpu.memory_space<vmem_shared>>)
        tpu.yield
      }) : () -> ()
    } else {
    }
    %add3A = arith.constant 0 : i32
    %add3A_18 = arith.addi %arg1, %add3A : i32
    %lt3A = arith.constant 125 : i32
    %lt3A_19 = arith.cmpi slt, %add3A_18, %lt3A : i32
    %convert_element_type3A_20 = arith.extui %lt3A_19 : i1 to i32
    %cond3A_21 = arith.constant 0 : i32
    %cond3A_22 = arith.cmpi ne, %convert_element_type3A_20, %cond3A_21 : i32
    scf.if %cond3A_22 {
      %mul3A = arith.constant 80 : i32
      %mul3A_202 = arith.muli %add3A_18, %mul3A : i32
      "tpu.region"() ({
        %run_scoped3A = tpu.sem_alloc : memref<!tpu.dma_semaphore, #tpu.memory_space<semaphore_mem>>
        %dma_start3A = arith.constant 0 : i32
        %dma_start3A_203 = tpu.memref_slice %arg19[%mul3A_202, %dma_start3A] : memref<10000x128xf32, #tpu.memory_space<vmem_shared>> -> memref<80x128xf32, #tpu.memory_space<vmem_shared>>
        %dma_start3A_204 = arith.constant 0 : i32
        %dma_start3A_205 = tpu.memref_slice %arg19[%mul3A_202, %dma_start3A_204] : memref<10000x128xf32, #tpu.memory_space<vmem_shared>> -> memref<80x128xf32, #tpu.memory_space<vmem_shared>>
        tpu.enqueue_dma source(%arg15 : memref<80x128xf32, #tpu.memory_space<vmem>>) target(%dma_start3A_205 : memref<80x128xf32, #tpu.memory_space<vmem_shared>>) target_semaphore(%run_scoped3A : memref<!tpu.dma_semaphore, #tpu.memory_space<semaphore_mem>>)
        %dma_wait3A = arith.constant 0 : i32
        %dma_wait3A_206 = tpu.memref_slice %arg19[%mul3A_202, %dma_wait3A] : memref<10000x128xf32, #tpu.memory_space<vmem_shared>> -> memref<80x128xf32, #tpu.memory_space<vmem_shared>>
        %dma_wait3A_207 = arith.constant 0 : i32
        %dma_wait3A_208 = tpu.memref_slice %arg19[%mul3A_202, %dma_wait3A_207] : memref<10000x128xf32, #tpu.memory_space<vmem_shared>> -> memref<80x128xf32, #tpu.memory_space<vmem_shared>>
        tpu.wait_dma2 semaphore(%run_scoped3A : memref<!tpu.dma_semaphore, #tpu.memory_space<semaphore_mem>>) src(%arg15 : memref<80x128xf32, #tpu.memory_space<vmem>>) dst(%dma_wait3A_208 : memref<80x128xf32, #tpu.memory_space<vmem_shared>>)
        tpu.yield
      }) : () -> ()
    } else {
    }
    %add3A_23 = arith.constant 16 : i32
    %add3A_24 = arith.addi %arg1, %add3A_23 : i32
    %lt3A_25 = arith.constant 125 : i32
    %lt3A_26 = arith.cmpi slt, %add3A_24, %lt3A_25 : i32
    %convert_element_type3A_27 = arith.extui %lt3A_26 : i1 to i32
    %cond3A_28 = arith.constant 0 : i32
    %cond3A_29 = arith.cmpi ne, %convert_element_type3A_27, %cond3A_28 : i32
    scf.if %cond3A_29 {
      %mul3A = arith.constant 80 : i32
      %mul3A_202 = arith.muli %add3A_24, %mul3A : i32
      "tpu.region"() ({
        %run_scoped3A = tpu.sem_alloc : memref<!tpu.dma_semaphore, #tpu.memory_space<semaphore_mem>>
        %dma_start3A = arith.constant 0 : i32
        %dma_start3A_203 = tpu.memref_slice %arg19[%mul3A_202, %dma_start3A] : memref<10000x128xf32, #tpu.memory_space<vmem_shared>> -> memref<80x128xf32, #tpu.memory_space<vmem_shared>>
        %dma_start3A_204 = arith.constant 0 : i32
        %dma_start3A_205 = tpu.memref_slice %arg19[%mul3A_202, %dma_start3A_204] : memref<10000x128xf32, #tpu.memory_space<vmem_shared>> -> memref<80x128xf32, #tpu.memory_space<vmem_shared>>
        tpu.enqueue_dma source(%arg15 : memref<80x128xf32, #tpu.memory_space<vmem>>) target(%dma_start3A_205 : memref<80x128xf32, #tpu.memory_space<vmem_shared>>) target_semaphore(%run_scoped3A : memref<!tpu.dma_semaphore, #tpu.memory_space<semaphore_mem>>)
        %dma_wait3A = arith.constant 0 : i32
        %dma_wait3A_206 = tpu.memref_slice %arg19[%mul3A_202, %dma_wait3A] : memref<10000x128xf32, #tpu.memory_space<vmem_shared>> -> memref<80x128xf32, #tpu.memory_space<vmem_shared>>
        %dma_wait3A_207 = arith.constant 0 : i32
        %dma_wait3A_208 = tpu.memref_slice %arg19[%mul3A_202, %dma_wait3A_207] : memref<10000x128xf32, #tpu.memory_space<vmem_shared>> -> memref<80x128xf32, #tpu.memory_space<vmem_shared>>
        tpu.wait_dma2 semaphore(%run_scoped3A : memref<!tpu.dma_semaphore, #tpu.memory_space<semaphore_mem>>) src(%arg15 : memref<80x128xf32, #tpu.memory_space<vmem>>) dst(%dma_wait3A_208 : memref<80x128xf32, #tpu.memory_space<vmem_shared>>)
        tpu.yield
      }) : () -> ()
    } else {
    }
    %add3A_30 = arith.constant 32 : i32
    %add3A_31 = arith.addi %arg1, %add3A_30 : i32
    %lt3A_32 = arith.constant 125 : i32
    %lt3A_33 = arith.cmpi slt, %add3A_31, %lt3A_32 : i32
    %convert_element_type3A_34 = arith.extui %lt3A_33 : i1 to i32
    %cond3A_35 = arith.constant 0 : i32
    %cond3A_36 = arith.cmpi ne, %convert_element_type3A_34, %cond3A_35 : i32
    scf.if %cond3A_36 {
      %mul3A = arith.constant 80 : i32
      %mul3A_202 = arith.muli %add3A_31, %mul3A : i32
      "tpu.region"() ({
        %run_scoped3A = tpu.sem_alloc : memref<!tpu.dma_semaphore, #tpu.memory_space<semaphore_mem>>
        %dma_start3A = arith.constant 0 : i32
        %dma_start3A_203 = tpu.memref_slice %arg19[%mul3A_202, %dma_start3A] : memref<10000x128xf32, #tpu.memory_space<vmem_shared>> -> memref<80x128xf32, #tpu.memory_space<vmem_shared>>
        %dma_start3A_204 = arith.constant 0 : i32
        %dma_start3A_205 = tpu.memref_slice %arg19[%mul3A_202, %dma_start3A_204] : memref<10000x128xf32, #tpu.memory_space<vmem_shared>> -> memref<80x128xf32, #tpu.memory_space<vmem_shared>>
        tpu.enqueue_dma source(%arg15 : memref<80x128xf32, #tpu.memory_space<vmem>>) target(%dma_start3A_205 : memref<80x128xf32, #tpu.memory_space<vmem_shared>>) target_semaphore(%run_scoped3A : memref<!tpu.dma_semaphore, #tpu.memory_space<semaphore_mem>>)
        %dma_wait3A = arith.constant 0 : i32
        %dma_wait3A_206 = tpu.memref_slice %arg19[%mul3A_202, %dma_wait3A] : memref<10000x128xf32, #tpu.memory_space<vmem_shared>> -> memref<80x128xf32, #tpu.memory_space<vmem_shared>>
        %dma_wait3A_207 = arith.constant 0 : i32
        %dma_wait3A_208 = tpu.memref_slice %arg19[%mul3A_202, %dma_wait3A_207] : memref<10000x128xf32, #tpu.memory_space<vmem_shared>> -> memref<80x128xf32, #tpu.memory_space<vmem_shared>>
        tpu.wait_dma2 semaphore(%run_scoped3A : memref<!tpu.dma_semaphore, #tpu.memory_space<semaphore_mem>>) src(%arg15 : memref<80x128xf32, #tpu.memory_space<vmem>>) dst(%dma_wait3A_208 : memref<80x128xf32, #tpu.memory_space<vmem_shared>>)
        tpu.yield
      }) : () -> ()
    } else {
    }
    %add3A_37 = arith.constant 48 : i32
    %add3A_38 = arith.addi %arg1, %add3A_37 : i32
    %lt3A_39 = arith.constant 125 : i32
    %lt3A_40 = arith.cmpi slt, %add3A_38, %lt3A_39 : i32
    %convert_element_type3A_41 = arith.extui %lt3A_40 : i1 to i32
    %cond3A_42 = arith.constant 0 : i32
    %cond3A_43 = arith.cmpi ne, %convert_element_type3A_41, %cond3A_42 : i32
    scf.if %cond3A_43 {
      %mul3A = arith.constant 80 : i32
      %mul3A_202 = arith.muli %add3A_38, %mul3A : i32
      "tpu.region"() ({
        %run_scoped3A = tpu.sem_alloc : memref<!tpu.dma_semaphore, #tpu.memory_space<semaphore_mem>>
        %dma_start3A = arith.constant 0 : i32
        %dma_start3A_203 = tpu.memref_slice %arg19[%mul3A_202, %dma_start3A] : memref<10000x128xf32, #tpu.memory_space<vmem_shared>> -> memref<80x128xf32, #tpu.memory_space<vmem_shared>>
        %dma_start3A_204 = arith.constant 0 : i32
        %dma_start3A_205 = tpu.memref_slice %arg19[%mul3A_202, %dma_start3A_204] : memref<10000x128xf32, #tpu.memory_space<vmem_shared>> -> memref<80x128xf32, #tpu.memory_space<vmem_shared>>
        tpu.enqueue_dma source(%arg15 : memref<80x128xf32, #tpu.memory_space<vmem>>) target(%dma_start3A_205 : memref<80x128xf32, #tpu.memory_space<vmem_shared>>) target_semaphore(%run_scoped3A : memref<!tpu.dma_semaphore, #tpu.memory_space<semaphore_mem>>)
        %dma_wait3A = arith.constant 0 : i32
        %dma_wait3A_206 = tpu.memref_slice %arg19[%mul3A_202, %dma_wait3A] : memref<10000x128xf32, #tpu.memory_space<vmem_shared>> -> memref<80x128xf32, #tpu.memory_space<vmem_shared>>
        %dma_wait3A_207 = arith.constant 0 : i32
        %dma_wait3A_208 = tpu.memref_slice %arg19[%mul3A_202, %dma_wait3A_207] : memref<10000x128xf32, #tpu.memory_space<vmem_shared>> -> memref<80x128xf32, #tpu.memory_space<vmem_shared>>
        tpu.wait_dma2 semaphore(%run_scoped3A : memref<!tpu.dma_semaphore, #tpu.memory_space<semaphore_mem>>) src(%arg15 : memref<80x128xf32, #tpu.memory_space<vmem>>) dst(%dma_wait3A_208 : memref<80x128xf32, #tpu.memory_space<vmem_shared>>)
        tpu.yield
      }) : () -> ()
    } else {
    }
    %add3A_44 = arith.constant 64 : i32
    %add3A_45 = arith.addi %arg1, %add3A_44 : i32
    %lt3A_46 = arith.constant 125 : i32
    %lt3A_47 = arith.cmpi slt, %add3A_45, %lt3A_46 : i32
    %convert_element_type3A_48 = arith.extui %lt3A_47 : i1 to i32
    %cond3A_49 = arith.constant 0 : i32
    %cond3A_50 = arith.cmpi ne, %convert_element_type3A_48, %cond3A_49 : i32
    scf.if %cond3A_50 {
      %mul3A = arith.constant 80 : i32
      %mul3A_202 = arith.muli %add3A_45, %mul3A : i32
      "tpu.region"() ({
        %run_scoped3A = tpu.sem_alloc : memref<!tpu.dma_semaphore, #tpu.memory_space<semaphore_mem>>
        %dma_start3A = arith.constant 0 : i32
        %dma_start3A_203 = tpu.memref_slice %arg19[%mul3A_202, %dma_start3A] : memref<10000x128xf32, #tpu.memory_space<vmem_shared>> -> memref<80x128xf32, #tpu.memory_space<vmem_shared>>
        %dma_start3A_204 = arith.constant 0 : i32
        %dma_start3A_205 = tpu.memref_slice %arg19[%mul3A_202, %dma_start3A_204] : memref<10000x128xf32, #tpu.memory_space<vmem_shared>> -> memref<80x128xf32, #tpu.memory_space<vmem_shared>>
        tpu.enqueue_dma source(%arg15 : memref<80x128xf32, #tpu.memory_space<vmem>>) target(%dma_start3A_205 : memref<80x128xf32, #tpu.memory_space<vmem_shared>>) target_semaphore(%run_scoped3A : memref<!tpu.dma_semaphore, #tpu.memory_space<semaphore_mem>>)
        %dma_wait3A = arith.constant 0 : i32
        %dma_wait3A_206 = tpu.memref_slice %arg19[%mul3A_202, %dma_wait3A] : memref<10000x128xf32, #tpu.memory_space<vmem_shared>> -> memref<80x128xf32, #tpu.memory_space<vmem_shared>>
        %dma_wait3A_207 = arith.constant 0 : i32
        %dma_wait3A_208 = tpu.memref_slice %arg19[%mul3A_202, %dma_wait3A_207] : memref<10000x128xf32, #tpu.memory_space<vmem_shared>> -> memref<80x128xf32, #tpu.memory_space<vmem_shared>>
        tpu.wait_dma2 semaphore(%run_scoped3A : memref<!tpu.dma_semaphore, #tpu.memory_space<semaphore_mem>>) src(%arg15 : memref<80x128xf32, #tpu.memory_space<vmem>>) dst(%dma_wait3A_208 : memref<80x128xf32, #tpu.memory_space<vmem_shared>>)
        tpu.yield
      }) : () -> ()
    } else {
    }
    %add3A_51 = arith.constant 80 : i32
    %add3A_52 = arith.addi %arg1, %add3A_51 : i32
    %lt3A_53 = arith.constant 125 : i32
    %lt3A_54 = arith.cmpi slt, %add3A_52, %lt3A_53 : i32
    %convert_element_type3A_55 = arith.extui %lt3A_54 : i1 to i32
    %cond3A_56 = arith.constant 0 : i32
    %cond3A_57 = arith.cmpi ne, %convert_element_type3A_55, %cond3A_56 : i32
    scf.if %cond3A_57 {
      %mul3A = arith.constant 80 : i32
      %mul3A_202 = arith.muli %add3A_52, %mul3A : i32
      "tpu.region"() ({
        %run_scoped3A = tpu.sem_alloc : memref<!tpu.dma_semaphore, #tpu.memory_space<semaphore_mem>>
        %dma_start3A = arith.constant 0 : i32
        %dma_start3A_203 = tpu.memref_slice %arg19[%mul3A_202, %dma_start3A] : memref<10000x128xf32, #tpu.memory_space<vmem_shared>> -> memref<80x128xf32, #tpu.memory_space<vmem_shared>>
        %dma_start3A_204 = arith.constant 0 : i32
        %dma_start3A_205 = tpu.memref_slice %arg19[%mul3A_202, %dma_start3A_204] : memref<10000x128xf32, #tpu.memory_space<vmem_shared>> -> memref<80x128xf32, #tpu.memory_space<vmem_shared>>
        tpu.enqueue_dma source(%arg15 : memref<80x128xf32, #tpu.memory_space<vmem>>) target(%dma_start3A_205 : memref<80x128xf32, #tpu.memory_space<vmem_shared>>) target_semaphore(%run_scoped3A : memref<!tpu.dma_semaphore, #tpu.memory_space<semaphore_mem>>)
        %dma_wait3A = arith.constant 0 : i32
        %dma_wait3A_206 = tpu.memref_slice %arg19[%mul3A_202, %dma_wait3A] : memref<10000x128xf32, #tpu.memory_space<vmem_shared>> -> memref<80x128xf32, #tpu.memory_space<vmem_shared>>
        %dma_wait3A_207 = arith.constant 0 : i32
        %dma_wait3A_208 = tpu.memref_slice %arg19[%mul3A_202, %dma_wait3A_207] : memref<10000x128xf32, #tpu.memory_space<vmem_shared>> -> memref<80x128xf32, #tpu.memory_space<vmem_shared>>
        tpu.wait_dma2 semaphore(%run_scoped3A : memref<!tpu.dma_semaphore, #tpu.memory_space<semaphore_mem>>) src(%arg15 : memref<80x128xf32, #tpu.memory_space<vmem>>) dst(%dma_wait3A_208 : memref<80x128xf32, #tpu.memory_space<vmem_shared>>)
        tpu.yield
      }) : () -> ()
    } else {
    }
    %add3A_58 = arith.constant 96 : i32
    %add3A_59 = arith.addi %arg1, %add3A_58 : i32
    %lt3A_60 = arith.constant 125 : i32
    %lt3A_61 = arith.cmpi slt, %add3A_59, %lt3A_60 : i32
    %convert_element_type3A_62 = arith.extui %lt3A_61 : i1 to i32
    %cond3A_63 = arith.constant 0 : i32
    %cond3A_64 = arith.cmpi ne, %convert_element_type3A_62, %cond3A_63 : i32
    scf.if %cond3A_64 {
      %mul3A = arith.constant 80 : i32
      %mul3A_202 = arith.muli %add3A_59, %mul3A : i32
      "tpu.region"() ({
        %run_scoped3A = tpu.sem_alloc : memref<!tpu.dma_semaphore, #tpu.memory_space<semaphore_mem>>
        %dma_start3A = arith.constant 0 : i32
        %dma_start3A_203 = tpu.memref_slice %arg19[%mul3A_202, %dma_start3A] : memref<10000x128xf32, #tpu.memory_space<vmem_shared>> -> memref<80x128xf32, #tpu.memory_space<vmem_shared>>
        %dma_start3A_204 = arith.constant 0 : i32
        %dma_start3A_205 = tpu.memref_slice %arg19[%mul3A_202, %dma_start3A_204] : memref<10000x128xf32, #tpu.memory_space<vmem_shared>> -> memref<80x128xf32, #tpu.memory_space<vmem_shared>>
        tpu.enqueue_dma source(%arg15 : memref<80x128xf32, #tpu.memory_space<vmem>>) target(%dma_start3A_205 : memref<80x128xf32, #tpu.memory_space<vmem_shared>>) target_semaphore(%run_scoped3A : memref<!tpu.dma_semaphore, #tpu.memory_space<semaphore_mem>>)
        %dma_wait3A = arith.constant 0 : i32
        %dma_wait3A_206 = tpu.memref_slice %arg19[%mul3A_202, %dma_wait3A] : memref<10000x128xf32, #tpu.memory_space<vmem_shared>> -> memref<80x128xf32, #tpu.memory_space<vmem_shared>>
        %dma_wait3A_207 = arith.constant 0 : i32
        %dma_wait3A_208 = tpu.memref_slice %arg19[%mul3A_202, %dma_wait3A_207] : memref<10000x128xf32, #tpu.memory_space<vmem_shared>> -> memref<80x128xf32, #tpu.memory_space<vmem_shared>>
        tpu.wait_dma2 semaphore(%run_scoped3A : memref<!tpu.dma_semaphore, #tpu.memory_space<semaphore_mem>>) src(%arg15 : memref<80x128xf32, #tpu.memory_space<vmem>>) dst(%dma_wait3A_208 : memref<80x128xf32, #tpu.memory_space<vmem_shared>>)
        tpu.yield
      }) : () -> ()
    } else {
    }
    %add3A_65 = arith.constant 112 : i32
    %add3A_66 = arith.addi %arg1, %add3A_65 : i32
    %lt3A_67 = arith.constant 125 : i32
    %lt3A_68 = arith.cmpi slt, %add3A_66, %lt3A_67 : i32
    %convert_element_type3A_69 = arith.extui %lt3A_68 : i1 to i32
    %cond3A_70 = arith.constant 0 : i32
    %cond3A_71 = arith.cmpi ne, %convert_element_type3A_69, %cond3A_70 : i32
    scf.if %cond3A_71 {
      %mul3A = arith.constant 80 : i32
      %mul3A_202 = arith.muli %add3A_66, %mul3A : i32
      "tpu.region"() ({
        %run_scoped3A = tpu.sem_alloc : memref<!tpu.dma_semaphore, #tpu.memory_space<semaphore_mem>>
        %dma_start3A = arith.constant 0 : i32
        %dma_start3A_203 = tpu.memref_slice %arg19[%mul3A_202, %dma_start3A] : memref<10000x128xf32, #tpu.memory_space<vmem_shared>> -> memref<80x128xf32, #tpu.memory_space<vmem_shared>>
        %dma_start3A_204 = arith.constant 0 : i32
        %dma_start3A_205 = tpu.memref_slice %arg19[%mul3A_202, %dma_start3A_204] : memref<10000x128xf32, #tpu.memory_space<vmem_shared>> -> memref<80x128xf32, #tpu.memory_space<vmem_shared>>
        tpu.enqueue_dma source(%arg15 : memref<80x128xf32, #tpu.memory_space<vmem>>) target(%dma_start3A_205 : memref<80x128xf32, #tpu.memory_space<vmem_shared>>) target_semaphore(%run_scoped3A : memref<!tpu.dma_semaphore, #tpu.memory_space<semaphore_mem>>)
        %dma_wait3A = arith.constant 0 : i32
        %dma_wait3A_206 = tpu.memref_slice %arg19[%mul3A_202, %dma_wait3A] : memref<10000x128xf32, #tpu.memory_space<vmem_shared>> -> memref<80x128xf32, #tpu.memory_space<vmem_shared>>
        %dma_wait3A_207 = arith.constant 0 : i32
        %dma_wait3A_208 = tpu.memref_slice %arg19[%mul3A_202, %dma_wait3A_207] : memref<10000x128xf32, #tpu.memory_space<vmem_shared>> -> memref<80x128xf32, #tpu.memory_space<vmem_shared>>
        tpu.wait_dma2 semaphore(%run_scoped3A : memref<!tpu.dma_semaphore, #tpu.memory_space<semaphore_mem>>) src(%arg15 : memref<80x128xf32, #tpu.memory_space<vmem>>) dst(%dma_wait3A_208 : memref<80x128xf32, #tpu.memory_space<vmem_shared>>)
        tpu.yield
      }) : () -> ()
    } else {
    }
    %barrier3A = arith.constant 0 : index
    tpu.barrier barrier_id(%barrier3A)
    %scan3A_72 = arith.constant 0 : i32
    %scan3A_73 = arith.constant 0 : i32
    %scan3A_74 = arith.constant 125 : i32
    %scan3A_75 = arith.addi %scan3A_73, %scan3A_74 : i32
    %scan3A_76 = arith.constant 1 : i32
    %scan3A_77 = scf.for %scan3A_202 = %scan3A_73 to %scan3A_75 step %scan3A_76 iter_args(%scan3A_203 = %scan3A_72) -> (i32)  : i32 {
      %mul3A = arith.constant 160000 : i32
      %mul3A_204 = arith.muli %arg0, %mul3A : i32
      %mul3A_205 = arith.constant 10000 : i32
      %mul3A_206 = arith.muli %arg1, %mul3A_205 : i32
      %add3A_207 = arith.addi %mul3A_204, %mul3A_206 : i32
      %mul3A_208 = arith.constant 80 : i32
      %mul3A_209 = arith.muli %scan3A_202, %mul3A_208 : i32
      %add3A_210 = arith.addi %add3A_207, %mul3A_209 : i32
      "tpu.region"() ({
        %run_scoped3A = tpu.sem_alloc : memref<!tpu.dma_semaphore, #tpu.memory_space<semaphore_mem>>
        %dma_start3A = tpu.memref_slice %arg2[%add3A_210] : memref<320000xi32, #tpu.memory_space<hbm>> -> memref<80xi32, #tpu.memory_space<hbm>>
        %dma_start3A_212 = tpu.memref_slice %arg2[%add3A_210] : memref<320000xi32, #tpu.memory_space<hbm>> -> memref<80xi32, #tpu.memory_space<hbm>>
        tpu.enqueue_dma source(%dma_start3A_212 : memref<80xi32, #tpu.memory_space<hbm>>) target(%arg9 : memref<80xi32, #tpu.memory_space<vmem>>) target_semaphore(%run_scoped3A : memref<!tpu.dma_semaphore, #tpu.memory_space<semaphore_mem>>)
        %dma_wait3A = tpu.memref_slice %arg2[%add3A_210] : memref<320000xi32, #tpu.memory_space<hbm>> -> memref<80xi32, #tpu.memory_space<hbm>>
        %dma_wait3A_213 = tpu.memref_slice %arg2[%add3A_210] : memref<320000xi32, #tpu.memory_space<hbm>> -> memref<80xi32, #tpu.memory_space<hbm>>
        tpu.wait_dma2 semaphore(%run_scoped3A : memref<!tpu.dma_semaphore, #tpu.memory_space<semaphore_mem>>) src(%dma_wait3A_213 : memref<80xi32, #tpu.memory_space<hbm>>) dst(%arg9 : memref<80xi32, #tpu.memory_space<vmem>>)
        tpu.yield
      }) : () -> ()
      "tpu.region"() ({
        %run_scoped3A = tpu.sem_alloc : memref<!tpu.dma_semaphore, #tpu.memory_space<semaphore_mem>>
        %dma_start3A = arith.constant 0 : i32
        %dma_start3A_212 = arith.constant 0 : i32
        %dma_start3A_213 = tpu.memref_slice %arg19[%dma_start3A, %dma_start3A_212] : memref<10000x128xf32, #tpu.memory_space<vmem_shared>> -> memref<10000x128xf32, #tpu.memory_space<vmem_shared>>
        tpu.enqueue_indirect_dma source(%arg14 : memref<80x128xf32, #tpu.memory_space<vmem>>) target(%dma_start3A_213 : memref<10000x128xf32, #tpu.memory_space<vmem_shared>>) offsets(%arg9 : memref<80xi32, #tpu.memory_space<vmem>>) semaphore(%run_scoped3A : memref<!tpu.dma_semaphore, #tpu.memory_space<semaphore_mem>>) {add = true}
        %dma_wait3A = arith.constant 0 : i32
        %dma_wait3A_214 = arith.constant 0 : i32
        %dma_wait3A_215 = tpu.memref_slice %arg19[%dma_wait3A, %dma_wait3A_214] : memref<10000x128xf32, #tpu.memory_space<vmem_shared>> -> memref<10000x128xf32, #tpu.memory_space<vmem_shared>>
        tpu.wait_indirect_dma semaphore(%run_scoped3A : memref<!tpu.dma_semaphore, #tpu.memory_space<semaphore_mem>>) src(%arg14 : memref<80x128xf32, #tpu.memory_space<vmem>>) dst(%dma_wait3A_215 : memref<10000x128xf32, #tpu.memory_space<vmem_shared>>)
        tpu.yield
      }) : () -> ()
      %scan3A_211 = arith.constant 0 : i32
      scf.yield %scan3A_211 : i32
    }
    %scan3A_78 = arith.constant 125 : i32
    %barrier3A_79 = arith.constant 0 : index
    tpu.barrier barrier_id(%barrier3A_79)
    %add3A_80 = arith.constant 0 : i32
    %add3A_81 = arith.addi %arg1, %add3A_80 : i32
    %lt3A_82 = arith.constant 125 : i32
    %lt3A_83 = arith.cmpi slt, %add3A_81, %lt3A_82 : i32
    %convert_element_type3A_84 = arith.extui %lt3A_83 : i1 to i32
    %cond3A_85 = arith.constant 0 : i32
    %cond3A_86 = arith.cmpi ne, %convert_element_type3A_84, %cond3A_85 : i32
    scf.if %cond3A_86 {
      %mul3A = arith.constant 80 : i32
      %mul3A_202 = arith.muli %add3A_81, %mul3A : i32
      "tpu.region"() ({
        %run_scoped3A = tpu.sem_alloc : memref<!tpu.dma_semaphore, #tpu.memory_space<semaphore_mem>>
        %dma_start3A = arith.constant 0 : i32
        %dma_start3A_213 = tpu.memref_slice %arg19[%mul3A_202, %dma_start3A] : memref<10000x128xf32, #tpu.memory_space<vmem_shared>> -> memref<80x128xf32, #tpu.memory_space<vmem_shared>>
        %dma_start3A_214 = arith.constant 0 : i32
        %dma_start3A_215 = tpu.memref_slice %arg19[%mul3A_202, %dma_start3A_214] : memref<10000x128xf32, #tpu.memory_space<vmem_shared>> -> memref<80x128xf32, #tpu.memory_space<vmem_shared>>
        tpu.enqueue_dma source(%dma_start3A_215 : memref<80x128xf32, #tpu.memory_space<vmem_shared>>) target(%arg13 : memref<80x128xf32, #tpu.memory_space<vmem>>) target_semaphore(%run_scoped3A : memref<!tpu.dma_semaphore, #tpu.memory_space<semaphore_mem>>)
        %dma_wait3A = arith.constant 0 : i32
        %dma_wait3A_216 = tpu.memref_slice %arg19[%mul3A_202, %dma_wait3A] : memref<10000x128xf32, #tpu.memory_space<vmem_shared>> -> memref<80x128xf32, #tpu.memory_space<vmem_shared>>
        %dma_wait3A_217 = arith.constant 0 : i32
        %dma_wait3A_218 = tpu.memref_slice %arg19[%mul3A_202, %dma_wait3A_217] : memref<10000x128xf32, #tpu.memory_space<vmem_shared>> -> memref<80x128xf32, #tpu.memory_space<vmem_shared>>
        tpu.wait_dma2 semaphore(%run_scoped3A : memref<!tpu.dma_semaphore, #tpu.memory_space<semaphore_mem>>) src(%dma_wait3A_218 : memref<80x128xf32, #tpu.memory_space<vmem_shared>>) dst(%arg13 : memref<80x128xf32, #tpu.memory_space<vmem>>)
        tpu.yield
      }) : () -> ()
      %scan3A_203 = arith.constant 0 : i32
      %scan3A_204 = arith.constant 0 : i32
      %scan3A_205 = arith.constant 80 : i32
      %scan3A_206 = arith.addi %scan3A_204, %scan3A_205 : i32
      %scan3A_207 = arith.constant 1 : i32
      %scan3A_208 = scf.for %scan3A_213 = %scan3A_204 to %scan3A_206 step %scan3A_207 iter_args(%scan3A_214 = %scan3A_203) -> (i32)  : i32 {
        %get3A = arith.index_cast %scan3A_213 : i32 to index
        %get3A_215 = arith.constant 0 : index
        %get3A_216 = tpu.vector_load %arg13[%get3A, %get3A_215] {strides = array<i32>} : memref<80x128xf32, #tpu.memory_space<vmem>>, vector<1x16xf32>,
        %get3A_217 = vector.shape_cast %get3A_216 : vector<1x16xf32> to vector<16xf32>
        %mul3A_218 = arith.constant 1.562500e-02 : f32
        %mul3A_219 = vector.broadcast %mul3A_218 : f32 to vector<16xf32>
        %mul3A_220 = arith.mulf %get3A_217, %mul3A_219 : vector<16xf32>
        %add3A_221 = arith.constant 8.000000e+00 : f32
        %add3A_222 = vector.broadcast %add3A_221 : f32 to vector<16xf32>
        %add3A_223 = arith.addf %mul3A_220, %add3A_222 : vector<16xf32>
        %div3A = arith.divf %get3A_217, %add3A_223 : vector<16xf32>
        %add3A_224 = arith.addf %add3A_223, %div3A : vector<16xf32>
        %mul3A_225 = arith.constant 5.000000e-01 : f32
        %mul3A_226 = vector.broadcast %mul3A_225 : f32 to vector<16xf32>
        %mul3A_227 = arith.mulf %mul3A_226, %add3A_224 : vector<16xf32>
        %div3A_228 = arith.divf %get3A_217, %mul3A_227 : vector<16xf32>
        %add3A_229 = arith.addf %mul3A_227, %div3A_228 : vector<16xf32>
        %mul3A_230 = arith.constant 5.000000e-01 : f32
        %mul3A_231 = vector.broadcast %mul3A_230 : f32 to vector<16xf32>
        %mul3A_232 = arith.mulf %mul3A_231, %add3A_229 : vector<16xf32>
        %div3A_233 = arith.divf %get3A_217, %mul3A_232 : vector<16xf32>
        %add3A_234 = arith.addf %mul3A_232, %div3A_233 : vector<16xf32>
        %mul3A_235 = arith.constant 5.000000e-01 : f32
        %mul3A_236 = vector.broadcast %mul3A_235 : f32 to vector<16xf32>
        %mul3A_237 = arith.mulf %mul3A_236, %add3A_234 : vector<16xf32>
        %div3A_238 = arith.divf %get3A_217, %mul3A_237 : vector<16xf32>
        %add3A_239 = arith.addf %mul3A_237, %div3A_238 : vector<16xf32>
        %mul3A_240 = arith.constant 5.000000e-01 : f32
        %mul3A_241 = vector.broadcast %mul3A_240 : f32 to vector<16xf32>
        %mul3A_242 = arith.mulf %mul3A_241, %add3A_239 : vector<16xf32>
        %div3A_243 = arith.divf %get3A_217, %mul3A_242 : vector<16xf32>
        %add3A_244 = arith.addf %mul3A_242, %div3A_243 : vector<16xf32>
        %mul3A_245 = arith.constant 5.000000e-01 : f32
        %mul3A_246 = vector.broadcast %mul3A_245 : f32 to vector<16xf32>
        %mul3A_247 = arith.mulf %mul3A_246, %add3A_244 : vector<16xf32>
        %div3A_248 = arith.divf %get3A_217, %mul3A_247 : vector<16xf32>
        %add3A_249 = arith.addf %mul3A_247, %div3A_248 : vector<16xf32>
        %mul3A_250 = arith.constant 5.000000e-01 : f32
        %mul3A_251 = vector.broadcast %mul3A_250 : f32 to vector<16xf32>
        %mul3A_252 = arith.mulf %mul3A_251, %add3A_249 : vector<16xf32>
        %div3A_253 = arith.divf %get3A_217, %mul3A_252 : vector<16xf32>
        %add3A_254 = arith.addf %mul3A_252, %div3A_253 : vector<16xf32>
        %mul3A_255 = arith.constant 5.000000e-01 : f32
        %mul3A_256 = vector.broadcast %mul3A_255 : f32 to vector<16xf32>
        %mul3A_257 = arith.mulf %mul3A_256, %add3A_254 : vector<16xf32>
        %div3A_258 = arith.divf %get3A_217, %mul3A_257 : vector<16xf32>
        %add3A_259 = arith.addf %mul3A_257, %div3A_258 : vector<16xf32>
        %mul3A_260 = arith.constant 5.000000e-01 : f32
        %mul3A_261 = vector.broadcast %mul3A_260 : f32 to vector<16xf32>
        %mul3A_262 = arith.mulf %mul3A_261, %add3A_259 : vector<16xf32>
        %div3A_263 = arith.divf %get3A_217, %mul3A_262 : vector<16xf32>
        %add3A_264 = arith.addf %mul3A_262, %div3A_263 : vector<16xf32>
        %mul3A_265 = arith.constant 5.000000e-01 : f32
        %mul3A_266 = vector.broadcast %mul3A_265 : f32 to vector<16xf32>
        %mul3A_267 = arith.mulf %mul3A_266, %add3A_264 : vector<16xf32>
        %gt3A = arith.constant 5.000000e-01 : f32
        %gt3A_268 = vector.broadcast %gt3A : f32 to vector<16xf32>
        %gt3A_269 = arith.cmpf ogt, %get3A_217, %gt3A_268 : vector<16xf32>
        %div3A_270 = arith.constant 1.000000e+00 : f32
        %div3A_271 = vector.broadcast %div3A_270 : f32 to vector<16xf32>
        %div3A_272 = arith.divf %div3A_271, %mul3A_267 : vector<16xf32>
        %jit3A = arith.constant 0.000000e+00 : f32
        %broadcast_in_dim3A_273 = vector.broadcast %jit3A : f32 to vector<16xf32>
        %select_n3A = arith.select %gt3A_269, %div3A_272, %broadcast_in_dim3A_273 : vector<16xi1>, vector<16xf32>
        %swap3A = arith.index_cast %scan3A_213 : i32 to index
        %swap3A_274 = arith.constant 0 : index
        %swap3A_275 = tpu.vector_load %arg13[%swap3A, %swap3A_274] {strides = array<i32>} : memref<80x128xf32, #tpu.memory_space<vmem>>, vector<1x16xf32>,
        %swap3A_276 = vector.shape_cast %swap3A_275 : vector<1x16xf32> to vector<16xf32>
        %swap3A_277 = vector.shape_cast %select_n3A : vector<16xf32> to vector<1x16xf32>
        tpu.vector_store %arg13[%swap3A, %swap3A_274], %swap3A_277 {strides = array<i32>} : memref<80x128xf32, #tpu.memory_space<vmem>>, vector<1x16xf32>,
        %swap3A_278 = arith.index_cast %scan3A_213 : i32 to index
        %swap3A_279 = arith.constant 16 : index
        %swap3A_280 = tpu.vector_load %arg13[%swap3A_278, %swap3A_279] {strides = array<i32>} : memref<80x128xf32, #tpu.memory_space<vmem>>, vector<1x16xf32>,
        %swap3A_281 = vector.shape_cast %swap3A_280 : vector<1x16xf32> to vector<16xf32>
        %swap3A_282 = vector.shape_cast %select_n3A : vector<16xf32> to vector<1x16xf32>
        tpu.vector_store %arg13[%swap3A_278, %swap3A_279], %swap3A_282 {strides = array<i32>} : memref<80x128xf32, #tpu.memory_space<vmem>>, vector<1x16xf32>,
        %swap3A_283 = arith.index_cast %scan3A_213 : i32 to index
        %swap3A_284 = arith.constant 32 : index
        %swap3A_285 = tpu.vector_load %arg13[%swap3A_283, %swap3A_284] {strides = array<i32>} : memref<80x128xf32, #tpu.memory_space<vmem>>, vector<1x16xf32>,
        %swap3A_286 = vector.shape_cast %swap3A_285 : vector<1x16xf32> to vector<16xf32>
        %swap3A_287 = vector.shape_cast %select_n3A : vector<16xf32> to vector<1x16xf32>
        tpu.vector_store %arg13[%swap3A_283, %swap3A_284], %swap3A_287 {strides = array<i32>} : memref<80x128xf32, #tpu.memory_space<vmem>>, vector<1x16xf32>,
        %swap3A_288 = arith.index_cast %scan3A_213 : i32 to index
        %swap3A_289 = arith.constant 48 : index
        %swap3A_290 = tpu.vector_load %arg13[%swap3A_288, %swap3A_289] {strides = array<i32>} : memref<80x128xf32, #tpu.memory_space<vmem>>, vector<1x16xf32>,
        %swap3A_291 = vector.shape_cast %swap3A_290 : vector<1x16xf32> to vector<16xf32>
        %swap3A_292 = vector.shape_cast %select_n3A : vector<16xf32> to vector<1x16xf32>
        tpu.vector_store %arg13[%swap3A_288, %swap3A_289], %swap3A_292 {strides = array<i32>} : memref<80x128xf32, #tpu.memory_space<vmem>>, vector<1x16xf32>,
        %swap3A_293 = arith.index_cast %scan3A_213 : i32 to index
        %swap3A_294 = arith.constant 64 : index
        %swap3A_295 = tpu.vector_load %arg13[%swap3A_293, %swap3A_294] {strides = array<i32>} : memref<80x128xf32, #tpu.memory_space<vmem>>, vector<1x16xf32>,
        %swap3A_296 = vector.shape_cast %swap3A_295 : vector<1x16xf32> to vector<16xf32>
        %swap3A_297 = vector.shape_cast %select_n3A : vector<16xf32> to vector<1x16xf32>
        tpu.vector_store %arg13[%swap3A_293, %swap3A_294], %swap3A_297 {strides = array<i32>} : memref<80x128xf32, #tpu.memory_space<vmem>>, vector<1x16xf32>,
        %swap3A_298 = arith.index_cast %scan3A_213 : i32 to index
        %swap3A_299 = arith.constant 80 : index
        %swap3A_300 = tpu.vector_load %arg13[%swap3A_298, %swap3A_299] {strides = array<i32>} : memref<80x128xf32, #tpu.memory_space<vmem>>, vector<1x16xf32>,
        %swap3A_301 = vector.shape_cast %swap3A_300 : vector<1x16xf32> to vector<16xf32>
        %swap3A_302 = vector.shape_cast %select_n3A : vector<16xf32> to vector<1x16xf32>
        tpu.vector_store %arg13[%swap3A_298, %swap3A_299], %swap3A_302 {strides = array<i32>} : memref<80x128xf32, #tpu.memory_space<vmem>>, vector<1x16xf32>,
        %swap3A_303 = arith.index_cast %scan3A_213 : i32 to index
        %swap3A_304 = arith.constant 96 : index
        %swap3A_305 = tpu.vector_load %arg13[%swap3A_303, %swap3A_304] {strides = array<i32>} : memref<80x128xf32, #tpu.memory_space<vmem>>, vector<1x16xf32>,
        %swap3A_306 = vector.shape_cast %swap3A_305 : vector<1x16xf32> to vector<16xf32>
        %swap3A_307 = vector.shape_cast %select_n3A : vector<16xf32> to vector<1x16xf32>
        tpu.vector_store %arg13[%swap3A_303, %swap3A_304], %swap3A_307 {strides = array<i32>} : memref<80x128xf32, #tpu.memory_space<vmem>>, vector<1x16xf32>,
        %swap3A_308 = arith.index_cast %scan3A_213 : i32 to index
        %swap3A_309 = arith.constant 112 : index
        %swap3A_310 = tpu.vector_load %arg13[%swap3A_308, %swap3A_309] {strides = array<i32>} : memref<80x128xf32, #tpu.memory_space<vmem>>, vector<1x16xf32>,
        %swap3A_311 = vector.shape_cast %swap3A_310 : vector<1x16xf32> to vector<16xf32>
        %swap3A_312 = vector.shape_cast %select_n3A : vector<16xf32> to vector<1x16xf32>
        tpu.vector_store %arg13[%swap3A_308, %swap3A_309], %swap3A_312 {strides = array<i32>} : memref<80x128xf32, #tpu.memory_space<vmem>>, vector<1x16xf32>,
        %scan3A_313 = arith.constant 0 : i32
        scf.yield %scan3A_313 : i32
      }
      %scan3A_209 = arith.constant 80 : i32
      %mul3A_210 = arith.constant 10000 : i32
      %mul3A_211 = arith.muli %arg0, %mul3A_210 : i32
      %add3A_212 = arith.addi %mul3A_211, %mul3A_202 : i32
      "tpu.region"() ({
        %run_scoped3A = tpu.sem_alloc : memref<!tpu.dma_semaphore, #tpu.memory_space<semaphore_mem>>
        %dma_start3A = arith.constant 0 : i32
        %dma_start3A_213 = tpu.memref_slice %arg8[%add3A_212, %dma_start3A] : memref<20000x128xf32, #tpu.memory_space<hbm>> -> memref<80x128xf32, #tpu.memory_space<hbm>>
        %dma_start3A_214 = arith.constant 0 : i32
        %dma_start3A_215 = tpu.memref_slice %arg8[%add3A_212, %dma_start3A_214] : memref<20000x128xf32, #tpu.memory_space<hbm>> -> memref<80x128xf32, #tpu.memory_space<hbm>>
        tpu.enqueue_dma source(%arg13 : memref<80x128xf32, #tpu.memory_space<vmem>>) target(%dma_start3A_215 : memref<80x128xf32, #tpu.memory_space<hbm>>) target_semaphore(%run_scoped3A : memref<!tpu.dma_semaphore, #tpu.memory_space<semaphore_mem>>)
        %dma_wait3A = arith.constant 0 : i32
        %dma_wait3A_216 = tpu.memref_slice %arg8[%add3A_212, %dma_wait3A] : memref<20000x128xf32, #tpu.memory_space<hbm>> -> memref<80x128xf32, #tpu.memory_space<hbm>>
        %dma_wait3A_217 = arith.constant 0 : i32
        %dma_wait3A_218 = tpu.memref_slice %arg8[%add3A_212, %dma_wait3A_217] : memref<20000x128xf32, #tpu.memory_space<hbm>> -> memref<80x128xf32, #tpu.memory_space<hbm>>
        tpu.wait_dma2 semaphore(%run_scoped3A : memref<!tpu.dma_semaphore, #tpu.memory_space<semaphore_mem>>) src(%arg13 : memref<80x128xf32, #tpu.memory_space<vmem>>) dst(%dma_wait3A_218 : memref<80x128xf32, #tpu.memory_space<hbm>>)
        tpu.yield
      }) : () -> ()
      "tpu.region"() ({
        %run_scoped3A = tpu.sem_alloc : memref<!tpu.dma_semaphore, #tpu.memory_space<semaphore_mem>>
        %dma_start3A = arith.constant 0 : i32
        %dma_start3A_213 = tpu.memref_slice %arg19[%mul3A_202, %dma_start3A] : memref<10000x128xf32, #tpu.memory_space<vmem_shared>> -> memref<80x128xf32, #tpu.memory_space<vmem_shared>>
        %dma_start3A_214 = arith.constant 0 : i32
        %dma_start3A_215 = tpu.memref_slice %arg19[%mul3A_202, %dma_start3A_214] : memref<10000x128xf32, #tpu.memory_space<vmem_shared>> -> memref<80x128xf32, #tpu.memory_space<vmem_shared>>
        tpu.enqueue_dma source(%arg15 : memref<80x128xf32, #tpu.memory_space<vmem>>) target(%dma_start3A_215 : memref<80x128xf32, #tpu.memory_space<vmem_shared>>) target_semaphore(%run_scoped3A : memref<!tpu.dma_semaphore, #tpu.memory_space<semaphore_mem>>)
        %dma_wait3A = arith.constant 0 : i32
        %dma_wait3A_216 = tpu.memref_slice %arg19[%mul3A_202, %dma_wait3A] : memref<10000x128xf32, #tpu.memory_space<vmem_shared>> -> memref<80x128xf32, #tpu.memory_space<vmem_shared>>
        %dma_wait3A_217 = arith.constant 0 : i32
        %dma_wait3A_218 = tpu.memref_slice %arg19[%mul3A_202, %dma_wait3A_217] : memref<10000x128xf32, #tpu.memory_space<vmem_shared>> -> memref<80x128xf32, #tpu.memory_space<vmem_shared>>
        tpu.wait_dma2 semaphore(%run_scoped3A : memref<!tpu.dma_semaphore, #tpu.memory_space<semaphore_mem>>) src(%arg15 : memref<80x128xf32, #tpu.memory_space<vmem>>) dst(%dma_wait3A_218 : memref<80x128xf32, #tpu.memory_space<vmem_shared>>)
        tpu.yield
      }) : () -> ()
    } else {
    }
    %add3A_87 = arith.constant 16 : i32
    %add3A_88 = arith.addi %arg1, %add3A_87 : i32
    %lt3A_89 = arith.constant 125 : i32
    %lt3A_90 = arith.cmpi slt, %add3A_88, %lt3A_89 : i32
    %convert_element_type3A_91 = arith.extui %lt3A_90 : i1 to i32
    %cond3A_92 = arith.constant 0 : i32
    %cond3A_93 = arith.cmpi ne, %convert_element_type3A_91, %cond3A_92 : i32
    scf.if %cond3A_93 {
      %mul3A = arith.constant 80 : i32
      %mul3A_202 = arith.muli %add3A_88, %mul3A : i32
      "tpu.region"() ({
        %run_scoped3A = tpu.sem_alloc : memref<!tpu.dma_semaphore, #tpu.memory_space<semaphore_mem>>
        %dma_start3A = arith.constant 0 : i32
        %dma_start3A_213 = tpu.memref_slice %arg19[%mul3A_202, %dma_start3A] : memref<10000x128xf32, #tpu.memory_space<vmem_shared>> -> memref<80x128xf32, #tpu.memory_space<vmem_shared>>
        %dma_start3A_214 = arith.constant 0 : i32
        %dma_start3A_215 = tpu.memref_slice %arg19[%mul3A_202, %dma_start3A_214] : memref<10000x128xf32, #tpu.memory_space<vmem_shared>> -> memref<80x128xf32, #tpu.memory_space<vmem_shared>>
        tpu.enqueue_dma source(%dma_start3A_215 : memref<80x128xf32, #tpu.memory_space<vmem_shared>>) target(%arg13 : memref<80x128xf32, #tpu.memory_space<vmem>>) target_semaphore(%run_scoped3A : memref<!tpu.dma_semaphore, #tpu.memory_space<semaphore_mem>>)
        %dma_wait3A = arith.constant 0 : i32
        %dma_wait3A_216 = tpu.memref_slice %arg19[%mul3A_202, %dma_wait3A] : memref<10000x128xf32, #tpu.memory_space<vmem_shared>> -> memref<80x128xf32, #tpu.memory_space<vmem_shared>>
        %dma_wait3A_217 = arith.constant 0 : i32
        %dma_wait3A_218 = tpu.memref_slice %arg19[%mul3A_202, %dma_wait3A_217] : memref<10000x128xf32, #tpu.memory_space<vmem_shared>> -> memref<80x128xf32, #tpu.memory_space<vmem_shared>>
        tpu.wait_dma2 semaphore(%run_scoped3A : memref<!tpu.dma_semaphore, #tpu.memory_space<semaphore_mem>>) src(%dma_wait3A_218 : memref<80x128xf32, #tpu.memory_space<vmem_shared>>) dst(%arg13 : memref<80x128xf32, #tpu.memory_space<vmem>>)
        tpu.yield
      }) : () -> ()
      %scan3A_203 = arith.constant 0 : i32
      %scan3A_204 = arith.constant 0 : i32
      %scan3A_205 = arith.constant 80 : i32
      %scan3A_206 = arith.addi %scan3A_204, %scan3A_205 : i32
      %scan3A_207 = arith.constant 1 : i32
      %scan3A_208 = scf.for %scan3A_213 = %scan3A_204 to %scan3A_206 step %scan3A_207 iter_args(%scan3A_214 = %scan3A_203) -> (i32)  : i32 {
        %get3A = arith.index_cast %scan3A_213 : i32 to index
        %get3A_215 = arith.constant 0 : index
        %get3A_216 = tpu.vector_load %arg13[%get3A, %get3A_215] {strides = array<i32>} : memref<80x128xf32, #tpu.memory_space<vmem>>, vector<1x16xf32>,
        %get3A_217 = vector.shape_cast %get3A_216 : vector<1x16xf32> to vector<16xf32>
        %mul3A_218 = arith.constant 1.562500e-02 : f32
        %mul3A_219 = vector.broadcast %mul3A_218 : f32 to vector<16xf32>
        %mul3A_220 = arith.mulf %get3A_217, %mul3A_219 : vector<16xf32>
        %add3A_221 = arith.constant 8.000000e+00 : f32
        %add3A_222 = vector.broadcast %add3A_221 : f32 to vector<16xf32>
        %add3A_223 = arith.addf %mul3A_220, %add3A_222 : vector<16xf32>
        %div3A = arith.divf %get3A_217, %add3A_223 : vector<16xf32>
        %add3A_224 = arith.addf %add3A_223, %div3A : vector<16xf32>
        %mul3A_225 = arith.constant 5.000000e-01 : f32
        %mul3A_226 = vector.broadcast %mul3A_225 : f32 to vector<16xf32>
        %mul3A_227 = arith.mulf %mul3A_226, %add3A_224 : vector<16xf32>
        %div3A_228 = arith.divf %get3A_217, %mul3A_227 : vector<16xf32>
        %add3A_229 = arith.addf %mul3A_227, %div3A_228 : vector<16xf32>
        %mul3A_230 = arith.constant 5.000000e-01 : f32
        %mul3A_231 = vector.broadcast %mul3A_230 : f32 to vector<16xf32>
        %mul3A_232 = arith.mulf %mul3A_231, %add3A_229 : vector<16xf32>
        %div3A_233 = arith.divf %get3A_217, %mul3A_232 : vector<16xf32>
        %add3A_234 = arith.addf %mul3A_232, %div3A_233 : vector<16xf32>
        %mul3A_235 = arith.constant 5.000000e-01 : f32
        %mul3A_236 = vector.broadcast %mul3A_235 : f32 to vector<16xf32>
        %mul3A_237 = arith.mulf %mul3A_236, %add3A_234 : vector<16xf32>
        %div3A_238 = arith.divf %get3A_217, %mul3A_237 : vector<16xf32>
        %add3A_239 = arith.addf %mul3A_237, %div3A_238 : vector<16xf32>
        %mul3A_240 = arith.constant 5.000000e-01 : f32
        %mul3A_241 = vector.broadcast %mul3A_240 : f32 to vector<16xf32>
        %mul3A_242 = arith.mulf %mul3A_241, %add3A_239 : vector<16xf32>
        %div3A_243 = arith.divf %get3A_217, %mul3A_242 : vector<16xf32>
        %add3A_244 = arith.addf %mul3A_242, %div3A_243 : vector<16xf32>
        %mul3A_245 = arith.constant 5.000000e-01 : f32
        %mul3A_246 = vector.broadcast %mul3A_245 : f32 to vector<16xf32>
        %mul3A_247 = arith.mulf %mul3A_246, %add3A_244 : vector<16xf32>
        %div3A_248 = arith.divf %get3A_217, %mul3A_247 : vector<16xf32>
        %add3A_249 = arith.addf %mul3A_247, %div3A_248 : vector<16xf32>
        %mul3A_250 = arith.constant 5.000000e-01 : f32
        %mul3A_251 = vector.broadcast %mul3A_250 : f32 to vector<16xf32>
        %mul3A_252 = arith.mulf %mul3A_251, %add3A_249 : vector<16xf32>
        %div3A_253 = arith.divf %get3A_217, %mul3A_252 : vector<16xf32>
        %add3A_254 = arith.addf %mul3A_252, %div3A_253 : vector<16xf32>
        %mul3A_255 = arith.constant 5.000000e-01 : f32
        %mul3A_256 = vector.broadcast %mul3A_255 : f32 to vector<16xf32>
        %mul3A_257 = arith.mulf %mul3A_256, %add3A_254 : vector<16xf32>
        %div3A_258 = arith.divf %get3A_217, %mul3A_257 : vector<16xf32>
        %add3A_259 = arith.addf %mul3A_257, %div3A_258 : vector<16xf32>
        %mul3A_260 = arith.constant 5.000000e-01 : f32
        %mul3A_261 = vector.broadcast %mul3A_260 : f32 to vector<16xf32>
        %mul3A_262 = arith.mulf %mul3A_261, %add3A_259 : vector<16xf32>
        %div3A_263 = arith.divf %get3A_217, %mul3A_262 : vector<16xf32>
        %add3A_264 = arith.addf %mul3A_262, %div3A_263 : vector<16xf32>
        %mul3A_265 = arith.constant 5.000000e-01 : f32
        %mul3A_266 = vector.broadcast %mul3A_265 : f32 to vector<16xf32>
        %mul3A_267 = arith.mulf %mul3A_266, %add3A_264 : vector<16xf32>
        %gt3A = arith.constant 5.000000e-01 : f32
        %gt3A_268 = vector.broadcast %gt3A : f32 to vector<16xf32>
        %gt3A_269 = arith.cmpf ogt, %get3A_217, %gt3A_268 : vector<16xf32>
        %div3A_270 = arith.constant 1.000000e+00 : f32
        %div3A_271 = vector.broadcast %div3A_270 : f32 to vector<16xf32>
        %div3A_272 = arith.divf %div3A_271, %mul3A_267 : vector<16xf32>
        %jit3A = arith.constant 0.000000e+00 : f32
        %broadcast_in_dim3A_273 = vector.broadcast %jit3A : f32 to vector<16xf32>
        %select_n3A = arith.select %gt3A_269, %div3A_272, %broadcast_in_dim3A_273 : vector<16xi1>, vector<16xf32>
        %swap3A = arith.index_cast %scan3A_213 : i32 to index
        %swap3A_274 = arith.constant 0 : index
        %swap3A_275 = tpu.vector_load %arg13[%swap3A, %swap3A_274] {strides = array<i32>} : memref<80x128xf32, #tpu.memory_space<vmem>>, vector<1x16xf32>,
        %swap3A_276 = vector.shape_cast %swap3A_275 : vector<1x16xf32> to vector<16xf32>
        %swap3A_277 = vector.shape_cast %select_n3A : vector<16xf32> to vector<1x16xf32>
        tpu.vector_store %arg13[%swap3A, %swap3A_274], %swap3A_277 {strides = array<i32>} : memref<80x128xf32, #tpu.memory_space<vmem>>, vector<1x16xf32>,
        %swap3A_278 = arith.index_cast %scan3A_213 : i32 to index
        %swap3A_279 = arith.constant 16 : index
        %swap3A_280 = tpu.vector_load %arg13[%swap3A_278, %swap3A_279] {strides = array<i32>} : memref<80x128xf32, #tpu.memory_space<vmem>>, vector<1x16xf32>,
        %swap3A_281 = vector.shape_cast %swap3A_280 : vector<1x16xf32> to vector<16xf32>
        %swap3A_282 = vector.shape_cast %select_n3A : vector<16xf32> to vector<1x16xf32>
        tpu.vector_store %arg13[%swap3A_278, %swap3A_279], %swap3A_282 {strides = array<i32>} : memref<80x128xf32, #tpu.memory_space<vmem>>, vector<1x16xf32>,
        %swap3A_283 = arith.index_cast %scan3A_213 : i32 to index
        %swap3A_284 = arith.constant 32 : index
        %swap3A_285 = tpu.vector_load %arg13[%swap3A_283, %swap3A_284] {strides = array<i32>} : memref<80x128xf32, #tpu.memory_space<vmem>>, vector<1x16xf32>,
        %swap3A_286 = vector.shape_cast %swap3A_285 : vector<1x16xf32> to vector<16xf32>
        %swap3A_287 = vector.shape_cast %select_n3A : vector<16xf32> to vector<1x16xf32>
        tpu.vector_store %arg13[%swap3A_283, %swap3A_284], %swap3A_287 {strides = array<i32>} : memref<80x128xf32, #tpu.memory_space<vmem>>, vector<1x16xf32>,
        %swap3A_288 = arith.index_cast %scan3A_213 : i32 to index
        %swap3A_289 = arith.constant 48 : index
        %swap3A_290 = tpu.vector_load %arg13[%swap3A_288, %swap3A_289] {strides = array<i32>} : memref<80x128xf32, #tpu.memory_space<vmem>>, vector<1x16xf32>,
        %swap3A_291 = vector.shape_cast %swap3A_290 : vector<1x16xf32> to vector<16xf32>
        %swap3A_292 = vector.shape_cast %select_n3A : vector<16xf32> to vector<1x16xf32>
        tpu.vector_store %arg13[%swap3A_288, %swap3A_289], %swap3A_292 {strides = array<i32>} : memref<80x128xf32, #tpu.memory_space<vmem>>, vector<1x16xf32>,
        %swap3A_293 = arith.index_cast %scan3A_213 : i32 to index
        %swap3A_294 = arith.constant 64 : index
        %swap3A_295 = tpu.vector_load %arg13[%swap3A_293, %swap3A_294] {strides = array<i32>} : memref<80x128xf32, #tpu.memory_space<vmem>>, vector<1x16xf32>,
        %swap3A_296 = vector.shape_cast %swap3A_295 : vector<1x16xf32> to vector<16xf32>
        %swap3A_297 = vector.shape_cast %select_n3A : vector<16xf32> to vector<1x16xf32>
        tpu.vector_store %arg13[%swap3A_293, %swap3A_294], %swap3A_297 {strides = array<i32>} : memref<80x128xf32, #tpu.memory_space<vmem>>, vector<1x16xf32>,
        %swap3A_298 = arith.index_cast %scan3A_213 : i32 to index
        %swap3A_299 = arith.constant 80 : index
        %swap3A_300 = tpu.vector_load %arg13[%swap3A_298, %swap3A_299] {strides = array<i32>} : memref<80x128xf32, #tpu.memory_space<vmem>>, vector<1x16xf32>,
        %swap3A_301 = vector.shape_cast %swap3A_300 : vector<1x16xf32> to vector<16xf32>
        %swap3A_302 = vector.shape_cast %select_n3A : vector<16xf32> to vector<1x16xf32>
        tpu.vector_store %arg13[%swap3A_298, %swap3A_299], %swap3A_302 {strides = array<i32>} : memref<80x128xf32, #tpu.memory_space<vmem>>, vector<1x16xf32>,
        %swap3A_303 = arith.index_cast %scan3A_213 : i32 to index
        %swap3A_304 = arith.constant 96 : index
        %swap3A_305 = tpu.vector_load %arg13[%swap3A_303, %swap3A_304] {strides = array<i32>} : memref<80x128xf32, #tpu.memory_space<vmem>>, vector<1x16xf32>,
        %swap3A_306 = vector.shape_cast %swap3A_305 : vector<1x16xf32> to vector<16xf32>
        %swap3A_307 = vector.shape_cast %select_n3A : vector<16xf32> to vector<1x16xf32>
        tpu.vector_store %arg13[%swap3A_303, %swap3A_304], %swap3A_307 {strides = array<i32>} : memref<80x128xf32, #tpu.memory_space<vmem>>, vector<1x16xf32>,
        %swap3A_308 = arith.index_cast %scan3A_213 : i32 to index
        %swap3A_309 = arith.constant 112 : index
        %swap3A_310 = tpu.vector_load %arg13[%swap3A_308, %swap3A_309] {strides = array<i32>} : memref<80x128xf32, #tpu.memory_space<vmem>>, vector<1x16xf32>,
        %swap3A_311 = vector.shape_cast %swap3A_310 : vector<1x16xf32> to vector<16xf32>
        %swap3A_312 = vector.shape_cast %select_n3A : vector<16xf32> to vector<1x16xf32>
        tpu.vector_store %arg13[%swap3A_308, %swap3A_309], %swap3A_312 {strides = array<i32>} : memref<80x128xf32, #tpu.memory_space<vmem>>, vector<1x16xf32>,
        %scan3A_313 = arith.constant 0 : i32
        scf.yield %scan3A_313 : i32
      }
      %scan3A_209 = arith.constant 80 : i32
      %mul3A_210 = arith.constant 10000 : i32
      %mul3A_211 = arith.muli %arg0, %mul3A_210 : i32
      %add3A_212 = arith.addi %mul3A_211, %mul3A_202 : i32
      "tpu.region"() ({
        %run_scoped3A = tpu.sem_alloc : memref<!tpu.dma_semaphore, #tpu.memory_space<semaphore_mem>>
        %dma_start3A = arith.constant 0 : i32
        %dma_start3A_213 = tpu.memref_slice %arg8[%add3A_212, %dma_start3A] : memref<20000x128xf32, #tpu.memory_space<hbm>> -> memref<80x128xf32, #tpu.memory_space<hbm>>
        %dma_start3A_214 = arith.constant 0 : i32
        %dma_start3A_215 = tpu.memref_slice %arg8[%add3A_212, %dma_start3A_214] : memref<20000x128xf32, #tpu.memory_space<hbm>> -> memref<80x128xf32, #tpu.memory_space<hbm>>
        tpu.enqueue_dma source(%arg13 : memref<80x128xf32, #tpu.memory_space<vmem>>) target(%dma_start3A_215 : memref<80x128xf32, #tpu.memory_space<hbm>>) target_semaphore(%run_scoped3A : memref<!tpu.dma_semaphore, #tpu.memory_space<semaphore_mem>>)
        %dma_wait3A = arith.constant 0 : i32
        %dma_wait3A_216 = tpu.memref_slice %arg8[%add3A_212, %dma_wait3A] : memref<20000x128xf32, #tpu.memory_space<hbm>> -> memref<80x128xf32, #tpu.memory_space<hbm>>
        %dma_wait3A_217 = arith.constant 0 : i32
        %dma_wait3A_218 = tpu.memref_slice %arg8[%add3A_212, %dma_wait3A_217] : memref<20000x128xf32, #tpu.memory_space<hbm>> -> memref<80x128xf32, #tpu.memory_space<hbm>>
        tpu.wait_dma2 semaphore(%run_scoped3A : memref<!tpu.dma_semaphore, #tpu.memory_space<semaphore_mem>>) src(%arg13 : memref<80x128xf32, #tpu.memory_space<vmem>>) dst(%dma_wait3A_218 : memref<80x128xf32, #tpu.memory_space<hbm>>)
        tpu.yield
      }) : () -> ()
      "tpu.region"() ({
        %run_scoped3A = tpu.sem_alloc : memref<!tpu.dma_semaphore, #tpu.memory_space<semaphore_mem>>
        %dma_start3A = arith.constant 0 : i32
        %dma_start3A_213 = tpu.memref_slice %arg19[%mul3A_202, %dma_start3A] : memref<10000x128xf32, #tpu.memory_space<vmem_shared>> -> memref<80x128xf32, #tpu.memory_space<vmem_shared>>
        %dma_start3A_214 = arith.constant 0 : i32
        %dma_start3A_215 = tpu.memref_slice %arg19[%mul3A_202, %dma_start3A_214] : memref<10000x128xf32, #tpu.memory_space<vmem_shared>> -> memref<80x128xf32, #tpu.memory_space<vmem_shared>>
        tpu.enqueue_dma source(%arg15 : memref<80x128xf32, #tpu.memory_space<vmem>>) target(%dma_start3A_215 : memref<80x128xf32, #tpu.memory_space<vmem_shared>>) target_semaphore(%run_scoped3A : memref<!tpu.dma_semaphore, #tpu.memory_space<semaphore_mem>>)
        %dma_wait3A = arith.constant 0 : i32
        %dma_wait3A_216 = tpu.memref_slice %arg19[%mul3A_202, %dma_wait3A] : memref<10000x128xf32, #tpu.memory_space<vmem_shared>> -> memref<80x128xf32, #tpu.memory_space<vmem_shared>>
        %dma_wait3A_217 = arith.constant 0 : i32
        %dma_wait3A_218 = tpu.memref_slice %arg19[%mul3A_202, %dma_wait3A_217] : memref<10000x128xf32, #tpu.memory_space<vmem_shared>> -> memref<80x128xf32, #tpu.memory_space<vmem_shared>>
        tpu.wait_dma2 semaphore(%run_scoped3A : memref<!tpu.dma_semaphore, #tpu.memory_space<semaphore_mem>>) src(%arg15 : memref<80x128xf32, #tpu.memory_space<vmem>>) dst(%dma_wait3A_218 : memref<80x128xf32, #tpu.memory_space<vmem_shared>>)
        tpu.yield
      }) : () -> ()
    } else {
    }
    %add3A_94 = arith.constant 32 : i32
    %add3A_95 = arith.addi %arg1, %add3A_94 : i32
    %lt3A_96 = arith.constant 125 : i32
    %lt3A_97 = arith.cmpi slt, %add3A_95, %lt3A_96 : i32
    %convert_element_type3A_98 = arith.extui %lt3A_97 : i1 to i32
    %cond3A_99 = arith.constant 0 : i32
    %cond3A_100 = arith.cmpi ne, %convert_element_type3A_98, %cond3A_99 : i32
    scf.if %cond3A_100 {
      %mul3A = arith.constant 80 : i32
      %mul3A_202 = arith.muli %add3A_95, %mul3A : i32
      "tpu.region"() ({
        %run_scoped3A = tpu.sem_alloc : memref<!tpu.dma_semaphore, #tpu.memory_space<semaphore_mem>>
        %dma_start3A = arith.constant 0 : i32
        %dma_start3A_213 = tpu.memref_slice %arg19[%mul3A_202, %dma_start3A] : memref<10000x128xf32, #tpu.memory_space<vmem_shared>> -> memref<80x128xf32, #tpu.memory_space<vmem_shared>>
        %dma_start3A_214 = arith.constant 0 : i32
        %dma_start3A_215 = tpu.memref_slice %arg19[%mul3A_202, %dma_start3A_214] : memref<10000x128xf32, #tpu.memory_space<vmem_shared>> -> memref<80x128xf32, #tpu.memory_space<vmem_shared>>
        tpu.enqueue_dma source(%dma_start3A_215 : memref<80x128xf32, #tpu.memory_space<vmem_shared>>) target(%arg13 : memref<80x128xf32, #tpu.memory_space<vmem>>) target_semaphore(%run_scoped3A : memref<!tpu.dma_semaphore, #tpu.memory_space<semaphore_mem>>)
        %dma_wait3A = arith.constant 0 : i32
        %dma_wait3A_216 = tpu.memref_slice %arg19[%mul3A_202, %dma_wait3A] : memref<10000x128xf32, #tpu.memory_space<vmem_shared>> -> memref<80x128xf32, #tpu.memory_space<vmem_shared>>
        %dma_wait3A_217 = arith.constant 0 : i32
        %dma_wait3A_218 = tpu.memref_slice %arg19[%mul3A_202, %dma_wait3A_217] : memref<10000x128xf32, #tpu.memory_space<vmem_shared>> -> memref<80x128xf32, #tpu.memory_space<vmem_shared>>
        tpu.wait_dma2 semaphore(%run_scoped3A : memref<!tpu.dma_semaphore, #tpu.memory_space<semaphore_mem>>) src(%dma_wait3A_218 : memref<80x128xf32, #tpu.memory_space<vmem_shared>>) dst(%arg13 : memref<80x128xf32, #tpu.memory_space<vmem>>)
        tpu.yield
      }) : () -> ()
      %scan3A_203 = arith.constant 0 : i32
      %scan3A_204 = arith.constant 0 : i32
      %scan3A_205 = arith.constant 80 : i32
      %scan3A_206 = arith.addi %scan3A_204, %scan3A_205 : i32
      %scan3A_207 = arith.constant 1 : i32
      %scan3A_208 = scf.for %scan3A_213 = %scan3A_204 to %scan3A_206 step %scan3A_207 iter_args(%scan3A_214 = %scan3A_203) -> (i32)  : i32 {
        %get3A = arith.index_cast %scan3A_213 : i32 to index
        %get3A_215 = arith.constant 0 : index
        %get3A_216 = tpu.vector_load %arg13[%get3A, %get3A_215] {strides = array<i32>} : memref<80x128xf32, #tpu.memory_space<vmem>>, vector<1x16xf32>,
        %get3A_217 = vector.shape_cast %get3A_216 : vector<1x16xf32> to vector<16xf32>
        %mul3A_218 = arith.constant 1.562500e-02 : f32
        %mul3A_219 = vector.broadcast %mul3A_218 : f32 to vector<16xf32>
        %mul3A_220 = arith.mulf %get3A_217, %mul3A_219 : vector<16xf32>
        %add3A_221 = arith.constant 8.000000e+00 : f32
        %add3A_222 = vector.broadcast %add3A_221 : f32 to vector<16xf32>
        %add3A_223 = arith.addf %mul3A_220, %add3A_222 : vector<16xf32>
        %div3A = arith.divf %get3A_217, %add3A_223 : vector<16xf32>
        %add3A_224 = arith.addf %add3A_223, %div3A : vector<16xf32>
        %mul3A_225 = arith.constant 5.000000e-01 : f32
        %mul3A_226 = vector.broadcast %mul3A_225 : f32 to vector<16xf32>
        %mul3A_227 = arith.mulf %mul3A_226, %add3A_224 : vector<16xf32>
        %div3A_228 = arith.divf %get3A_217, %mul3A_227 : vector<16xf32>
        %add3A_229 = arith.addf %mul3A_227, %div3A_228 : vector<16xf32>
        %mul3A_230 = arith.constant 5.000000e-01 : f32
        %mul3A_231 = vector.broadcast %mul3A_230 : f32 to vector<16xf32>
        %mul3A_232 = arith.mulf %mul3A_231, %add3A_229 : vector<16xf32>
        %div3A_233 = arith.divf %get3A_217, %mul3A_232 : vector<16xf32>
        %add3A_234 = arith.addf %mul3A_232, %div3A_233 : vector<16xf32>
        %mul3A_235 = arith.constant 5.000000e-01 : f32
        %mul3A_236 = vector.broadcast %mul3A_235 : f32 to vector<16xf32>
        %mul3A_237 = arith.mulf %mul3A_236, %add3A_234 : vector<16xf32>
        %div3A_238 = arith.divf %get3A_217, %mul3A_237 : vector<16xf32>
        %add3A_239 = arith.addf %mul3A_237, %div3A_238 : vector<16xf32>
        %mul3A_240 = arith.constant 5.000000e-01 : f32
        %mul3A_241 = vector.broadcast %mul3A_240 : f32 to vector<16xf32>
        %mul3A_242 = arith.mulf %mul3A_241, %add3A_239 : vector<16xf32>
        %div3A_243 = arith.divf %get3A_217, %mul3A_242 : vector<16xf32>
        %add3A_244 = arith.addf %mul3A_242, %div3A_243 : vector<16xf32>
        %mul3A_245 = arith.constant 5.000000e-01 : f32
        %mul3A_246 = vector.broadcast %mul3A_245 : f32 to vector<16xf32>
        %mul3A_247 = arith.mulf %mul3A_246, %add3A_244 : vector<16xf32>
        %div3A_248 = arith.divf %get3A_217, %mul3A_247 : vector<16xf32>
        %add3A_249 = arith.addf %mul3A_247, %div3A_248 : vector<16xf32>
        %mul3A_250 = arith.constant 5.000000e-01 : f32
        %mul3A_251 = vector.broadcast %mul3A_250 : f32 to vector<16xf32>
        %mul3A_252 = arith.mulf %mul3A_251, %add3A_249 : vector<16xf32>
        %div3A_253 = arith.divf %get3A_217, %mul3A_252 : vector<16xf32>
        %add3A_254 = arith.addf %mul3A_252, %div3A_253 : vector<16xf32>
        %mul3A_255 = arith.constant 5.000000e-01 : f32
        %mul3A_256 = vector.broadcast %mul3A_255 : f32 to vector<16xf32>
        %mul3A_257 = arith.mulf %mul3A_256, %add3A_254 : vector<16xf32>
        %div3A_258 = arith.divf %get3A_217, %mul3A_257 : vector<16xf32>
        %add3A_259 = arith.addf %mul3A_257, %div3A_258 : vector<16xf32>
        %mul3A_260 = arith.constant 5.000000e-01 : f32
        %mul3A_261 = vector.broadcast %mul3A_260 : f32 to vector<16xf32>
        %mul3A_262 = arith.mulf %mul3A_261, %add3A_259 : vector<16xf32>
        %div3A_263 = arith.divf %get3A_217, %mul3A_262 : vector<16xf32>
        %add3A_264 = arith.addf %mul3A_262, %div3A_263 : vector<16xf32>
        %mul3A_265 = arith.constant 5.000000e-01 : f32
        %mul3A_266 = vector.broadcast %mul3A_265 : f32 to vector<16xf32>
        %mul3A_267 = arith.mulf %mul3A_266, %add3A_264 : vector<16xf32>
        %gt3A = arith.constant 5.000000e-01 : f32
        %gt3A_268 = vector.broadcast %gt3A : f32 to vector<16xf32>
        %gt3A_269 = arith.cmpf ogt, %get3A_217, %gt3A_268 : vector<16xf32>
        %div3A_270 = arith.constant 1.000000e+00 : f32
        %div3A_271 = vector.broadcast %div3A_270 : f32 to vector<16xf32>
        %div3A_272 = arith.divf %div3A_271, %mul3A_267 : vector<16xf32>
        %jit3A = arith.constant 0.000000e+00 : f32
        %broadcast_in_dim3A_273 = vector.broadcast %jit3A : f32 to vector<16xf32>
        %select_n3A = arith.select %gt3A_269, %div3A_272, %broadcast_in_dim3A_273 : vector<16xi1>, vector<16xf32>
        %swap3A = arith.index_cast %scan3A_213 : i32 to index
        %swap3A_274 = arith.constant 0 : index
        %swap3A_275 = tpu.vector_load %arg13[%swap3A, %swap3A_274] {strides = array<i32>} : memref<80x128xf32, #tpu.memory_space<vmem>>, vector<1x16xf32>,
        %swap3A_276 = vector.shape_cast %swap3A_275 : vector<1x16xf32> to vector<16xf32>
        %swap3A_277 = vector.shape_cast %select_n3A : vector<16xf32> to vector<1x16xf32>
        tpu.vector_store %arg13[%swap3A, %swap3A_274], %swap3A_277 {strides = array<i32>} : memref<80x128xf32, #tpu.memory_space<vmem>>, vector<1x16xf32>,
        %swap3A_278 = arith.index_cast %scan3A_213 : i32 to index
        %swap3A_279 = arith.constant 16 : index
        %swap3A_280 = tpu.vector_load %arg13[%swap3A_278, %swap3A_279] {strides = array<i32>} : memref<80x128xf32, #tpu.memory_space<vmem>>, vector<1x16xf32>,
        %swap3A_281 = vector.shape_cast %swap3A_280 : vector<1x16xf32> to vector<16xf32>
        %swap3A_282 = vector.shape_cast %select_n3A : vector<16xf32> to vector<1x16xf32>
        tpu.vector_store %arg13[%swap3A_278, %swap3A_279], %swap3A_282 {strides = array<i32>} : memref<80x128xf32, #tpu.memory_space<vmem>>, vector<1x16xf32>,
        %swap3A_283 = arith.index_cast %scan3A_213 : i32 to index
        %swap3A_284 = arith.constant 32 : index
        %swap3A_285 = tpu.vector_load %arg13[%swap3A_283, %swap3A_284] {strides = array<i32>} : memref<80x128xf32, #tpu.memory_space<vmem>>, vector<1x16xf32>,
        %swap3A_286 = vector.shape_cast %swap3A_285 : vector<1x16xf32> to vector<16xf32>
        %swap3A_287 = vector.shape_cast %select_n3A : vector<16xf32> to vector<1x16xf32>
        tpu.vector_store %arg13[%swap3A_283, %swap3A_284], %swap3A_287 {strides = array<i32>} : memref<80x128xf32, #tpu.memory_space<vmem>>, vector<1x16xf32>,
        %swap3A_288 = arith.index_cast %scan3A_213 : i32 to index
        %swap3A_289 = arith.constant 48 : index
        %swap3A_290 = tpu.vector_load %arg13[%swap3A_288, %swap3A_289] {strides = array<i32>} : memref<80x128xf32, #tpu.memory_space<vmem>>, vector<1x16xf32>,
        %swap3A_291 = vector.shape_cast %swap3A_290 : vector<1x16xf32> to vector<16xf32>
        %swap3A_292 = vector.shape_cast %select_n3A : vector<16xf32> to vector<1x16xf32>
        tpu.vector_store %arg13[%swap3A_288, %swap3A_289], %swap3A_292 {strides = array<i32>} : memref<80x128xf32, #tpu.memory_space<vmem>>, vector<1x16xf32>,
        %swap3A_293 = arith.index_cast %scan3A_213 : i32 to index
        %swap3A_294 = arith.constant 64 : index
        %swap3A_295 = tpu.vector_load %arg13[%swap3A_293, %swap3A_294] {strides = array<i32>} : memref<80x128xf32, #tpu.memory_space<vmem>>, vector<1x16xf32>,
        %swap3A_296 = vector.shape_cast %swap3A_295 : vector<1x16xf32> to vector<16xf32>
        %swap3A_297 = vector.shape_cast %select_n3A : vector<16xf32> to vector<1x16xf32>
        tpu.vector_store %arg13[%swap3A_293, %swap3A_294], %swap3A_297 {strides = array<i32>} : memref<80x128xf32, #tpu.memory_space<vmem>>, vector<1x16xf32>,
        %swap3A_298 = arith.index_cast %scan3A_213 : i32 to index
        %swap3A_299 = arith.constant 80 : index
        %swap3A_300 = tpu.vector_load %arg13[%swap3A_298, %swap3A_299] {strides = array<i32>} : memref<80x128xf32, #tpu.memory_space<vmem>>, vector<1x16xf32>,
        %swap3A_301 = vector.shape_cast %swap3A_300 : vector<1x16xf32> to vector<16xf32>
        %swap3A_302 = vector.shape_cast %select_n3A : vector<16xf32> to vector<1x16xf32>
        tpu.vector_store %arg13[%swap3A_298, %swap3A_299], %swap3A_302 {strides = array<i32>} : memref<80x128xf32, #tpu.memory_space<vmem>>, vector<1x16xf32>,
        %swap3A_303 = arith.index_cast %scan3A_213 : i32 to index
        %swap3A_304 = arith.constant 96 : index
        %swap3A_305 = tpu.vector_load %arg13[%swap3A_303, %swap3A_304] {strides = array<i32>} : memref<80x128xf32, #tpu.memory_space<vmem>>, vector<1x16xf32>,
        %swap3A_306 = vector.shape_cast %swap3A_305 : vector<1x16xf32> to vector<16xf32>
        %swap3A_307 = vector.shape_cast %select_n3A : vector<16xf32> to vector<1x16xf32>
        tpu.vector_store %arg13[%swap3A_303, %swap3A_304], %swap3A_307 {strides = array<i32>} : memref<80x128xf32, #tpu.memory_space<vmem>>, vector<1x16xf32>,
        %swap3A_308 = arith.index_cast %scan3A_213 : i32 to index
        %swap3A_309 = arith.constant 112 : index
        %swap3A_310 = tpu.vector_load %arg13[%swap3A_308, %swap3A_309] {strides = array<i32>} : memref<80x128xf32, #tpu.memory_space<vmem>>, vector<1x16xf32>,
        %swap3A_311 = vector.shape_cast %swap3A_310 : vector<1x16xf32> to vector<16xf32>
        %swap3A_312 = vector.shape_cast %select_n3A : vector<16xf32> to vector<1x16xf32>
        tpu.vector_store %arg13[%swap3A_308, %swap3A_309], %swap3A_312 {strides = array<i32>} : memref<80x128xf32, #tpu.memory_space<vmem>>, vector<1x16xf32>,
        %scan3A_313 = arith.constant 0 : i32
        scf.yield %scan3A_313 : i32
      }
      %scan3A_209 = arith.constant 80 : i32
      %mul3A_210 = arith.constant 10000 : i32
      %mul3A_211 = arith.muli %arg0, %mul3A_210 : i32
      %add3A_212 = arith.addi %mul3A_211, %mul3A_202 : i32
      "tpu.region"() ({
        %run_scoped3A = tpu.sem_alloc : memref<!tpu.dma_semaphore, #tpu.memory_space<semaphore_mem>>
        %dma_start3A = arith.constant 0 : i32
        %dma_start3A_213 = tpu.memref_slice %arg8[%add3A_212, %dma_start3A] : memref<20000x128xf32, #tpu.memory_space<hbm>> -> memref<80x128xf32, #tpu.memory_space<hbm>>
        %dma_start3A_214 = arith.constant 0 : i32
        %dma_start3A_215 = tpu.memref_slice %arg8[%add3A_212, %dma_start3A_214] : memref<20000x128xf32, #tpu.memory_space<hbm>> -> memref<80x128xf32, #tpu.memory_space<hbm>>
        tpu.enqueue_dma source(%arg13 : memref<80x128xf32, #tpu.memory_space<vmem>>) target(%dma_start3A_215 : memref<80x128xf32, #tpu.memory_space<hbm>>) target_semaphore(%run_scoped3A : memref<!tpu.dma_semaphore, #tpu.memory_space<semaphore_mem>>)
        %dma_wait3A = arith.constant 0 : i32
        %dma_wait3A_216 = tpu.memref_slice %arg8[%add3A_212, %dma_wait3A] : memref<20000x128xf32, #tpu.memory_space<hbm>> -> memref<80x128xf32, #tpu.memory_space<hbm>>
        %dma_wait3A_217 = arith.constant 0 : i32
        %dma_wait3A_218 = tpu.memref_slice %arg8[%add3A_212, %dma_wait3A_217] : memref<20000x128xf32, #tpu.memory_space<hbm>> -> memref<80x128xf32, #tpu.memory_space<hbm>>
        tpu.wait_dma2 semaphore(%run_scoped3A : memref<!tpu.dma_semaphore, #tpu.memory_space<semaphore_mem>>) src(%arg13 : memref<80x128xf32, #tpu.memory_space<vmem>>) dst(%dma_wait3A_218 : memref<80x128xf32, #tpu.memory_space<hbm>>)
        tpu.yield
      }) : () -> ()
      "tpu.region"() ({
        %run_scoped3A = tpu.sem_alloc : memref<!tpu.dma_semaphore, #tpu.memory_space<semaphore_mem>>
        %dma_start3A = arith.constant 0 : i32
        %dma_start3A_213 = tpu.memref_slice %arg19[%mul3A_202, %dma_start3A] : memref<10000x128xf32, #tpu.memory_space<vmem_shared>> -> memref<80x128xf32, #tpu.memory_space<vmem_shared>>
        %dma_start3A_214 = arith.constant 0 : i32
        %dma_start3A_215 = tpu.memref_slice %arg19[%mul3A_202, %dma_start3A_214] : memref<10000x128xf32, #tpu.memory_space<vmem_shared>> -> memref<80x128xf32, #tpu.memory_space<vmem_shared>>
        tpu.enqueue_dma source(%arg15 : memref<80x128xf32, #tpu.memory_space<vmem>>) target(%dma_start3A_215 : memref<80x128xf32, #tpu.memory_space<vmem_shared>>) target_semaphore(%run_scoped3A : memref<!tpu.dma_semaphore, #tpu.memory_space<semaphore_mem>>)
        %dma_wait3A = arith.constant 0 : i32
        %dma_wait3A_216 = tpu.memref_slice %arg19[%mul3A_202, %dma_wait3A] : memref<10000x128xf32, #tpu.memory_space<vmem_shared>> -> memref<80x128xf32, #tpu.memory_space<vmem_shared>>
        %dma_wait3A_217 = arith.constant 0 : i32
        %dma_wait3A_218 = tpu.memref_slice %arg19[%mul3A_202, %dma_wait3A_217] : memref<10000x128xf32, #tpu.memory_space<vmem_shared>> -> memref<80x128xf32, #tpu.memory_space<vmem_shared>>
        tpu.wait_dma2 semaphore(%run_scoped3A : memref<!tpu.dma_semaphore, #tpu.memory_space<semaphore_mem>>) src(%arg15 : memref<80x128xf32, #tpu.memory_space<vmem>>) dst(%dma_wait3A_218 : memref<80x128xf32, #tpu.memory_space<vmem_shared>>)
        tpu.yield
      }) : () -> ()
    } else {
    }
    %add3A_101 = arith.constant 48 : i32
    %add3A_102 = arith.addi %arg1, %add3A_101 : i32
    %lt3A_103 = arith.constant 125 : i32
    %lt3A_104 = arith.cmpi slt, %add3A_102, %lt3A_103 : i32
    %convert_element_type3A_105 = arith.extui %lt3A_104 : i1 to i32
    %cond3A_106 = arith.constant 0 : i32
    %cond3A_107 = arith.cmpi ne, %convert_element_type3A_105, %cond3A_106 : i32
    scf.if %cond3A_107 {
      %mul3A = arith.constant 80 : i32
      %mul3A_202 = arith.muli %add3A_102, %mul3A : i32
      "tpu.region"() ({
        %run_scoped3A = tpu.sem_alloc : memref<!tpu.dma_semaphore, #tpu.memory_space<semaphore_mem>>
        %dma_start3A = arith.constant 0 : i32
        %dma_start3A_213 = tpu.memref_slice %arg19[%mul3A_202, %dma_start3A] : memref<10000x128xf32, #tpu.memory_space<vmem_shared>> -> memref<80x128xf32, #tpu.memory_space<vmem_shared>>
        %dma_start3A_214 = arith.constant 0 : i32
        %dma_start3A_215 = tpu.memref_slice %arg19[%mul3A_202, %dma_start3A_214] : memref<10000x128xf32, #tpu.memory_space<vmem_shared>> -> memref<80x128xf32, #tpu.memory_space<vmem_shared>>
        tpu.enqueue_dma source(%dma_start3A_215 : memref<80x128xf32, #tpu.memory_space<vmem_shared>>) target(%arg13 : memref<80x128xf32, #tpu.memory_space<vmem>>) target_semaphore(%run_scoped3A : memref<!tpu.dma_semaphore, #tpu.memory_space<semaphore_mem>>)
        %dma_wait3A = arith.constant 0 : i32
        %dma_wait3A_216 = tpu.memref_slice %arg19[%mul3A_202, %dma_wait3A] : memref<10000x128xf32, #tpu.memory_space<vmem_shared>> -> memref<80x128xf32, #tpu.memory_space<vmem_shared>>
        %dma_wait3A_217 = arith.constant 0 : i32
        %dma_wait3A_218 = tpu.memref_slice %arg19[%mul3A_202, %dma_wait3A_217] : memref<10000x128xf32, #tpu.memory_space<vmem_shared>> -> memref<80x128xf32, #tpu.memory_space<vmem_shared>>
        tpu.wait_dma2 semaphore(%run_scoped3A : memref<!tpu.dma_semaphore, #tpu.memory_space<semaphore_mem>>) src(%dma_wait3A_218 : memref<80x128xf32, #tpu.memory_space<vmem_shared>>) dst(%arg13 : memref<80x128xf32, #tpu.memory_space<vmem>>)
        tpu.yield
      }) : () -> ()
      %scan3A_203 = arith.constant 0 : i32
      %scan3A_204 = arith.constant 0 : i32
      %scan3A_205 = arith.constant 80 : i32
      %scan3A_206 = arith.addi %scan3A_204, %scan3A_205 : i32
      %scan3A_207 = arith.constant 1 : i32
      %scan3A_208 = scf.for %scan3A_213 = %scan3A_204 to %scan3A_206 step %scan3A_207 iter_args(%scan3A_214 = %scan3A_203) -> (i32)  : i32 {
        %get3A = arith.index_cast %scan3A_213 : i32 to index
        %get3A_215 = arith.constant 0 : index
        %get3A_216 = tpu.vector_load %arg13[%get3A, %get3A_215] {strides = array<i32>} : memref<80x128xf32, #tpu.memory_space<vmem>>, vector<1x16xf32>,
        %get3A_217 = vector.shape_cast %get3A_216 : vector<1x16xf32> to vector<16xf32>
        %mul3A_218 = arith.constant 1.562500e-02 : f32
        %mul3A_219 = vector.broadcast %mul3A_218 : f32 to vector<16xf32>
        %mul3A_220 = arith.mulf %get3A_217, %mul3A_219 : vector<16xf32>
        %add3A_221 = arith.constant 8.000000e+00 : f32
        %add3A_222 = vector.broadcast %add3A_221 : f32 to vector<16xf32>
        %add3A_223 = arith.addf %mul3A_220, %add3A_222 : vector<16xf32>
        %div3A = arith.divf %get3A_217, %add3A_223 : vector<16xf32>
        %add3A_224 = arith.addf %add3A_223, %div3A : vector<16xf32>
        %mul3A_225 = arith.constant 5.000000e-01 : f32
        %mul3A_226 = vector.broadcast %mul3A_225 : f32 to vector<16xf32>
        %mul3A_227 = arith.mulf %mul3A_226, %add3A_224 : vector<16xf32>
        %div3A_228 = arith.divf %get3A_217, %mul3A_227 : vector<16xf32>
        %add3A_229 = arith.addf %mul3A_227, %div3A_228 : vector<16xf32>
        %mul3A_230 = arith.constant 5.000000e-01 : f32
        %mul3A_231 = vector.broadcast %mul3A_230 : f32 to vector<16xf32>
        %mul3A_232 = arith.mulf %mul3A_231, %add3A_229 : vector<16xf32>
        %div3A_233 = arith.divf %get3A_217, %mul3A_232 : vector<16xf32>
        %add3A_234 = arith.addf %mul3A_232, %div3A_233 : vector<16xf32>
        %mul3A_235 = arith.constant 5.000000e-01 : f32
        %mul3A_236 = vector.broadcast %mul3A_235 : f32 to vector<16xf32>
        %mul3A_237 = arith.mulf %mul3A_236, %add3A_234 : vector<16xf32>
        %div3A_238 = arith.divf %get3A_217, %mul3A_237 : vector<16xf32>
        %add3A_239 = arith.addf %mul3A_237, %div3A_238 : vector<16xf32>
        %mul3A_240 = arith.constant 5.000000e-01 : f32
        %mul3A_241 = vector.broadcast %mul3A_240 : f32 to vector<16xf32>
        %mul3A_242 = arith.mulf %mul3A_241, %add3A_239 : vector<16xf32>
        %div3A_243 = arith.divf %get3A_217, %mul3A_242 : vector<16xf32>
        %add3A_244 = arith.addf %mul3A_242, %div3A_243 : vector<16xf32>
        %mul3A_245 = arith.constant 5.000000e-01 : f32
        %mul3A_246 = vector.broadcast %mul3A_245 : f32 to vector<16xf32>
        %mul3A_247 = arith.mulf %mul3A_246, %add3A_244 : vector<16xf32>
        %div3A_248 = arith.divf %get3A_217, %mul3A_247 : vector<16xf32>
        %add3A_249 = arith.addf %mul3A_247, %div3A_248 : vector<16xf32>
        %mul3A_250 = arith.constant 5.000000e-01 : f32
        %mul3A_251 = vector.broadcast %mul3A_250 : f32 to vector<16xf32>
        %mul3A_252 = arith.mulf %mul3A_251, %add3A_249 : vector<16xf32>
        %div3A_253 = arith.divf %get3A_217, %mul3A_252 : vector<16xf32>
        %add3A_254 = arith.addf %mul3A_252, %div3A_253 : vector<16xf32>
        %mul3A_255 = arith.constant 5.000000e-01 : f32
        %mul3A_256 = vector.broadcast %mul3A_255 : f32 to vector<16xf32>
        %mul3A_257 = arith.mulf %mul3A_256, %add3A_254 : vector<16xf32>
        %div3A_258 = arith.divf %get3A_217, %mul3A_257 : vector<16xf32>
        %add3A_259 = arith.addf %mul3A_257, %div3A_258 : vector<16xf32>
        %mul3A_260 = arith.constant 5.000000e-01 : f32
        %mul3A_261 = vector.broadcast %mul3A_260 : f32 to vector<16xf32>
        %mul3A_262 = arith.mulf %mul3A_261, %add3A_259 : vector<16xf32>
        %div3A_263 = arith.divf %get3A_217, %mul3A_262 : vector<16xf32>
        %add3A_264 = arith.addf %mul3A_262, %div3A_263 : vector<16xf32>
        %mul3A_265 = arith.constant 5.000000e-01 : f32
        %mul3A_266 = vector.broadcast %mul3A_265 : f32 to vector<16xf32>
        %mul3A_267 = arith.mulf %mul3A_266, %add3A_264 : vector<16xf32>
        %gt3A = arith.constant 5.000000e-01 : f32
        %gt3A_268 = vector.broadcast %gt3A : f32 to vector<16xf32>
        %gt3A_269 = arith.cmpf ogt, %get3A_217, %gt3A_268 : vector<16xf32>
        %div3A_270 = arith.constant 1.000000e+00 : f32
        %div3A_271 = vector.broadcast %div3A_270 : f32 to vector<16xf32>
        %div3A_272 = arith.divf %div3A_271, %mul3A_267 : vector<16xf32>
        %jit3A = arith.constant 0.000000e+00 : f32
        %broadcast_in_dim3A_273 = vector.broadcast %jit3A : f32 to vector<16xf32>
        %select_n3A = arith.select %gt3A_269, %div3A_272, %broadcast_in_dim3A_273 : vector<16xi1>, vector<16xf32>
        %swap3A = arith.index_cast %scan3A_213 : i32 to index
        %swap3A_274 = arith.constant 0 : index
        %swap3A_275 = tpu.vector_load %arg13[%swap3A, %swap3A_274] {strides = array<i32>} : memref<80x128xf32, #tpu.memory_space<vmem>>, vector<1x16xf32>,
        %swap3A_276 = vector.shape_cast %swap3A_275 : vector<1x16xf32> to vector<16xf32>
        %swap3A_277 = vector.shape_cast %select_n3A : vector<16xf32> to vector<1x16xf32>
        tpu.vector_store %arg13[%swap3A, %swap3A_274], %swap3A_277 {strides = array<i32>} : memref<80x128xf32, #tpu.memory_space<vmem>>, vector<1x16xf32>,
        %swap3A_278 = arith.index_cast %scan3A_213 : i32 to index
        %swap3A_279 = arith.constant 16 : index
        %swap3A_280 = tpu.vector_load %arg13[%swap3A_278, %swap3A_279] {strides = array<i32>} : memref<80x128xf32, #tpu.memory_space<vmem>>, vector<1x16xf32>,
        %swap3A_281 = vector.shape_cast %swap3A_280 : vector<1x16xf32> to vector<16xf32>
        %swap3A_282 = vector.shape_cast %select_n3A : vector<16xf32> to vector<1x16xf32>
        tpu.vector_store %arg13[%swap3A_278, %swap3A_279], %swap3A_282 {strides = array<i32>} : memref<80x128xf32, #tpu.memory_space<vmem>>, vector<1x16xf32>,
        %swap3A_283 = arith.index_cast %scan3A_213 : i32 to index
        %swap3A_284 = arith.constant 32 : index
        %swap3A_285 = tpu.vector_load %arg13[%swap3A_283, %swap3A_284] {strides = array<i32>} : memref<80x128xf32, #tpu.memory_space<vmem>>, vector<1x16xf32>,
        %swap3A_286 = vector.shape_cast %swap3A_285 : vector<1x16xf32> to vector<16xf32>
        %swap3A_287 = vector.shape_cast %select_n3A : vector<16xf32> to vector<1x16xf32>
        tpu.vector_store %arg13[%swap3A_283, %swap3A_284], %swap3A_287 {strides = array<i32>} : memref<80x128xf32, #tpu.memory_space<vmem>>, vector<1x16xf32>,
        %swap3A_288 = arith.index_cast %scan3A_213 : i32 to index
        %swap3A_289 = arith.constant 48 : index
        %swap3A_290 = tpu.vector_load %arg13[%swap3A_288, %swap3A_289] {strides = array<i32>} : memref<80x128xf32, #tpu.memory_space<vmem>>, vector<1x16xf32>,
        %swap3A_291 = vector.shape_cast %swap3A_290 : vector<1x16xf32> to vector<16xf32>
        %swap3A_292 = vector.shape_cast %select_n3A : vector<16xf32> to vector<1x16xf32>
        tpu.vector_store %arg13[%swap3A_288, %swap3A_289], %swap3A_292 {strides = array<i32>} : memref<80x128xf32, #tpu.memory_space<vmem>>, vector<1x16xf32>,
        %swap3A_293 = arith.index_cast %scan3A_213 : i32 to index
        %swap3A_294 = arith.constant 64 : index
        %swap3A_295 = tpu.vector_load %arg13[%swap3A_293, %swap3A_294] {strides = array<i32>} : memref<80x128xf32, #tpu.memory_space<vmem>>, vector<1x16xf32>,
        %swap3A_296 = vector.shape_cast %swap3A_295 : vector<1x16xf32> to vector<16xf32>
        %swap3A_297 = vector.shape_cast %select_n3A : vector<16xf32> to vector<1x16xf32>
        tpu.vector_store %arg13[%swap3A_293, %swap3A_294], %swap3A_297 {strides = array<i32>} : memref<80x128xf32, #tpu.memory_space<vmem>>, vector<1x16xf32>,
        %swap3A_298 = arith.index_cast %scan3A_213 : i32 to index
        %swap3A_299 = arith.constant 80 : index
        %swap3A_300 = tpu.vector_load %arg13[%swap3A_298, %swap3A_299] {strides = array<i32>} : memref<80x128xf32, #tpu.memory_space<vmem>>, vector<1x16xf32>,
        %swap3A_301 = vector.shape_cast %swap3A_300 : vector<1x16xf32> to vector<16xf32>
        %swap3A_302 = vector.shape_cast %select_n3A : vector<16xf32> to vector<1x16xf32>
        tpu.vector_store %arg13[%swap3A_298, %swap3A_299], %swap3A_302 {strides = array<i32>} : memref<80x128xf32, #tpu.memory_space<vmem>>, vector<1x16xf32>,
        %swap3A_303 = arith.index_cast %scan3A_213 : i32 to index
        %swap3A_304 = arith.constant 96 : index
        %swap3A_305 = tpu.vector_load %arg13[%swap3A_303, %swap3A_304] {strides = array<i32>} : memref<80x128xf32, #tpu.memory_space<vmem>>, vector<1x16xf32>,
        %swap3A_306 = vector.shape_cast %swap3A_305 : vector<1x16xf32> to vector<16xf32>
        %swap3A_307 = vector.shape_cast %select_n3A : vector<16xf32> to vector<1x16xf32>
        tpu.vector_store %arg13[%swap3A_303, %swap3A_304], %swap3A_307 {strides = array<i32>} : memref<80x128xf32, #tpu.memory_space<vmem>>, vector<1x16xf32>,
        %swap3A_308 = arith.index_cast %scan3A_213 : i32 to index
        %swap3A_309 = arith.constant 112 : index
        %swap3A_310 = tpu.vector_load %arg13[%swap3A_308, %swap3A_309] {strides = array<i32>} : memref<80x128xf32, #tpu.memory_space<vmem>>, vector<1x16xf32>,
        %swap3A_311 = vector.shape_cast %swap3A_310 : vector<1x16xf32> to vector<16xf32>
        %swap3A_312 = vector.shape_cast %select_n3A : vector<16xf32> to vector<1x16xf32>
        tpu.vector_store %arg13[%swap3A_308, %swap3A_309], %swap3A_312 {strides = array<i32>} : memref<80x128xf32, #tpu.memory_space<vmem>>, vector<1x16xf32>,
        %scan3A_313 = arith.constant 0 : i32
        scf.yield %scan3A_313 : i32
      }
      %scan3A_209 = arith.constant 80 : i32
      %mul3A_210 = arith.constant 10000 : i32
      %mul3A_211 = arith.muli %arg0, %mul3A_210 : i32
      %add3A_212 = arith.addi %mul3A_211, %mul3A_202 : i32
      "tpu.region"() ({
        %run_scoped3A = tpu.sem_alloc : memref<!tpu.dma_semaphore, #tpu.memory_space<semaphore_mem>>
        %dma_start3A = arith.constant 0 : i32
        %dma_start3A_213 = tpu.memref_slice %arg8[%add3A_212, %dma_start3A] : memref<20000x128xf32, #tpu.memory_space<hbm>> -> memref<80x128xf32, #tpu.memory_space<hbm>>
        %dma_start3A_214 = arith.constant 0 : i32
        %dma_start3A_215 = tpu.memref_slice %arg8[%add3A_212, %dma_start3A_214] : memref<20000x128xf32, #tpu.memory_space<hbm>> -> memref<80x128xf32, #tpu.memory_space<hbm>>
        tpu.enqueue_dma source(%arg13 : memref<80x128xf32, #tpu.memory_space<vmem>>) target(%dma_start3A_215 : memref<80x128xf32, #tpu.memory_space<hbm>>) target_semaphore(%run_scoped3A : memref<!tpu.dma_semaphore, #tpu.memory_space<semaphore_mem>>)
        %dma_wait3A = arith.constant 0 : i32
        %dma_wait3A_216 = tpu.memref_slice %arg8[%add3A_212, %dma_wait3A] : memref<20000x128xf32, #tpu.memory_space<hbm>> -> memref<80x128xf32, #tpu.memory_space<hbm>>
        %dma_wait3A_217 = arith.constant 0 : i32
        %dma_wait3A_218 = tpu.memref_slice %arg8[%add3A_212, %dma_wait3A_217] : memref<20000x128xf32, #tpu.memory_space<hbm>> -> memref<80x128xf32, #tpu.memory_space<hbm>>
        tpu.wait_dma2 semaphore(%run_scoped3A : memref<!tpu.dma_semaphore, #tpu.memory_space<semaphore_mem>>) src(%arg13 : memref<80x128xf32, #tpu.memory_space<vmem>>) dst(%dma_wait3A_218 : memref<80x128xf32, #tpu.memory_space<hbm>>)
        tpu.yield
      }) : () -> ()
      "tpu.region"() ({
        %run_scoped3A = tpu.sem_alloc : memref<!tpu.dma_semaphore, #tpu.memory_space<semaphore_mem>>
        %dma_start3A = arith.constant 0 : i32
        %dma_start3A_213 = tpu.memref_slice %arg19[%mul3A_202, %dma_start3A] : memref<10000x128xf32, #tpu.memory_space<vmem_shared>> -> memref<80x128xf32, #tpu.memory_space<vmem_shared>>
        %dma_start3A_214 = arith.constant 0 : i32
        %dma_start3A_215 = tpu.memref_slice %arg19[%mul3A_202, %dma_start3A_214] : memref<10000x128xf32, #tpu.memory_space<vmem_shared>> -> memref<80x128xf32, #tpu.memory_space<vmem_shared>>
        tpu.enqueue_dma source(%arg15 : memref<80x128xf32, #tpu.memory_space<vmem>>) target(%dma_start3A_215 : memref<80x128xf32, #tpu.memory_space<vmem_shared>>) target_semaphore(%run_scoped3A : memref<!tpu.dma_semaphore, #tpu.memory_space<semaphore_mem>>)
        %dma_wait3A = arith.constant 0 : i32
        %dma_wait3A_216 = tpu.memref_slice %arg19[%mul3A_202, %dma_wait3A] : memref<10000x128xf32, #tpu.memory_space<vmem_shared>> -> memref<80x128xf32, #tpu.memory_space<vmem_shared>>
        %dma_wait3A_217 = arith.constant 0 : i32
        %dma_wait3A_218 = tpu.memref_slice %arg19[%mul3A_202, %dma_wait3A_217] : memref<10000x128xf32, #tpu.memory_space<vmem_shared>> -> memref<80x128xf32, #tpu.memory_space<vmem_shared>>
        tpu.wait_dma2 semaphore(%run_scoped3A : memref<!tpu.dma_semaphore, #tpu.memory_space<semaphore_mem>>) src(%arg15 : memref<80x128xf32, #tpu.memory_space<vmem>>) dst(%dma_wait3A_218 : memref<80x128xf32, #tpu.memory_space<vmem_shared>>)
        tpu.yield
      }) : () -> ()
    } else {
    }
    %add3A_108 = arith.constant 64 : i32
    %add3A_109 = arith.addi %arg1, %add3A_108 : i32
    %lt3A_110 = arith.constant 125 : i32
    %lt3A_111 = arith.cmpi slt, %add3A_109, %lt3A_110 : i32
    %convert_element_type3A_112 = arith.extui %lt3A_111 : i1 to i32
    %cond3A_113 = arith.constant 0 : i32
    %cond3A_114 = arith.cmpi ne, %convert_element_type3A_112, %cond3A_113 : i32
    scf.if %cond3A_114 {
      %mul3A = arith.constant 80 : i32
      %mul3A_202 = arith.muli %add3A_109, %mul3A : i32
      "tpu.region"() ({
        %run_scoped3A = tpu.sem_alloc : memref<!tpu.dma_semaphore, #tpu.memory_space<semaphore_mem>>
        %dma_start3A = arith.constant 0 : i32
        %dma_start3A_213 = tpu.memref_slice %arg19[%mul3A_202, %dma_start3A] : memref<10000x128xf32, #tpu.memory_space<vmem_shared>> -> memref<80x128xf32, #tpu.memory_space<vmem_shared>>
        %dma_start3A_214 = arith.constant 0 : i32
        %dma_start3A_215 = tpu.memref_slice %arg19[%mul3A_202, %dma_start3A_214] : memref<10000x128xf32, #tpu.memory_space<vmem_shared>> -> memref<80x128xf32, #tpu.memory_space<vmem_shared>>
        tpu.enqueue_dma source(%dma_start3A_215 : memref<80x128xf32, #tpu.memory_space<vmem_shared>>) target(%arg13 : memref<80x128xf32, #tpu.memory_space<vmem>>) target_semaphore(%run_scoped3A : memref<!tpu.dma_semaphore, #tpu.memory_space<semaphore_mem>>)
        %dma_wait3A = arith.constant 0 : i32
        %dma_wait3A_216 = tpu.memref_slice %arg19[%mul3A_202, %dma_wait3A] : memref<10000x128xf32, #tpu.memory_space<vmem_shared>> -> memref<80x128xf32, #tpu.memory_space<vmem_shared>>
        %dma_wait3A_217 = arith.constant 0 : i32
        %dma_wait3A_218 = tpu.memref_slice %arg19[%mul3A_202, %dma_wait3A_217] : memref<10000x128xf32, #tpu.memory_space<vmem_shared>> -> memref<80x128xf32, #tpu.memory_space<vmem_shared>>
        tpu.wait_dma2 semaphore(%run_scoped3A : memref<!tpu.dma_semaphore, #tpu.memory_space<semaphore_mem>>) src(%dma_wait3A_218 : memref<80x128xf32, #tpu.memory_space<vmem_shared>>) dst(%arg13 : memref<80x128xf32, #tpu.memory_space<vmem>>)
        tpu.yield
      }) : () -> ()
      %scan3A_203 = arith.constant 0 : i32
      %scan3A_204 = arith.constant 0 : i32
      %scan3A_205 = arith.constant 80 : i32
      %scan3A_206 = arith.addi %scan3A_204, %scan3A_205 : i32
      %scan3A_207 = arith.constant 1 : i32
      %scan3A_208 = scf.for %scan3A_213 = %scan3A_204 to %scan3A_206 step %scan3A_207 iter_args(%scan3A_214 = %scan3A_203) -> (i32)  : i32 {
        %get3A = arith.index_cast %scan3A_213 : i32 to index
        %get3A_215 = arith.constant 0 : index
        %get3A_216 = tpu.vector_load %arg13[%get3A, %get3A_215] {strides = array<i32>} : memref<80x128xf32, #tpu.memory_space<vmem>>, vector<1x16xf32>,
        %get3A_217 = vector.shape_cast %get3A_216 : vector<1x16xf32> to vector<16xf32>
        %mul3A_218 = arith.constant 1.562500e-02 : f32
        %mul3A_219 = vector.broadcast %mul3A_218 : f32 to vector<16xf32>
        %mul3A_220 = arith.mulf %get3A_217, %mul3A_219 : vector<16xf32>
        %add3A_221 = arith.constant 8.000000e+00 : f32
        %add3A_222 = vector.broadcast %add3A_221 : f32 to vector<16xf32>
        %add3A_223 = arith.addf %mul3A_220, %add3A_222 : vector<16xf32>
        %div3A = arith.divf %get3A_217, %add3A_223 : vector<16xf32>
        %add3A_224 = arith.addf %add3A_223, %div3A : vector<16xf32>
        %mul3A_225 = arith.constant 5.000000e-01 : f32
        %mul3A_226 = vector.broadcast %mul3A_225 : f32 to vector<16xf32>
        %mul3A_227 = arith.mulf %mul3A_226, %add3A_224 : vector<16xf32>
        %div3A_228 = arith.divf %get3A_217, %mul3A_227 : vector<16xf32>
        %add3A_229 = arith.addf %mul3A_227, %div3A_228 : vector<16xf32>
        %mul3A_230 = arith.constant 5.000000e-01 : f32
        %mul3A_231 = vector.broadcast %mul3A_230 : f32 to vector<16xf32>
        %mul3A_232 = arith.mulf %mul3A_231, %add3A_229 : vector<16xf32>
        %div3A_233 = arith.divf %get3A_217, %mul3A_232 : vector<16xf32>
        %add3A_234 = arith.addf %mul3A_232, %div3A_233 : vector<16xf32>
        %mul3A_235 = arith.constant 5.000000e-01 : f32
        %mul3A_236 = vector.broadcast %mul3A_235 : f32 to vector<16xf32>
        %mul3A_237 = arith.mulf %mul3A_236, %add3A_234 : vector<16xf32>
        %div3A_238 = arith.divf %get3A_217, %mul3A_237 : vector<16xf32>
        %add3A_239 = arith.addf %mul3A_237, %div3A_238 : vector<16xf32>
        %mul3A_240 = arith.constant 5.000000e-01 : f32
        %mul3A_241 = vector.broadcast %mul3A_240 : f32 to vector<16xf32>
        %mul3A_242 = arith.mulf %mul3A_241, %add3A_239 : vector<16xf32>
        %div3A_243 = arith.divf %get3A_217, %mul3A_242 : vector<16xf32>
        %add3A_244 = arith.addf %mul3A_242, %div3A_243 : vector<16xf32>
        %mul3A_245 = arith.constant 5.000000e-01 : f32
        %mul3A_246 = vector.broadcast %mul3A_245 : f32 to vector<16xf32>
        %mul3A_247 = arith.mulf %mul3A_246, %add3A_244 : vector<16xf32>
        %div3A_248 = arith.divf %get3A_217, %mul3A_247 : vector<16xf32>
        %add3A_249 = arith.addf %mul3A_247, %div3A_248 : vector<16xf32>
        %mul3A_250 = arith.constant 5.000000e-01 : f32
        %mul3A_251 = vector.broadcast %mul3A_250 : f32 to vector<16xf32>
        %mul3A_252 = arith.mulf %mul3A_251, %add3A_249 : vector<16xf32>
        %div3A_253 = arith.divf %get3A_217, %mul3A_252 : vector<16xf32>
        %add3A_254 = arith.addf %mul3A_252, %div3A_253 : vector<16xf32>
        %mul3A_255 = arith.constant 5.000000e-01 : f32
        %mul3A_256 = vector.broadcast %mul3A_255 : f32 to vector<16xf32>
        %mul3A_257 = arith.mulf %mul3A_256, %add3A_254 : vector<16xf32>
        %div3A_258 = arith.divf %get3A_217, %mul3A_257 : vector<16xf32>
        %add3A_259 = arith.addf %mul3A_257, %div3A_258 : vector<16xf32>
        %mul3A_260 = arith.constant 5.000000e-01 : f32
        %mul3A_261 = vector.broadcast %mul3A_260 : f32 to vector<16xf32>
        %mul3A_262 = arith.mulf %mul3A_261, %add3A_259 : vector<16xf32>
        %div3A_263 = arith.divf %get3A_217, %mul3A_262 : vector<16xf32>
        %add3A_264 = arith.addf %mul3A_262, %div3A_263 : vector<16xf32>
        %mul3A_265 = arith.constant 5.000000e-01 : f32
        %mul3A_266 = vector.broadcast %mul3A_265 : f32 to vector<16xf32>
        %mul3A_267 = arith.mulf %mul3A_266, %add3A_264 : vector<16xf32>
        %gt3A = arith.constant 5.000000e-01 : f32
        %gt3A_268 = vector.broadcast %gt3A : f32 to vector<16xf32>
        %gt3A_269 = arith.cmpf ogt, %get3A_217, %gt3A_268 : vector<16xf32>
        %div3A_270 = arith.constant 1.000000e+00 : f32
        %div3A_271 = vector.broadcast %div3A_270 : f32 to vector<16xf32>
        %div3A_272 = arith.divf %div3A_271, %mul3A_267 : vector<16xf32>
        %jit3A = arith.constant 0.000000e+00 : f32
        %broadcast_in_dim3A_273 = vector.broadcast %jit3A : f32 to vector<16xf32>
        %select_n3A = arith.select %gt3A_269, %div3A_272, %broadcast_in_dim3A_273 : vector<16xi1>, vector<16xf32>
        %swap3A = arith.index_cast %scan3A_213 : i32 to index
        %swap3A_274 = arith.constant 0 : index
        %swap3A_275 = tpu.vector_load %arg13[%swap3A, %swap3A_274] {strides = array<i32>} : memref<80x128xf32, #tpu.memory_space<vmem>>, vector<1x16xf32>,
        %swap3A_276 = vector.shape_cast %swap3A_275 : vector<1x16xf32> to vector<16xf32>
        %swap3A_277 = vector.shape_cast %select_n3A : vector<16xf32> to vector<1x16xf32>
        tpu.vector_store %arg13[%swap3A, %swap3A_274], %swap3A_277 {strides = array<i32>} : memref<80x128xf32, #tpu.memory_space<vmem>>, vector<1x16xf32>,
        %swap3A_278 = arith.index_cast %scan3A_213 : i32 to index
        %swap3A_279 = arith.constant 16 : index
        %swap3A_280 = tpu.vector_load %arg13[%swap3A_278, %swap3A_279] {strides = array<i32>} : memref<80x128xf32, #tpu.memory_space<vmem>>, vector<1x16xf32>,
        %swap3A_281 = vector.shape_cast %swap3A_280 : vector<1x16xf32> to vector<16xf32>
        %swap3A_282 = vector.shape_cast %select_n3A : vector<16xf32> to vector<1x16xf32>
        tpu.vector_store %arg13[%swap3A_278, %swap3A_279], %swap3A_282 {strides = array<i32>} : memref<80x128xf32, #tpu.memory_space<vmem>>, vector<1x16xf32>,
        %swap3A_283 = arith.index_cast %scan3A_213 : i32 to index
        %swap3A_284 = arith.constant 32 : index
        %swap3A_285 = tpu.vector_load %arg13[%swap3A_283, %swap3A_284] {strides = array<i32>} : memref<80x128xf32, #tpu.memory_space<vmem>>, vector<1x16xf32>,
        %swap3A_286 = vector.shape_cast %swap3A_285 : vector<1x16xf32> to vector<16xf32>
        %swap3A_287 = vector.shape_cast %select_n3A : vector<16xf32> to vector<1x16xf32>
        tpu.vector_store %arg13[%swap3A_283, %swap3A_284], %swap3A_287 {strides = array<i32>} : memref<80x128xf32, #tpu.memory_space<vmem>>, vector<1x16xf32>,
        %swap3A_288 = arith.index_cast %scan3A_213 : i32 to index
        %swap3A_289 = arith.constant 48 : index
        %swap3A_290 = tpu.vector_load %arg13[%swap3A_288, %swap3A_289] {strides = array<i32>} : memref<80x128xf32, #tpu.memory_space<vmem>>, vector<1x16xf32>,
        %swap3A_291 = vector.shape_cast %swap3A_290 : vector<1x16xf32> to vector<16xf32>
        %swap3A_292 = vector.shape_cast %select_n3A : vector<16xf32> to vector<1x16xf32>
        tpu.vector_store %arg13[%swap3A_288, %swap3A_289], %swap3A_292 {strides = array<i32>} : memref<80x128xf32, #tpu.memory_space<vmem>>, vector<1x16xf32>,
        %swap3A_293 = arith.index_cast %scan3A_213 : i32 to index
        %swap3A_294 = arith.constant 64 : index
        %swap3A_295 = tpu.vector_load %arg13[%swap3A_293, %swap3A_294] {strides = array<i32>} : memref<80x128xf32, #tpu.memory_space<vmem>>, vector<1x16xf32>,
        %swap3A_296 = vector.shape_cast %swap3A_295 : vector<1x16xf32> to vector<16xf32>
        %swap3A_297 = vector.shape_cast %select_n3A : vector<16xf32> to vector<1x16xf32>
        tpu.vector_store %arg13[%swap3A_293, %swap3A_294], %swap3A_297 {strides = array<i32>} : memref<80x128xf32, #tpu.memory_space<vmem>>, vector<1x16xf32>,
        %swap3A_298 = arith.index_cast %scan3A_213 : i32 to index
        %swap3A_299 = arith.constant 80 : index
        %swap3A_300 = tpu.vector_load %arg13[%swap3A_298, %swap3A_299] {strides = array<i32>} : memref<80x128xf32, #tpu.memory_space<vmem>>, vector<1x16xf32>,
        %swap3A_301 = vector.shape_cast %swap3A_300 : vector<1x16xf32> to vector<16xf32>
        %swap3A_302 = vector.shape_cast %select_n3A : vector<16xf32> to vector<1x16xf32>
        tpu.vector_store %arg13[%swap3A_298, %swap3A_299], %swap3A_302 {strides = array<i32>} : memref<80x128xf32, #tpu.memory_space<vmem>>, vector<1x16xf32>,
        %swap3A_303 = arith.index_cast %scan3A_213 : i32 to index
        %swap3A_304 = arith.constant 96 : index
        %swap3A_305 = tpu.vector_load %arg13[%swap3A_303, %swap3A_304] {strides = array<i32>} : memref<80x128xf32, #tpu.memory_space<vmem>>, vector<1x16xf32>,
        %swap3A_306 = vector.shape_cast %swap3A_305 : vector<1x16xf32> to vector<16xf32>
        %swap3A_307 = vector.shape_cast %select_n3A : vector<16xf32> to vector<1x16xf32>
        tpu.vector_store %arg13[%swap3A_303, %swap3A_304], %swap3A_307 {strides = array<i32>} : memref<80x128xf32, #tpu.memory_space<vmem>>, vector<1x16xf32>,
        %swap3A_308 = arith.index_cast %scan3A_213 : i32 to index
        %swap3A_309 = arith.constant 112 : index
        %swap3A_310 = tpu.vector_load %arg13[%swap3A_308, %swap3A_309] {strides = array<i32>} : memref<80x128xf32, #tpu.memory_space<vmem>>, vector<1x16xf32>,
        %swap3A_311 = vector.shape_cast %swap3A_310 : vector<1x16xf32> to vector<16xf32>
        %swap3A_312 = vector.shape_cast %select_n3A : vector<16xf32> to vector<1x16xf32>
        tpu.vector_store %arg13[%swap3A_308, %swap3A_309], %swap3A_312 {strides = array<i32>} : memref<80x128xf32, #tpu.memory_space<vmem>>, vector<1x16xf32>,
        %scan3A_313 = arith.constant 0 : i32
        scf.yield %scan3A_313 : i32
      }
      %scan3A_209 = arith.constant 80 : i32
      %mul3A_210 = arith.constant 10000 : i32
      %mul3A_211 = arith.muli %arg0, %mul3A_210 : i32
      %add3A_212 = arith.addi %mul3A_211, %mul3A_202 : i32
      "tpu.region"() ({
        %run_scoped3A = tpu.sem_alloc : memref<!tpu.dma_semaphore, #tpu.memory_space<semaphore_mem>>
        %dma_start3A = arith.constant 0 : i32
        %dma_start3A_213 = tpu.memref_slice %arg8[%add3A_212, %dma_start3A] : memref<20000x128xf32, #tpu.memory_space<hbm>> -> memref<80x128xf32, #tpu.memory_space<hbm>>
        %dma_start3A_214 = arith.constant 0 : i32
        %dma_start3A_215 = tpu.memref_slice %arg8[%add3A_212, %dma_start3A_214] : memref<20000x128xf32, #tpu.memory_space<hbm>> -> memref<80x128xf32, #tpu.memory_space<hbm>>
        tpu.enqueue_dma source(%arg13 : memref<80x128xf32, #tpu.memory_space<vmem>>) target(%dma_start3A_215 : memref<80x128xf32, #tpu.memory_space<hbm>>) target_semaphore(%run_scoped3A : memref<!tpu.dma_semaphore, #tpu.memory_space<semaphore_mem>>)
        %dma_wait3A = arith.constant 0 : i32
        %dma_wait3A_216 = tpu.memref_slice %arg8[%add3A_212, %dma_wait3A] : memref<20000x128xf32, #tpu.memory_space<hbm>> -> memref<80x128xf32, #tpu.memory_space<hbm>>
        %dma_wait3A_217 = arith.constant 0 : i32
        %dma_wait3A_218 = tpu.memref_slice %arg8[%add3A_212, %dma_wait3A_217] : memref<20000x128xf32, #tpu.memory_space<hbm>> -> memref<80x128xf32, #tpu.memory_space<hbm>>
        tpu.wait_dma2 semaphore(%run_scoped3A : memref<!tpu.dma_semaphore, #tpu.memory_space<semaphore_mem>>) src(%arg13 : memref<80x128xf32, #tpu.memory_space<vmem>>) dst(%dma_wait3A_218 : memref<80x128xf32, #tpu.memory_space<hbm>>)
        tpu.yield
      }) : () -> ()
      "tpu.region"() ({
        %run_scoped3A = tpu.sem_alloc : memref<!tpu.dma_semaphore, #tpu.memory_space<semaphore_mem>>
        %dma_start3A = arith.constant 0 : i32
        %dma_start3A_213 = tpu.memref_slice %arg19[%mul3A_202, %dma_start3A] : memref<10000x128xf32, #tpu.memory_space<vmem_shared>> -> memref<80x128xf32, #tpu.memory_space<vmem_shared>>
        %dma_start3A_214 = arith.constant 0 : i32
        %dma_start3A_215 = tpu.memref_slice %arg19[%mul3A_202, %dma_start3A_214] : memref<10000x128xf32, #tpu.memory_space<vmem_shared>> -> memref<80x128xf32, #tpu.memory_space<vmem_shared>>
        tpu.enqueue_dma source(%arg15 : memref<80x128xf32, #tpu.memory_space<vmem>>) target(%dma_start3A_215 : memref<80x128xf32, #tpu.memory_space<vmem_shared>>) target_semaphore(%run_scoped3A : memref<!tpu.dma_semaphore, #tpu.memory_space<semaphore_mem>>)
        %dma_wait3A = arith.constant 0 : i32
        %dma_wait3A_216 = tpu.memref_slice %arg19[%mul3A_202, %dma_wait3A] : memref<10000x128xf32, #tpu.memory_space<vmem_shared>> -> memref<80x128xf32, #tpu.memory_space<vmem_shared>>
        %dma_wait3A_217 = arith.constant 0 : i32
        %dma_wait3A_218 = tpu.memref_slice %arg19[%mul3A_202, %dma_wait3A_217] : memref<10000x128xf32, #tpu.memory_space<vmem_shared>> -> memref<80x128xf32, #tpu.memory_space<vmem_shared>>
        tpu.wait_dma2 semaphore(%run_scoped3A : memref<!tpu.dma_semaphore, #tpu.memory_space<semaphore_mem>>) src(%arg15 : memref<80x128xf32, #tpu.memory_space<vmem>>) dst(%dma_wait3A_218 : memref<80x128xf32, #tpu.memory_space<vmem_shared>>)
        tpu.yield
      }) : () -> ()
    } else {
    }
    %add3A_115 = arith.constant 80 : i32
    %add3A_116 = arith.addi %arg1, %add3A_115 : i32
    %lt3A_117 = arith.constant 125 : i32
    %lt3A_118 = arith.cmpi slt, %add3A_116, %lt3A_117 : i32
    %convert_element_type3A_119 = arith.extui %lt3A_118 : i1 to i32
    %cond3A_120 = arith.constant 0 : i32
    %cond3A_121 = arith.cmpi ne, %convert_element_type3A_119, %cond3A_120 : i32
    scf.if %cond3A_121 {
      %mul3A = arith.constant 80 : i32
      %mul3A_202 = arith.muli %add3A_116, %mul3A : i32
      "tpu.region"() ({
        %run_scoped3A = tpu.sem_alloc : memref<!tpu.dma_semaphore, #tpu.memory_space<semaphore_mem>>
        %dma_start3A = arith.constant 0 : i32
        %dma_start3A_213 = tpu.memref_slice %arg19[%mul3A_202, %dma_start3A] : memref<10000x128xf32, #tpu.memory_space<vmem_shared>> -> memref<80x128xf32, #tpu.memory_space<vmem_shared>>
        %dma_start3A_214 = arith.constant 0 : i32
        %dma_start3A_215 = tpu.memref_slice %arg19[%mul3A_202, %dma_start3A_214] : memref<10000x128xf32, #tpu.memory_space<vmem_shared>> -> memref<80x128xf32, #tpu.memory_space<vmem_shared>>
        tpu.enqueue_dma source(%dma_start3A_215 : memref<80x128xf32, #tpu.memory_space<vmem_shared>>) target(%arg13 : memref<80x128xf32, #tpu.memory_space<vmem>>) target_semaphore(%run_scoped3A : memref<!tpu.dma_semaphore, #tpu.memory_space<semaphore_mem>>)
        %dma_wait3A = arith.constant 0 : i32
        %dma_wait3A_216 = tpu.memref_slice %arg19[%mul3A_202, %dma_wait3A] : memref<10000x128xf32, #tpu.memory_space<vmem_shared>> -> memref<80x128xf32, #tpu.memory_space<vmem_shared>>
        %dma_wait3A_217 = arith.constant 0 : i32
        %dma_wait3A_218 = tpu.memref_slice %arg19[%mul3A_202, %dma_wait3A_217] : memref<10000x128xf32, #tpu.memory_space<vmem_shared>> -> memref<80x128xf32, #tpu.memory_space<vmem_shared>>
        tpu.wait_dma2 semaphore(%run_scoped3A : memref<!tpu.dma_semaphore, #tpu.memory_space<semaphore_mem>>) src(%dma_wait3A_218 : memref<80x128xf32, #tpu.memory_space<vmem_shared>>) dst(%arg13 : memref<80x128xf32, #tpu.memory_space<vmem>>)
        tpu.yield
      }) : () -> ()
      %scan3A_203 = arith.constant 0 : i32
      %scan3A_204 = arith.constant 0 : i32
      %scan3A_205 = arith.constant 80 : i32
      %scan3A_206 = arith.addi %scan3A_204, %scan3A_205 : i32
      %scan3A_207 = arith.constant 1 : i32
      %scan3A_208 = scf.for %scan3A_213 = %scan3A_204 to %scan3A_206 step %scan3A_207 iter_args(%scan3A_214 = %scan3A_203) -> (i32)  : i32 {
        %get3A = arith.index_cast %scan3A_213 : i32 to index
        %get3A_215 = arith.constant 0 : index
        %get3A_216 = tpu.vector_load %arg13[%get3A, %get3A_215] {strides = array<i32>} : memref<80x128xf32, #tpu.memory_space<vmem>>, vector<1x16xf32>,
        %get3A_217 = vector.shape_cast %get3A_216 : vector<1x16xf32> to vector<16xf32>
        %mul3A_218 = arith.constant 1.562500e-02 : f32
        %mul3A_219 = vector.broadcast %mul3A_218 : f32 to vector<16xf32>
        %mul3A_220 = arith.mulf %get3A_217, %mul3A_219 : vector<16xf32>
        %add3A_221 = arith.constant 8.000000e+00 : f32
        %add3A_222 = vector.broadcast %add3A_221 : f32 to vector<16xf32>
        %add3A_223 = arith.addf %mul3A_220, %add3A_222 : vector<16xf32>
        %div3A = arith.divf %get3A_217, %add3A_223 : vector<16xf32>
        %add3A_224 = arith.addf %add3A_223, %div3A : vector<16xf32>
        %mul3A_225 = arith.constant 5.000000e-01 : f32
        %mul3A_226 = vector.broadcast %mul3A_225 : f32 to vector<16xf32>
        %mul3A_227 = arith.mulf %mul3A_226, %add3A_224 : vector<16xf32>
        %div3A_228 = arith.divf %get3A_217, %mul3A_227 : vector<16xf32>
        %add3A_229 = arith.addf %mul3A_227, %div3A_228 : vector<16xf32>
        %mul3A_230 = arith.constant 5.000000e-01 : f32
        %mul3A_231 = vector.broadcast %mul3A_230 : f32 to vector<16xf32>
        %mul3A_232 = arith.mulf %mul3A_231, %add3A_229 : vector<16xf32>
        %div3A_233 = arith.divf %get3A_217, %mul3A_232 : vector<16xf32>
        %add3A_234 = arith.addf %mul3A_232, %div3A_233 : vector<16xf32>
        %mul3A_235 = arith.constant 5.000000e-01 : f32
        %mul3A_236 = vector.broadcast %mul3A_235 : f32 to vector<16xf32>
        %mul3A_237 = arith.mulf %mul3A_236, %add3A_234 : vector<16xf32>
        %div3A_238 = arith.divf %get3A_217, %mul3A_237 : vector<16xf32>
        %add3A_239 = arith.addf %mul3A_237, %div3A_238 : vector<16xf32>
        %mul3A_240 = arith.constant 5.000000e-01 : f32
        %mul3A_241 = vector.broadcast %mul3A_240 : f32 to vector<16xf32>
        %mul3A_242 = arith.mulf %mul3A_241, %add3A_239 : vector<16xf32>
        %div3A_243 = arith.divf %get3A_217, %mul3A_242 : vector<16xf32>
        %add3A_244 = arith.addf %mul3A_242, %div3A_243 : vector<16xf32>
        %mul3A_245 = arith.constant 5.000000e-01 : f32
        %mul3A_246 = vector.broadcast %mul3A_245 : f32 to vector<16xf32>
        %mul3A_247 = arith.mulf %mul3A_246, %add3A_244 : vector<16xf32>
        %div3A_248 = arith.divf %get3A_217, %mul3A_247 : vector<16xf32>
        %add3A_249 = arith.addf %mul3A_247, %div3A_248 : vector<16xf32>
        %mul3A_250 = arith.constant 5.000000e-01 : f32
        %mul3A_251 = vector.broadcast %mul3A_250 : f32 to vector<16xf32>
        %mul3A_252 = arith.mulf %mul3A_251, %add3A_249 : vector<16xf32>
        %div3A_253 = arith.divf %get3A_217, %mul3A_252 : vector<16xf32>
        %add3A_254 = arith.addf %mul3A_252, %div3A_253 : vector<16xf32>
        %mul3A_255 = arith.constant 5.000000e-01 : f32
        %mul3A_256 = vector.broadcast %mul3A_255 : f32 to vector<16xf32>
        %mul3A_257 = arith.mulf %mul3A_256, %add3A_254 : vector<16xf32>
        %div3A_258 = arith.divf %get3A_217, %mul3A_257 : vector<16xf32>
        %add3A_259 = arith.addf %mul3A_257, %div3A_258 : vector<16xf32>
        %mul3A_260 = arith.constant 5.000000e-01 : f32
        %mul3A_261 = vector.broadcast %mul3A_260 : f32 to vector<16xf32>
        %mul3A_262 = arith.mulf %mul3A_261, %add3A_259 : vector<16xf32>
        %div3A_263 = arith.divf %get3A_217, %mul3A_262 : vector<16xf32>
        %add3A_264 = arith.addf %mul3A_262, %div3A_263 : vector<16xf32>
        %mul3A_265 = arith.constant 5.000000e-01 : f32
        %mul3A_266 = vector.broadcast %mul3A_265 : f32 to vector<16xf32>
        %mul3A_267 = arith.mulf %mul3A_266, %add3A_264 : vector<16xf32>
        %gt3A = arith.constant 5.000000e-01 : f32
        %gt3A_268 = vector.broadcast %gt3A : f32 to vector<16xf32>
        %gt3A_269 = arith.cmpf ogt, %get3A_217, %gt3A_268 : vector<16xf32>
        %div3A_270 = arith.constant 1.000000e+00 : f32
        %div3A_271 = vector.broadcast %div3A_270 : f32 to vector<16xf32>
        %div3A_272 = arith.divf %div3A_271, %mul3A_267 : vector<16xf32>
        %jit3A = arith.constant 0.000000e+00 : f32
        %broadcast_in_dim3A_273 = vector.broadcast %jit3A : f32 to vector<16xf32>
        %select_n3A = arith.select %gt3A_269, %div3A_272, %broadcast_in_dim3A_273 : vector<16xi1>, vector<16xf32>
        %swap3A = arith.index_cast %scan3A_213 : i32 to index
        %swap3A_274 = arith.constant 0 : index
        %swap3A_275 = tpu.vector_load %arg13[%swap3A, %swap3A_274] {strides = array<i32>} : memref<80x128xf32, #tpu.memory_space<vmem>>, vector<1x16xf32>,
        %swap3A_276 = vector.shape_cast %swap3A_275 : vector<1x16xf32> to vector<16xf32>
        %swap3A_277 = vector.shape_cast %select_n3A : vector<16xf32> to vector<1x16xf32>
        tpu.vector_store %arg13[%swap3A, %swap3A_274], %swap3A_277 {strides = array<i32>} : memref<80x128xf32, #tpu.memory_space<vmem>>, vector<1x16xf32>,
        %swap3A_278 = arith.index_cast %scan3A_213 : i32 to index
        %swap3A_279 = arith.constant 16 : index
        %swap3A_280 = tpu.vector_load %arg13[%swap3A_278, %swap3A_279] {strides = array<i32>} : memref<80x128xf32, #tpu.memory_space<vmem>>, vector<1x16xf32>,
        %swap3A_281 = vector.shape_cast %swap3A_280 : vector<1x16xf32> to vector<16xf32>
        %swap3A_282 = vector.shape_cast %select_n3A : vector<16xf32> to vector<1x16xf32>
        tpu.vector_store %arg13[%swap3A_278, %swap3A_279], %swap3A_282 {strides = array<i32>} : memref<80x128xf32, #tpu.memory_space<vmem>>, vector<1x16xf32>,
        %swap3A_283 = arith.index_cast %scan3A_213 : i32 to index
        %swap3A_284 = arith.constant 32 : index
        %swap3A_285 = tpu.vector_load %arg13[%swap3A_283, %swap3A_284] {strides = array<i32>} : memref<80x128xf32, #tpu.memory_space<vmem>>, vector<1x16xf32>,
        %swap3A_286 = vector.shape_cast %swap3A_285 : vector<1x16xf32> to vector<16xf32>
        %swap3A_287 = vector.shape_cast %select_n3A : vector<16xf32> to vector<1x16xf32>
        tpu.vector_store %arg13[%swap3A_283, %swap3A_284], %swap3A_287 {strides = array<i32>} : memref<80x128xf32, #tpu.memory_space<vmem>>, vector<1x16xf32>,
        %swap3A_288 = arith.index_cast %scan3A_213 : i32 to index
        %swap3A_289 = arith.constant 48 : index
        %swap3A_290 = tpu.vector_load %arg13[%swap3A_288, %swap3A_289] {strides = array<i32>} : memref<80x128xf32, #tpu.memory_space<vmem>>, vector<1x16xf32>,
        %swap3A_291 = vector.shape_cast %swap3A_290 : vector<1x16xf32> to vector<16xf32>
        %swap3A_292 = vector.shape_cast %select_n3A : vector<16xf32> to vector<1x16xf32>
        tpu.vector_store %arg13[%swap3A_288, %swap3A_289], %swap3A_292 {strides = array<i32>} : memref<80x128xf32, #tpu.memory_space<vmem>>, vector<1x16xf32>,
        %swap3A_293 = arith.index_cast %scan3A_213 : i32 to index
        %swap3A_294 = arith.constant 64 : index
        %swap3A_295 = tpu.vector_load %arg13[%swap3A_293, %swap3A_294] {strides = array<i32>} : memref<80x128xf32, #tpu.memory_space<vmem>>, vector<1x16xf32>,
        %swap3A_296 = vector.shape_cast %swap3A_295 : vector<1x16xf32> to vector<16xf32>
        %swap3A_297 = vector.shape_cast %select_n3A : vector<16xf32> to vector<1x16xf32>
        tpu.vector_store %arg13[%swap3A_293, %swap3A_294], %swap3A_297 {strides = array<i32>} : memref<80x128xf32, #tpu.memory_space<vmem>>, vector<1x16xf32>,
        %swap3A_298 = arith.index_cast %scan3A_213 : i32 to index
        %swap3A_299 = arith.constant 80 : index
        %swap3A_300 = tpu.vector_load %arg13[%swap3A_298, %swap3A_299] {strides = array<i32>} : memref<80x128xf32, #tpu.memory_space<vmem>>, vector<1x16xf32>,
        %swap3A_301 = vector.shape_cast %swap3A_300 : vector<1x16xf32> to vector<16xf32>
        %swap3A_302 = vector.shape_cast %select_n3A : vector<16xf32> to vector<1x16xf32>
        tpu.vector_store %arg13[%swap3A_298, %swap3A_299], %swap3A_302 {strides = array<i32>} : memref<80x128xf32, #tpu.memory_space<vmem>>, vector<1x16xf32>,
        %swap3A_303 = arith.index_cast %scan3A_213 : i32 to index
        %swap3A_304 = arith.constant 96 : index
        %swap3A_305 = tpu.vector_load %arg13[%swap3A_303, %swap3A_304] {strides = array<i32>} : memref<80x128xf32, #tpu.memory_space<vmem>>, vector<1x16xf32>,
        %swap3A_306 = vector.shape_cast %swap3A_305 : vector<1x16xf32> to vector<16xf32>
        %swap3A_307 = vector.shape_cast %select_n3A : vector<16xf32> to vector<1x16xf32>
        tpu.vector_store %arg13[%swap3A_303, %swap3A_304], %swap3A_307 {strides = array<i32>} : memref<80x128xf32, #tpu.memory_space<vmem>>, vector<1x16xf32>,
        %swap3A_308 = arith.index_cast %scan3A_213 : i32 to index
        %swap3A_309 = arith.constant 112 : index
        %swap3A_310 = tpu.vector_load %arg13[%swap3A_308, %swap3A_309] {strides = array<i32>} : memref<80x128xf32, #tpu.memory_space<vmem>>, vector<1x16xf32>,
        %swap3A_311 = vector.shape_cast %swap3A_310 : vector<1x16xf32> to vector<16xf32>
        %swap3A_312 = vector.shape_cast %select_n3A : vector<16xf32> to vector<1x16xf32>
        tpu.vector_store %arg13[%swap3A_308, %swap3A_309], %swap3A_312 {strides = array<i32>} : memref<80x128xf32, #tpu.memory_space<vmem>>, vector<1x16xf32>,
        %scan3A_313 = arith.constant 0 : i32
        scf.yield %scan3A_313 : i32
      }
      %scan3A_209 = arith.constant 80 : i32
      %mul3A_210 = arith.constant 10000 : i32
      %mul3A_211 = arith.muli %arg0, %mul3A_210 : i32
      %add3A_212 = arith.addi %mul3A_211, %mul3A_202 : i32
      "tpu.region"() ({
        %run_scoped3A = tpu.sem_alloc : memref<!tpu.dma_semaphore, #tpu.memory_space<semaphore_mem>>
        %dma_start3A = arith.constant 0 : i32
        %dma_start3A_213 = tpu.memref_slice %arg8[%add3A_212, %dma_start3A] : memref<20000x128xf32, #tpu.memory_space<hbm>> -> memref<80x128xf32, #tpu.memory_space<hbm>>
        %dma_start3A_214 = arith.constant 0 : i32
        %dma_start3A_215 = tpu.memref_slice %arg8[%add3A_212, %dma_start3A_214] : memref<20000x128xf32, #tpu.memory_space<hbm>> -> memref<80x128xf32, #tpu.memory_space<hbm>>
        tpu.enqueue_dma source(%arg13 : memref<80x128xf32, #tpu.memory_space<vmem>>) target(%dma_start3A_215 : memref<80x128xf32, #tpu.memory_space<hbm>>) target_semaphore(%run_scoped3A : memref<!tpu.dma_semaphore, #tpu.memory_space<semaphore_mem>>)
        %dma_wait3A = arith.constant 0 : i32
        %dma_wait3A_216 = tpu.memref_slice %arg8[%add3A_212, %dma_wait3A] : memref<20000x128xf32, #tpu.memory_space<hbm>> -> memref<80x128xf32, #tpu.memory_space<hbm>>
        %dma_wait3A_217 = arith.constant 0 : i32
        %dma_wait3A_218 = tpu.memref_slice %arg8[%add3A_212, %dma_wait3A_217] : memref<20000x128xf32, #tpu.memory_space<hbm>> -> memref<80x128xf32, #tpu.memory_space<hbm>>
        tpu.wait_dma2 semaphore(%run_scoped3A : memref<!tpu.dma_semaphore, #tpu.memory_space<semaphore_mem>>) src(%arg13 : memref<80x128xf32, #tpu.memory_space<vmem>>) dst(%dma_wait3A_218 : memref<80x128xf32, #tpu.memory_space<hbm>>)
        tpu.yield
      }) : () -> ()
      "tpu.region"() ({
        %run_scoped3A = tpu.sem_alloc : memref<!tpu.dma_semaphore, #tpu.memory_space<semaphore_mem>>
        %dma_start3A = arith.constant 0 : i32
        %dma_start3A_213 = tpu.memref_slice %arg19[%mul3A_202, %dma_start3A] : memref<10000x128xf32, #tpu.memory_space<vmem_shared>> -> memref<80x128xf32, #tpu.memory_space<vmem_shared>>
        %dma_start3A_214 = arith.constant 0 : i32
        %dma_start3A_215 = tpu.memref_slice %arg19[%mul3A_202, %dma_start3A_214] : memref<10000x128xf32, #tpu.memory_space<vmem_shared>> -> memref<80x128xf32, #tpu.memory_space<vmem_shared>>
        tpu.enqueue_dma source(%arg15 : memref<80x128xf32, #tpu.memory_space<vmem>>) target(%dma_start3A_215 : memref<80x128xf32, #tpu.memory_space<vmem_shared>>) target_semaphore(%run_scoped3A : memref<!tpu.dma_semaphore, #tpu.memory_space<semaphore_mem>>)
        %dma_wait3A = arith.constant 0 : i32
        %dma_wait3A_216 = tpu.memref_slice %arg19[%mul3A_202, %dma_wait3A] : memref<10000x128xf32, #tpu.memory_space<vmem_shared>> -> memref<80x128xf32, #tpu.memory_space<vmem_shared>>
        %dma_wait3A_217 = arith.constant 0 : i32
        %dma_wait3A_218 = tpu.memref_slice %arg19[%mul3A_202, %dma_wait3A_217] : memref<10000x128xf32, #tpu.memory_space<vmem_shared>> -> memref<80x128xf32, #tpu.memory_space<vmem_shared>>
        tpu.wait_dma2 semaphore(%run_scoped3A : memref<!tpu.dma_semaphore, #tpu.memory_space<semaphore_mem>>) src(%arg15 : memref<80x128xf32, #tpu.memory_space<vmem>>) dst(%dma_wait3A_218 : memref<80x128xf32, #tpu.memory_space<vmem_shared>>)
        tpu.yield
      }) : () -> ()
    } else {
    }
    %add3A_122 = arith.constant 96 : i32
    %add3A_123 = arith.addi %arg1, %add3A_122 : i32
    %lt3A_124 = arith.constant 125 : i32
    %lt3A_125 = arith.cmpi slt, %add3A_123, %lt3A_124 : i32
    %convert_element_type3A_126 = arith.extui %lt3A_125 : i1 to i32
    %cond3A_127 = arith.constant 0 : i32
    %cond3A_128 = arith.cmpi ne, %convert_element_type3A_126, %cond3A_127 : i32
    scf.if %cond3A_128 {
      %mul3A = arith.constant 80 : i32
      %mul3A_202 = arith.muli %add3A_123, %mul3A : i32
      "tpu.region"() ({
        %run_scoped3A = tpu.sem_alloc : memref<!tpu.dma_semaphore, #tpu.memory_space<semaphore_mem>>
        %dma_start3A = arith.constant 0 : i32
        %dma_start3A_213 = tpu.memref_slice %arg19[%mul3A_202, %dma_start3A] : memref<10000x128xf32, #tpu.memory_space<vmem_shared>> -> memref<80x128xf32, #tpu.memory_space<vmem_shared>>
        %dma_start3A_214 = arith.constant 0 : i32
        %dma_start3A_215 = tpu.memref_slice %arg19[%mul3A_202, %dma_start3A_214] : memref<10000x128xf32, #tpu.memory_space<vmem_shared>> -> memref<80x128xf32, #tpu.memory_space<vmem_shared>>
        tpu.enqueue_dma source(%dma_start3A_215 : memref<80x128xf32, #tpu.memory_space<vmem_shared>>) target(%arg13 : memref<80x128xf32, #tpu.memory_space<vmem>>) target_semaphore(%run_scoped3A : memref<!tpu.dma_semaphore, #tpu.memory_space<semaphore_mem>>)
        %dma_wait3A = arith.constant 0 : i32
        %dma_wait3A_216 = tpu.memref_slice %arg19[%mul3A_202, %dma_wait3A] : memref<10000x128xf32, #tpu.memory_space<vmem_shared>> -> memref<80x128xf32, #tpu.memory_space<vmem_shared>>
        %dma_wait3A_217 = arith.constant 0 : i32
        %dma_wait3A_218 = tpu.memref_slice %arg19[%mul3A_202, %dma_wait3A_217] : memref<10000x128xf32, #tpu.memory_space<vmem_shared>> -> memref<80x128xf32, #tpu.memory_space<vmem_shared>>
        tpu.wait_dma2 semaphore(%run_scoped3A : memref<!tpu.dma_semaphore, #tpu.memory_space<semaphore_mem>>) src(%dma_wait3A_218 : memref<80x128xf32, #tpu.memory_space<vmem_shared>>) dst(%arg13 : memref<80x128xf32, #tpu.memory_space<vmem>>)
        tpu.yield
      }) : () -> ()
      %scan3A_203 = arith.constant 0 : i32
      %scan3A_204 = arith.constant 0 : i32
      %scan3A_205 = arith.constant 80 : i32
      %scan3A_206 = arith.addi %scan3A_204, %scan3A_205 : i32
      %scan3A_207 = arith.constant 1 : i32
      %scan3A_208 = scf.for %scan3A_213 = %scan3A_204 to %scan3A_206 step %scan3A_207 iter_args(%scan3A_214 = %scan3A_203) -> (i32)  : i32 {
        %get3A = arith.index_cast %scan3A_213 : i32 to index
        %get3A_215 = arith.constant 0 : index
        %get3A_216 = tpu.vector_load %arg13[%get3A, %get3A_215] {strides = array<i32>} : memref<80x128xf32, #tpu.memory_space<vmem>>, vector<1x16xf32>,
        %get3A_217 = vector.shape_cast %get3A_216 : vector<1x16xf32> to vector<16xf32>
        %mul3A_218 = arith.constant 1.562500e-02 : f32
        %mul3A_219 = vector.broadcast %mul3A_218 : f32 to vector<16xf32>
        %mul3A_220 = arith.mulf %get3A_217, %mul3A_219 : vector<16xf32>
        %add3A_221 = arith.constant 8.000000e+00 : f32
        %add3A_222 = vector.broadcast %add3A_221 : f32 to vector<16xf32>
        %add3A_223 = arith.addf %mul3A_220, %add3A_222 : vector<16xf32>
        %div3A = arith.divf %get3A_217, %add3A_223 : vector<16xf32>
        %add3A_224 = arith.addf %add3A_223, %div3A : vector<16xf32>
        %mul3A_225 = arith.constant 5.000000e-01 : f32
        %mul3A_226 = vector.broadcast %mul3A_225 : f32 to vector<16xf32>
        %mul3A_227 = arith.mulf %mul3A_226, %add3A_224 : vector<16xf32>
        %div3A_228 = arith.divf %get3A_217, %mul3A_227 : vector<16xf32>
        %add3A_229 = arith.addf %mul3A_227, %div3A_228 : vector<16xf32>
        %mul3A_230 = arith.constant 5.000000e-01 : f32
        %mul3A_231 = vector.broadcast %mul3A_230 : f32 to vector<16xf32>
        %mul3A_232 = arith.mulf %mul3A_231, %add3A_229 : vector<16xf32>
        %div3A_233 = arith.divf %get3A_217, %mul3A_232 : vector<16xf32>
        %add3A_234 = arith.addf %mul3A_232, %div3A_233 : vector<16xf32>
        %mul3A_235 = arith.constant 5.000000e-01 : f32
        %mul3A_236 = vector.broadcast %mul3A_235 : f32 to vector<16xf32>
        %mul3A_237 = arith.mulf %mul3A_236, %add3A_234 : vector<16xf32>
        %div3A_238 = arith.divf %get3A_217, %mul3A_237 : vector<16xf32>
        %add3A_239 = arith.addf %mul3A_237, %div3A_238 : vector<16xf32>
        %mul3A_240 = arith.constant 5.000000e-01 : f32
        %mul3A_241 = vector.broadcast %mul3A_240 : f32 to vector<16xf32>
        %mul3A_242 = arith.mulf %mul3A_241, %add3A_239 : vector<16xf32>
        %div3A_243 = arith.divf %get3A_217, %mul3A_242 : vector<16xf32>
        %add3A_244 = arith.addf %mul3A_242, %div3A_243 : vector<16xf32>
        %mul3A_245 = arith.constant 5.000000e-01 : f32
        %mul3A_246 = vector.broadcast %mul3A_245 : f32 to vector<16xf32>
        %mul3A_247 = arith.mulf %mul3A_246, %add3A_244 : vector<16xf32>
        %div3A_248 = arith.divf %get3A_217, %mul3A_247 : vector<16xf32>
        %add3A_249 = arith.addf %mul3A_247, %div3A_248 : vector<16xf32>
        %mul3A_250 = arith.constant 5.000000e-01 : f32
        %mul3A_251 = vector.broadcast %mul3A_250 : f32 to vector<16xf32>
        %mul3A_252 = arith.mulf %mul3A_251, %add3A_249 : vector<16xf32>
        %div3A_253 = arith.divf %get3A_217, %mul3A_252 : vector<16xf32>
        %add3A_254 = arith.addf %mul3A_252, %div3A_253 : vector<16xf32>
        %mul3A_255 = arith.constant 5.000000e-01 : f32
        %mul3A_256 = vector.broadcast %mul3A_255 : f32 to vector<16xf32>
        %mul3A_257 = arith.mulf %mul3A_256, %add3A_254 : vector<16xf32>
        %div3A_258 = arith.divf %get3A_217, %mul3A_257 : vector<16xf32>
        %add3A_259 = arith.addf %mul3A_257, %div3A_258 : vector<16xf32>
        %mul3A_260 = arith.constant 5.000000e-01 : f32
        %mul3A_261 = vector.broadcast %mul3A_260 : f32 to vector<16xf32>
        %mul3A_262 = arith.mulf %mul3A_261, %add3A_259 : vector<16xf32>
        %div3A_263 = arith.divf %get3A_217, %mul3A_262 : vector<16xf32>
        %add3A_264 = arith.addf %mul3A_262, %div3A_263 : vector<16xf32>
        %mul3A_265 = arith.constant 5.000000e-01 : f32
        %mul3A_266 = vector.broadcast %mul3A_265 : f32 to vector<16xf32>
        %mul3A_267 = arith.mulf %mul3A_266, %add3A_264 : vector<16xf32>
        %gt3A = arith.constant 5.000000e-01 : f32
        %gt3A_268 = vector.broadcast %gt3A : f32 to vector<16xf32>
        %gt3A_269 = arith.cmpf ogt, %get3A_217, %gt3A_268 : vector<16xf32>
        %div3A_270 = arith.constant 1.000000e+00 : f32
        %div3A_271 = vector.broadcast %div3A_270 : f32 to vector<16xf32>
        %div3A_272 = arith.divf %div3A_271, %mul3A_267 : vector<16xf32>
        %jit3A = arith.constant 0.000000e+00 : f32
        %broadcast_in_dim3A_273 = vector.broadcast %jit3A : f32 to vector<16xf32>
        %select_n3A = arith.select %gt3A_269, %div3A_272, %broadcast_in_dim3A_273 : vector<16xi1>, vector<16xf32>
        %swap3A = arith.index_cast %scan3A_213 : i32 to index
        %swap3A_274 = arith.constant 0 : index
        %swap3A_275 = tpu.vector_load %arg13[%swap3A, %swap3A_274] {strides = array<i32>} : memref<80x128xf32, #tpu.memory_space<vmem>>, vector<1x16xf32>,
        %swap3A_276 = vector.shape_cast %swap3A_275 : vector<1x16xf32> to vector<16xf32>
        %swap3A_277 = vector.shape_cast %select_n3A : vector<16xf32> to vector<1x16xf32>
        tpu.vector_store %arg13[%swap3A, %swap3A_274], %swap3A_277 {strides = array<i32>} : memref<80x128xf32, #tpu.memory_space<vmem>>, vector<1x16xf32>,
        %swap3A_278 = arith.index_cast %scan3A_213 : i32 to index
        %swap3A_279 = arith.constant 16 : index
        %swap3A_280 = tpu.vector_load %arg13[%swap3A_278, %swap3A_279] {strides = array<i32>} : memref<80x128xf32, #tpu.memory_space<vmem>>, vector<1x16xf32>,
        %swap3A_281 = vector.shape_cast %swap3A_280 : vector<1x16xf32> to vector<16xf32>
        %swap3A_282 = vector.shape_cast %select_n3A : vector<16xf32> to vector<1x16xf32>
        tpu.vector_store %arg13[%swap3A_278, %swap3A_279], %swap3A_282 {strides = array<i32>} : memref<80x128xf32, #tpu.memory_space<vmem>>, vector<1x16xf32>,
        %swap3A_283 = arith.index_cast %scan3A_213 : i32 to index
        %swap3A_284 = arith.constant 32 : index
        %swap3A_285 = tpu.vector_load %arg13[%swap3A_283, %swap3A_284] {strides = array<i32>} : memref<80x128xf32, #tpu.memory_space<vmem>>, vector<1x16xf32>,
        %swap3A_286 = vector.shape_cast %swap3A_285 : vector<1x16xf32> to vector<16xf32>
        %swap3A_287 = vector.shape_cast %select_n3A : vector<16xf32> to vector<1x16xf32>
        tpu.vector_store %arg13[%swap3A_283, %swap3A_284], %swap3A_287 {strides = array<i32>} : memref<80x128xf32, #tpu.memory_space<vmem>>, vector<1x16xf32>,
        %swap3A_288 = arith.index_cast %scan3A_213 : i32 to index
        %swap3A_289 = arith.constant 48 : index
        %swap3A_290 = tpu.vector_load %arg13[%swap3A_288, %swap3A_289] {strides = array<i32>} : memref<80x128xf32, #tpu.memory_space<vmem>>, vector<1x16xf32>,
        %swap3A_291 = vector.shape_cast %swap3A_290 : vector<1x16xf32> to vector<16xf32>
        %swap3A_292 = vector.shape_cast %select_n3A : vector<16xf32> to vector<1x16xf32>
        tpu.vector_store %arg13[%swap3A_288, %swap3A_289], %swap3A_292 {strides = array<i32>} : memref<80x128xf32, #tpu.memory_space<vmem>>, vector<1x16xf32>,
        %swap3A_293 = arith.index_cast %scan3A_213 : i32 to index
        %swap3A_294 = arith.constant 64 : index
        %swap3A_295 = tpu.vector_load %arg13[%swap3A_293, %swap3A_294] {strides = array<i32>} : memref<80x128xf32, #tpu.memory_space<vmem>>, vector<1x16xf32>,
        %swap3A_296 = vector.shape_cast %swap3A_295 : vector<1x16xf32> to vector<16xf32>
        %swap3A_297 = vector.shape_cast %select_n3A : vector<16xf32> to vector<1x16xf32>
        tpu.vector_store %arg13[%swap3A_293, %swap3A_294], %swap3A_297 {strides = array<i32>} : memref<80x128xf32, #tpu.memory_space<vmem>>, vector<1x16xf32>,
        %swap3A_298 = arith.index_cast %scan3A_213 : i32 to index
        %swap3A_299 = arith.constant 80 : index
        %swap3A_300 = tpu.vector_load %arg13[%swap3A_298, %swap3A_299] {strides = array<i32>} : memref<80x128xf32, #tpu.memory_space<vmem>>, vector<1x16xf32>,
        %swap3A_301 = vector.shape_cast %swap3A_300 : vector<1x16xf32> to vector<16xf32>
        %swap3A_302 = vector.shape_cast %select_n3A : vector<16xf32> to vector<1x16xf32>
        tpu.vector_store %arg13[%swap3A_298, %swap3A_299], %swap3A_302 {strides = array<i32>} : memref<80x128xf32, #tpu.memory_space<vmem>>, vector<1x16xf32>,
        %swap3A_303 = arith.index_cast %scan3A_213 : i32 to index
        %swap3A_304 = arith.constant 96 : index
        %swap3A_305 = tpu.vector_load %arg13[%swap3A_303, %swap3A_304] {strides = array<i32>} : memref<80x128xf32, #tpu.memory_space<vmem>>, vector<1x16xf32>,
        %swap3A_306 = vector.shape_cast %swap3A_305 : vector<1x16xf32> to vector<16xf32>
        %swap3A_307 = vector.shape_cast %select_n3A : vector<16xf32> to vector<1x16xf32>
        tpu.vector_store %arg13[%swap3A_303, %swap3A_304], %swap3A_307 {strides = array<i32>} : memref<80x128xf32, #tpu.memory_space<vmem>>, vector<1x16xf32>,
        %swap3A_308 = arith.index_cast %scan3A_213 : i32 to index
        %swap3A_309 = arith.constant 112 : index
        %swap3A_310 = tpu.vector_load %arg13[%swap3A_308, %swap3A_309] {strides = array<i32>} : memref<80x128xf32, #tpu.memory_space<vmem>>, vector<1x16xf32>,
        %swap3A_311 = vector.shape_cast %swap3A_310 : vector<1x16xf32> to vector<16xf32>
        %swap3A_312 = vector.shape_cast %select_n3A : vector<16xf32> to vector<1x16xf32>
        tpu.vector_store %arg13[%swap3A_308, %swap3A_309], %swap3A_312 {strides = array<i32>} : memref<80x128xf32, #tpu.memory_space<vmem>>, vector<1x16xf32>,
        %scan3A_313 = arith.constant 0 : i32
        scf.yield %scan3A_313 : i32
      }
      %scan3A_209 = arith.constant 80 : i32
      %mul3A_210 = arith.constant 10000 : i32
      %mul3A_211 = arith.muli %arg0, %mul3A_210 : i32
      %add3A_212 = arith.addi %mul3A_211, %mul3A_202 : i32
      "tpu.region"() ({
        %run_scoped3A = tpu.sem_alloc : memref<!tpu.dma_semaphore, #tpu.memory_space<semaphore_mem>>
        %dma_start3A = arith.constant 0 : i32
        %dma_start3A_213 = tpu.memref_slice %arg8[%add3A_212, %dma_start3A] : memref<20000x128xf32, #tpu.memory_space<hbm>> -> memref<80x128xf32, #tpu.memory_space<hbm>>
        %dma_start3A_214 = arith.constant 0 : i32
        %dma_start3A_215 = tpu.memref_slice %arg8[%add3A_212, %dma_start3A_214] : memref<20000x128xf32, #tpu.memory_space<hbm>> -> memref<80x128xf32, #tpu.memory_space<hbm>>
        tpu.enqueue_dma source(%arg13 : memref<80x128xf32, #tpu.memory_space<vmem>>) target(%dma_start3A_215 : memref<80x128xf32, #tpu.memory_space<hbm>>) target_semaphore(%run_scoped3A : memref<!tpu.dma_semaphore, #tpu.memory_space<semaphore_mem>>)
        %dma_wait3A = arith.constant 0 : i32
        %dma_wait3A_216 = tpu.memref_slice %arg8[%add3A_212, %dma_wait3A] : memref<20000x128xf32, #tpu.memory_space<hbm>> -> memref<80x128xf32, #tpu.memory_space<hbm>>
        %dma_wait3A_217 = arith.constant 0 : i32
        %dma_wait3A_218 = tpu.memref_slice %arg8[%add3A_212, %dma_wait3A_217] : memref<20000x128xf32, #tpu.memory_space<hbm>> -> memref<80x128xf32, #tpu.memory_space<hbm>>
        tpu.wait_dma2 semaphore(%run_scoped3A : memref<!tpu.dma_semaphore, #tpu.memory_space<semaphore_mem>>) src(%arg13 : memref<80x128xf32, #tpu.memory_space<vmem>>) dst(%dma_wait3A_218 : memref<80x128xf32, #tpu.memory_space<hbm>>)
        tpu.yield
      }) : () -> ()
      "tpu.region"() ({
        %run_scoped3A = tpu.sem_alloc : memref<!tpu.dma_semaphore, #tpu.memory_space<semaphore_mem>>
        %dma_start3A = arith.constant 0 : i32
        %dma_start3A_213 = tpu.memref_slice %arg19[%mul3A_202, %dma_start3A] : memref<10000x128xf32, #tpu.memory_space<vmem_shared>> -> memref<80x128xf32, #tpu.memory_space<vmem_shared>>
        %dma_start3A_214 = arith.constant 0 : i32
        %dma_start3A_215 = tpu.memref_slice %arg19[%mul3A_202, %dma_start3A_214] : memref<10000x128xf32, #tpu.memory_space<vmem_shared>> -> memref<80x128xf32, #tpu.memory_space<vmem_shared>>
        tpu.enqueue_dma source(%arg15 : memref<80x128xf32, #tpu.memory_space<vmem>>) target(%dma_start3A_215 : memref<80x128xf32, #tpu.memory_space<vmem_shared>>) target_semaphore(%run_scoped3A : memref<!tpu.dma_semaphore, #tpu.memory_space<semaphore_mem>>)
        %dma_wait3A = arith.constant 0 : i32
        %dma_wait3A_216 = tpu.memref_slice %arg19[%mul3A_202, %dma_wait3A] : memref<10000x128xf32, #tpu.memory_space<vmem_shared>> -> memref<80x128xf32, #tpu.memory_space<vmem_shared>>
        %dma_wait3A_217 = arith.constant 0 : i32
        %dma_wait3A_218 = tpu.memref_slice %arg19[%mul3A_202, %dma_wait3A_217] : memref<10000x128xf32, #tpu.memory_space<vmem_shared>> -> memref<80x128xf32, #tpu.memory_space<vmem_shared>>
        tpu.wait_dma2 semaphore(%run_scoped3A : memref<!tpu.dma_semaphore, #tpu.memory_space<semaphore_mem>>) src(%arg15 : memref<80x128xf32, #tpu.memory_space<vmem>>) dst(%dma_wait3A_218 : memref<80x128xf32, #tpu.memory_space<vmem_shared>>)
        tpu.yield
      }) : () -> ()
    } else {
    }
    %add3A_129 = arith.constant 112 : i32
    %add3A_130 = arith.addi %arg1, %add3A_129 : i32
    %lt3A_131 = arith.constant 125 : i32
    %lt3A_132 = arith.cmpi slt, %add3A_130, %lt3A_131 : i32
    %convert_element_type3A_133 = arith.extui %lt3A_132 : i1 to i32
    %cond3A_134 = arith.constant 0 : i32
    %cond3A_135 = arith.cmpi ne, %convert_element_type3A_133, %cond3A_134 : i32
    scf.if %cond3A_135 {
      %mul3A = arith.constant 80 : i32
      %mul3A_202 = arith.muli %add3A_130, %mul3A : i32
      "tpu.region"() ({
        %run_scoped3A = tpu.sem_alloc : memref<!tpu.dma_semaphore, #tpu.memory_space<semaphore_mem>>
        %dma_start3A = arith.constant 0 : i32
        %dma_start3A_213 = tpu.memref_slice %arg19[%mul3A_202, %dma_start3A] : memref<10000x128xf32, #tpu.memory_space<vmem_shared>> -> memref<80x128xf32, #tpu.memory_space<vmem_shared>>
        %dma_start3A_214 = arith.constant 0 : i32
        %dma_start3A_215 = tpu.memref_slice %arg19[%mul3A_202, %dma_start3A_214] : memref<10000x128xf32, #tpu.memory_space<vmem_shared>> -> memref<80x128xf32, #tpu.memory_space<vmem_shared>>
        tpu.enqueue_dma source(%dma_start3A_215 : memref<80x128xf32, #tpu.memory_space<vmem_shared>>) target(%arg13 : memref<80x128xf32, #tpu.memory_space<vmem>>) target_semaphore(%run_scoped3A : memref<!tpu.dma_semaphore, #tpu.memory_space<semaphore_mem>>)
        %dma_wait3A = arith.constant 0 : i32
        %dma_wait3A_216 = tpu.memref_slice %arg19[%mul3A_202, %dma_wait3A] : memref<10000x128xf32, #tpu.memory_space<vmem_shared>> -> memref<80x128xf32, #tpu.memory_space<vmem_shared>>
        %dma_wait3A_217 = arith.constant 0 : i32
        %dma_wait3A_218 = tpu.memref_slice %arg19[%mul3A_202, %dma_wait3A_217] : memref<10000x128xf32, #tpu.memory_space<vmem_shared>> -> memref<80x128xf32, #tpu.memory_space<vmem_shared>>
        tpu.wait_dma2 semaphore(%run_scoped3A : memref<!tpu.dma_semaphore, #tpu.memory_space<semaphore_mem>>) src(%dma_wait3A_218 : memref<80x128xf32, #tpu.memory_space<vmem_shared>>) dst(%arg13 : memref<80x128xf32, #tpu.memory_space<vmem>>)
        tpu.yield
      }) : () -> ()
      %scan3A_203 = arith.constant 0 : i32
      %scan3A_204 = arith.constant 0 : i32
      %scan3A_205 = arith.constant 80 : i32
      %scan3A_206 = arith.addi %scan3A_204, %scan3A_205 : i32
      %scan3A_207 = arith.constant 1 : i32
      %scan3A_208 = scf.for %scan3A_213 = %scan3A_204 to %scan3A_206 step %scan3A_207 iter_args(%scan3A_214 = %scan3A_203) -> (i32)  : i32 {
        %get3A = arith.index_cast %scan3A_213 : i32 to index
        %get3A_215 = arith.constant 0 : index
        %get3A_216 = tpu.vector_load %arg13[%get3A, %get3A_215] {strides = array<i32>} : memref<80x128xf32, #tpu.memory_space<vmem>>, vector<1x16xf32>,
        %get3A_217 = vector.shape_cast %get3A_216 : vector<1x16xf32> to vector<16xf32>
        %mul3A_218 = arith.constant 1.562500e-02 : f32
        %mul3A_219 = vector.broadcast %mul3A_218 : f32 to vector<16xf32>
        %mul3A_220 = arith.mulf %get3A_217, %mul3A_219 : vector<16xf32>
        %add3A_221 = arith.constant 8.000000e+00 : f32
        %add3A_222 = vector.broadcast %add3A_221 : f32 to vector<16xf32>
        %add3A_223 = arith.addf %mul3A_220, %add3A_222 : vector<16xf32>
        %div3A = arith.divf %get3A_217, %add3A_223 : vector<16xf32>
        %add3A_224 = arith.addf %add3A_223, %div3A : vector<16xf32>
        %mul3A_225 = arith.constant 5.000000e-01 : f32
        %mul3A_226 = vector.broadcast %mul3A_225 : f32 to vector<16xf32>
        %mul3A_227 = arith.mulf %mul3A_226, %add3A_224 : vector<16xf32>
        %div3A_228 = arith.divf %get3A_217, %mul3A_227 : vector<16xf32>
        %add3A_229 = arith.addf %mul3A_227, %div3A_228 : vector<16xf32>
        %mul3A_230 = arith.constant 5.000000e-01 : f32
        %mul3A_231 = vector.broadcast %mul3A_230 : f32 to vector<16xf32>
        %mul3A_232 = arith.mulf %mul3A_231, %add3A_229 : vector<16xf32>
        %div3A_233 = arith.divf %get3A_217, %mul3A_232 : vector<16xf32>
        %add3A_234 = arith.addf %mul3A_232, %div3A_233 : vector<16xf32>
        %mul3A_235 = arith.constant 5.000000e-01 : f32
        %mul3A_236 = vector.broadcast %mul3A_235 : f32 to vector<16xf32>
        %mul3A_237 = arith.mulf %mul3A_236, %add3A_234 : vector<16xf32>
        %div3A_238 = arith.divf %get3A_217, %mul3A_237 : vector<16xf32>
        %add3A_239 = arith.addf %mul3A_237, %div3A_238 : vector<16xf32>
        %mul3A_240 = arith.constant 5.000000e-01 : f32
        %mul3A_241 = vector.broadcast %mul3A_240 : f32 to vector<16xf32>
        %mul3A_242 = arith.mulf %mul3A_241, %add3A_239 : vector<16xf32>
        %div3A_243 = arith.divf %get3A_217, %mul3A_242 : vector<16xf32>
        %add3A_244 = arith.addf %mul3A_242, %div3A_243 : vector<16xf32>
        %mul3A_245 = arith.constant 5.000000e-01 : f32
        %mul3A_246 = vector.broadcast %mul3A_245 : f32 to vector<16xf32>
        %mul3A_247 = arith.mulf %mul3A_246, %add3A_244 : vector<16xf32>
        %div3A_248 = arith.divf %get3A_217, %mul3A_247 : vector<16xf32>
        %add3A_249 = arith.addf %mul3A_247, %div3A_248 : vector<16xf32>
        %mul3A_250 = arith.constant 5.000000e-01 : f32
        %mul3A_251 = vector.broadcast %mul3A_250 : f32 to vector<16xf32>
        %mul3A_252 = arith.mulf %mul3A_251, %add3A_249 : vector<16xf32>
        %div3A_253 = arith.divf %get3A_217, %mul3A_252 : vector<16xf32>
        %add3A_254 = arith.addf %mul3A_252, %div3A_253 : vector<16xf32>
        %mul3A_255 = arith.constant 5.000000e-01 : f32
        %mul3A_256 = vector.broadcast %mul3A_255 : f32 to vector<16xf32>
        %mul3A_257 = arith.mulf %mul3A_256, %add3A_254 : vector<16xf32>
        %div3A_258 = arith.divf %get3A_217, %mul3A_257 : vector<16xf32>
        %add3A_259 = arith.addf %mul3A_257, %div3A_258 : vector<16xf32>
        %mul3A_260 = arith.constant 5.000000e-01 : f32
        %mul3A_261 = vector.broadcast %mul3A_260 : f32 to vector<16xf32>
        %mul3A_262 = arith.mulf %mul3A_261, %add3A_259 : vector<16xf32>
        %div3A_263 = arith.divf %get3A_217, %mul3A_262 : vector<16xf32>
        %add3A_264 = arith.addf %mul3A_262, %div3A_263 : vector<16xf32>
        %mul3A_265 = arith.constant 5.000000e-01 : f32
        %mul3A_266 = vector.broadcast %mul3A_265 : f32 to vector<16xf32>
        %mul3A_267 = arith.mulf %mul3A_266, %add3A_264 : vector<16xf32>
        %gt3A = arith.constant 5.000000e-01 : f32
        %gt3A_268 = vector.broadcast %gt3A : f32 to vector<16xf32>
        %gt3A_269 = arith.cmpf ogt, %get3A_217, %gt3A_268 : vector<16xf32>
        %div3A_270 = arith.constant 1.000000e+00 : f32
        %div3A_271 = vector.broadcast %div3A_270 : f32 to vector<16xf32>
        %div3A_272 = arith.divf %div3A_271, %mul3A_267 : vector<16xf32>
        %jit3A = arith.constant 0.000000e+00 : f32
        %broadcast_in_dim3A_273 = vector.broadcast %jit3A : f32 to vector<16xf32>
        %select_n3A = arith.select %gt3A_269, %div3A_272, %broadcast_in_dim3A_273 : vector<16xi1>, vector<16xf32>
        %swap3A = arith.index_cast %scan3A_213 : i32 to index
        %swap3A_274 = arith.constant 0 : index
        %swap3A_275 = tpu.vector_load %arg13[%swap3A, %swap3A_274] {strides = array<i32>} : memref<80x128xf32, #tpu.memory_space<vmem>>, vector<1x16xf32>,
        %swap3A_276 = vector.shape_cast %swap3A_275 : vector<1x16xf32> to vector<16xf32>
        %swap3A_277 = vector.shape_cast %select_n3A : vector<16xf32> to vector<1x16xf32>
        tpu.vector_store %arg13[%swap3A, %swap3A_274], %swap3A_277 {strides = array<i32>} : memref<80x128xf32, #tpu.memory_space<vmem>>, vector<1x16xf32>,
        %swap3A_278 = arith.index_cast %scan3A_213 : i32 to index
        %swap3A_279 = arith.constant 16 : index
        %swap3A_280 = tpu.vector_load %arg13[%swap3A_278, %swap3A_279] {strides = array<i32>} : memref<80x128xf32, #tpu.memory_space<vmem>>, vector<1x16xf32>,
        %swap3A_281 = vector.shape_cast %swap3A_280 : vector<1x16xf32> to vector<16xf32>
        %swap3A_282 = vector.shape_cast %select_n3A : vector<16xf32> to vector<1x16xf32>
        tpu.vector_store %arg13[%swap3A_278, %swap3A_279], %swap3A_282 {strides = array<i32>} : memref<80x128xf32, #tpu.memory_space<vmem>>, vector<1x16xf32>,
        %swap3A_283 = arith.index_cast %scan3A_213 : i32 to index
        %swap3A_284 = arith.constant 32 : index
        %swap3A_285 = tpu.vector_load %arg13[%swap3A_283, %swap3A_284] {strides = array<i32>} : memref<80x128xf32, #tpu.memory_space<vmem>>, vector<1x16xf32>,
        %swap3A_286 = vector.shape_cast %swap3A_285 : vector<1x16xf32> to vector<16xf32>
        %swap3A_287 = vector.shape_cast %select_n3A : vector<16xf32> to vector<1x16xf32>
        tpu.vector_store %arg13[%swap3A_283, %swap3A_284], %swap3A_287 {strides = array<i32>} : memref<80x128xf32, #tpu.memory_space<vmem>>, vector<1x16xf32>,
        %swap3A_288 = arith.index_cast %scan3A_213 : i32 to index
        %swap3A_289 = arith.constant 48 : index
        %swap3A_290 = tpu.vector_load %arg13[%swap3A_288, %swap3A_289] {strides = array<i32>} : memref<80x128xf32, #tpu.memory_space<vmem>>, vector<1x16xf32>,
        %swap3A_291 = vector.shape_cast %swap3A_290 : vector<1x16xf32> to vector<16xf32>
        %swap3A_292 = vector.shape_cast %select_n3A : vector<16xf32> to vector<1x16xf32>
        tpu.vector_store %arg13[%swap3A_288, %swap3A_289], %swap3A_292 {strides = array<i32>} : memref<80x128xf32, #tpu.memory_space<vmem>>, vector<1x16xf32>,
        %swap3A_293 = arith.index_cast %scan3A_213 : i32 to index
        %swap3A_294 = arith.constant 64 : index
        %swap3A_295 = tpu.vector_load %arg13[%swap3A_293, %swap3A_294] {strides = array<i32>} : memref<80x128xf32, #tpu.memory_space<vmem>>, vector<1x16xf32>,
        %swap3A_296 = vector.shape_cast %swap3A_295 : vector<1x16xf32> to vector<16xf32>
        %swap3A_297 = vector.shape_cast %select_n3A : vector<16xf32> to vector<1x16xf32>
        tpu.vector_store %arg13[%swap3A_293, %swap3A_294], %swap3A_297 {strides = array<i32>} : memref<80x128xf32, #tpu.memory_space<vmem>>, vector<1x16xf32>,
        %swap3A_298 = arith.index_cast %scan3A_213 : i32 to index
        %swap3A_299 = arith.constant 80 : index
        %swap3A_300 = tpu.vector_load %arg13[%swap3A_298, %swap3A_299] {strides = array<i32>} : memref<80x128xf32, #tpu.memory_space<vmem>>, vector<1x16xf32>,
        %swap3A_301 = vector.shape_cast %swap3A_300 : vector<1x16xf32> to vector<16xf32>
        %swap3A_302 = vector.shape_cast %select_n3A : vector<16xf32> to vector<1x16xf32>
        tpu.vector_store %arg13[%swap3A_298, %swap3A_299], %swap3A_302 {strides = array<i32>} : memref<80x128xf32, #tpu.memory_space<vmem>>, vector<1x16xf32>,
        %swap3A_303 = arith.index_cast %scan3A_213 : i32 to index
        %swap3A_304 = arith.constant 96 : index
        %swap3A_305 = tpu.vector_load %arg13[%swap3A_303, %swap3A_304] {strides = array<i32>} : memref<80x128xf32, #tpu.memory_space<vmem>>, vector<1x16xf32>,
        %swap3A_306 = vector.shape_cast %swap3A_305 : vector<1x16xf32> to vector<16xf32>
        %swap3A_307 = vector.shape_cast %select_n3A : vector<16xf32> to vector<1x16xf32>
        tpu.vector_store %arg13[%swap3A_303, %swap3A_304], %swap3A_307 {strides = array<i32>} : memref<80x128xf32, #tpu.memory_space<vmem>>, vector<1x16xf32>,
        %swap3A_308 = arith.index_cast %scan3A_213 : i32 to index
        %swap3A_309 = arith.constant 112 : index
        %swap3A_310 = tpu.vector_load %arg13[%swap3A_308, %swap3A_309] {strides = array<i32>} : memref<80x128xf32, #tpu.memory_space<vmem>>, vector<1x16xf32>,
        %swap3A_311 = vector.shape_cast %swap3A_310 : vector<1x16xf32> to vector<16xf32>
        %swap3A_312 = vector.shape_cast %select_n3A : vector<16xf32> to vector<1x16xf32>
        tpu.vector_store %arg13[%swap3A_308, %swap3A_309], %swap3A_312 {strides = array<i32>} : memref<80x128xf32, #tpu.memory_space<vmem>>, vector<1x16xf32>,
        %scan3A_313 = arith.constant 0 : i32
        scf.yield %scan3A_313 : i32
      }
      %scan3A_209 = arith.constant 80 : i32
      %mul3A_210 = arith.constant 10000 : i32
      %mul3A_211 = arith.muli %arg0, %mul3A_210 : i32
      %add3A_212 = arith.addi %mul3A_211, %mul3A_202 : i32
      "tpu.region"() ({
        %run_scoped3A = tpu.sem_alloc : memref<!tpu.dma_semaphore, #tpu.memory_space<semaphore_mem>>
        %dma_start3A = arith.constant 0 : i32
        %dma_start3A_213 = tpu.memref_slice %arg8[%add3A_212, %dma_start3A] : memref<20000x128xf32, #tpu.memory_space<hbm>> -> memref<80x128xf32, #tpu.memory_space<hbm>>
        %dma_start3A_214 = arith.constant 0 : i32
        %dma_start3A_215 = tpu.memref_slice %arg8[%add3A_212, %dma_start3A_214] : memref<20000x128xf32, #tpu.memory_space<hbm>> -> memref<80x128xf32, #tpu.memory_space<hbm>>
        tpu.enqueue_dma source(%arg13 : memref<80x128xf32, #tpu.memory_space<vmem>>) target(%dma_start3A_215 : memref<80x128xf32, #tpu.memory_space<hbm>>) target_semaphore(%run_scoped3A : memref<!tpu.dma_semaphore, #tpu.memory_space<semaphore_mem>>)
        %dma_wait3A = arith.constant 0 : i32
        %dma_wait3A_216 = tpu.memref_slice %arg8[%add3A_212, %dma_wait3A] : memref<20000x128xf32, #tpu.memory_space<hbm>> -> memref<80x128xf32, #tpu.memory_space<hbm>>
        %dma_wait3A_217 = arith.constant 0 : i32
        %dma_wait3A_218 = tpu.memref_slice %arg8[%add3A_212, %dma_wait3A_217] : memref<20000x128xf32, #tpu.memory_space<hbm>> -> memref<80x128xf32, #tpu.memory_space<hbm>>
        tpu.wait_dma2 semaphore(%run_scoped3A : memref<!tpu.dma_semaphore, #tpu.memory_space<semaphore_mem>>) src(%arg13 : memref<80x128xf32, #tpu.memory_space<vmem>>) dst(%dma_wait3A_218 : memref<80x128xf32, #tpu.memory_space<hbm>>)
        tpu.yield
      }) : () -> ()
      "tpu.region"() ({
        %run_scoped3A = tpu.sem_alloc : memref<!tpu.dma_semaphore, #tpu.memory_space<semaphore_mem>>
        %dma_start3A = arith.constant 0 : i32
        %dma_start3A_213 = tpu.memref_slice %arg19[%mul3A_202, %dma_start3A] : memref<10000x128xf32, #tpu.memory_space<vmem_shared>> -> memref<80x128xf32, #tpu.memory_space<vmem_shared>>
        %dma_start3A_214 = arith.constant 0 : i32
        %dma_start3A_215 = tpu.memref_slice %arg19[%mul3A_202, %dma_start3A_214] : memref<10000x128xf32, #tpu.memory_space<vmem_shared>> -> memref<80x128xf32, #tpu.memory_space<vmem_shared>>
        tpu.enqueue_dma source(%arg15 : memref<80x128xf32, #tpu.memory_space<vmem>>) target(%dma_start3A_215 : memref<80x128xf32, #tpu.memory_space<vmem_shared>>) target_semaphore(%run_scoped3A : memref<!tpu.dma_semaphore, #tpu.memory_space<semaphore_mem>>)
        %dma_wait3A = arith.constant 0 : i32
        %dma_wait3A_216 = tpu.memref_slice %arg19[%mul3A_202, %dma_wait3A] : memref<10000x128xf32, #tpu.memory_space<vmem_shared>> -> memref<80x128xf32, #tpu.memory_space<vmem_shared>>
        %dma_wait3A_217 = arith.constant 0 : i32
        %dma_wait3A_218 = tpu.memref_slice %arg19[%mul3A_202, %dma_wait3A_217] : memref<10000x128xf32, #tpu.memory_space<vmem_shared>> -> memref<80x128xf32, #tpu.memory_space<vmem_shared>>
        tpu.wait_dma2 semaphore(%run_scoped3A : memref<!tpu.dma_semaphore, #tpu.memory_space<semaphore_mem>>) src(%arg15 : memref<80x128xf32, #tpu.memory_space<vmem>>) dst(%dma_wait3A_218 : memref<80x128xf32, #tpu.memory_space<vmem_shared>>)
        tpu.yield
      }) : () -> ()
    } else {
    }
    %barrier3A_136 = arith.constant 0 : index
    tpu.barrier barrier_id(%barrier3A_136)
    %scan3A_137 = arith.constant 0 : i32
    %scan3A_138 = arith.constant 0 : i32
    %scan3A_139 = arith.constant 125 : i32
    %scan3A_140 = arith.addi %scan3A_138, %scan3A_139 : i32
    %scan3A_141 = arith.constant 1 : i32
    %scan3A_142 = scf.for %scan3A_202 = %scan3A_138 to %scan3A_140 step %scan3A_141 iter_args(%scan3A_203 = %scan3A_137) -> (i32)  : i32 {
      %mul3A = arith.constant 160000 : i32
      %mul3A_204 = arith.muli %arg0, %mul3A : i32
      %mul3A_205 = arith.constant 10000 : i32
      %mul3A_206 = arith.muli %arg1, %mul3A_205 : i32
      %add3A_207 = arith.addi %mul3A_204, %mul3A_206 : i32
      %mul3A_208 = arith.constant 80 : i32
      %mul3A_209 = arith.muli %scan3A_202, %mul3A_208 : i32
      %add3A_210 = arith.addi %add3A_207, %mul3A_209 : i32
      %dma_start3A = tpu.memref_slice %arg2[%add3A_210] : memref<320000xi32, #tpu.memory_space<hbm>> -> memref<80xi32, #tpu.memory_space<hbm>>
      %dma_start3A_211 = tpu.memref_slice %arg2[%add3A_210] : memref<320000xi32, #tpu.memory_space<hbm>> -> memref<80xi32, #tpu.memory_space<hbm>>
      tpu.enqueue_dma source(%dma_start3A_211 : memref<80xi32, #tpu.memory_space<hbm>>) target(%arg9 : memref<80xi32, #tpu.memory_space<vmem>>) target_semaphore(%arg16 : memref<!tpu.dma_semaphore, #tpu.memory_space<semaphore_mem>>)
      %dma_start3A_212 = tpu.memref_slice %arg3[%add3A_210] : memref<320000xi32, #tpu.memory_space<hbm>> -> memref<80xi32, #tpu.memory_space<hbm>>
      %dma_start3A_213 = tpu.memref_slice %arg3[%add3A_210] : memref<320000xi32, #tpu.memory_space<hbm>> -> memref<80xi32, #tpu.memory_space<hbm>>
      tpu.enqueue_dma source(%dma_start3A_213 : memref<80xi32, #tpu.memory_space<hbm>>) target(%arg10 : memref<80xi32, #tpu.memory_space<vmem>>) target_semaphore(%arg17 : memref<!tpu.dma_semaphore, #tpu.memory_space<semaphore_mem>>)
      %dma_start3A_214 = tpu.memref_slice %arg4[%add3A_210] : memref<320000xi32, #tpu.memory_space<hbm>> -> memref<80xi32, #tpu.memory_space<hbm>>
      %dma_start3A_215 = tpu.memref_slice %arg4[%add3A_210] : memref<320000xi32, #tpu.memory_space<hbm>> -> memref<80xi32, #tpu.memory_space<hbm>>
      tpu.enqueue_dma source(%dma_start3A_215 : memref<80xi32, #tpu.memory_space<hbm>>) target(%arg11 : memref<80xi32, #tpu.memory_space<vmem>>) target_semaphore(%arg18 : memref<!tpu.dma_semaphore, #tpu.memory_space<semaphore_mem>>)
      %dma_wait3A = tpu.memref_slice %arg2[%add3A_210] : memref<320000xi32, #tpu.memory_space<hbm>> -> memref<80xi32, #tpu.memory_space<hbm>>
      %dma_wait3A_216 = tpu.memref_slice %arg2[%add3A_210] : memref<320000xi32, #tpu.memory_space<hbm>> -> memref<80xi32, #tpu.memory_space<hbm>>
      tpu.wait_dma2 semaphore(%arg16 : memref<!tpu.dma_semaphore, #tpu.memory_space<semaphore_mem>>) src(%dma_wait3A_216 : memref<80xi32, #tpu.memory_space<hbm>>) dst(%arg9 : memref<80xi32, #tpu.memory_space<vmem>>)
      %dma_wait3A_217 = tpu.memref_slice %arg3[%add3A_210] : memref<320000xi32, #tpu.memory_space<hbm>> -> memref<80xi32, #tpu.memory_space<hbm>>
      %dma_wait3A_218 = tpu.memref_slice %arg3[%add3A_210] : memref<320000xi32, #tpu.memory_space<hbm>> -> memref<80xi32, #tpu.memory_space<hbm>>
      tpu.wait_dma2 semaphore(%arg17 : memref<!tpu.dma_semaphore, #tpu.memory_space<semaphore_mem>>) src(%dma_wait3A_218 : memref<80xi32, #tpu.memory_space<hbm>>) dst(%arg10 : memref<80xi32, #tpu.memory_space<vmem>>)
      %dma_wait3A_219 = tpu.memref_slice %arg4[%add3A_210] : memref<320000xi32, #tpu.memory_space<hbm>> -> memref<80xi32, #tpu.memory_space<hbm>>
      %dma_wait3A_220 = tpu.memref_slice %arg4[%add3A_210] : memref<320000xi32, #tpu.memory_space<hbm>> -> memref<80xi32, #tpu.memory_space<hbm>>
      tpu.wait_dma2 semaphore(%arg18 : memref<!tpu.dma_semaphore, #tpu.memory_space<semaphore_mem>>) src(%dma_wait3A_220 : memref<80xi32, #tpu.memory_space<hbm>>) dst(%arg11 : memref<80xi32, #tpu.memory_space<vmem>>)
      %dma_start3A_221 = arith.constant 0 : i32
      %dma_start3A_222 = arith.constant 0 : i32
      %dma_start3A_223 = tpu.memref_slice %arg5[%dma_start3A_221, %dma_start3A_222] : memref<10000x128xf32, #tpu.memory_space<hbm>> -> memref<10000x128xf32, #tpu.memory_space<hbm>>
      tpu.enqueue_indirect_dma source(%dma_start3A_223 : memref<10000x128xf32, #tpu.memory_space<hbm>>) target(%arg13 : memref<80x128xf32, #tpu.memory_space<vmem>>) offsets(%arg10 : memref<80xi32, #tpu.memory_space<vmem>>) semaphore(%arg16 : memref<!tpu.dma_semaphore, #tpu.memory_space<semaphore_mem>>)
      %dma_start3A_224 = arith.constant 0 : i32
      %dma_start3A_225 = arith.constant 0 : i32
      %dma_start3A_226 = tpu.memref_slice %arg20[%dma_start3A_224, %dma_start3A_225] : memref<480x128xf32, #tpu.memory_space<vmem_shared>> -> memref<480x128xf32, #tpu.memory_space<vmem_shared>>
      tpu.enqueue_indirect_dma source(%dma_start3A_226 : memref<480x128xf32, #tpu.memory_space<vmem_shared>>) target(%arg14 : memref<80x128xf32, #tpu.memory_space<vmem>>) offsets(%arg11 : memref<80xi32, #tpu.memory_space<vmem>>) semaphore(%arg17 : memref<!tpu.dma_semaphore, #tpu.memory_space<semaphore_mem>>)
      %mul3A_227 = arith.constant 10000 : i32
      %mul3A_228 = arith.muli %arg0, %mul3A_227 : i32
      %get3A = arith.constant 0 : index
      %get3A_229 = tpu.vector_load %arg10[%get3A] {strides = array<i32>} : memref<80xi32, #tpu.memory_space<vmem>>, vector<16xi32>,
      %get3A_230 = vector.shape_cast %get3A_229 : vector<16xi32> to vector<16xi32>
      %add3A_231 = vector.broadcast %mul3A_228 : i32 to vector<16xi32>
      %add3A_232 = arith.addi %get3A_230, %add3A_231 : vector<16xi32>
      %swap3A = arith.constant 0 : index
      %swap3A_233 = tpu.vector_load %arg10[%swap3A] {strides = array<i32>} : memref<80xi32, #tpu.memory_space<vmem>>, vector<16xi32>,
      %swap3A_234 = vector.shape_cast %swap3A_233 : vector<16xi32> to vector<16xi32>
      %swap3A_235 = vector.shape_cast %add3A_232 : vector<16xi32> to vector<16xi32>
      tpu.vector_store %arg10[%swap3A], %swap3A_235 {strides = array<i32>} : memref<80xi32, #tpu.memory_space<vmem>>, vector<16xi32>,
      %get3A_236 = arith.constant 16 : index
      %get3A_237 = tpu.vector_load %arg10[%get3A_236] {strides = array<i32>} : memref<80xi32, #tpu.memory_space<vmem>>, vector<16xi32>,
      %get3A_238 = vector.shape_cast %get3A_237 : vector<16xi32> to vector<16xi32>
      %add3A_239 = vector.broadcast %mul3A_228 : i32 to vector<16xi32>
      %add3A_240 = arith.addi %get3A_238, %add3A_239 : vector<16xi32>
      %swap3A_241 = arith.constant 16 : index
      %swap3A_242 = tpu.vector_load %arg10[%swap3A_241] {strides = array<i32>} : memref<80xi32, #tpu.memory_space<vmem>>, vector<16xi32>,
      %swap3A_243 = vector.shape_cast %swap3A_242 : vector<16xi32> to vector<16xi32>
      %swap3A_244 = vector.shape_cast %add3A_240 : vector<16xi32> to vector<16xi32>
      tpu.vector_store %arg10[%swap3A_241], %swap3A_244 {strides = array<i32>} : memref<80xi32, #tpu.memory_space<vmem>>, vector<16xi32>,
      %get3A_245 = arith.constant 32 : index
      %get3A_246 = tpu.vector_load %arg10[%get3A_245] {strides = array<i32>} : memref<80xi32, #tpu.memory_space<vmem>>, vector<16xi32>,
      %get3A_247 = vector.shape_cast %get3A_246 : vector<16xi32> to vector<16xi32>
      %add3A_248 = vector.broadcast %mul3A_228 : i32 to vector<16xi32>
      %add3A_249 = arith.addi %get3A_247, %add3A_248 : vector<16xi32>
      %swap3A_250 = arith.constant 32 : index
      %swap3A_251 = tpu.vector_load %arg10[%swap3A_250] {strides = array<i32>} : memref<80xi32, #tpu.memory_space<vmem>>, vector<16xi32>,
      %swap3A_252 = vector.shape_cast %swap3A_251 : vector<16xi32> to vector<16xi32>
      %swap3A_253 = vector.shape_cast %add3A_249 : vector<16xi32> to vector<16xi32>
      tpu.vector_store %arg10[%swap3A_250], %swap3A_253 {strides = array<i32>} : memref<80xi32, #tpu.memory_space<vmem>>, vector<16xi32>,
      %get3A_254 = arith.constant 48 : index
      %get3A_255 = tpu.vector_load %arg10[%get3A_254] {strides = array<i32>} : memref<80xi32, #tpu.memory_space<vmem>>, vector<16xi32>,
      %get3A_256 = vector.shape_cast %get3A_255 : vector<16xi32> to vector<16xi32>
      %add3A_257 = vector.broadcast %mul3A_228 : i32 to vector<16xi32>
      %add3A_258 = arith.addi %get3A_256, %add3A_257 : vector<16xi32>
      %swap3A_259 = arith.constant 48 : index
      %swap3A_260 = tpu.vector_load %arg10[%swap3A_259] {strides = array<i32>} : memref<80xi32, #tpu.memory_space<vmem>>, vector<16xi32>,
      %swap3A_261 = vector.shape_cast %swap3A_260 : vector<16xi32> to vector<16xi32>
      %swap3A_262 = vector.shape_cast %add3A_258 : vector<16xi32> to vector<16xi32>
      tpu.vector_store %arg10[%swap3A_259], %swap3A_262 {strides = array<i32>} : memref<80xi32, #tpu.memory_space<vmem>>, vector<16xi32>,
      %get3A_263 = arith.constant 64 : index
      %get3A_264 = tpu.vector_load %arg10[%get3A_263] {strides = array<i32>} : memref<80xi32, #tpu.memory_space<vmem>>, vector<16xi32>,
      %get3A_265 = vector.shape_cast %get3A_264 : vector<16xi32> to vector<16xi32>
      %add3A_266 = vector.broadcast %mul3A_228 : i32 to vector<16xi32>
      %add3A_267 = arith.addi %get3A_265, %add3A_266 : vector<16xi32>
      %swap3A_268 = arith.constant 64 : index
      %swap3A_269 = tpu.vector_load %arg10[%swap3A_268] {strides = array<i32>} : memref<80xi32, #tpu.memory_space<vmem>>, vector<16xi32>,
      %swap3A_270 = vector.shape_cast %swap3A_269 : vector<16xi32> to vector<16xi32>
      %swap3A_271 = vector.shape_cast %add3A_267 : vector<16xi32> to vector<16xi32>
      tpu.vector_store %arg10[%swap3A_268], %swap3A_271 {strides = array<i32>} : memref<80xi32, #tpu.memory_space<vmem>>, vector<16xi32>,
      %dma_start3A_272 = arith.constant 0 : i32
      %dma_start3A_273 = arith.constant 0 : i32
      %dma_start3A_274 = tpu.memref_slice %arg8[%dma_start3A_272, %dma_start3A_273] : memref<20000x128xf32, #tpu.memory_space<hbm>> -> memref<20000x128xf32, #tpu.memory_space<hbm>>
      tpu.enqueue_indirect_dma source(%dma_start3A_274 : memref<20000x128xf32, #tpu.memory_space<hbm>>) target(%arg12 : memref<80x128xf32, #tpu.memory_space<vmem>>) offsets(%arg10 : memref<80xi32, #tpu.memory_space<vmem>>) semaphore(%arg18 : memref<!tpu.dma_semaphore, #tpu.memory_space<semaphore_mem>>)
      %dma_wait3A_275 = arith.constant 0 : i32
      %dma_wait3A_276 = arith.constant 0 : i32
      %dma_wait3A_277 = tpu.memref_slice %arg5[%dma_wait3A_275, %dma_wait3A_276] : memref<10000x128xf32, #tpu.memory_space<hbm>> -> memref<10000x128xf32, #tpu.memory_space<hbm>>
      tpu.wait_indirect_dma semaphore(%arg16 : memref<!tpu.dma_semaphore, #tpu.memory_space<semaphore_mem>>) src(%dma_wait3A_277 : memref<10000x128xf32, #tpu.memory_space<hbm>>) dst(%arg13 : memref<80x128xf32, #tpu.memory_space<vmem>>)
      %dma_wait3A_278 = arith.constant 0 : i32
      %dma_wait3A_279 = arith.constant 0 : i32
      %dma_wait3A_280 = tpu.memref_slice %arg20[%dma_wait3A_278, %dma_wait3A_279] : memref<480x128xf32, #tpu.memory_space<vmem_shared>> -> memref<480x128xf32, #tpu.memory_space<vmem_shared>>
      tpu.wait_indirect_dma semaphore(%arg17 : memref<!tpu.dma_semaphore, #tpu.memory_space<semaphore_mem>>) src(%dma_wait3A_280 : memref<480x128xf32, #tpu.memory_space<vmem_shared>>) dst(%arg14 : memref<80x128xf32, #tpu.memory_space<vmem>>)
      %dma_wait3A_281 = arith.constant 0 : i32
      %dma_wait3A_282 = arith.constant 0 : i32
      %dma_wait3A_283 = tpu.memref_slice %arg8[%dma_wait3A_281, %dma_wait3A_282] : memref<20000x128xf32, #tpu.memory_space<hbm>> -> memref<20000x128xf32, #tpu.memory_space<hbm>>
      tpu.wait_indirect_dma semaphore(%arg18 : memref<!tpu.dma_semaphore, #tpu.memory_space<semaphore_mem>>) src(%dma_wait3A_283 : memref<20000x128xf32, #tpu.memory_space<hbm>>) dst(%arg12 : memref<80x128xf32, #tpu.memory_space<vmem>>)
      %scan3A_284 = arith.constant 0 : i32
      %scan3A_285 = arith.constant 0 : i32
      %scan3A_286 = arith.constant 80 : i32
      %scan3A_287 = arith.addi %scan3A_285, %scan3A_286 : i32
      %scan3A_288 = arith.constant 1 : i32
      %scan3A_289 = scf.for %scan3A_292 = %scan3A_285 to %scan3A_287 step %scan3A_288 iter_args(%scan3A_293 = %scan3A_284) -> (i32)  : i32 {
        %get3A_294 = arith.index_cast %scan3A_292 : i32 to index
        %get3A_295 = arith.constant 0 : index
        %get3A_296 = tpu.vector_load %arg12[%get3A_294, %get3A_295] {strides = array<i32>} : memref<80x128xf32, #tpu.memory_space<vmem>>, vector<1x16xf32>,
        %get3A_297 = vector.shape_cast %get3A_296 : vector<1x16xf32> to vector<16xf32>
        %get3A_298 = arith.index_cast %scan3A_292 : i32 to index
        %get3A_299 = arith.constant 0 : index
        %get3A_300 = tpu.vector_load %arg13[%get3A_298, %get3A_299] {strides = array<i32>} : memref<80x128xf32, #tpu.memory_space<vmem>>, vector<1x16xf32>,
        %get3A_301 = vector.shape_cast %get3A_300 : vector<1x16xf32> to vector<16xf32>
        %get3A_302 = arith.index_cast %scan3A_292 : i32 to index
        %get3A_303 = arith.constant 0 : index
        %get3A_304 = tpu.vector_load %arg14[%get3A_302, %get3A_303] {strides = array<i32>} : memref<80x128xf32, #tpu.memory_space<vmem>>, vector<1x16xf32>,
        %get3A_305 = vector.shape_cast %get3A_304 : vector<1x16xf32> to vector<16xf32>
        %sub3A = arith.subf %get3A_301, %get3A_305 : vector<16xf32>
        %mul3A_306 = arith.mulf %get3A_297, %sub3A : vector<16xf32>
        %swap3A_307 = arith.index_cast %scan3A_292 : i32 to index
        %swap3A_308 = arith.constant 0 : index
        %swap3A_309 = tpu.vector_load %arg15[%swap3A_307, %swap3A_308] {strides = array<i32>} : memref<80x128xf32, #tpu.memory_space<vmem>>, vector<1x16xf32>,
        %swap3A_310 = vector.shape_cast %swap3A_309 : vector<1x16xf32> to vector<16xf32>
        %swap3A_311 = vector.shape_cast %mul3A_306 : vector<16xf32> to vector<1x16xf32>
        tpu.vector_store %arg15[%swap3A_307, %swap3A_308], %swap3A_311 {strides = array<i32>} : memref<80x128xf32, #tpu.memory_space<vmem>>, vector<1x16xf32>,
        %get3A_312 = arith.index_cast %scan3A_292 : i32 to index
        %get3A_313 = arith.constant 16 : index
        %get3A_314 = tpu.vector_load %arg13[%get3A_312, %get3A_313] {strides = array<i32>} : memref<80x128xf32, #tpu.memory_space<vmem>>, vector<1x16xf32>,
        %get3A_315 = vector.shape_cast %get3A_314 : vector<1x16xf32> to vector<16xf32>
        %get3A_316 = arith.index_cast %scan3A_292 : i32 to index
        %get3A_317 = arith.constant 16 : index
        %get3A_318 = tpu.vector_load %arg14[%get3A_316, %get3A_317] {strides = array<i32>} : memref<80x128xf32, #tpu.memory_space<vmem>>, vector<1x16xf32>,
        %get3A_319 = vector.shape_cast %get3A_318 : vector<1x16xf32> to vector<16xf32>
        %sub3A_320 = arith.subf %get3A_315, %get3A_319 : vector<16xf32>
        %mul3A_321 = arith.mulf %get3A_297, %sub3A_320 : vector<16xf32>
        %swap3A_322 = arith.index_cast %scan3A_292 : i32 to index
        %swap3A_323 = arith.constant 16 : index
        %swap3A_324 = tpu.vector_load %arg15[%swap3A_322, %swap3A_323] {strides = array<i32>} : memref<80x128xf32, #tpu.memory_space<vmem>>, vector<1x16xf32>,
        %swap3A_325 = vector.shape_cast %swap3A_324 : vector<1x16xf32> to vector<16xf32>
        %swap3A_326 = vector.shape_cast %mul3A_321 : vector<16xf32> to vector<1x16xf32>
        tpu.vector_store %arg15[%swap3A_322, %swap3A_323], %swap3A_326 {strides = array<i32>} : memref<80x128xf32, #tpu.memory_space<vmem>>, vector<1x16xf32>,
        %get3A_327 = arith.index_cast %scan3A_292 : i32 to index
        %get3A_328 = arith.constant 32 : index
        %get3A_329 = tpu.vector_load %arg13[%get3A_327, %get3A_328] {strides = array<i32>} : memref<80x128xf32, #tpu.memory_space<vmem>>, vector<1x16xf32>,
        %get3A_330 = vector.shape_cast %get3A_329 : vector<1x16xf32> to vector<16xf32>
        %get3A_331 = arith.index_cast %scan3A_292 : i32 to index
        %get3A_332 = arith.constant 32 : index
        %get3A_333 = tpu.vector_load %arg14[%get3A_331, %get3A_332] {strides = array<i32>} : memref<80x128xf32, #tpu.memory_space<vmem>>, vector<1x16xf32>,
        %get3A_334 = vector.shape_cast %get3A_333 : vector<1x16xf32> to vector<16xf32>
        %sub3A_335 = arith.subf %get3A_330, %get3A_334 : vector<16xf32>
        %mul3A_336 = arith.mulf %get3A_297, %sub3A_335 : vector<16xf32>
        %swap3A_337 = arith.index_cast %scan3A_292 : i32 to index
        %swap3A_338 = arith.constant 32 : index
        %swap3A_339 = tpu.vector_load %arg15[%swap3A_337, %swap3A_338] {strides = array<i32>} : memref<80x128xf32, #tpu.memory_space<vmem>>, vector<1x16xf32>,
        %swap3A_340 = vector.shape_cast %swap3A_339 : vector<1x16xf32> to vector<16xf32>
        %swap3A_341 = vector.shape_cast %mul3A_336 : vector<16xf32> to vector<1x16xf32>
        tpu.vector_store %arg15[%swap3A_337, %swap3A_338], %swap3A_341 {strides = array<i32>} : memref<80x128xf32, #tpu.memory_space<vmem>>, vector<1x16xf32>,
        %get3A_342 = arith.index_cast %scan3A_292 : i32 to index
        %get3A_343 = arith.constant 48 : index
        %get3A_344 = tpu.vector_load %arg13[%get3A_342, %get3A_343] {strides = array<i32>} : memref<80x128xf32, #tpu.memory_space<vmem>>, vector<1x16xf32>,
        %get3A_345 = vector.shape_cast %get3A_344 : vector<1x16xf32> to vector<16xf32>
        %get3A_346 = arith.index_cast %scan3A_292 : i32 to index
        %get3A_347 = arith.constant 48 : index
        %get3A_348 = tpu.vector_load %arg14[%get3A_346, %get3A_347] {strides = array<i32>} : memref<80x128xf32, #tpu.memory_space<vmem>>, vector<1x16xf32>,
        %get3A_349 = vector.shape_cast %get3A_348 : vector<1x16xf32> to vector<16xf32>
        %sub3A_350 = arith.subf %get3A_345, %get3A_349 : vector<16xf32>
        %mul3A_351 = arith.mulf %get3A_297, %sub3A_350 : vector<16xf32>
        %swap3A_352 = arith.index_cast %scan3A_292 : i32 to index
        %swap3A_353 = arith.constant 48 : index
        %swap3A_354 = tpu.vector_load %arg15[%swap3A_352, %swap3A_353] {strides = array<i32>} : memref<80x128xf32, #tpu.memory_space<vmem>>, vector<1x16xf32>,
        %swap3A_355 = vector.shape_cast %swap3A_354 : vector<1x16xf32> to vector<16xf32>
        %swap3A_356 = vector.shape_cast %mul3A_351 : vector<16xf32> to vector<1x16xf32>
        tpu.vector_store %arg15[%swap3A_352, %swap3A_353], %swap3A_356 {strides = array<i32>} : memref<80x128xf32, #tpu.memory_space<vmem>>, vector<1x16xf32>,
        %get3A_357 = arith.index_cast %scan3A_292 : i32 to index
        %get3A_358 = arith.constant 64 : index
        %get3A_359 = tpu.vector_load %arg13[%get3A_357, %get3A_358] {strides = array<i32>} : memref<80x128xf32, #tpu.memory_space<vmem>>, vector<1x16xf32>,
        %get3A_360 = vector.shape_cast %get3A_359 : vector<1x16xf32> to vector<16xf32>
        %get3A_361 = arith.index_cast %scan3A_292 : i32 to index
        %get3A_362 = arith.constant 64 : index
        %get3A_363 = tpu.vector_load %arg14[%get3A_361, %get3A_362] {strides = array<i32>} : memref<80x128xf32, #tpu.memory_space<vmem>>, vector<1x16xf32>,
        %get3A_364 = vector.shape_cast %get3A_363 : vector<1x16xf32> to vector<16xf32>
        %sub3A_365 = arith.subf %get3A_360, %get3A_364 : vector<16xf32>
        %mul3A_366 = arith.mulf %get3A_297, %sub3A_365 : vector<16xf32>
        %swap3A_367 = arith.index_cast %scan3A_292 : i32 to index
        %swap3A_368 = arith.constant 64 : index
        %swap3A_369 = tpu.vector_load %arg15[%swap3A_367, %swap3A_368] {strides = array<i32>} : memref<80x128xf32, #tpu.memory_space<vmem>>, vector<1x16xf32>,
        %swap3A_370 = vector.shape_cast %swap3A_369 : vector<1x16xf32> to vector<16xf32>
        %swap3A_371 = vector.shape_cast %mul3A_366 : vector<16xf32> to vector<1x16xf32>
        tpu.vector_store %arg15[%swap3A_367, %swap3A_368], %swap3A_371 {strides = array<i32>} : memref<80x128xf32, #tpu.memory_space<vmem>>, vector<1x16xf32>,
        %get3A_372 = arith.index_cast %scan3A_292 : i32 to index
        %get3A_373 = arith.constant 80 : index
        %get3A_374 = tpu.vector_load %arg13[%get3A_372, %get3A_373] {strides = array<i32>} : memref<80x128xf32, #tpu.memory_space<vmem>>, vector<1x16xf32>,
        %get3A_375 = vector.shape_cast %get3A_374 : vector<1x16xf32> to vector<16xf32>
        %get3A_376 = arith.index_cast %scan3A_292 : i32 to index
        %get3A_377 = arith.constant 80 : index
        %get3A_378 = tpu.vector_load %arg14[%get3A_376, %get3A_377] {strides = array<i32>} : memref<80x128xf32, #tpu.memory_space<vmem>>, vector<1x16xf32>,
        %get3A_379 = vector.shape_cast %get3A_378 : vector<1x16xf32> to vector<16xf32>
        %sub3A_380 = arith.subf %get3A_375, %get3A_379 : vector<16xf32>
        %mul3A_381 = arith.mulf %get3A_297, %sub3A_380 : vector<16xf32>
        %swap3A_382 = arith.index_cast %scan3A_292 : i32 to index
        %swap3A_383 = arith.constant 80 : index
        %swap3A_384 = tpu.vector_load %arg15[%swap3A_382, %swap3A_383] {strides = array<i32>} : memref<80x128xf32, #tpu.memory_space<vmem>>, vector<1x16xf32>,
        %swap3A_385 = vector.shape_cast %swap3A_384 : vector<1x16xf32> to vector<16xf32>
        %swap3A_386 = vector.shape_cast %mul3A_381 : vector<16xf32> to vector<1x16xf32>
        tpu.vector_store %arg15[%swap3A_382, %swap3A_383], %swap3A_386 {strides = array<i32>} : memref<80x128xf32, #tpu.memory_space<vmem>>, vector<1x16xf32>,
        %get3A_387 = arith.index_cast %scan3A_292 : i32 to index
        %get3A_388 = arith.constant 96 : index
        %get3A_389 = tpu.vector_load %arg13[%get3A_387, %get3A_388] {strides = array<i32>} : memref<80x128xf32, #tpu.memory_space<vmem>>, vector<1x16xf32>,
        %get3A_390 = vector.shape_cast %get3A_389 : vector<1x16xf32> to vector<16xf32>
        %get3A_391 = arith.index_cast %scan3A_292 : i32 to index
        %get3A_392 = arith.constant 96 : index
        %get3A_393 = tpu.vector_load %arg14[%get3A_391, %get3A_392] {strides = array<i32>} : memref<80x128xf32, #tpu.memory_space<vmem>>, vector<1x16xf32>,
        %get3A_394 = vector.shape_cast %get3A_393 : vector<1x16xf32> to vector<16xf32>
        %sub3A_395 = arith.subf %get3A_390, %get3A_394 : vector<16xf32>
        %mul3A_396 = arith.mulf %get3A_297, %sub3A_395 : vector<16xf32>
        %swap3A_397 = arith.index_cast %scan3A_292 : i32 to index
        %swap3A_398 = arith.constant 96 : index
        %swap3A_399 = tpu.vector_load %arg15[%swap3A_397, %swap3A_398] {strides = array<i32>} : memref<80x128xf32, #tpu.memory_space<vmem>>, vector<1x16xf32>,
        %swap3A_400 = vector.shape_cast %swap3A_399 : vector<1x16xf32> to vector<16xf32>
        %swap3A_401 = vector.shape_cast %mul3A_396 : vector<16xf32> to vector<1x16xf32>
        tpu.vector_store %arg15[%swap3A_397, %swap3A_398], %swap3A_401 {strides = array<i32>} : memref<80x128xf32, #tpu.memory_space<vmem>>, vector<1x16xf32>,
        %get3A_402 = arith.index_cast %scan3A_292 : i32 to index
        %get3A_403 = arith.constant 112 : index
        %get3A_404 = tpu.vector_load %arg13[%get3A_402, %get3A_403] {strides = array<i32>} : memref<80x128xf32, #tpu.memory_space<vmem>>, vector<1x16xf32>,
        %get3A_405 = vector.shape_cast %get3A_404 : vector<1x16xf32> to vector<16xf32>
        %get3A_406 = arith.index_cast %scan3A_292 : i32 to index
        %get3A_407 = arith.constant 112 : index
        %get3A_408 = tpu.vector_load %arg14[%get3A_406, %get3A_407] {strides = array<i32>} : memref<80x128xf32, #tpu.memory_space<vmem>>, vector<1x16xf32>,
        %get3A_409 = vector.shape_cast %get3A_408 : vector<1x16xf32> to vector<16xf32>
        %sub3A_410 = arith.subf %get3A_405, %get3A_409 : vector<16xf32>
        %mul3A_411 = arith.mulf %get3A_297, %sub3A_410 : vector<16xf32>
        %swap3A_412 = arith.index_cast %scan3A_292 : i32 to index
        %swap3A_413 = arith.constant 112 : index
        %swap3A_414 = tpu.vector_load %arg15[%swap3A_412, %swap3A_413] {strides = array<i32>} : memref<80x128xf32, #tpu.memory_space<vmem>>, vector<1x16xf32>,
        %swap3A_415 = vector.shape_cast %swap3A_414 : vector<1x16xf32> to vector<16xf32>
        %swap3A_416 = vector.shape_cast %mul3A_411 : vector<16xf32> to vector<1x16xf32>
        tpu.vector_store %arg15[%swap3A_412, %swap3A_413], %swap3A_416 {strides = array<i32>} : memref<80x128xf32, #tpu.memory_space<vmem>>, vector<1x16xf32>,
        %scan3A_417 = arith.constant 0 : i32
        scf.yield %scan3A_417 : i32
      }
      %scan3A_290 = arith.constant 80 : i32
      "tpu.region"() ({
        %run_scoped3A = tpu.sem_alloc : memref<!tpu.dma_semaphore, #tpu.memory_space<semaphore_mem>>
        %dma_start3A_292 = arith.constant 0 : i32
        %dma_start3A_293 = arith.constant 0 : i32
        %dma_start3A_294 = tpu.memref_slice %arg19[%dma_start3A_292, %dma_start3A_293] : memref<10000x128xf32, #tpu.memory_space<vmem_shared>> -> memref<10000x128xf32, #tpu.memory_space<vmem_shared>>
        tpu.enqueue_indirect_dma source(%arg15 : memref<80x128xf32, #tpu.memory_space<vmem>>) target(%dma_start3A_294 : memref<10000x128xf32, #tpu.memory_space<vmem_shared>>) offsets(%arg9 : memref<80xi32, #tpu.memory_space<vmem>>) semaphore(%run_scoped3A : memref<!tpu.dma_semaphore, #tpu.memory_space<semaphore_mem>>) {add = true}
        %dma_wait3A_295 = arith.constant 0 : i32
        %dma_wait3A_296 = arith.constant 0 : i32
        %dma_wait3A_297 = tpu.memref_slice %arg19[%dma_wait3A_295, %dma_wait3A_296] : memref<10000x128xf32, #tpu.memory_space<vmem_shared>> -> memref<10000x128xf32, #tpu.memory_space<vmem_shared>>
        tpu.wait_indirect_dma semaphore(%run_scoped3A : memref<!tpu.dma_semaphore, #tpu.memory_space<semaphore_mem>>) src(%arg15 : memref<80x128xf32, #tpu.memory_space<vmem>>) dst(%dma_wait3A_297 : memref<10000x128xf32, #tpu.memory_space<vmem_shared>>)
        tpu.yield
      }) : () -> ()
      %scan3A_291 = arith.constant 0 : i32
      scf.yield %scan3A_291 : i32
    }
    %scan3A_143 = arith.constant 125 : i32
    %barrier3A_144 = arith.constant 0 : index
    tpu.barrier barrier_id(%barrier3A_144)
    %add3A_145 = arith.constant 0 : i32
    %add3A_146 = arith.addi %arg1, %add3A_145 : i32
    %lt3A_147 = arith.constant 125 : i32
    %lt3A_148 = arith.cmpi slt, %add3A_146, %lt3A_147 : i32
    %convert_element_type3A_149 = arith.extui %lt3A_148 : i1 to i32
    %cond3A_150 = arith.constant 0 : i32
    %cond3A_151 = arith.cmpi ne, %convert_element_type3A_149, %cond3A_150 : i32
    scf.if %cond3A_151 {
      %mul3A = arith.constant 80 : i32
      %mul3A_202 = arith.muli %add3A_146, %mul3A : i32
      %mul3A_203 = arith.constant 10000 : i32
      %mul3A_204 = arith.muli %arg0, %mul3A_203 : i32
      %add3A_205 = arith.addi %mul3A_204, %mul3A_202 : i32
      "tpu.region"() ({
        %run_scoped3A = tpu.sem_alloc : memref<!tpu.dma_semaphore, #tpu.memory_space<semaphore_mem>>
        %dma_start3A = arith.constant 0 : i32
        %dma_start3A_206 = tpu.memref_slice %arg7[%add3A_205, %dma_start3A] : memref<20000x128xf32, #tpu.memory_space<hbm>> -> memref<80x128xf32, #tpu.memory_space<hbm>>
        %dma_start3A_207 = arith.constant 0 : i32
        %dma_start3A_208 = tpu.memref_slice %arg19[%mul3A_202, %dma_start3A_207] : memref<10000x128xf32, #tpu.memory_space<vmem_shared>> -> memref<80x128xf32, #tpu.memory_space<vmem_shared>>
        tpu.enqueue_dma source(%dma_start3A_208 : memref<80x128xf32, #tpu.memory_space<vmem_shared>>) target(%dma_start3A_206 : memref<80x128xf32, #tpu.memory_space<hbm>>) target_semaphore(%run_scoped3A : memref<!tpu.dma_semaphore, #tpu.memory_space<semaphore_mem>>)
        %dma_wait3A = arith.constant 0 : i32
        %dma_wait3A_209 = tpu.memref_slice %arg7[%add3A_205, %dma_wait3A] : memref<20000x128xf32, #tpu.memory_space<hbm>> -> memref<80x128xf32, #tpu.memory_space<hbm>>
        %dma_wait3A_210 = arith.constant 0 : i32
        %dma_wait3A_211 = tpu.memref_slice %arg19[%mul3A_202, %dma_wait3A_210] : memref<10000x128xf32, #tpu.memory_space<vmem_shared>> -> memref<80x128xf32, #tpu.memory_space<vmem_shared>>
        tpu.wait_dma2 semaphore(%run_scoped3A : memref<!tpu.dma_semaphore, #tpu.memory_space<semaphore_mem>>) src(%dma_wait3A_211 : memref<80x128xf32, #tpu.memory_space<vmem_shared>>) dst(%dma_wait3A_209 : memref<80x128xf32, #tpu.memory_space<hbm>>)
        tpu.yield
      }) : () -> ()
    } else {
    }
    %add3A_152 = arith.constant 16 : i32
    %add3A_153 = arith.addi %arg1, %add3A_152 : i32
    %lt3A_154 = arith.constant 125 : i32
    %lt3A_155 = arith.cmpi slt, %add3A_153, %lt3A_154 : i32
    %convert_element_type3A_156 = arith.extui %lt3A_155 : i1 to i32
    %cond3A_157 = arith.constant 0 : i32
    %cond3A_158 = arith.cmpi ne, %convert_element_type3A_156, %cond3A_157 : i32
    scf.if %cond3A_158 {
      %mul3A = arith.constant 80 : i32
      %mul3A_202 = arith.muli %add3A_153, %mul3A : i32
      %mul3A_203 = arith.constant 10000 : i32
      %mul3A_204 = arith.muli %arg0, %mul3A_203 : i32
      %add3A_205 = arith.addi %mul3A_204, %mul3A_202 : i32
      "tpu.region"() ({
        %run_scoped3A = tpu.sem_alloc : memref<!tpu.dma_semaphore, #tpu.memory_space<semaphore_mem>>
        %dma_start3A = arith.constant 0 : i32
        %dma_start3A_206 = tpu.memref_slice %arg7[%add3A_205, %dma_start3A] : memref<20000x128xf32, #tpu.memory_space<hbm>> -> memref<80x128xf32, #tpu.memory_space<hbm>>
        %dma_start3A_207 = arith.constant 0 : i32
        %dma_start3A_208 = tpu.memref_slice %arg19[%mul3A_202, %dma_start3A_207] : memref<10000x128xf32, #tpu.memory_space<vmem_shared>> -> memref<80x128xf32, #tpu.memory_space<vmem_shared>>
        tpu.enqueue_dma source(%dma_start3A_208 : memref<80x128xf32, #tpu.memory_space<vmem_shared>>) target(%dma_start3A_206 : memref<80x128xf32, #tpu.memory_space<hbm>>) target_semaphore(%run_scoped3A : memref<!tpu.dma_semaphore, #tpu.memory_space<semaphore_mem>>)
        %dma_wait3A = arith.constant 0 : i32
        %dma_wait3A_209 = tpu.memref_slice %arg7[%add3A_205, %dma_wait3A] : memref<20000x128xf32, #tpu.memory_space<hbm>> -> memref<80x128xf32, #tpu.memory_space<hbm>>
        %dma_wait3A_210 = arith.constant 0 : i32
        %dma_wait3A_211 = tpu.memref_slice %arg19[%mul3A_202, %dma_wait3A_210] : memref<10000x128xf32, #tpu.memory_space<vmem_shared>> -> memref<80x128xf32, #tpu.memory_space<vmem_shared>>
        tpu.wait_dma2 semaphore(%run_scoped3A : memref<!tpu.dma_semaphore, #tpu.memory_space<semaphore_mem>>) src(%dma_wait3A_211 : memref<80x128xf32, #tpu.memory_space<vmem_shared>>) dst(%dma_wait3A_209 : memref<80x128xf32, #tpu.memory_space<hbm>>)
        tpu.yield
      }) : () -> ()
    } else {
    }
    %add3A_159 = arith.constant 32 : i32
    %add3A_160 = arith.addi %arg1, %add3A_159 : i32
    %lt3A_161 = arith.constant 125 : i32
    %lt3A_162 = arith.cmpi slt, %add3A_160, %lt3A_161 : i32
    %convert_element_type3A_163 = arith.extui %lt3A_162 : i1 to i32
    %cond3A_164 = arith.constant 0 : i32
    %cond3A_165 = arith.cmpi ne, %convert_element_type3A_163, %cond3A_164 : i32
    scf.if %cond3A_165 {
      %mul3A = arith.constant 80 : i32
      %mul3A_202 = arith.muli %add3A_160, %mul3A : i32
      %mul3A_203 = arith.constant 10000 : i32
      %mul3A_204 = arith.muli %arg0, %mul3A_203 : i32
      %add3A_205 = arith.addi %mul3A_204, %mul3A_202 : i32
      "tpu.region"() ({
        %run_scoped3A = tpu.sem_alloc : memref<!tpu.dma_semaphore, #tpu.memory_space<semaphore_mem>>
        %dma_start3A = arith.constant 0 : i32
        %dma_start3A_206 = tpu.memref_slice %arg7[%add3A_205, %dma_start3A] : memref<20000x128xf32, #tpu.memory_space<hbm>> -> memref<80x128xf32, #tpu.memory_space<hbm>>
        %dma_start3A_207 = arith.constant 0 : i32
        %dma_start3A_208 = tpu.memref_slice %arg19[%mul3A_202, %dma_start3A_207] : memref<10000x128xf32, #tpu.memory_space<vmem_shared>> -> memref<80x128xf32, #tpu.memory_space<vmem_shared>>
        tpu.enqueue_dma source(%dma_start3A_208 : memref<80x128xf32, #tpu.memory_space<vmem_shared>>) target(%dma_start3A_206 : memref<80x128xf32, #tpu.memory_space<hbm>>) target_semaphore(%run_scoped3A : memref<!tpu.dma_semaphore, #tpu.memory_space<semaphore_mem>>)
        %dma_wait3A = arith.constant 0 : i32
        %dma_wait3A_209 = tpu.memref_slice %arg7[%add3A_205, %dma_wait3A] : memref<20000x128xf32, #tpu.memory_space<hbm>> -> memref<80x128xf32, #tpu.memory_space<hbm>>
        %dma_wait3A_210 = arith.constant 0 : i32
        %dma_wait3A_211 = tpu.memref_slice %arg19[%mul3A_202, %dma_wait3A_210] : memref<10000x128xf32, #tpu.memory_space<vmem_shared>> -> memref<80x128xf32, #tpu.memory_space<vmem_shared>>
        tpu.wait_dma2 semaphore(%run_scoped3A : memref<!tpu.dma_semaphore, #tpu.memory_space<semaphore_mem>>) src(%dma_wait3A_211 : memref<80x128xf32, #tpu.memory_space<vmem_shared>>) dst(%dma_wait3A_209 : memref<80x128xf32, #tpu.memory_space<hbm>>)
        tpu.yield
      }) : () -> ()
    } else {
    }
    %add3A_166 = arith.constant 48 : i32
    %add3A_167 = arith.addi %arg1, %add3A_166 : i32
    %lt3A_168 = arith.constant 125 : i32
    %lt3A_169 = arith.cmpi slt, %add3A_167, %lt3A_168 : i32
    %convert_element_type3A_170 = arith.extui %lt3A_169 : i1 to i32
    %cond3A_171 = arith.constant 0 : i32
    %cond3A_172 = arith.cmpi ne, %convert_element_type3A_170, %cond3A_171 : i32
    scf.if %cond3A_172 {
      %mul3A = arith.constant 80 : i32
      %mul3A_202 = arith.muli %add3A_167, %mul3A : i32
      %mul3A_203 = arith.constant 10000 : i32
      %mul3A_204 = arith.muli %arg0, %mul3A_203 : i32
      %add3A_205 = arith.addi %mul3A_204, %mul3A_202 : i32
      "tpu.region"() ({
        %run_scoped3A = tpu.sem_alloc : memref<!tpu.dma_semaphore, #tpu.memory_space<semaphore_mem>>
        %dma_start3A = arith.constant 0 : i32
        %dma_start3A_206 = tpu.memref_slice %arg7[%add3A_205, %dma_start3A] : memref<20000x128xf32, #tpu.memory_space<hbm>> -> memref<80x128xf32, #tpu.memory_space<hbm>>
        %dma_start3A_207 = arith.constant 0 : i32
        %dma_start3A_208 = tpu.memref_slice %arg19[%mul3A_202, %dma_start3A_207] : memref<10000x128xf32, #tpu.memory_space<vmem_shared>> -> memref<80x128xf32, #tpu.memory_space<vmem_shared>>
        tpu.enqueue_dma source(%dma_start3A_208 : memref<80x128xf32, #tpu.memory_space<vmem_shared>>) target(%dma_start3A_206 : memref<80x128xf32, #tpu.memory_space<hbm>>) target_semaphore(%run_scoped3A : memref<!tpu.dma_semaphore, #tpu.memory_space<semaphore_mem>>)
        %dma_wait3A = arith.constant 0 : i32
        %dma_wait3A_209 = tpu.memref_slice %arg7[%add3A_205, %dma_wait3A] : memref<20000x128xf32, #tpu.memory_space<hbm>> -> memref<80x128xf32, #tpu.memory_space<hbm>>
        %dma_wait3A_210 = arith.constant 0 : i32
        %dma_wait3A_211 = tpu.memref_slice %arg19[%mul3A_202, %dma_wait3A_210] : memref<10000x128xf32, #tpu.memory_space<vmem_shared>> -> memref<80x128xf32, #tpu.memory_space<vmem_shared>>
        tpu.wait_dma2 semaphore(%run_scoped3A : memref<!tpu.dma_semaphore, #tpu.memory_space<semaphore_mem>>) src(%dma_wait3A_211 : memref<80x128xf32, #tpu.memory_space<vmem_shared>>) dst(%dma_wait3A_209 : memref<80x128xf32, #tpu.memory_space<hbm>>)
        tpu.yield
      }) : () -> ()
    } else {
    }
    %add3A_173 = arith.constant 64 : i32
    %add3A_174 = arith.addi %arg1, %add3A_173 : i32
    %lt3A_175 = arith.constant 125 : i32
    %lt3A_176 = arith.cmpi slt, %add3A_174, %lt3A_175 : i32
    %convert_element_type3A_177 = arith.extui %lt3A_176 : i1 to i32
    %cond3A_178 = arith.constant 0 : i32
    %cond3A_179 = arith.cmpi ne, %convert_element_type3A_177, %cond3A_178 : i32
    scf.if %cond3A_179 {
      %mul3A = arith.constant 80 : i32
      %mul3A_202 = arith.muli %add3A_174, %mul3A : i32
      %mul3A_203 = arith.constant 10000 : i32
      %mul3A_204 = arith.muli %arg0, %mul3A_203 : i32
      %add3A_205 = arith.addi %mul3A_204, %mul3A_202 : i32
      "tpu.region"() ({
        %run_scoped3A = tpu.sem_alloc : memref<!tpu.dma_semaphore, #tpu.memory_space<semaphore_mem>>
        %dma_start3A = arith.constant 0 : i32
        %dma_start3A_206 = tpu.memref_slice %arg7[%add3A_205, %dma_start3A] : memref<20000x128xf32, #tpu.memory_space<hbm>> -> memref<80x128xf32, #tpu.memory_space<hbm>>
        %dma_start3A_207 = arith.constant 0 : i32
        %dma_start3A_208 = tpu.memref_slice %arg19[%mul3A_202, %dma_start3A_207] : memref<10000x128xf32, #tpu.memory_space<vmem_shared>> -> memref<80x128xf32, #tpu.memory_space<vmem_shared>>
        tpu.enqueue_dma source(%dma_start3A_208 : memref<80x128xf32, #tpu.memory_space<vmem_shared>>) target(%dma_start3A_206 : memref<80x128xf32, #tpu.memory_space<hbm>>) target_semaphore(%run_scoped3A : memref<!tpu.dma_semaphore, #tpu.memory_space<semaphore_mem>>)
        %dma_wait3A = arith.constant 0 : i32
        %dma_wait3A_209 = tpu.memref_slice %arg7[%add3A_205, %dma_wait3A] : memref<20000x128xf32, #tpu.memory_space<hbm>> -> memref<80x128xf32, #tpu.memory_space<hbm>>
        %dma_wait3A_210 = arith.constant 0 : i32
        %dma_wait3A_211 = tpu.memref_slice %arg19[%mul3A_202, %dma_wait3A_210] : memref<10000x128xf32, #tpu.memory_space<vmem_shared>> -> memref<80x128xf32, #tpu.memory_space<vmem_shared>>
        tpu.wait_dma2 semaphore(%run_scoped3A : memref<!tpu.dma_semaphore, #tpu.memory_space<semaphore_mem>>) src(%dma_wait3A_211 : memref<80x128xf32, #tpu.memory_space<vmem_shared>>) dst(%dma_wait3A_209 : memref<80x128xf32, #tpu.memory_space<hbm>>)
        tpu.yield
      }) : () -> ()
    } else {
    }
    %add3A_180 = arith.constant 80 : i32
    %add3A_181 = arith.addi %arg1, %add3A_180 : i32
    %lt3A_182 = arith.constant 125 : i32
    %lt3A_183 = arith.cmpi slt, %add3A_181, %lt3A_182 : i32
    %convert_element_type3A_184 = arith.extui %lt3A_183 : i1 to i32
    %cond3A_185 = arith.constant 0 : i32
    %cond3A_186 = arith.cmpi ne, %convert_element_type3A_184, %cond3A_185 : i32
    scf.if %cond3A_186 {
      %mul3A = arith.constant 80 : i32
      %mul3A_202 = arith.muli %add3A_181, %mul3A : i32
      %mul3A_203 = arith.constant 10000 : i32
      %mul3A_204 = arith.muli %arg0, %mul3A_203 : i32
      %add3A_205 = arith.addi %mul3A_204, %mul3A_202 : i32
      "tpu.region"() ({
        %run_scoped3A = tpu.sem_alloc : memref<!tpu.dma_semaphore, #tpu.memory_space<semaphore_mem>>
        %dma_start3A = arith.constant 0 : i32
        %dma_start3A_206 = tpu.memref_slice %arg7[%add3A_205, %dma_start3A] : memref<20000x128xf32, #tpu.memory_space<hbm>> -> memref<80x128xf32, #tpu.memory_space<hbm>>
        %dma_start3A_207 = arith.constant 0 : i32
        %dma_start3A_208 = tpu.memref_slice %arg19[%mul3A_202, %dma_start3A_207] : memref<10000x128xf32, #tpu.memory_space<vmem_shared>> -> memref<80x128xf32, #tpu.memory_space<vmem_shared>>
        tpu.enqueue_dma source(%dma_start3A_208 : memref<80x128xf32, #tpu.memory_space<vmem_shared>>) target(%dma_start3A_206 : memref<80x128xf32, #tpu.memory_space<hbm>>) target_semaphore(%run_scoped3A : memref<!tpu.dma_semaphore, #tpu.memory_space<semaphore_mem>>)
        %dma_wait3A = arith.constant 0 : i32
        %dma_wait3A_209 = tpu.memref_slice %arg7[%add3A_205, %dma_wait3A] : memref<20000x128xf32, #tpu.memory_space<hbm>> -> memref<80x128xf32, #tpu.memory_space<hbm>>
        %dma_wait3A_210 = arith.constant 0 : i32
        %dma_wait3A_211 = tpu.memref_slice %arg19[%mul3A_202, %dma_wait3A_210] : memref<10000x128xf32, #tpu.memory_space<vmem_shared>> -> memref<80x128xf32, #tpu.memory_space<vmem_shared>>
        tpu.wait_dma2 semaphore(%run_scoped3A : memref<!tpu.dma_semaphore, #tpu.memory_space<semaphore_mem>>) src(%dma_wait3A_211 : memref<80x128xf32, #tpu.memory_space<vmem_shared>>) dst(%dma_wait3A_209 : memref<80x128xf32, #tpu.memory_space<hbm>>)
        tpu.yield
      }) : () -> ()
    } else {
    }
    %add3A_187 = arith.constant 96 : i32
    %add3A_188 = arith.addi %arg1, %add3A_187 : i32
    %lt3A_189 = arith.constant 125 : i32
    %lt3A_190 = arith.cmpi slt, %add3A_188, %lt3A_189 : i32
    %convert_element_type3A_191 = arith.extui %lt3A_190 : i1 to i32
    %cond3A_192 = arith.constant 0 : i32
    %cond3A_193 = arith.cmpi ne, %convert_element_type3A_191, %cond3A_192 : i32
    scf.if %cond3A_193 {
      %mul3A = arith.constant 80 : i32
      %mul3A_202 = arith.muli %add3A_188, %mul3A : i32
      %mul3A_203 = arith.constant 10000 : i32
      %mul3A_204 = arith.muli %arg0, %mul3A_203 : i32
      %add3A_205 = arith.addi %mul3A_204, %mul3A_202 : i32
      "tpu.region"() ({
        %run_scoped3A = tpu.sem_alloc : memref<!tpu.dma_semaphore, #tpu.memory_space<semaphore_mem>>
        %dma_start3A = arith.constant 0 : i32
        %dma_start3A_206 = tpu.memref_slice %arg7[%add3A_205, %dma_start3A] : memref<20000x128xf32, #tpu.memory_space<hbm>> -> memref<80x128xf32, #tpu.memory_space<hbm>>
        %dma_start3A_207 = arith.constant 0 : i32
        %dma_start3A_208 = tpu.memref_slice %arg19[%mul3A_202, %dma_start3A_207] : memref<10000x128xf32, #tpu.memory_space<vmem_shared>> -> memref<80x128xf32, #tpu.memory_space<vmem_shared>>
        tpu.enqueue_dma source(%dma_start3A_208 : memref<80x128xf32, #tpu.memory_space<vmem_shared>>) target(%dma_start3A_206 : memref<80x128xf32, #tpu.memory_space<hbm>>) target_semaphore(%run_scoped3A : memref<!tpu.dma_semaphore, #tpu.memory_space<semaphore_mem>>)
        %dma_wait3A = arith.constant 0 : i32
        %dma_wait3A_209 = tpu.memref_slice %arg7[%add3A_205, %dma_wait3A] : memref<20000x128xf32, #tpu.memory_space<hbm>> -> memref<80x128xf32, #tpu.memory_space<hbm>>
        %dma_wait3A_210 = arith.constant 0 : i32
        %dma_wait3A_211 = tpu.memref_slice %arg19[%mul3A_202, %dma_wait3A_210] : memref<10000x128xf32, #tpu.memory_space<vmem_shared>> -> memref<80x128xf32, #tpu.memory_space<vmem_shared>>
        tpu.wait_dma2 semaphore(%run_scoped3A : memref<!tpu.dma_semaphore, #tpu.memory_space<semaphore_mem>>) src(%dma_wait3A_211 : memref<80x128xf32, #tpu.memory_space<vmem_shared>>) dst(%dma_wait3A_209 : memref<80x128xf32, #tpu.memory_space<hbm>>)
        tpu.yield
      }) : () -> ()
    } else {
    }
    %add3A_194 = arith.constant 112 : i32
    %add3A_195 = arith.addi %arg1, %add3A_194 : i32
    %lt3A_196 = arith.constant 125 : i32
    %lt3A_197 = arith.cmpi slt, %add3A_195, %lt3A_196 : i32
    %convert_element_type3A_198 = arith.extui %lt3A_197 : i1 to i32
    %cond3A_199 = arith.constant 0 : i32
    %cond3A_200 = arith.cmpi ne, %convert_element_type3A_198, %cond3A_199 : i32
    scf.if %cond3A_200 {
      %mul3A = arith.constant 80 : i32
      %mul3A_202 = arith.muli %add3A_195, %mul3A : i32
      %mul3A_203 = arith.constant 10000 : i32
      %mul3A_204 = arith.muli %arg0, %mul3A_203 : i32
      %add3A_205 = arith.addi %mul3A_204, %mul3A_202 : i32
      "tpu.region"() ({
        %run_scoped3A = tpu.sem_alloc : memref<!tpu.dma_semaphore, #tpu.memory_space<semaphore_mem>>
        %dma_start3A = arith.constant 0 : i32
        %dma_start3A_206 = tpu.memref_slice %arg7[%add3A_205, %dma_start3A] : memref<20000x128xf32, #tpu.memory_space<hbm>> -> memref<80x128xf32, #tpu.memory_space<hbm>>
        %dma_start3A_207 = arith.constant 0 : i32
        %dma_start3A_208 = tpu.memref_slice %arg19[%mul3A_202, %dma_start3A_207] : memref<10000x128xf32, #tpu.memory_space<vmem_shared>> -> memref<80x128xf32, #tpu.memory_space<vmem_shared>>
        tpu.enqueue_dma source(%dma_start3A_208 : memref<80x128xf32, #tpu.memory_space<vmem_shared>>) target(%dma_start3A_206 : memref<80x128xf32, #tpu.memory_space<hbm>>) target_semaphore(%run_scoped3A : memref<!tpu.dma_semaphore, #tpu.memory_space<semaphore_mem>>)
        %dma_wait3A = arith.constant 0 : i32
        %dma_wait3A_209 = tpu.memref_slice %arg7[%add3A_205, %dma_wait3A] : memref<20000x128xf32, #tpu.memory_space<hbm>> -> memref<80x128xf32, #tpu.memory_space<hbm>>
        %dma_wait3A_210 = arith.constant 0 : i32
        %dma_wait3A_211 = tpu.memref_slice %arg19[%mul3A_202, %dma_wait3A_210] : memref<10000x128xf32, #tpu.memory_space<vmem_shared>> -> memref<80x128xf32, #tpu.memory_space<vmem_shared>>
        tpu.wait_dma2 semaphore(%run_scoped3A : memref<!tpu.dma_semaphore, #tpu.memory_space<semaphore_mem>>) src(%dma_wait3A_211 : memref<80x128xf32, #tpu.memory_space<vmem_shared>>) dst(%dma_wait3A_209 : memref<80x128xf32, #tpu.memory_space<hbm>>)
        tpu.yield
      }) : () -> ()
    } else {
    }
    %barrier3A_201 = arith.constant 0 : index
    tpu.barrier barrier_id(%barrier3A_201)
    return
  }
}

module attributes {stable_mosaic.version = 14 : i64} {
  func.func @_rel_body(%arg0: memref<480x56xf32, #tpu.memory_space<vmem>>, %arg1: memref<56x128xf32, #tpu.memory_space<vmem>>, %arg2: memref<8x128xf32, #tpu.memory_space<vmem>>, %arg3: memref<128x128xf32, #tpu.memory_space<vmem>>, %arg4: memref<480x128xf32, #tpu.memory_space<vmem>>, %arg5: memref<480x128xf32, #tpu.memory_space<vmem>>) attributes {dimension_semantics = [], scalar_prefetch = 0 : i64, scratch_operands = 0 : i64, tpu.core_type = #tpu.core_type<tc>} {
    %get3A = arith.constant 0 : index
    %get3A_0 = arith.constant 0 : index
    %get3A_1 = vector.load %arg0[%get3A, %get3A_0] : memref<480x56xf32, #tpu.memory_space<vmem>>, vector<480x56xf32>
    %get3A_2 = arith.constant 0 : index
    %get3A_3 = arith.constant 0 : index
    %get3A_4 = vector.load %arg1[%get3A_2, %get3A_3] : memref<56x128xf32, #tpu.memory_space<vmem>>, vector<56x128xf32>
    %dot_general3A = arith.constant dense<0.000000e+00> : vector<480x128xf32>
    %dot_general3A_5 = tpu.matmul %get3A_1, %get3A_4, %dot_general3A {dimension_numbers = #tpu.dot_dimension_numbers<[1], [0], [0], [1], [0, 0, 1, 1], [], []>, transpose_lhs_hint = false} : vector<480x56xf32>, vector<56x128xf32>, vector<480x128xf32> -> vector<480x128xf32>
    %iota3A = tpu.iota {dimensions = array<i32: 0>} : vector<480x128xi32>
    %eq3A = arith.constant 474 : i32
    %eq3A_6 = vector.broadcast %eq3A : i32 to vector<480x128xi32>
    %eq3A_7 = arith.cmpi eq, %iota3A, %eq3A_6 : vector<480x128xi32>
    %get3A_8 = arith.constant 0 : index
    %get3A_9 = arith.constant 0 : index
    %get3A_10 = vector.load %arg2[%get3A_8, %get3A_9] : memref<8x128xf32, #tpu.memory_space<vmem>>, vector<1x128xf32>
    %broadcast_in_dim3A = vector.shape_cast %get3A_10 : vector<1x128xf32> to vector<1x128xf32>
    %broadcast_in_dim3A_11 = vector.broadcast %broadcast_in_dim3A : vector<1x128xf32> to vector<480x128xf32>
    %select_n3A = arith.select %eq3A_7, %broadcast_in_dim3A_11, %dot_general3A_5 : vector<480x128xi1>, vector<480x128xf32>
    %swap3A = arith.constant 0 : index
    %swap3A_12 = arith.constant 0 : index
    %swap3A_13 = vector.load %arg4[%swap3A, %swap3A_12] : memref<480x128xf32, #tpu.memory_space<vmem>>, vector<480x128xf32>
    tpu.vector_store %arg4[%swap3A, %swap3A_12], %select_n3A {strides = array<i32>} : memref<480x128xf32, #tpu.memory_space<vmem>>, vector<480x128xf32>,
    %get3A_14 = arith.constant 0 : index
    %get3A_15 = arith.constant 0 : index
    %get3A_16 = vector.load %arg3[%get3A_14, %get3A_15] : memref<128x128xf32, #tpu.memory_space<vmem>>, vector<128x128xf32>
    %dot_general3A_17 = arith.constant dense<0.000000e+00> : vector<480x128xf32>
    %dot_general3A_18 = tpu.matmul %select_n3A, %get3A_16, %dot_general3A_17 {dimension_numbers = #tpu.dot_dimension_numbers<[1], [0], [0], [1], [0, 0, 1, 1], [], []>, transpose_lhs_hint = false} : vector<480x128xf32>, vector<128x128xf32>, vector<480x128xf32> -> vector<480x128xf32>
    %swap3A_19 = arith.constant 0 : index
    %swap3A_20 = arith.constant 0 : index
    %swap3A_21 = vector.load %arg5[%swap3A_19, %swap3A_20] : memref<480x128xf32, #tpu.memory_space<vmem>>, vector<480x128xf32>
    tpu.vector_store %arg5[%swap3A_19, %swap3A_20], %dot_general3A_18 {strides = array<i32>} : memref<480x128xf32, #tpu.memory_space<vmem>>, vector<480x128xf32>,
    return
  }
}

module attributes {stable_mosaic.version = 14 : i64} {
  func.func @_final_body(%arg0: i32, %arg1: memref<1000x128xf32, #tpu.memory_space<vmem>>, %arg2: memref<1000x128xf32, #tpu.memory_space<vmem>>, %arg3: memref<1000x1xf32, #tpu.memory_space<vmem>>, %arg4: memref<1000x1xf32, #tpu.memory_space<vmem>>, %arg5: memref<1000x128xf32, #tpu.memory_space<vmem>>, %arg6: memref<8x128xf32, #tpu.memory_space<vmem>>, %arg7: memref<128x128xf32, #tpu.memory_space<vmem>>, %arg8: memref<128x128xf32, #tpu.memory_space<vmem>>, %arg9: memref<128x128xf32, #tpu.memory_space<vmem>>, %arg10: memref<1000x128xf32, #tpu.memory_space<vmem>>) attributes {dimension_semantics = [#tpu.dimension_semantics<arbitrary>], iteration_bounds = array<i64: 10>, scalar_prefetch = 0 : i64, scratch_operands = 0 : i64, tpu.core_type = #tpu.core_type<tc>, window_params = [{transform_indices = @transform_0, window_bounds = array<i64: 1000, 128>}, {transform_indices = @transform_1, window_bounds = array<i64: 1000, 128>}, {transform_indices = @transform_2, window_bounds = array<i64: 1000, 1>}, {transform_indices = @transform_3, window_bounds = array<i64: 1000, 1>}, {transform_indices = @transform_4, window_bounds = array<i64: 1000, 128>}, {pipeline_mode = #tpu.pipeline_mode<synchronous>, transform_indices = @transform_5, window_bounds = array<i64: 8, 128>}, {pipeline_mode = #tpu.pipeline_mode<synchronous>, transform_indices = @transform_6, window_bounds = array<i64: 128, 128>}, {pipeline_mode = #tpu.pipeline_mode<synchronous>, transform_indices = @transform_7, window_bounds = array<i64: 128, 128>}, {pipeline_mode = #tpu.pipeline_mode<synchronous>, transform_indices = @transform_8, window_bounds = array<i64: 128, 128>}, {transform_indices = @transform_9, window_bounds = array<i64: 1000, 128>}]} {
    %get3A = arith.constant 0 : index
    %get3A_0 = arith.constant 0 : index
    %get3A_1 = vector.load %arg3[%get3A, %get3A_0] : memref<1000x1xf32, #tpu.memory_space<vmem>>, vector<1000x1xf32>
    %get3A_2 = arith.constant 0 : index
    %get3A_3 = arith.constant 0 : index
    %get3A_4 = vector.load %arg1[%get3A_2, %get3A_3] : memref<1000x128xf32, #tpu.memory_space<vmem>>, vector<1000x128xf32>
    %mul3A = vector.broadcast %get3A_1 : vector<1000x1xf32> to vector<1000x128xf32>
    %mul3A_5 = arith.mulf %mul3A, %get3A_4 : vector<1000x128xf32>
    %get3A_6 = arith.constant 0 : index
    %get3A_7 = arith.constant 0 : index
    %get3A_8 = vector.load %arg7[%get3A_6, %get3A_7] : memref<128x128xf32, #tpu.memory_space<vmem>>, vector<128x128xf32>
    %dot_general3A = arith.constant dense<0.000000e+00> : vector<1000x128xf32>
    %dot_general3A_9 = tpu.matmul %mul3A_5, %get3A_8, %dot_general3A {dimension_numbers = #tpu.dot_dimension_numbers<[1], [0], [0], [1], [0, 0, 1, 1], [], []>, transpose_lhs_hint = false} : vector<1000x128xf32>, vector<128x128xf32>, vector<1000x128xf32> -> vector<1000x128xf32>
    %get3A_10 = arith.constant 0 : index
    %get3A_11 = arith.constant 0 : index
    %get3A_12 = vector.load %arg4[%get3A_10, %get3A_11] : memref<1000x1xf32, #tpu.memory_space<vmem>>, vector<1000x1xf32>
    %get3A_13 = arith.constant 0 : index
    %get3A_14 = arith.constant 0 : index
    %get3A_15 = vector.load %arg2[%get3A_13, %get3A_14] : memref<1000x128xf32, #tpu.memory_space<vmem>>, vector<1000x128xf32>
    %mul3A_16 = vector.broadcast %get3A_12 : vector<1000x1xf32> to vector<1000x128xf32>
    %mul3A_17 = arith.mulf %mul3A_16, %get3A_15 : vector<1000x128xf32>
    %get3A_18 = arith.constant 0 : index
    %get3A_19 = arith.constant 0 : index
    %get3A_20 = vector.load %arg8[%get3A_18, %get3A_19] : memref<128x128xf32, #tpu.memory_space<vmem>>, vector<128x128xf32>
    %dot_general3A_21 = arith.constant dense<0.000000e+00> : vector<1000x128xf32>
    %dot_general3A_22 = tpu.matmul %mul3A_17, %get3A_20, %dot_general3A_21 {dimension_numbers = #tpu.dot_dimension_numbers<[1], [0], [0], [1], [0, 0, 1, 1], [], []>, transpose_lhs_hint = false} : vector<1000x128xf32>, vector<128x128xf32>, vector<1000x128xf32> -> vector<1000x128xf32>
    %add3A = arith.addf %dot_general3A_9, %dot_general3A_22 : vector<1000x128xf32>
    %get3A_23 = arith.constant 0 : index
    %get3A_24 = arith.constant 0 : index
    %get3A_25 = vector.load %arg5[%get3A_23, %get3A_24] : memref<1000x128xf32, #tpu.memory_space<vmem>>, vector<1000x128xf32>
    %get3A_26 = arith.constant 0 : index
    %get3A_27 = arith.constant 0 : index
    %get3A_28 = vector.load %arg6[%get3A_26, %get3A_27] : memref<8x128xf32, #tpu.memory_space<vmem>>, vector<1x128xf32>
    %sub3A = vector.broadcast %get3A_28 : vector<1x128xf32> to vector<1000x128xf32>
    %sub3A_29 = arith.subf %get3A_25, %sub3A : vector<1000x128xf32>
    %get3A_30 = arith.constant 0 : index
    %get3A_31 = arith.constant 0 : index
    %get3A_32 = vector.load %arg9[%get3A_30, %get3A_31] : memref<128x128xf32, #tpu.memory_space<vmem>>, vector<128x128xf32>
    %dot_general3A_33 = arith.constant dense<0.000000e+00> : vector<1000x128xf32>
    %dot_general3A_34 = tpu.matmul %sub3A_29, %get3A_32, %dot_general3A_33 {dimension_numbers = #tpu.dot_dimension_numbers<[1], [0], [0], [1], [0, 0, 1, 1], [], []>, transpose_lhs_hint = false} : vector<1000x128xf32>, vector<128x128xf32>, vector<1000x128xf32> -> vector<1000x128xf32>
    %add3A_35 = arith.addf %add3A, %dot_general3A_34 : vector<1000x128xf32>
    %mul3A_36 = arith.constant 0.333333343 : f32
    %mul3A_37 = vector.broadcast %mul3A_36 : f32 to vector<1000x128xf32>
    %mul3A_38 = arith.mulf %add3A_35, %mul3A_37 : vector<1000x128xf32>
    %tanh3A = math.tanh %mul3A_38 : vector<1000x128xf32>
    %swap3A = arith.constant 0 : index
    %swap3A_39 = arith.constant 0 : index
    %swap3A_40 = vector.load %arg10[%swap3A, %swap3A_39] : memref<1000x128xf32, #tpu.memory_space<vmem>>, vector<1000x128xf32>
    tpu.vector_store %arg10[%swap3A, %swap3A_39], %tanh3A {strides = array<i32>} : memref<1000x128xf32, #tpu.memory_space<vmem>>, vector<1000x128xf32>,
    return
  }
  func.func @transform_0(%arg0: i32) -> (i32, i32) {
    %c0_i32 = arith.constant 0 : i32
    %c0_i32_0 = arith.constant 0 : i32
    return %arg0, %c0_i32 : i32, i32
  }
  func.func @transform_1(%arg0: i32) -> (i32, i32) {
    %c0_i32 = arith.constant 0 : i32
    %c0_i32_0 = arith.constant 0 : i32
    return %arg0, %c0_i32 : i32, i32
  }
  func.func @transform_2(%arg0: i32) -> (i32, i32) {
    %c0_i32 = arith.constant 0 : i32
    %c0_i32_0 = arith.constant 0 : i32
    return %arg0, %c0_i32 : i32, i32
  }
  func.func @transform_3(%arg0: i32) -> (i32, i32) {
    %c0_i32 = arith.constant 0 : i32
    %c0_i32_0 = arith.constant 0 : i32
    return %arg0, %c0_i32 : i32, i32
  }
  func.func @transform_4(%arg0: i32) -> (i32, i32) {
    %c0_i32 = arith.constant 0 : i32
    %c0_i32_0 = arith.constant 0 : i32
    return %arg0, %c0_i32 : i32, i32
  }
  func.func @transform_5(%arg0: i32) -> (i32, i32) {
    %c0_i32 = arith.constant 0 : i32
    %c0_i32_0 = arith.constant 0 : i32
    %c0_i32_1 = arith.constant 0 : i32
    return %c0_i32, %c0_i32_0 : i32, i32
  }
  func.func @transform_6(%arg0: i32) -> (i32, i32) {
    %c0_i32 = arith.constant 0 : i32
    %c0_i32_0 = arith.constant 0 : i32
    %c0_i32_1 = arith.constant 0 : i32
    return %c0_i32, %c0_i32_0 : i32, i32
  }
  func.func @transform_7(%arg0: i32) -> (i32, i32) {
    %c0_i32 = arith.constant 0 : i32
    %c0_i32_0 = arith.constant 0 : i32
    %c0_i32_1 = arith.constant 0 : i32
    return %c0_i32, %c0_i32_0 : i32, i32
  }
  func.func @transform_8(%arg0: i32) -> (i32, i32) {
    %c0_i32 = arith.constant 0 : i32
    %c0_i32_0 = arith.constant 0 : i32
    %c0_i32_1 = arith.constant 0 : i32
    return %c0_i32, %c0_i32_0 : i32, i32
  }
  func.func @transform_9(%arg0: i32) -> (i32, i32) {
    %c0_i32 = arith.constant 0 : i32
    %c0_i32_0 = arith.constant 0 : i32
    return %arg0, %c0_i32 : i32, i32
  }
}

</mosaic_0001>

<sc_bundles>
// kernel: kernel.5.cloned.1.call-start
scs
__scs_entry_jumppad:
0x0: {  	(pc) =	sbr.rel $0x88, $3  }
0x1: {  	(tag) =	ssettag $0x0;
	lr =	simm.s32 $0x1  }
0x2: {  	[smem:$0x3F97] =	sst lr;
	_ =	strace $0xD0000000  }
0x3: {  	_ = 	snop  }
0x4: {  	_ = 	snop  }
0x5: {  	_ = 	snop  }
0x6: {  	_ = 	snop  }
0x7: {  	_ = 	snop  }
__scs_overlays_trampoline_lowered:
0x8: {  	[smem:$0x3FA6] =	sst s0  }
0x9: {  	[smem:$0x3FA7] =	sst s1  }
0xa: {  	[smem:$0x3FA8] =	sst s2  }
0xb: {  	[smem:$0x3FA9] =	sst s3  }
0xc: {  	[smem:$0x3FAA] =	sst s4  }
0xd: {  	[smem:$0x3FAB] =	sst s5  }
0xe: {  	[smem:$0x3FAC] =	sst s6  }
0xf: {  	[smem:$0x3FAD] =	sst s7  }
0x10: {  	[smem:$0x3FAE] =	sst s8  }
0x11: {  	[smem:$0x3FAF] =	sst s9;
	s0 =	simm.s32 @!p0 $0x0  }
0x12: {  	s1 =	sld [smem:$0x3F95];
	s0 =	simm.s32 @p0 $0x1  }
0x13: {  	[smem:$0x3FB0] =	sst s0;
	s0 =	simm.s32 @!p1 $0x0  }
0x14: {  	s2 =	sld [smem:$0x3F94];
	s0 =	simm.s32 @p1 $0x1  }
0x15: {  	[smem:$0x3FB1] =	sst s0;
	s0 =	simm.s32 @!p2 $0x0  }
0x16: {  	s3 =	sld [smem:$0x3FDB];
	s0 =	simm.s32 @p2 $0x1  }
0x17: {  	s4 =	simm.s32 $0x1BF5;
	[smem:$0x3FB3] =	sst s0  }
0x18: {  	s0 =	sld [smem:$0x3F96];
	_ =	swait.ge [sflag:s4], $0x0  }
0x19: {  	s7 =	sld [smem:$0x3F97]  }
0x1a: {  	s8 =	sadd.s32 $0xFFFFE003, lr  }
0x1b: {  	s9 =	sadd.s32 $0xFFFFFEF7, lr;
	s5 =	simm.s32 $0xFFFFFFFF;
	p2 =	slt.u32 s8, $0xFFFFF086  }
0x1c: {  	p1 =	slt.u32 s9, $0xF7A;
	s5 =	simm.s32 @!p2 $0x0  }
0x1d: {  	s5 =	simm.s32 @p1 $0x1;
	p0 =	seq.s32 s7, s2  }
0x1e: {  	s7 =	smul.u32 @!p0 $0xF7A, s2;
	p2 =	seq.s32 @!p0 s5, $0x0  }
0x1f: {  	s9 =	smul.u32 $0xF7A, s1;
	s8 =	simm.s32 @!p0 $0x1BF5;
	p2 =	por !p2, p0  }
0x20: {  	[sflag:s8] =	ssyncset.s32 @!p0 $0xFFFFF086;
	s6 =	sadd.s32 @!p0 s3, s7;
	s7 =	simm.s32 @!p0 $0x108  }
0x21: {  	s3 =	sadd.s32 s3, s9;
	s6 =	sadd.s32 @!p0 $0x88, s6;
	s7 =	simm.s32 @p2 $0x1082  }
0x22: {  	[simem:s7], [sflag:s8] =	dma.local @!p0 [hbm:s6], $0xF7A  }
0x23: {  	s9 =	sor.u32 $0xD0000000, s2;
	s6 =	simm.s32 $0x108;
	_ =	swait.ge @!p0 [sflag:s8], $0x0  }
0x24: {  	s3 =	sadd.s32 $0x88, s3;
	s6 =	simm.s32 @!p1 $0x1082;
	[sflag:s4] =	ssyncset.s32 $0xFFFFF086  }
0x25: {  	[simem:s6], [sflag:s4] =	dma.local [hbm:s3], $0xF7A  }
0x26: {  	[smem:$0x3F97] =	sst s1;
	(tag) =	ssettag s2;
	_ =	strace s9  }
0x27: {  	s1 =	sld [smem:$0x3FA7]  }
0x28: {  	s2 =	sld [smem:$0x3FA8]  }
0x29: {  	s4 =	sld [smem:$0x3FAA]  }
0x2a: {  	p0 =	seq.s32 s5, $0x0;
	s5 =	sld [smem:$0x3FAB]  }
0x2b: {  	s6 =	sld [smem:$0x3FAC]  }
0x2c: {  	s7 =	sld [smem:$0x3FAD]  }
0x2d: {  	s3 =	simm.s32 $0x108;
	s8 =	sld [smem:$0x3FAE]  }
0x2e: {  	s3 =	simm.s32 @!p0 $0x1082;
	s9 =	sld [smem:$0x3FAF]  }
0x2f: {  	lr =	sadd.s32 s0, s3;
	s0 =	sld [smem:$0x3FA6]  }
0x30: {  	s3 =	sld [smem:$0x3FA9]  }
0x31: {  	[smem:$0x3FB2] =	sst s10  }
0x32: {  	s10 =	sld [smem:$0x3FB0];
	_ =	sdelay $0x3  }
0x33: {  	p0 =	seq.s32 s10, $0x1;
	s10 =	sld [smem:$0x3FB2];
	_ =	sdelay $0x3  }
0x34: {  	[smem:$0x3FB2] =	sst s10  }
0x35: {  	s10 =	sld [smem:$0x3FB1];
	_ =	sdelay $0x3  }
0x36: {  	p1 =	seq.s32 s10, $0x1;
	s10 =	sld [smem:$0x3FB2];
	_ =	sdelay $0x3  }
0x37: {  	[smem:$0x3FB2] =	sst s10  }
0x38: {  	s10 =	sld [smem:$0x3FB3]  }
0x39: {  	_ = 	snop;
	(pc) =	sbr.ind lr, $3  }
0x3a: {  	_ = 	snop  }
0x3b: {  	_ = 	snop  }
0x3c: {  	p2 =	seq.s32 s10, $0x1;
	s10 =	sld [smem:$0x3FB2]  }
0x3d: {  	_ =	shalt  }
0x3e: {  	_ =	shalt  }
0x3f: {  	_ =	shalt  }
0x40: {  	_ =	shalt  }
0x41: {  	_ =	shalt  }
0x42: {  	_ =	shalt  }
0x43: {  	_ =	shalt  }
0x44: {  	_ =	shalt  }
0x45: {  	_ =	shalt  }
0x46: {  	_ =	shalt  }
0x47: {  	_ =	shalt  }
0x48: {  	_ =	shalt  }
0x49: {  	_ =	shalt  }
0x4a: {  	_ =	shalt  }
0x4b: {  	_ =	shalt  }
0x4c: {  	_ =	shalt  }
0x4d: {  	_ =	shalt  }
0x4e: {  	_ =	shalt  }
0x4f: {  	_ =	shalt  }
0x50: {  	_ =	shalt  }
0x51: {  	_ =	shalt  }
0x52: {  	_ =	shalt  }
0x53: {  	_ =	shalt  }
0x54: {  	_ =	shalt  }
0x55: {  	_ =	shalt  }
0x56: {  	_ =	shalt  }
0x57: {  	_ =	shalt  }
0x58: {  	_ =	shalt  }
0x59: {  	_ =	shalt  }
0x5a: {  	_ =	shalt  }
0x5b: {  	_ =	shalt  }
0x5c: {  	_ =	shalt  }
0x5d: {  	_ =	shalt  }
0x5e: {  	_ =	shalt  }
0x5f: {  	_ =	shalt  }
0x60: {  	_ =	shalt  }
0x61: {  	_ =	shalt  }
0x62: {  	_ =	shalt  }
0x63: {  	_ =	shalt  }
0x64: {  	_ =	shalt  }
0x65: {  	_ =	shalt  }
0x66: {  	_ =	shalt  }
0x67: {  	_ =	shalt  }
0x68: {  	_ =	shalt  }
0x69: {  	_ =	shalt  }
0x6a: {  	_ =	shalt  }
0x6b: {  	_ =	shalt  }
0x6c: {  	_ =	shalt  }
0x6d: {  	_ =	shalt  }
0x6e: {  	_ =	shalt  }
0x6f: {  	_ =	shalt  }
0x70: {  	_ =	shalt  }
0x71: {  	_ =	shalt  }
0x72: {  	_ =	shalt  }
0x73: {  	_ =	shalt  }
0x74: {  	_ =	shalt  }
0x75: {  	_ =	shalt  }
0x76: {  	_ =	shalt  }
0x77: {  	_ =	shalt  }
0x78: {  	_ =	shalt  }
0x79: {  	_ =	shalt  }
0x7a: {  	_ =	shalt  }
0x7b: {  	_ =	shalt  }
0x7c: {  	_ =	shalt  }
0x7d: {  	_ =	shalt  }
0x7e: {  	_ =	shalt  }
0x7f: {  	_ =	shalt  }
0x80: {  	_ =	shalt  }
0x81: {  	_ =	shalt  }
0x82: {  	_ =	shalt  }
0x83: {  	_ =	shalt  }
0x84: {  	_ =	shalt  }
0x85: {  	_ =	shalt  }
0x86: {  	_ =	shalt  }
0x87: {  	_ =	shalt  }
.Lfunc_end0:
.L_simem_size_0:
called_computation_lowered:
.L_overlay_start_0:
0x88: {  	s2 =	sld [smem:$0x3FD9]  }
0x89: {  	s3 =	sld [smem:$0x3FFE];
	_ =	sdelay $0x1  }
0x8a: {  	s1 =	srdreg.scid  }
0x8b: {  	s0 =	sand.u32 $0x1, s1  }
0x8c: {  	s14 =	sshll.u32 s0, $0xA;
	s2 =	sadd.s32 s3, s2  }
0x8d: {  	s2 =	sadd.s32 s2, s14  }
0x8e: {  	[smem:$0x3FBE] =	sst s2  }
0x8f: {  	_ = 	snop  }
0x90: {  	s2 =	sld [smem:$0x3FD0];
	_ =	sdelay $0x1  }
0x91: {  	s15 =	sld [smem:$0x3FC9]  }
0x92: {  	s5 =	simm.s32 $0xA;
	s6 =	simm.s32 $0x10;
	s4 =	sld [smem:$0x3FC7]  }
0x93: {  	[smem:s6], [sflag:s5] =	dma.local [hbm:s2], $0x1  }
0x94: {  	_ =	swait.eq [sflag:s5], $0x1  }
0x95: {  	[sflag:s5] =	ssyncset.done $0x0  }
0x96: {  	[sflag:s5] =	ssyncadd.s32 $0xFFFFFFFF  }
0x97: {  	s16 =	sld [smem:$0x10];
	(tm) =	ssettm $0x1  }
0x98: {  	s17 =	sld [smem:$0x3FFB];
	_ =	sdelay $0x3  }
0x99: {  	_ =	strace s17  }
0x9a: {  	s5 =	sld [smem:$0x3FFC];
	_ =	sdelay $0x3  }
0x9b: {  	_ =	strace s5  }
0x9c: {  	s5 =	sld [smem:$0x3FFD];
	_ =	sdelay $0x3  }
0x9d: {  	_ =	strace s5  }
0x9e: {  	_ =	strace $0x8FFFFFFF  }
0x9f: {  	s18 =	sld [smem:$0x3FDB];
	_ =	sdelay $0x1  }
0xa0: {  	s19 =	simm.s32 $_scs_section_size  }
0xa1: {  	s7 =	simm.s32 $_size__tile_overlayer_lowered;
	s8 =	simm.s32 $_tile_overlayer_lowered  }
0xa2: {  	s22 =	simm.s32 $0x1BFF;
	s21 =	sshll.u32 s8, $0x1;
	s5 =	sadd.s32 s19, s18  }
0xa3: {  	s9 =	simm.s32 $0x0;
	s20 =	sshll.u32 s7, $0x1;
	s7 =	sadd.s32 s21, s5  }
0xa4: {  	[timem:s9], [sflag:s22] =	dma.local [hbm:s7], s20  }
0xa5: {  	_ =	swait.ge [sflag:s22], s20  }
0xa6: {  	s6 =	ssub.s32 $0x0, s20;
	[sflag:s22] =	ssyncset.done $0x0  }
0xa7: {  	[sflag:s22] =	ssyncadd.s32 s6;
	_ =	sdelay $0x1  }
0xa8: {  	s23 =	simm.s32 $0x1B8B  }
0xa9: {  	_ =	swait.ge [sflag:s23], $0x1  }
0xaa: {  	[sflag:s23] =	ssyncset.done $0x0  }
0xab: {  	s25 =	simm.s32 $0x1B8E;
	s24 =	sld [smem:$0x3FFE];
	[sflag:s23] =	ssyncadd.s32 $0xFFFFFFFF  }
0xac: {  	s26 =	simm.s32 $execute0_lowered;
	[smem:$0x3FD2] =	sst s25  }
0xad: {  	s7 =	sshll.u32 s26, $0x1;
	_ =	strace $0x80000046;
	[dreg:$0x1] =	wrdreg $0xFFFFFFFF  }
0xae: {  	s28 =	simm.s32 $_size_execute0_lowered;
	s5 =	sadd.s32 s5, s7;
	[dreg:$0x0] =	wrdreg $0x0  }
0xaf: {  	s7 =	sshll.u32 s28, $0x1;
	[dreg:$0x2] =	wrdreg s5  }
0xb0: {  	[dreg:$0x3] =	wrdreg s7  }
0xb1: {  	[dreg:$0x4] =	wrdreg $0xC0  }
0xb2: {  	_ =	task [dreg:s9], $0x5FFFF  }
0xb3: {  	[dreg:$0x1] =	wrdreg $0xFFFFFFFF  }
0xb4: {  	[dreg:$0x0] =	wrdreg $0x60  }
0xb5: {  	[dreg:$0x2] =	wrdreg s24  }
0xb6: {  	[dreg:$0x3] =	wrdreg s16  }
0xb7: {  	[dreg:$0x4] =	wrdreg s4  }
0xb8: {  	[dreg:$0x5] =	wrdreg s15  }
0xb9: {  	[dreg:$0x6] =	wrdreg $0xA1800  }
0xba: {  	[dreg:$0x7] =	wrdreg $0x1DA000  }
0xbb: {  	[dreg:$0x8] =	wrdreg $0x9  }
0xbc: {  	_ =	task.clear_ibuf [dreg:s9], $0x9FFFF;
	_ =	strace $0x90000046  }
0xbd: {  	s29 =	simm.s32 $0x9;
	_ =	strace $0x80000048  }
0xbe: {  	_ =	swait.ge [sflag:s29], $0x1  }
0xbf: {  	[sflag:s29] =	ssyncadd.s32 $0xFFFFFFFF  }
0xc0: {  	_ =	strace $0x90000048  }
0xc1: {  	_ =	sfence  }
0xc2: {  	s30 =	sld [smem:$0x0];
	_ =	sdelay $0x2  }
0xc3: {  	s31 =	sshll.u32 s1, $0xD;
	s1 =	sshrl.u32 s1, $0x2  }
0xc4: {  	s3 =	sand.u32 $0x4000, s31;
	s1 =	sadd.s32 s1, s30  }
0xc5: {  	s0 =	sor.u32 s3, s0;
	s1 =	sshll.u32 s1, $0x11  }
0xc6: {  	s0 =	sor.u32 s1, s0  }
0xc7: {  	s0 =	sadd.s32 $0x8F2B, s0  }
0xc8: {  	[sflag:s0] =	ssyncadd.remote.s32 $0x1  }
0xc9: {  	_ =	sfence.sel $0xFFFF  }
0xca: {  	[dreg:$0x0] =	wrdreg $0xFFFFFFFF;
	(pc) =	sbr.abs _section_cstart, $3  }
0xcb: {  	[dreg:$0x1] =	wrdreg $0xFFFFFFFF  }
0xcc: {  	_ =	task.clear_ibuf [dreg:s9], $0x2FFFF;
	_ =	strace $0x9FFFFFFF  }
0xcd: {  	(tm) =	ssettm $0x7FFFFFFF  }
tec
execute0_lowered:
.L_overlay_start_1:
0x0: {  	(tag) =	ssettag $0x1  }
0x1: {  	s8 =	rddreg [dreg:$0x0]  }
0x2: {  	s1 =	rddreg [dreg:$0x1]  }
0x3: {  	s2 =	rddreg [dreg:$0x2]  }
0x4: {  	s3 =	rddreg [dreg:$0x3]  }
0x5: {  	s4 =	rddreg [dreg:$0x4]  }
0x6: {  	s5 =	rddreg [dreg:$0x5];
	s26 =	stileid.u32  }
0x7: {  	s6 =	simm.s32 $0x0;
	s22 =	srdreg.scid;
	s11 =	smul.u32 $0xA000, s26  }
0x8: {  	s28 =	simm.s32 $0x2980;
	s13 =	sor.u32 $0x10, s26;
	s24 =	smul.u32 $0x2710, s26  }
0x9: {  	s29 =	simm.s32 $0x80;
	s16 =	sor.u32 $0x20, s26;
	s12 =	smul.u32 $0xA000, s13  }
0xa: {  	[smem:$0x7FF] =	sst s6;
	s19 =	sor.u32 $0x30, s26;
	s15 =	smul.u32 $0xA000, s16  }
0xb: {  	s7 =	sadd.s32 $0xE00, s8;
	s14 =	sand.u32 $0x1, s22;
	s18 =	smul.u32 $0xA000, s19  }
0xc: {  	s0 =	sadd.s32 $0xAC00, s8;
	s20 =	sor.u32 $0x40, s26;
	s23 =	smul.u32 $0x27100, s14  }
0xd: {  	s10 =	sadd.s32 $0xCA00, s8;
	_ =	strace $0x80000047;
	s25 =	smul.u32 $0xA000, s20  }
0xe: {  	[dreg:$0x7] =	wrdreg s0;
	s0 =	sadd.s32 $0x5AC00, s8;
	s8 =	smul.u32 $0x2710, s14  }
0xf: {  	s30 =	simm.s32 $0x100;
	s31 =	simm.s32 $0x1;
	s13 =	smul.u32 $0x50, s13  }
0x10: {  	s21 =	sor.u32 $0x50, s26;
	s9 =	ssub.s32 $0x2, s14;
	s14 =	smul.u32 $0x50, s16  }
0x11: {  	p0 =	sne.s32 s26, $0x0;
	p1 =	sgt.u32 s26, $0xC;
	s19 =	smul.u32 $0x50, s19  }
0x12: {  	s20 =	smul.u32 $0x50, s20;
	s17 =	sshrl.u32 s9, $0x1;
	s11 =	sshrl.u32 s11, $0x2  }
0x13: {  	s9 =	ssub.s32 s9, s17;
	s11 =	sadd.s32 s11, s4;
	s22 =	sshrl.u32 s12, $0x2  }
0x14: {  	s12 =	sadd.s32 s24, s23;
	s17 =	smul.u32 $0xA000, s21;
	s15 =	sshrl.u32 s15, $0x2  }
0x15: {  	s24 =	sshrl.u32 s18, $0x2;
	s13 =	sadd.s32 s8, s13;
	s21 =	smul.u32 $0x50, s21  }
0x16: {  	[dreg:$0x8] =	wrdreg s11;
	s22 =	sadd.s32 s22, s4;
	s23 =	sadd.s32 s15, s4  }
0x17: {  	s11 =	sshrl.u32 s25, $0x2;
	[dreg:$0x9] =	wrdreg s22;
	s22 =	sor.u32 $0x60, s26  }
0x18: {  	[dreg:$0xa] =	wrdreg s23;
	s23 =	sor.u32 $0x70, s26;
	s25 =	smul.u32 $0xA000, s22  }
0x19: {  	s14 =	sadd.s32 s8, s14;
	s15 =	sadd.s32 s24, s4;
	s24 =	smul.u32 $0xA000, s23  }
0x1a: {  	s19 =	sadd.s32 s8, s19;
	s18 =	sshrl.u32 s25, $0x2;
	s25 =	smul.u32 $0x50, s26  }
0x1b: {  	s20 =	sadd.s32 s8, s20;
	s13 =	sshll.u32 s13, $0x4;
	s24 =	sshrl.u32 s24, $0x2  }
0x1c: {  	s16 =	sadd.s32 s11, s4;
	s11 =	sadd.s32 s24, s4;
	s24 =	sadd.s32 s25, s8  }
0x1d: {  	[dreg:$0xb] =	wrdreg s11;
	s11 =	sshll.u32 s24, $0x4;
	s24 =	sadd.s32 s10, s13  }
0x1e: {  	s14 =	sshll.u32 s14, $0x4;
	s25 =	sadd.s32 s10, s11;
	[dreg:$0xe] =	wrdreg s24  }
0x1f: {  	s19 =	sshll.u32 s19, $0x4;
	s11 =	sadd.s32 s0, s11;
	[dreg:$0xc] =	wrdreg s25  }
0x20: {  	s20 =	sshll.u32 s20, $0x4;
	s24 =	sadd.s32 s10, s19;
	[dreg:$0xd] =	wrdreg s11  }
0x21: {  	s17 =	sshrl.u32 s17, $0x2;
	s25 =	sadd.s32 s0, s13;
	[dreg:$0x12] =	wrdreg s24  }
0x22: {  	s21 =	sadd.s32 s8, s21;
	s13 =	sadd.s32 s10, s14;
	[dreg:$0xf] =	wrdreg s25  }
0x23: {  	s17 =	sadd.s32 s17, s4;
	s14 =	sadd.s32 s0, s14;
	[dreg:$0x10] =	wrdreg s13  }
0x24: {  	s22 =	smul.u32 $0x50, s22;
	s24 =	smax.u32 s9, $0x1;
	[dreg:$0x11] =	wrdreg s14  }
0x25: {  	s23 =	smul.u32 $0x50, s23;
	s25 =	sadd.s32 s0, s19;
	[dreg:$0x1c] =	wrdreg s24  }
0x26: {  	s21 =	sshll.u32 s21, $0x4;
	s13 =	sadd.s32 s10, s20;
	[dreg:$0x13] =	wrdreg s25  }
0x27: {  	s22 =	sadd.s32 s8, s22;
	s14 =	sadd.s32 s0, s20;
	[dreg:$0x14] =	wrdreg s13  }
0x28: {  	s23 =	sadd.s32 s8, s23;
	s19 =	sadd.s32 s10, s21;
	[dreg:$0x15] =	wrdreg s14  }
0x29: {  	s22 =	sshll.u32 s22, $0x4;
	s20 =	sadd.s32 s0, s21;
	[dreg:$0x16] =	wrdreg s19  }
0x2a: {  	s26 =	simm.s32 $0x5180;
	s21 =	sadd.s32 s10, s22;
	[dreg:$0x17] =	wrdreg s20  }
0x2b: {  	s23 =	sshll.u32 s23, $0x4;
	s22 =	sadd.s32 s0, s22;
	[dreg:$0x18] =	wrdreg s21  }
0x2c: {  	s18 =	sadd.s32 s18, s4;
	s0 =	sadd.s32 s0, s23;
	[dreg:$0x19] =	wrdreg s22  }
0x2d: {  	v0 =	vmov s8;
	s8 =	simm.s32 $0x180;
	s23 =	sadd.s32 s10, s23;
	[dreg:$0x1a] =	wrdreg s0  }
0x2e: {  	s9 =	simm.s32 $0x3;
	s24 =	simm.s32 $0x4;
	[dreg:$0x1b] =	wrdreg s23  }
0x2f: {  	s25 =	sshrl.u32 s12, $0x3;
	s23 =	simm.s32 $0x7980;
	s0 =	simm.s32 $0x2  }
0x30: {  	v1 =	vimm.f32 $0.0e+00;
	v2 =	vimm.f32 $1.000000000e+00;
	s20 =	simm.s32 $0x0;
	s22 =	sadd.s32 s25, s7;
	s25 =	simm.s32 $0x50  }
.LBB2_1:
0x31: {  	s11 =	simm.s32 $0x0;
	s13 =	simm.s32 $0x200  }
.LBB2_2:
0x32: {  	p2 =	sne.s32 s13, $0x9E00;
	[tilespmem:s11+$0x79F0] =	vst v1  }
0x33: {  	[tilespmem:s11+$0x7980] =	vst v1  }
0x34: {  	[tilespmem:s11+$0x7990] =	vst v1  }
.Ltmp0:
0x35: {  	[tilespmem:s11+$0x79A0] =	vst v1;
	(pc) =	sbr.rel @p2 .LBB2_2-.Ltmp0, $4  }
0x36: {  	[tilespmem:s11+$0x79B0] =	vst v1  }
0x37: {  	[tilespmem:s11+$0x79C0] =	vst v1  }
0x38: {  	[tilespmem:s11+$0x79D0] =	vst v1  }
0x39: {  	[tilespmem:s11+$0x79E0] =	vst v1;
	s11 =	sshra.s32 s13, $0x2;
	s13 =	sadd.s32 $0x200, s13  }
0x3a: {  	[tilespmem:s11+$0x79F0] =	vst v1  }
0x3b: {  	[tilespmem:s11+$0x7980] =	vst v1  }
0x3c: {  	[tilespmem:s11+$0x7990] =	vst v1  }
0x3d: {  	[tilespmem:s11+$0x79A0] =	vst v1  }
0x3e: {  	[tilespmem:s11+$0x79B0] =	vst v1  }
0x3f: {  	[tilespmem:s11+$0x79C0] =	vst v1  }
0x40: {  	[tilespmem:s11+$0x79D0] =	vst v1  }
0x41: {  	[tilespmem:s11+$0x79E0] =	vst v1;
	s11 =	simm.s32 $0x0;
	s13 =	simm.s32 $0x200  }
.LBB2_4:
0x42: {  	p2 =	sne.s32 s13, $0x9E00;
	[tilespmem:s11+$0x51F0] =	vst v2  }
0x43: {  	[tilespmem:s11+$0x5180] =	vst v2  }
0x44: {  	[tilespmem:s11+$0x5190] =	vst v2  }
.Ltmp1:
0x45: {  	[tilespmem:s11+$0x51A0] =	vst v2;
	(pc) =	sbr.rel @p2 .LBB2_4-.Ltmp1, $4  }
0x46: {  	[tilespmem:s11+$0x51B0] =	vst v2  }
0x47: {  	[tilespmem:s11+$0x51C0] =	vst v2  }
0x48: {  	[tilespmem:s11+$0x51D0] =	vst v2  }
0x49: {  	[tilespmem:s11+$0x51E0] =	vst v2;
	s11 =	sshra.s32 s13, $0x2;
	s13 =	sadd.s32 $0x200, s13  }
0x4a: {  	[tilespmem:s11+$0x51F0] =	vst v2  }
0x4b: {  	[tilespmem:s11+$0x5180] =	vst v2  }
0x4c: {  	[tilespmem:s11+$0x5190] =	vst v2  }
0x4d: {  	[tilespmem:s11+$0x51A0] =	vst v2  }
0x4e: {  	[tilespmem:s11+$0x51B0] =	vst v2  }
0x4f: {  	[tilespmem:s11+$0x51C0] =	vst v2  }
0x50: {  	[tilespmem:s11+$0x51D0] =	vst v2  }
0x51: {  	[tilespmem:s11+$0x51E0] =	vst v2;
	s11 =	sshrl.u32 @!p0 s5, $0x3;
	s13 =	simm.s32 @!p0 $0x1C04;
	s14 =	rddreg [dreg:$0x7]  }
0x52: {  	[spmem:s11], [sflag:s13] =	dma.local @!p0 [hbm:s14], $0x1E00  }
0x53: {  	s11 =	simm.s32 @!p0 $0x4  }
0x54: {  	_ =	swait.ge @!p0 [sflag:s11], $0x1E00  }
0x55: {  	[sflag:s11] =	ssyncset.done @!p0 $0x0  }
0x56: {  	s13 =	rddreg [dreg:$0x8];
	[sflag:s11] =	ssyncadd.s32 @!p0 $0xFFFFE200  }
0x57: {  	[spmem:s13] =	stream.linear.scatter [tilespmem:s23], [sflag:$0x4], $0x2800, $0x38;
	[tilespmem:$0x1E900] =	vst v63  }
0x58: {  	_ =	swait.ge [sflag:s24], $0x2800  }
0x59: {  	[sflag:s24] =	ssyncset.done $0x0  }
0x5a: {  	s14 =	rddreg [dreg:$0x9];
	[sflag:s24] =	ssyncadd.s32 $0xFFFFD800  }
0x5b: {  	[spmem:s14] =	stream.linear.scatter [tilespmem:s23], [sflag:$0x4], $0x2800, $0x38;
	[tilespmem:$0x1E900] =	vst v63  }
0x5c: {  	_ =	swait.ge [sflag:s24], $0x2800  }
0x5d: {  	[sflag:s24] =	ssyncset.done $0x0  }
0x5e: {  	s19 =	rddreg [dreg:$0xa];
	[sflag:s24] =	ssyncadd.s32 $0xFFFFD800  }
0x5f: {  	[spmem:s19] =	stream.linear.scatter [tilespmem:s23], [sflag:$0x4], $0x2800, $0x38;
	[tilespmem:$0x1E900] =	vst v63  }
0x60: {  	_ =	swait.ge [sflag:s24], $0x2800  }
0x61: {  	[sflag:s24] =	ssyncset.done $0x0  }
0x62: {  	[sflag:s24] =	ssyncadd.s32 $0xFFFFD800  }
0x63: {  	[spmem:s15] =	stream.linear.scatter [tilespmem:s23], [sflag:$0x4], $0x2800, $0x38;
	[tilespmem:$0x1E900] =	vst v63  }
0x64: {  	_ =	swait.ge [sflag:s24], $0x2800  }
0x65: {  	[sflag:s24] =	ssyncset.done $0x0  }
0x66: {  	[sflag:s24] =	ssyncadd.s32 $0xFFFFD800  }
0x67: {  	[spmem:s16] =	stream.linear.scatter [tilespmem:s23], [sflag:$0x4], $0x2800, $0x38;
	[tilespmem:$0x1E900] =	vst v63  }
0x68: {  	_ =	swait.ge [sflag:s24], $0x2800  }
0x69: {  	[sflag:s24] =	ssyncset.done $0x0  }
0x6a: {  	[sflag:s24] =	ssyncadd.s32 $0xFFFFD800  }
0x6b: {  	[spmem:s17] =	stream.linear.scatter [tilespmem:s23], [sflag:$0x4], $0x2800, $0x38;
	[tilespmem:$0x1E900] =	vst v63  }
0x6c: {  	_ =	swait.ge [sflag:s24], $0x2800  }
0x6d: {  	[sflag:s24] =	ssyncset.done $0x0  }
0x6e: {  	[sflag:s24] =	ssyncadd.s32 $0xFFFFD800  }
0x6f: {  	[spmem:s18] =	stream.linear.scatter [tilespmem:s23], [sflag:$0x4], $0x2800, $0x38;
	[tilespmem:$0x1E900] =	vst v63  }
0x70: {  	_ =	swait.ge [sflag:s24], $0x2800  }
0x71: {  	[sflag:s24] =	ssyncset.done $0x0  }
0x72: {  	s11 =	simm.s32 @!p1 $0x7980;
	s13 =	rddreg [dreg:$0xb];
	[sflag:s24] =	ssyncadd.s32 $0xFFFFD800  }
0x73: {  	[spmem:s13] =	stream.linear.scatter @!p1 [tilespmem:s11], [sflag:$0x4], $0x2800, $0x38;
	[tilespmem:$0x1E900] =	vst v63  }
0x74: {  	s11 =	simm.s32 @!p1 $0x4  }
0x75: {  	_ =	swait.ge @!p1 [sflag:s11], $0x2800  }
0x76: {  	[sflag:s11] =	ssyncset.done @!p1 $0x0  }
0x77: {  	[sflag:s11] =	ssyncadd.s32 @!p1 $0xFFFFD800  }
0x78: {  	s21 =	sadd.s32 $0x0, s22;
	[bflag:$0x0] =	sbarrier.arrive $0xFFFF  }
0x79: {  	[tilespmem:s6], [sflag:$0x4] =	stream.linear.gather [hbm4b:s21+s6], $0x50, $0x38;
	[tilespmem:$0x1E900] =	vst v63  }
0x7a: {  	_ =	swait.ge [sflag:s24], $0x50  }
0x7b: {  	[sflag:s24] =	ssyncset.done $0x0  }
0x7c: {  	[sflag:s24] =	ssyncadd.s32 $0xFFFFFFB0  }
0x7d: {  	[spmem:s4] =	stream.indirect.scatter.add.f32 [tilespmem:s26], [sflag:$0x4], $0x80, s6, s25, $0xb8;
	[tilespmem:$0x1E900] =	vst v63  }
0x7e: {  	_ =	swait.ge [sflag:s24], $0x2800  }
0x7f: {  	s13 =	simm.s32 $0x14;
	s11 =	simm.s32 $0xA;
	[sflag:s24] =	ssyncset.done $0x0  }
.LBB2_6:
0x80: {  	s14 =	sadd.s32 s11, s22  }
0x81: {  	[sflag:s24] =	ssyncadd.s32 $0xFFFFD800;
	s11 =	smov.u32 s13;
	s19 =	sadd.s32 $0xA, s13  }
0x82: {  	[tilespmem:s6], [sflag:$0x4] =	stream.linear.gather [hbm4b:s14+s6], $0x50, $0x38;
	[tilespmem:$0x1E900] =	vst v63  }
0x83: {  	p2 =	sne.s32 s13, $0x4D8;
	_ =	swait.ge [sflag:s24], $0x50  }
.Ltmp2:
0x84: {  	[sflag:s24] =	ssyncset.done $0x0;
	(pc) =	sbr.rel @p2 .LBB2_6-.Ltmp2, $4  }
0x85: {  	[sflag:s24] =	ssyncadd.s32 $0xFFFFFFB0  }
0x86: {  	[spmem:s4] =	stream.indirect.scatter.add.f32 [tilespmem:s26], [sflag:$0x4], $0x80, s6, s25, $0xb8;
	[tilespmem:$0x1E900] =	vst v63  }
0x87: {  	_ =	swait.ge [sflag:s24], $0x2800  }
0x88: {  	s13 =	smov.u32 s19;
	[sflag:s24] =	ssyncset.done $0x0  }
0x89: {  	s11 =	sadd.s32 s11, s22;
	[sflag:s24] =	ssyncadd.s32 $0xFFFFD800  }
0x8a: {  	[tilespmem:s6], [sflag:$0x4] =	stream.linear.gather [hbm4b:s11+s6], $0x50, $0x38;
	[tilespmem:$0x1E900] =	vst v63  }
0x8b: {  	_ =	swait.ge [sflag:s24], $0x50  }
0x8c: {  	[sflag:s24] =	ssyncset.done $0x0  }
0x8d: {  	[sflag:s24] =	ssyncadd.s32 $0xFFFFFFB0  }
0x8e: {  	[spmem:s4] =	stream.indirect.scatter.add.f32 [tilespmem:s26], [sflag:$0x4], $0x80, s6, s25, $0xb8;
	[tilespmem:$0x1E900] =	vst v63  }
0x8f: {  	_ =	swait.ge [sflag:s24], $0x2800  }
0x90: {  	[sflag:s24] =	ssyncset.done $0x0  }
0x91: {  	[sflag:s24] =	ssyncadd.s32 $0xFFFFD800  }
0x92: {  	[bflag:$0x0] =	sbarrier.arrive $0xFFFF  }
0x93: {  	s21 =	rddreg [dreg:$0x8]  }
0x94: {  	[tilespmem:s28], [sflag:$0x4] =	stream.linear.gather [spmem:s21], $0x2800, $0x38;
	[tilespmem:$0x1E900] =	vst v63  }
0x95: {  	_ =	swait.ge [sflag:s24], $0x2800  }
0x96: {  	[sflag:s24] =	ssyncset.done $0x0  }
0x97: {  	s21 =	simm.s32 $0x0;
	[sflag:s24] =	ssyncadd.s32 $0xFFFFD800  }
0x98: {  	v3 =	vld [tilespmem:s21+$0x2980];
	_ =	sdelay $0x4  }
0x99: {  	v4 =	vmul.f32 $1.562500000e-02, v3;
	_ =	sdelay $0x1  }
0x9a: {  	v4 =	vadd.f32 $8.000000000e+00, v4;
	_ =	sdelay $0x1  }
0x9b: {  	(erf) = vrcp.f32 v4;
	_ =	sdelay $0x8  }
0x9c: {  	v5 =	vpop (erf)  }
0x9d: {  	v5 =	vmul.f32 v5, v3;
	_ =	sdelay $0x1  }
0x9e: {  	v4 =	vadd.f32 v5, v4;
	_ =	sdelay $0x1  }
0x9f: {  	v4 =	vmul.f32 $5.000000000e-01, v4;
	_ =	sdelay $0x1  }
0xa0: {  	(erf) = vrcp.f32 v4;
	_ =	sdelay $0x8  }
0xa1: {  	v5 =	vpop (erf)  }
0xa2: {  	v5 =	vmul.f32 v5, v3;
	_ =	sdelay $0x1  }
0xa3: {  	v4 =	vadd.f32 v5, v4;
	_ =	sdelay $0x1  }
0xa4: {  	v4 =	vmul.f32 $5.000000000e-01, v4;
	_ =	sdelay $0x1  }
0xa5: {  	(erf) = vrcp.f32 v4;
	_ =	sdelay $0x8  }
0xa6: {  	v5 =	vpop (erf)  }
0xa7: {  	v5 =	vmul.f32 v5, v3;
	_ =	sdelay $0x1  }
0xa8: {  	v4 =	vadd.f32 v5, v4;
	_ =	sdelay $0x1  }
0xa9: {  	v4 =	vmul.f32 $5.000000000e-01, v4;
	_ =	sdelay $0x1  }
0xaa: {  	(erf) = vrcp.f32 v4;
	_ =	sdelay $0x8  }
0xab: {  	v5 =	vpop (erf)  }
0xac: {  	v5 =	vmul.f32 v5, v3;
	_ =	sdelay $0x1  }
0xad: {  	v4 =	vadd.f32 v5, v4;
	_ =	sdelay $0x1  }
0xae: {  	v4 =	vmul.f32 $5.000000000e-01, v4;
	_ =	sdelay $0x1  }
0xaf: {  	(erf) = vrcp.f32 v4;
	_ =	sdelay $0x8  }
0xb0: {  	v5 =	vpop (erf)  }
0xb1: {  	v5 =	vmul.f32 v5, v3;
	_ =	sdelay $0x1  }
0xb2: {  	v4 =	vadd.f32 v5, v4;
	_ =	sdelay $0x1  }
0xb3: {  	v4 =	vmul.f32 $5.000000000e-01, v4;
	_ =	sdelay $0x1  }
0xb4: {  	(erf) = vrcp.f32 v4;
	_ =	sdelay $0x8  }
0xb5: {  	v5 =	vpop (erf)  }
0xb6: {  	v5 =	vmul.f32 v5, v3;
	_ =	sdelay $0x1  }
0xb7: {  	v4 =	vadd.f32 v5, v4;
	_ =	sdelay $0x1  }
0xb8: {  	v4 =	vmul.f32 $5.000000000e-01, v4;
	_ =	sdelay $0x1  }
0xb9: {  	(erf) = vrcp.f32 v4;
	_ =	sdelay $0x8  }
0xba: {  	v5 =	vpop (erf)  }
0xbb: {  	v5 =	vmul.f32 v5, v3;
	_ =	sdelay $0x1  }
0xbc: {  	v4 =	vadd.f32 v5, v4;
	_ =	sdelay $0x1  }
0xbd: {  	v4 =	vmul.f32 $5.000000000e-01, v4;
	_ =	sdelay $0x1  }
0xbe: {  	(erf) = vrcp.f32 v4;
	_ =	sdelay $0x8  }
0xbf: {  	v5 =	vpop (erf)  }
0xc0: {  	v5 =	vmul.f32 v5, v3;
	_ =	sdelay $0x1  }
0xc1: {  	v4 =	vadd.f32 v5, v4;
	_ =	sdelay $0x1  }
0xc2: {  	v4 =	vmul.f32 $5.000000000e-01, v4;
	_ =	sdelay $0x1  }
0xc3: {  	(erf) = vrcp.f32 v4;
	_ =	sdelay $0x8  }
0xc4: {  	v5 =	vpop (erf)  }
0xc5: {  	v5 =	vmul.f32 v5, v3;
	_ =	sdelay $0x1  }
0xc6: {  	v4 =	vadd.f32 v5, v4;
	_ =	sdelay $0x1  }
0xc7: {  	v4 =	vmul.f32 $5.000000000e-01, v4;
	_ =	sdelay $0x1  }
0xc8: {  	(erf) = vrcp.f32 v4;
	_ =	sdelay $0x8  }
0xc9: {  	vm0 =	vgt.f32 v3, $5.000000000e-01;
	v3 =	vpop (erf)  }
0xca: {  	v4 =	vnsel vm0, $0x0, v3  }
0xcb: {  	s19 =	simm.s32 $0x400;
	s11 =	simm.s32 $0x80;
	[tilespmem:s21+$0x2980] =	vst v4  }
.LBB2_8:
0xcc: {  	p2 =	sne.s32 s19, $0x9E00;
	v3 =	vld [tilespmem:s11+$0x2980];
	[tilespmem:s21+$0x2990] =	vst v4  }
0xcd: {  	[tilespmem:s21+$0x29A0] =	vst v4  }
0xce: {  	[tilespmem:s21+$0x29B0] =	vst v4  }
0xcf: {  	[tilespmem:s21+$0x29C0] =	vst v4  }
0xd0: {  	[tilespmem:s21+$0x29D0] =	vst v4  }
0xd1: {  	v5 =	vmul.f32 $1.562500000e-02, v3;
	[tilespmem:s21+$0x29E0] =	vst v4  }
0xd2: {  	[tilespmem:s21+$0x29F0] =	vst v4;
	s21 =	smov.u32 s11  }
0xd3: {  	v4 =	vadd.f32 $8.000000000e+00, v5;
	_ =	sdelay $0x1  }
0xd4: {  	(erf) = vrcp.f32 v4;
	_ =	sdelay $0x8  }
0xd5: {  	v5 =	vpop (erf)  }
0xd6: {  	v5 =	vmul.f32 v5, v3;
	_ =	sdelay $0x1  }
0xd7: {  	v4 =	vadd.f32 v5, v4;
	_ =	sdelay $0x1  }
0xd8: {  	v4 =	vmul.f32 $5.000000000e-01, v4;
	_ =	sdelay $0x1  }
0xd9: {  	(erf) = vrcp.f32 v4;
	_ =	sdelay $0x8  }
0xda: {  	v5 =	vpop (erf)  }
0xdb: {  	v5 =	vmul.f32 v5, v3;
	_ =	sdelay $0x1  }
0xdc: {  	v4 =	vadd.f32 v5, v4;
	_ =	sdelay $0x1  }
0xdd: {  	v4 =	vmul.f32 $5.000000000e-01, v4;
	_ =	sdelay $0x1  }
0xde: {  	(erf) = vrcp.f32 v4;
	_ =	sdelay $0x8  }
0xdf: {  	v5 =	vpop (erf)  }
0xe0: {  	v5 =	vmul.f32 v5, v3;
	_ =	sdelay $0x1  }
0xe1: {  	v4 =	vadd.f32 v5, v4;
	_ =	sdelay $0x1  }
0xe2: {  	v4 =	vmul.f32 $5.000000000e-01, v4;
	_ =	sdelay $0x1  }
0xe3: {  	(erf) = vrcp.f32 v4;
	_ =	sdelay $0x8  }
0xe4: {  	v5 =	vpop (erf)  }
0xe5: {  	v5 =	vmul.f32 v5, v3;
	_ =	sdelay $0x1  }
0xe6: {  	v4 =	vadd.f32 v5, v4;
	_ =	sdelay $0x1  }
0xe7: {  	v4 =	vmul.f32 $5.000000000e-01, v4;
	_ =	sdelay $0x1  }
0xe8: {  	(erf) = vrcp.f32 v4;
	_ =	sdelay $0x8  }
0xe9: {  	v5 =	vpop (erf)  }
0xea: {  	v5 =	vmul.f32 v5, v3;
	_ =	sdelay $0x1  }
0xeb: {  	v4 =	vadd.f32 v5, v4;
	_ =	sdelay $0x1  }
0xec: {  	v4 =	vmul.f32 $5.000000000e-01, v4;
	_ =	sdelay $0x1  }
0xed: {  	(erf) = vrcp.f32 v4;
	_ =	sdelay $0x8  }
0xee: {  	v5 =	vpop (erf)  }
0xef: {  	v5 =	vmul.f32 v5, v3;
	_ =	sdelay $0x1  }
0xf0: {  	v4 =	vadd.f32 v5, v4;
	_ =	sdelay $0x1  }
0xf1: {  	v4 =	vmul.f32 $5.000000000e-01, v4;
	_ =	sdelay $0x1  }
0xf2: {  	(erf) = vrcp.f32 v4;
	_ =	sdelay $0x8  }
0xf3: {  	v5 =	vpop (erf)  }
0xf4: {  	v5 =	vmul.f32 v5, v3;
	_ =	sdelay $0x1  }
0xf5: {  	v4 =	vadd.f32 v5, v4;
	_ =	sdelay $0x1  }
0xf6: {  	v4 =	vmul.f32 $5.000000000e-01, v4;
	_ =	sdelay $0x1  }
0xf7: {  	(erf) = vrcp.f32 v4;
	_ =	sdelay $0x8  }
0xf8: {  	v5 =	vpop (erf)  }
0xf9: {  	v5 =	vmul.f32 v5, v3;
	_ =	sdelay $0x1  }
0xfa: {  	v4 =	vadd.f32 v5, v4;
	_ =	sdelay $0x1  }
0xfb: {  	v4 =	vmul.f32 $5.000000000e-01, v4;
	_ =	sdelay $0x1  }
0xfc: {  	(erf) = vrcp.f32 v4;
	_ =	sdelay $0x8  }
0xfd: {  	v5 =	vpop (erf)  }
0xfe: {  	v5 =	vmul.f32 v5, v3;
	_ =	sdelay $0x1  }
0xff: {  	v4 =	vadd.f32 v5, v4;
	_ =	sdelay $0x1  }
0x100: {  	v4 =	vmul.f32 $5.000000000e-01, v4;
	_ =	sdelay $0x1  }
0x101: {  	(erf) = vrcp.f32 v4;
	_ =	sdelay $0x6  }
.Ltmp3:
0x102: {  	(pc) =	sbr.rel @p2 .LBB2_8-.Ltmp3, $4  }
0x103: {  	_ = 	snop  }
0x104: {  	vm0 =	vgt.f32 v3, $5.000000000e-01;
	v3 =	vpop (erf)  }
0x105: {  	v4 =	vnsel vm0, $0x0, v3  }
0x106: {  	s11 =	sshra.s32 s19, $0x2;
	s19 =	sadd.s32 $0x200, s19;
	[tilespmem:s21+$0x2980] =	vst v4  }
0x107: {  	v3 =	vld [tilespmem:s11+$0x2980];
	_ =	sdelay $0x4  }
0x108: {  	v5 =	vmul.f32 $1.562500000e-02, v3;
	_ =	sdelay $0x1  }
0x109: {  	v5 =	vadd.f32 $8.000000000e+00, v5;
	_ =	sdelay $0x1  }
0x10a: {  	(erf) = vrcp.f32 v5;
	_ =	sdelay $0x8  }
0x10b: {  	v6 =	vpop (erf)  }
0x10c: {  	v6 =	vmul.f32 v6, v3;
	_ =	sdelay $0x1  }
0x10d: {  	v5 =	vadd.f32 v6, v5;
	_ =	sdelay $0x1  }
0x10e: {  	v5 =	vmul.f32 $5.000000000e-01, v5;
	_ =	sdelay $0x1  }
0x10f: {  	(erf) = vrcp.f32 v5;
	_ =	sdelay $0x8  }
0x110: {  	v6 =	vpop (erf)  }
0x111: {  	v6 =	vmul.f32 v6, v3;
	_ =	sdelay $0x1  }
0x112: {  	v5 =	vadd.f32 v6, v5;
	_ =	sdelay $0x1  }
0x113: {  	v5 =	vmul.f32 $5.000000000e-01, v5;
	_ =	sdelay $0x1  }
0x114: {  	(erf) = vrcp.f32 v5;
	_ =	sdelay $0x8  }
0x115: {  	v6 =	vpop (erf)  }
0x116: {  	v6 =	vmul.f32 v6, v3;
	_ =	sdelay $0x1  }
0x117: {  	v5 =	vadd.f32 v6, v5;
	_ =	sdelay $0x1  }
0x118: {  	v5 =	vmul.f32 $5.000000000e-01, v5;
	_ =	sdelay $0x1  }
0x119: {  	(erf) = vrcp.f32 v5;
	_ =	sdelay $0x8  }
0x11a: {  	v6 =	vpop (erf)  }
0x11b: {  	v6 =	vmul.f32 v6, v3;
	_ =	sdelay $0x1  }
0x11c: {  	v5 =	vadd.f32 v6, v5;
	_ =	sdelay $0x1  }
0x11d: {  	v5 =	vmul.f32 $5.000000000e-01, v5;
	_ =	sdelay $0x1  }
0x11e: {  	(erf) = vrcp.f32 v5;
	_ =	sdelay $0x8  }
0x11f: {  	v6 =	vpop (erf)  }
0x120: {  	v6 =	vmul.f32 v6, v3;
	_ =	sdelay $0x1  }
0x121: {  	v5 =	vadd.f32 v6, v5;
	_ =	sdelay $0x1  }
0x122: {  	v5 =	vmul.f32 $5.000000000e-01, v5;
	_ =	sdelay $0x1  }
0x123: {  	(erf) = vrcp.f32 v5;
	_ =	sdelay $0x8  }
0x124: {  	v6 =	vpop (erf)  }
0x125: {  	v6 =	vmul.f32 v6, v3;
	_ =	sdelay $0x1  }
0x126: {  	v5 =	vadd.f32 v6, v5;
	_ =	sdelay $0x1  }
0x127: {  	v5 =	vmul.f32 $5.000000000e-01, v5;
	_ =	sdelay $0x1  }
0x128: {  	(erf) = vrcp.f32 v5;
	_ =	sdelay $0x8  }
0x129: {  	v6 =	vpop (erf)  }
0x12a: {  	v6 =	vmul.f32 v6, v3;
	_ =	sdelay $0x1  }
0x12b: {  	v5 =	vadd.f32 v6, v5;
	_ =	sdelay $0x1  }
0x12c: {  	v5 =	vmul.f32 $5.000000000e-01, v5;
	_ =	sdelay $0x1  }
0x12d: {  	(erf) = vrcp.f32 v5;
	_ =	sdelay $0x8  }
0x12e: {  	v6 =	vpop (erf)  }
0x12f: {  	v6 =	vmul.f32 v6, v3;
	_ =	sdelay $0x1  }
0x130: {  	v5 =	vadd.f32 v6, v5;
	_ =	sdelay $0x1  }
0x131: {  	v5 =	vmul.f32 $5.000000000e-01, v5;
	_ =	sdelay $0x1  }
0x132: {  	(erf) = vrcp.f32 v5;
	_ =	sdelay $0x8  }
0x133: {  	v6 =	vpop (erf)  }
0x134: {  	v6 =	vmul.f32 v6, v3;
	_ =	sdelay $0x1  }
0x135: {  	v5 =	vadd.f32 v6, v5;
	_ =	sdelay $0x1  }
0x136: {  	v5 =	vmul.f32 $5.000000000e-01, v5;
	_ =	sdelay $0x1  }
0x137: {  	(erf) = vrcp.f32 v5;
	_ =	sdelay $0x3  }
0x138: {  	[tilespmem:s21+$0x2990] =	vst v4  }
0x139: {  	[tilespmem:s21+$0x29A0] =	vst v4  }
0x13a: {  	[tilespmem:s21+$0x29B0] =	vst v4  }
0x13b: {  	[tilespmem:s21+$0x29C0] =	vst v4  }
0x13c: {  	[tilespmem:s21+$0x29D0] =	vst v4  }
0x13d: {  	[tilespmem:s21+$0x29E0] =	vst v4;
	vm0 =	vgt.f32 v3, $5.000000000e-01;
	v3 =	vpop (erf)  }
0x13e: {  	[tilespmem:s21+$0x29F0] =	vst v4;
	v3 =	vnsel vm0, $0x0, v3  }
0x13f: {  	[tilespmem:s11+$0x2980] =	vst v3  }
0x140: {  	[tilespmem:s11+$0x2990] =	vst v3  }
0x141: {  	[tilespmem:s11+$0x29A0] =	vst v3  }
0x142: {  	[tilespmem:s11+$0x29B0] =	vst v3  }
0x143: {  	[tilespmem:s11+$0x29C0] =	vst v3  }
0x144: {  	[tilespmem:s11+$0x29D0] =	vst v3  }
0x145: {  	[tilespmem:s11+$0x29E0] =	vst v3  }
0x146: {  	s14 =	simm.s32 $0x0;
	s13 =	rddreg [dreg:$0xc];
	[tilespmem:s11+$0x29F0] =	vst v3  }
0x147: {  	[hbm4b:s13+s14] =	stream.linear.scatter [tilespmem:s28], [sflag:$0x4], $0x2800, $0x38;
	[tilespmem:$0x1E900] =	vst v63  }
0x148: {  	_ =	swait.ge [sflag:s24], $0x2800  }
0x149: {  	[sflag:s24] =	ssyncset.done $0x0  }
0x14a: {  	s19 =	rddreg [dreg:$0x8];
	[sflag:s24] =	ssyncadd.s32 $0xFFFFD800  }
0x14b: {  	[spmem:s19] =	stream.linear.scatter [tilespmem:s23], [sflag:$0x4], $0x2800, $0x38;
	[tilespmem:$0x1E900] =	vst v63  }
0x14c: {  	_ =	swait.ge [sflag:s24], $0x2800  }
0x14d: {  	[sflag:s24] =	ssyncset.done $0x0  }
0x14e: {  	s21 =	rddreg [dreg:$0x9];
	[sflag:s24] =	ssyncadd.s32 $0xFFFFD800  }
0x14f: {  	[tilespmem:s28], [sflag:$0x4] =	stream.linear.gather [spmem:s21], $0x2800, $0x38;
	[tilespmem:$0x1E900] =	vst v63  }
0x150: {  	_ =	swait.ge [sflag:s24], $0x2800  }
0x151: {  	[sflag:s24] =	ssyncset.done $0x0  }
0x152: {  	s21 =	simm.s32 $0x0;
	[sflag:s24] =	ssyncadd.s32 $0xFFFFD800  }
0x153: {  	v3 =	vld [tilespmem:s21+$0x2980];
	_ =	sdelay $0x4  }
0x154: {  	v4 =	vmul.f32 $1.562500000e-02, v3;
	_ =	sdelay $0x1  }
0x155: {  	v4 =	vadd.f32 $8.000000000e+00, v4;
	_ =	sdelay $0x1  }
0x156: {  	(erf) = vrcp.f32 v4;
	_ =	sdelay $0x8  }
0x157: {  	v5 =	vpop (erf)  }
0x158: {  	v5 =	vmul.f32 v5, v3;
	_ =	sdelay $0x1  }
0x159: {  	v4 =	vadd.f32 v5, v4;
	_ =	sdelay $0x1  }
0x15a: {  	v4 =	vmul.f32 $5.000000000e-01, v4;
	_ =	sdelay $0x1  }
0x15b: {  	(erf) = vrcp.f32 v4;
	_ =	sdelay $0x8  }
0x15c: {  	v5 =	vpop (erf)  }
0x15d: {  	v5 =	vmul.f32 v5, v3;
	_ =	sdelay $0x1  }
0x15e: {  	v4 =	vadd.f32 v5, v4;
	_ =	sdelay $0x1  }
0x15f: {  	v4 =	vmul.f32 $5.000000000e-01, v4;
	_ =	sdelay $0x1  }
0x160: {  	(erf) = vrcp.f32 v4;
	_ =	sdelay $0x8  }
0x161: {  	v5 =	vpop (erf)  }
0x162: {  	v5 =	vmul.f32 v5, v3;
	_ =	sdelay $0x1  }
0x163: {  	v4 =	vadd.f32 v5, v4;
	_ =	sdelay $0x1  }
0x164: {  	v4 =	vmul.f32 $5.000000000e-01, v4;
	_ =	sdelay $0x1  }
0x165: {  	(erf) = vrcp.f32 v4;
	_ =	sdelay $0x8  }
0x166: {  	v5 =	vpop (erf)  }
0x167: {  	v5 =	vmul.f32 v5, v3;
	_ =	sdelay $0x1  }
0x168: {  	v4 =	vadd.f32 v5, v4;
	_ =	sdelay $0x1  }
0x169: {  	v4 =	vmul.f32 $5.000000000e-01, v4;
	_ =	sdelay $0x1  }
0x16a: {  	(erf) = vrcp.f32 v4;
	_ =	sdelay $0x8  }
0x16b: {  	v5 =	vpop (erf)  }
0x16c: {  	v5 =	vmul.f32 v5, v3;
	_ =	sdelay $0x1  }
0x16d: {  	v4 =	vadd.f32 v5, v4;
	_ =	sdelay $0x1  }
0x16e: {  	v4 =	vmul.f32 $5.000000000e-01, v4;
	_ =	sdelay $0x1  }
0x16f: {  	(erf) = vrcp.f32 v4;
	_ =	sdelay $0x8  }
0x170: {  	v5 =	vpop (erf)  }
0x171: {  	v5 =	vmul.f32 v5, v3;
	_ =	sdelay $0x1  }
0x172: {  	v4 =	vadd.f32 v5, v4;
	_ =	sdelay $0x1  }
0x173: {  	v4 =	vmul.f32 $5.000000000e-01, v4;
	_ =	sdelay $0x1  }
0x174: {  	(erf) = vrcp.f32 v4;
	_ =	sdelay $0x8  }
0x175: {  	v5 =	vpop (erf)  }
0x176: {  	v5 =	vmul.f32 v5, v3;
	_ =	sdelay $0x1  }
0x177: {  	v4 =	vadd.f32 v5, v4;
	_ =	sdelay $0x1  }
0x178: {  	v4 =	vmul.f32 $5.000000000e-01, v4;
	_ =	sdelay $0x1  }
0x179: {  	(erf) = vrcp.f32 v4;
	_ =	sdelay $0x8  }
0x17a: {  	v5 =	vpop (erf)  }
0x17b: {  	v5 =	vmul.f32 v5, v3;
	_ =	sdelay $0x1  }
0x17c: {  	v4 =	vadd.f32 v5, v4;
	_ =	sdelay $0x1  }
0x17d: {  	v4 =	vmul.f32 $5.000000000e-01, v4;
	_ =	sdelay $0x1  }
0x17e: {  	(erf) = vrcp.f32 v4;
	_ =	sdelay $0x8  }
0x17f: {  	v5 =	vpop (erf)  }
0x180: {  	v5 =	vmul.f32 v5, v3;
	_ =	sdelay $0x1  }
0x181: {  	v4 =	vadd.f32 v5, v4;
	_ =	sdelay $0x1  }
0x182: {  	v4 =	vmul.f32 $5.000000000e-01, v4;
	_ =	sdelay $0x1  }
0x183: {  	(erf) = vrcp.f32 v4;
	_ =	sdelay $0x8  }
0x184: {  	vm15 =	vgt.f32 v3, $5.000000000e-01;
	v3 =	vpop (erf)  }
0x185: {  	v4 =	vnsel vm15, $0x0, v3  }
0x186: {  	s11 =	simm.s32 $0x80;
	s19 =	simm.s32 $0x400;
	[tilespmem:s21+$0x2980] =	vst v4  }
.LBB2_10:
0x187: {  	p2 =	sne.s32 s19, $0x9E00;
	v3 =	vld [tilespmem:s11+$0x2980];
	[tilespmem:s21+$0x2990] =	vst v4  }
0x188: {  	[tilespmem:s21+$0x29A0] =	vst v4  }
0x189: {  	[tilespmem:s21+$0x29B0] =	vst v4  }
0x18a: {  	[tilespmem:s21+$0x29C0] =	vst v4  }
0x18b: {  	[tilespmem:s21+$0x29D0] =	vst v4  }
0x18c: {  	v5 =	vmul.f32 $1.562500000e-02, v3;
	[tilespmem:s21+$0x29E0] =	vst v4  }
0x18d: {  	[tilespmem:s21+$0x29F0] =	vst v4;
	s21 =	smov.u32 s11  }
0x18e: {  	v4 =	vadd.f32 $8.000000000e+00, v5;
	_ =	sdelay $0x1  }
0x18f: {  	(erf) = vrcp.f32 v4;
	_ =	sdelay $0x8  }
0x190: {  	v5 =	vpop (erf)  }
0x191: {  	v5 =	vmul.f32 v5, v3;
	_ =	sdelay $0x1  }
0x192: {  	v4 =	vadd.f32 v5, v4;
	_ =	sdelay $0x1  }
0x193: {  	v4 =	vmul.f32 $5.000000000e-01, v4;
	_ =	sdelay $0x1  }
0x194: {  	(erf) = vrcp.f32 v4;
	_ =	sdelay $0x8  }
0x195: {  	v5 =	vpop (erf)  }
0x196: {  	v5 =	vmul.f32 v5, v3;
	_ =	sdelay $0x1  }
0x197: {  	v4 =	vadd.f32 v5, v4;
	_ =	sdelay $0x1  }
0x198: {  	v4 =	vmul.f32 $5.000000000e-01, v4;
	_ =	sdelay $0x1  }
0x199: {  	(erf) = vrcp.f32 v4;
	_ =	sdelay $0x8  }
0x19a: {  	v5 =	vpop (erf)  }
0x19b: {  	v5 =	vmul.f32 v5, v3;
	_ =	sdelay $0x1  }
0x19c: {  	v4 =	vadd.f32 v5, v4;
	_ =	sdelay $0x1  }
0x19d: {  	v4 =	vmul.f32 $5.000000000e-01, v4;
	_ =	sdelay $0x1  }
0x19e: {  	(erf) = vrcp.f32 v4;
	_ =	sdelay $0x8  }
0x19f: {  	v5 =	vpop (erf)  }
0x1a0: {  	v5 =	vmul.f32 v5, v3;
	_ =	sdelay $0x1  }
0x1a1: {  	v4 =	vadd.f32 v5, v4;
	_ =	sdelay $0x1  }
0x1a2: {  	v4 =	vmul.f32 $5.000000000e-01, v4;
	_ =	sdelay $0x1  }
0x1a3: {  	(erf) = vrcp.f32 v4;
	_ =	sdelay $0x8  }
0x1a4: {  	v5 =	vpop (erf)  }
0x1a5: {  	v5 =	vmul.f32 v5, v3;
	_ =	sdelay $0x1  }
0x1a6: {  	v4 =	vadd.f32 v5, v4;
	_ =	sdelay $0x1  }
0x1a7: {  	v4 =	vmul.f32 $5.000000000e-01, v4;
	_ =	sdelay $0x1  }
0x1a8: {  	(erf) = vrcp.f32 v4;
	_ =	sdelay $0x8  }
0x1a9: {  	v5 =	vpop (erf)  }
0x1aa: {  	v5 =	vmul.f32 v5, v3;
	_ =	sdelay $0x1  }
0x1ab: {  	v4 =	vadd.f32 v5, v4;
	_ =	sdelay $0x1  }
0x1ac: {  	v4 =	vmul.f32 $5.000000000e-01, v4;
	_ =	sdelay $0x1  }
0x1ad: {  	(erf) = vrcp.f32 v4;
	_ =	sdelay $0x8  }
0x1ae: {  	v5 =	vpop (erf)  }
0x1af: {  	v5 =	vmul.f32 v5, v3;
	_ =	sdelay $0x1  }
0x1b0: {  	v4 =	vadd.f32 v5, v4;
	_ =	sdelay $0x1  }
0x1b1: {  	v4 =	vmul.f32 $5.000000000e-01, v4;
	_ =	sdelay $0x1  }
0x1b2: {  	(erf) = vrcp.f32 v4;
	_ =	sdelay $0x8  }
0x1b3: {  	v5 =	vpop (erf)  }
0x1b4: {  	v5 =	vmul.f32 v5, v3;
	_ =	sdelay $0x1  }
0x1b5: {  	v4 =	vadd.f32 v5, v4;
	_ =	sdelay $0x1  }
0x1b6: {  	v4 =	vmul.f32 $5.000000000e-01, v4;
	_ =	sdelay $0x1  }
0x1b7: {  	(erf) = vrcp.f32 v4;
	_ =	sdelay $0x8  }
0x1b8: {  	v5 =	vpop (erf)  }
0x1b9: {  	v5 =	vmul.f32 v5, v3;
	_ =	sdelay $0x1  }
0x1ba: {  	v4 =	vadd.f32 v5, v4;
	_ =	sdelay $0x1  }
0x1bb: {  	v4 =	vmul.f32 $5.000000000e-01, v4;
	_ =	sdelay $0x1  }
0x1bc: {  	(erf) = vrcp.f32 v4;
	_ =	sdelay $0x6  }
.Ltmp4:
0x1bd: {  	(pc) =	sbr.rel @p2 .LBB2_10-.Ltmp4, $4  }
0x1be: {  	_ = 	snop  }
0x1bf: {  	vm0 =	vgt.f32 v3, $5.000000000e-01;
	v3 =	vpop (erf)  }
0x1c0: {  	v4 =	vnsel vm0, $0x0, v3  }
0x1c1: {  	s11 =	sshra.s32 s19, $0x2;
	s19 =	sadd.s32 $0x200, s19;
	[tilespmem:s21+$0x2980] =	vst v4  }
0x1c2: {  	v3 =	vld [tilespmem:s11+$0x2980];
	_ =	sdelay $0x4  }
0x1c3: {  	v5 =	vmul.f32 $1.562500000e-02, v3;
	_ =	sdelay $0x1  }
0x1c4: {  	v5 =	vadd.f32 $8.000000000e+00, v5;
	_ =	sdelay $0x1  }
0x1c5: {  	(erf) = vrcp.f32 v5;
	_ =	sdelay $0x8  }
0x1c6: {  	v6 =	vpop (erf)  }
0x1c7: {  	v6 =	vmul.f32 v6, v3;
	_ =	sdelay $0x1  }
0x1c8: {  	v5 =	vadd.f32 v6, v5;
	_ =	sdelay $0x1  }
0x1c9: {  	v5 =	vmul.f32 $5.000000000e-01, v5;
	_ =	sdelay $0x1  }
0x1ca: {  	(erf) = vrcp.f32 v5;
	_ =	sdelay $0x8  }
0x1cb: {  	v6 =	vpop (erf)  }
0x1cc: {  	v6 =	vmul.f32 v6, v3;
	_ =	sdelay $0x1  }
0x1cd: {  	v5 =	vadd.f32 v6, v5;
	_ =	sdelay $0x1  }
0x1ce: {  	v5 =	vmul.f32 $5.000000000e-01, v5;
	_ =	sdelay $0x1  }
0x1cf: {  	(erf) = vrcp.f32 v5;
	_ =	sdelay $0x8  }
0x1d0: {  	v6 =	vpop (erf)  }
0x1d1: {  	v6 =	vmul.f32 v6, v3;
	_ =	sdelay $0x1  }
0x1d2: {  	v5 =	vadd.f32 v6, v5;
	_ =	sdelay $0x1  }
0x1d3: {  	v5 =	vmul.f32 $5.000000000e-01, v5;
	_ =	sdelay $0x1  }
0x1d4: {  	(erf) = vrcp.f32 v5;
	_ =	sdelay $0x8  }
0x1d5: {  	v6 =	vpop (erf)  }
0x1d6: {  	v6 =	vmul.f32 v6, v3;
	_ =	sdelay $0x1  }
0x1d7: {  	v5 =	vadd.f32 v6, v5;
	_ =	sdelay $0x1  }
0x1d8: {  	v5 =	vmul.f32 $5.000000000e-01, v5;
	_ =	sdelay $0x1  }
0x1d9: {  	(erf) = vrcp.f32 v5;
	_ =	sdelay $0x8  }
0x1da: {  	v6 =	vpop (erf)  }
0x1db: {  	v6 =	vmul.f32 v6, v3;
	_ =	sdelay $0x1  }
0x1dc: {  	v5 =	vadd.f32 v6, v5;
	_ =	sdelay $0x1  }
0x1dd: {  	v5 =	vmul.f32 $5.000000000e-01, v5;
	_ =	sdelay $0x1  }
0x1de: {  	(erf) = vrcp.f32 v5;
	_ =	sdelay $0x8  }
0x1df: {  	v6 =	vpop (erf)  }
0x1e0: {  	v6 =	vmul.f32 v6, v3;
	_ =	sdelay $0x1  }
0x1e1: {  	v5 =	vadd.f32 v6, v5;
	_ =	sdelay $0x1  }
0x1e2: {  	v5 =	vmul.f32 $5.000000000e-01, v5;
	_ =	sdelay $0x1  }
0x1e3: {  	(erf) = vrcp.f32 v5;
	_ =	sdelay $0x8  }
0x1e4: {  	v6 =	vpop (erf)  }
0x1e5: {  	v6 =	vmul.f32 v6, v3;
	_ =	sdelay $0x1  }
0x1e6: {  	v5 =	vadd.f32 v6, v5;
	_ =	sdelay $0x1  }
0x1e7: {  	v5 =	vmul.f32 $5.000000000e-01, v5;
	_ =	sdelay $0x1  }
0x1e8: {  	(erf) = vrcp.f32 v5;
	_ =	sdelay $0x8  }
0x1e9: {  	v6 =	vpop (erf)  }
0x1ea: {  	v6 =	vmul.f32 v6, v3;
	_ =	sdelay $0x1  }
0x1eb: {  	v5 =	vadd.f32 v6, v5;
	_ =	sdelay $0x1  }
0x1ec: {  	v5 =	vmul.f32 $5.000000000e-01, v5;
	_ =	sdelay $0x1  }
0x1ed: {  	(erf) = vrcp.f32 v5;
	_ =	sdelay $0x8  }
0x1ee: {  	v6 =	vpop (erf)  }
0x1ef: {  	v6 =	vmul.f32 v6, v3;
	_ =	sdelay $0x1  }
0x1f0: {  	v5 =	vadd.f32 v6, v5;
	_ =	sdelay $0x1  }
0x1f1: {  	v5 =	vmul.f32 $5.000000000e-01, v5;
	_ =	sdelay $0x1  }
0x1f2: {  	(erf) = vrcp.f32 v5;
	_ =	sdelay $0x3  }
0x1f3: {  	[tilespmem:s21+$0x2990] =	vst v4  }
0x1f4: {  	[tilespmem:s21+$0x29A0] =	vst v4  }
0x1f5: {  	[tilespmem:s21+$0x29B0] =	vst v4  }
0x1f6: {  	[tilespmem:s21+$0x29C0] =	vst v4  }
0x1f7: {  	[tilespmem:s21+$0x29D0] =	vst v4  }
0x1f8: {  	[tilespmem:s21+$0x29E0] =	vst v4;
	vm0 =	vgt.f32 v3, $5.000000000e-01;
	v3 =	vpop (erf)  }
0x1f9: {  	[tilespmem:s21+$0x29F0] =	vst v4;
	v3 =	vnsel vm0, $0x0, v3  }
0x1fa: {  	[tilespmem:s11+$0x2980] =	vst v3  }
0x1fb: {  	[tilespmem:s11+$0x2990] =	vst v3  }
0x1fc: {  	[tilespmem:s11+$0x29A0] =	vst v3  }
0x1fd: {  	[tilespmem:s11+$0x29B0] =	vst v3  }
0x1fe: {  	[tilespmem:s11+$0x29C0] =	vst v3  }
0x1ff: {  	[tilespmem:s11+$0x29D0] =	vst v3  }
0x200: {  	[tilespmem:s11+$0x29E0] =	vst v3  }
0x201: {  	s14 =	simm.s32 $0x0;
	s13 =	rddreg [dreg:$0xe];
	[tilespmem:s11+$0x29F0] =	vst v3  }
0x202: {  	[hbm4b:s13+s14] =	stream.linear.scatter [tilespmem:s28], [sflag:$0x4], $0x2800, $0x38;
	[tilespmem:$0x1E900] =	vst v63  }
0x203: {  	_ =	swait.ge [sflag:s24], $0x2800  }
0x204: {  	[sflag:s24] =	ssyncset.done $0x0  }
0x205: {  	s19 =	rddreg [dreg:$0x9];
	[sflag:s24] =	ssyncadd.s32 $0xFFFFD800  }
0x206: {  	[spmem:s19] =	stream.linear.scatter [tilespmem:s23], [sflag:$0x4], $0x2800, $0x38;
	[tilespmem:$0x1E900] =	vst v63  }
0x207: {  	_ =	swait.ge [sflag:s24], $0x2800  }
0x208: {  	[sflag:s24] =	ssyncset.done $0x0  }
0x209: {  	s21 =	rddreg [dreg:$0xa];
	[sflag:s24] =	ssyncadd.s32 $0xFFFFD800  }
0x20a: {  	[tilespmem:s28], [sflag:$0x4] =	stream.linear.gather [spmem:s21], $0x2800, $0x38;
	[tilespmem:$0x1E900] =	vst v63  }
0x20b: {  	_ =	swait.ge [sflag:s24], $0x2800  }
0x20c: {  	[sflag:s24] =	ssyncset.done $0x0  }
0x20d: {  	s21 =	simm.s32 $0x0;
	[sflag:s24] =	ssyncadd.s32 $0xFFFFD800  }
0x20e: {  	v3 =	vld [tilespmem:s21+$0x2980];
	_ =	sdelay $0x4  }
0x20f: {  	v4 =	vmul.f32 $1.562500000e-02, v3;
	_ =	sdelay $0x1  }
0x210: {  	v4 =	vadd.f32 $8.000000000e+00, v4;
	_ =	sdelay $0x1  }
0x211: {  	(erf) = vrcp.f32 v4;
	_ =	sdelay $0x8  }
0x212: {  	v5 =	vpop (erf)  }
0x213: {  	v5 =	vmul.f32 v5, v3;
	_ =	sdelay $0x1  }
0x214: {  	v4 =	vadd.f32 v5, v4;
	_ =	sdelay $0x1  }
0x215: {  	v4 =	vmul.f32 $5.000000000e-01, v4;
	_ =	sdelay $0x1  }
0x216: {  	(erf) = vrcp.f32 v4;
	_ =	sdelay $0x8  }
0x217: {  	v5 =	vpop (erf)  }
0x218: {  	v5 =	vmul.f32 v5, v3;
	_ =	sdelay $0x1  }
0x219: {  	v4 =	vadd.f32 v5, v4;
	_ =	sdelay $0x1  }
0x21a: {  	v4 =	vmul.f32 $5.000000000e-01, v4;
	_ =	sdelay $0x1  }
0x21b: {  	(erf) = vrcp.f32 v4;
	_ =	sdelay $0x8  }
0x21c: {  	v5 =	vpop (erf)  }
0x21d: {  	v5 =	vmul.f32 v5, v3;
	_ =	sdelay $0x1  }
0x21e: {  	v4 =	vadd.f32 v5, v4;
	_ =	sdelay $0x1  }
0x21f: {  	v4 =	vmul.f32 $5.000000000e-01, v4;
	_ =	sdelay $0x1  }
0x220: {  	(erf) = vrcp.f32 v4;
	_ =	sdelay $0x8  }
0x221: {  	v5 =	vpop (erf)  }
0x222: {  	v5 =	vmul.f32 v5, v3;
	_ =	sdelay $0x1  }
0x223: {  	v4 =	vadd.f32 v5, v4;
	_ =	sdelay $0x1  }
0x224: {  	v4 =	vmul.f32 $5.000000000e-01, v4;
	_ =	sdelay $0x1  }
0x225: {  	(erf) = vrcp.f32 v4;
	_ =	sdelay $0x8  }
0x226: {  	v5 =	vpop (erf)  }
0x227: {  	v5 =	vmul.f32 v5, v3;
	_ =	sdelay $0x1  }
0x228: {  	v4 =	vadd.f32 v5, v4;
	_ =	sdelay $0x1  }
0x229: {  	v4 =	vmul.f32 $5.000000000e-01, v4;
	_ =	sdelay $0x1  }
0x22a: {  	(erf) = vrcp.f32 v4;
	_ =	sdelay $0x8  }
0x22b: {  	v5 =	vpop (erf)  }
0x22c: {  	v5 =	vmul.f32 v5, v3;
	_ =	sdelay $0x1  }
0x22d: {  	v4 =	vadd.f32 v5, v4;
	_ =	sdelay $0x1  }
0x22e: {  	v4 =	vmul.f32 $5.000000000e-01, v4;
	_ =	sdelay $0x1  }
0x22f: {  	(erf) = vrcp.f32 v4;
	_ =	sdelay $0x8  }
0x230: {  	v5 =	vpop (erf)  }
0x231: {  	v5 =	vmul.f32 v5, v3;
	_ =	sdelay $0x1  }
0x232: {  	v4 =	vadd.f32 v5, v4;
	_ =	sdelay $0x1  }
0x233: {  	v4 =	vmul.f32 $5.000000000e-01, v4;
	_ =	sdelay $0x1  }
0x234: {  	(erf) = vrcp.f32 v4;
	_ =	sdelay $0x8  }
0x235: {  	v5 =	vpop (erf)  }
0x236: {  	v5 =	vmul.f32 v5, v3;
	_ =	sdelay $0x1  }
0x237: {  	v4 =	vadd.f32 v5, v4;
	_ =	sdelay $0x1  }
0x238: {  	v4 =	vmul.f32 $5.000000000e-01, v4;
	_ =	sdelay $0x1  }
0x239: {  	(erf) = vrcp.f32 v4;
	_ =	sdelay $0x8  }
0x23a: {  	v5 =	vpop (erf)  }
0x23b: {  	v5 =	vmul.f32 v5, v3;
	_ =	sdelay $0x1  }
0x23c: {  	v4 =	vadd.f32 v5, v4;
	_ =	sdelay $0x1  }
0x23d: {  	v4 =	vmul.f32 $5.000000000e-01, v4;
	_ =	sdelay $0x1  }
0x23e: {  	(erf) = vrcp.f32 v4;
	_ =	sdelay $0x8  }
0x23f: {  	vm15 =	vgt.f32 v3, $5.000000000e-01;
	v3 =	vpop (erf)  }
0x240: {  	v4 =	vnsel vm15, $0x0, v3  }
0x241: {  	s11 =	simm.s32 $0x80;
	s19 =	simm.s32 $0x400;
	[tilespmem:s21+$0x2980] =	vst v4  }
.LBB2_12:
0x242: {  	p2 =	sne.s32 s19, $0x9E00;
	v3 =	vld [tilespmem:s11+$0x2980];
	[tilespmem:s21+$0x2990] =	vst v4  }
0x243: {  	[tilespmem:s21+$0x29A0] =	vst v4  }
0x244: {  	[tilespmem:s21+$0x29B0] =	vst v4  }
0x245: {  	[tilespmem:s21+$0x29C0] =	vst v4  }
0x246: {  	[tilespmem:s21+$0x29D0] =	vst v4  }
0x247: {  	v5 =	vmul.f32 $1.562500000e-02, v3;
	[tilespmem:s21+$0x29E0] =	vst v4  }
0x248: {  	[tilespmem:s21+$0x29F0] =	vst v4;
	s21 =	smov.u32 s11  }
0x249: {  	v4 =	vadd.f32 $8.000000000e+00, v5;
	_ =	sdelay $0x1  }
0x24a: {  	(erf) = vrcp.f32 v4;
	_ =	sdelay $0x8  }
0x24b: {  	v5 =	vpop (erf)  }
0x24c: {  	v5 =	vmul.f32 v5, v3;
	_ =	sdelay $0x1  }
0x24d: {  	v4 =	vadd.f32 v5, v4;
	_ =	sdelay $0x1  }
0x24e: {  	v4 =	vmul.f32 $5.000000000e-01, v4;
	_ =	sdelay $0x1  }
0x24f: {  	(erf) = vrcp.f32 v4;
	_ =	sdelay $0x8  }
0x250: {  	v5 =	vpop (erf)  }
0x251: {  	v5 =	vmul.f32 v5, v3;
	_ =	sdelay $0x1  }
0x252: {  	v4 =	vadd.f32 v5, v4;
	_ =	sdelay $0x1  }
0x253: {  	v4 =	vmul.f32 $5.000000000e-01, v4;
	_ =	sdelay $0x1  }
0x254: {  	(erf) = vrcp.f32 v4;
	_ =	sdelay $0x8  }
0x255: {  	v5 =	vpop (erf)  }
0x256: {  	v5 =	vmul.f32 v5, v3;
	_ =	sdelay $0x1  }
0x257: {  	v4 =	vadd.f32 v5, v4;
	_ =	sdelay $0x1  }
0x258: {  	v4 =	vmul.f32 $5.000000000e-01, v4;
	_ =	sdelay $0x1  }
0x259: {  	(erf) = vrcp.f32 v4;
	_ =	sdelay $0x8  }
0x25a: {  	v5 =	vpop (erf)  }
0x25b: {  	v5 =	vmul.f32 v5, v3;
	_ =	sdelay $0x1  }
0x25c: {  	v4 =	vadd.f32 v5, v4;
	_ =	sdelay $0x1  }
0x25d: {  	v4 =	vmul.f32 $5.000000000e-01, v4;
	_ =	sdelay $0x1  }
0x25e: {  	(erf) = vrcp.f32 v4;
	_ =	sdelay $0x8  }
0x25f: {  	v5 =	vpop (erf)  }
0x260: {  	v5 =	vmul.f32 v5, v3;
	_ =	sdelay $0x1  }
0x261: {  	v4 =	vadd.f32 v5, v4;
	_ =	sdelay $0x1  }
0x262: {  	v4 =	vmul.f32 $5.000000000e-01, v4;
	_ =	sdelay $0x1  }
0x263: {  	(erf) = vrcp.f32 v4;
	_ =	sdelay $0x8  }
0x264: {  	v5 =	vpop (erf)  }
0x265: {  	v5 =	vmul.f32 v5, v3;
	_ =	sdelay $0x1  }
0x266: {  	v4 =	vadd.f32 v5, v4;
	_ =	sdelay $0x1  }
0x267: {  	v4 =	vmul.f32 $5.000000000e-01, v4;
	_ =	sdelay $0x1  }
0x268: {  	(erf) = vrcp.f32 v4;
	_ =	sdelay $0x8  }
0x269: {  	v5 =	vpop (erf)  }
0x26a: {  	v5 =	vmul.f32 v5, v3;
	_ =	sdelay $0x1  }
0x26b: {  	v4 =	vadd.f32 v5, v4;
	_ =	sdelay $0x1  }
0x26c: {  	v4 =	vmul.f32 $5.000000000e-01, v4;
	_ =	sdelay $0x1  }
0x26d: {  	(erf) = vrcp.f32 v4;
	_ =	sdelay $0x8  }
0x26e: {  	v5 =	vpop (erf)  }
0x26f: {  	v5 =	vmul.f32 v5, v3;
	_ =	sdelay $0x1  }
0x270: {  	v4 =	vadd.f32 v5, v4;
	_ =	sdelay $0x1  }
0x271: {  	v4 =	vmul.f32 $5.000000000e-01, v4;
	_ =	sdelay $0x1  }
0x272: {  	(erf) = vrcp.f32 v4;
	_ =	sdelay $0x8  }
0x273: {  	v5 =	vpop (erf)  }
0x274: {  	v5 =	vmul.f32 v5, v3;
	_ =	sdelay $0x1  }
0x275: {  	v4 =	vadd.f32 v5, v4;
	_ =	sdelay $0x1  }
0x276: {  	v4 =	vmul.f32 $5.000000000e-01, v4;
	_ =	sdelay $0x1  }
0x277: {  	(erf) = vrcp.f32 v4;
	_ =	sdelay $0x6  }
.Ltmp5:
0x278: {  	(pc) =	sbr.rel @p2 .LBB2_12-.Ltmp5, $4  }
0x279: {  	_ = 	snop  }
0x27a: {  	vm0 =	vgt.f32 v3, $5.000000000e-01;
	v3 =	vpop (erf)  }
0x27b: {  	v4 =	vnsel vm0, $0x0, v3  }
0x27c: {  	s11 =	sshra.s32 s19, $0x2;
	s19 =	sadd.s32 $0x200, s19;
	[tilespmem:s21+$0x2980] =	vst v4  }
0x27d: {  	v3 =	vld [tilespmem:s11+$0x2980];
	_ =	sdelay $0x4  }
0x27e: {  	v5 =	vmul.f32 $1.562500000e-02, v3;
	_ =	sdelay $0x1  }
0x27f: {  	v5 =	vadd.f32 $8.000000000e+00, v5;
	_ =	sdelay $0x1  }
0x280: {  	(erf) = vrcp.f32 v5;
	_ =	sdelay $0x8  }
0x281: {  	v6 =	vpop (erf)  }
0x282: {  	v6 =	vmul.f32 v6, v3;
	_ =	sdelay $0x1  }
0x283: {  	v5 =	vadd.f32 v6, v5;
	_ =	sdelay $0x1  }
0x284: {  	v5 =	vmul.f32 $5.000000000e-01, v5;
	_ =	sdelay $0x1  }
0x285: {  	(erf) = vrcp.f32 v5;
	_ =	sdelay $0x8  }
0x286: {  	v6 =	vpop (erf)  }
0x287: {  	v6 =	vmul.f32 v6, v3;
	_ =	sdelay $0x1  }
0x288: {  	v5 =	vadd.f32 v6, v5;
	_ =	sdelay $0x1  }
0x289: {  	v5 =	vmul.f32 $5.000000000e-01, v5;
	_ =	sdelay $0x1  }
0x28a: {  	(erf) = vrcp.f32 v5;
	_ =	sdelay $0x8  }
0x28b: {  	v6 =	vpop (erf)  }
0x28c: {  	v6 =	vmul.f32 v6, v3;
	_ =	sdelay $0x1  }
0x28d: {  	v5 =	vadd.f32 v6, v5;
	_ =	sdelay $0x1  }
0x28e: {  	v5 =	vmul.f32 $5.000000000e-01, v5;
	_ =	sdelay $0x1  }
0x28f: {  	(erf) = vrcp.f32 v5;
	_ =	sdelay $0x8  }
0x290: {  	v6 =	vpop (erf)  }
0x291: {  	v6 =	vmul.f32 v6, v3;
	_ =	sdelay $0x1  }
0x292: {  	v5 =	vadd.f32 v6, v5;
	_ =	sdelay $0x1  }
0x293: {  	v5 =	vmul.f32 $5.000000000e-01, v5;
	_ =	sdelay $0x1  }
0x294: {  	(erf) = vrcp.f32 v5;
	_ =	sdelay $0x8  }
0x295: {  	v6 =	vpop (erf)  }
0x296: {  	v6 =	vmul.f32 v6, v3;
	_ =	sdelay $0x1  }
0x297: {  	v5 =	vadd.f32 v6, v5;
	_ =	sdelay $0x1  }
0x298: {  	v5 =	vmul.f32 $5.000000000e-01, v5;
	_ =	sdelay $0x1  }
0x299: {  	(erf) = vrcp.f32 v5;
	_ =	sdelay $0x8  }
0x29a: {  	v6 =	vpop (erf)  }
0x29b: {  	v6 =	vmul.f32 v6, v3;
	_ =	sdelay $0x1  }
0x29c: {  	v5 =	vadd.f32 v6, v5;
	_ =	sdelay $0x1  }
0x29d: {  	v5 =	vmul.f32 $5.000000000e-01, v5;
	_ =	sdelay $0x1  }
0x29e: {  	(erf) = vrcp.f32 v5;
	_ =	sdelay $0x8  }
0x29f: {  	v6 =	vpop (erf)  }
0x2a0: {  	v6 =	vmul.f32 v6, v3;
	_ =	sdelay $0x1  }
0x2a1: {  	v5 =	vadd.f32 v6, v5;
	_ =	sdelay $0x1  }
0x2a2: {  	v5 =	vmul.f32 $5.000000000e-01, v5;
	_ =	sdelay $0x1  }
0x2a3: {  	(erf) = vrcp.f32 v5;
	_ =	sdelay $0x8  }
0x2a4: {  	v6 =	vpop (erf)  }
0x2a5: {  	v6 =	vmul.f32 v6, v3;
	_ =	sdelay $0x1  }
0x2a6: {  	v5 =	vadd.f32 v6, v5;
	_ =	sdelay $0x1  }
0x2a7: {  	v5 =	vmul.f32 $5.000000000e-01, v5;
	_ =	sdelay $0x1  }
0x2a8: {  	(erf) = vrcp.f32 v5;
	_ =	sdelay $0x8  }
0x2a9: {  	v6 =	vpop (erf)  }
0x2aa: {  	v6 =	vmul.f32 v6, v3;
	_ =	sdelay $0x1  }
0x2ab: {  	v5 =	vadd.f32 v6, v5;
	_ =	sdelay $0x1  }
0x2ac: {  	v5 =	vmul.f32 $5.000000000e-01, v5;
	_ =	sdelay $0x1  }
0x2ad: {  	(erf) = vrcp.f32 v5;
	_ =	sdelay $0x3  }
0x2ae: {  	[tilespmem:s21+$0x2990] =	vst v4  }
0x2af: {  	[tilespmem:s21+$0x29A0] =	vst v4  }
0x2b0: {  	[tilespmem:s21+$0x29B0] =	vst v4  }
0x2b1: {  	[tilespmem:s21+$0x29C0] =	vst v4  }
0x2b2: {  	[tilespmem:s21+$0x29D0] =	vst v4  }
0x2b3: {  	[tilespmem:s21+$0x29E0] =	vst v4;
	vm0 =	vgt.f32 v3, $5.000000000e-01;
	v3 =	vpop (erf)  }
0x2b4: {  	[tilespmem:s21+$0x29F0] =	vst v4;
	v3 =	vnsel vm0, $0x0, v3  }
0x2b5: {  	[tilespmem:s11+$0x2980] =	vst v3  }
0x2b6: {  	[tilespmem:s11+$0x2990] =	vst v3  }
0x2b7: {  	[tilespmem:s11+$0x29A0] =	vst v3  }
0x2b8: {  	[tilespmem:s11+$0x29B0] =	vst v3  }
0x2b9: {  	[tilespmem:s11+$0x29C0] =	vst v3  }
0x2ba: {  	[tilespmem:s11+$0x29D0] =	vst v3  }
0x2bb: {  	[tilespmem:s11+$0x29E0] =	vst v3  }
0x2bc: {  	s19 =	simm.s32 $0x0;
	s13 =	rddreg [dreg:$0x10];
	[tilespmem:s11+$0x29F0] =	vst v3  }
0x2bd: {  	[hbm4b:s13+s19] =	stream.linear.scatter [tilespmem:s28], [sflag:$0x4], $0x2800, $0x38;
	[tilespmem:$0x1E900] =	vst v63  }
0x2be: {  	_ =	swait.ge [sflag:s24], $0x2800  }
0x2bf: {  	[sflag:s24] =	ssyncset.done $0x0  }
0x2c0: {  	s21 =	rddreg [dreg:$0xa];
	[sflag:s24] =	ssyncadd.s32 $0xFFFFD800  }
0x2c1: {  	[spmem:s21] =	stream.linear.scatter [tilespmem:s23], [sflag:$0x4], $0x2800, $0x38;
	[tilespmem:$0x1E900] =	vst v63  }
0x2c2: {  	_ =	swait.ge [sflag:s24], $0x2800  }
0x2c3: {  	[sflag:s24] =	ssyncset.done $0x0  }
0x2c4: {  	[sflag:s24] =	ssyncadd.s32 $0xFFFFD800  }
0x2c5: {  	[tilespmem:s28], [sflag:$0x4] =	stream.linear.gather [spmem:s15], $0x2800, $0x38;
	[tilespmem:$0x1E900] =	vst v63  }
0x2c6: {  	_ =	swait.ge [sflag:s24], $0x2800  }
0x2c7: {  	[sflag:s24] =	ssyncset.done $0x0  }
0x2c8: {  	s21 =	simm.s32 $0x0;
	[sflag:s24] =	ssyncadd.s32 $0xFFFFD800  }
0x2c9: {  	v3 =	vld [tilespmem:s21+$0x2980];
	_ =	sdelay $0x4  }
0x2ca: {  	v4 =	vmul.f32 $1.562500000e-02, v3;
	_ =	sdelay $0x1  }
0x2cb: {  	v4 =	vadd.f32 $8.000000000e+00, v4;
	_ =	sdelay $0x1  }
0x2cc: {  	(erf) = vrcp.f32 v4;
	_ =	sdelay $0x8  }
0x2cd: {  	v5 =	vpop (erf)  }
0x2ce: {  	v5 =	vmul.f32 v5, v3;
	_ =	sdelay $0x1  }
0x2cf: {  	v4 =	vadd.f32 v5, v4;
	_ =	sdelay $0x1  }
0x2d0: {  	v4 =	vmul.f32 $5.000000000e-01, v4;
	_ =	sdelay $0x1  }
0x2d1: {  	(erf) = vrcp.f32 v4;
	_ =	sdelay $0x8  }
0x2d2: {  	v5 =	vpop (erf)  }
0x2d3: {  	v5 =	vmul.f32 v5, v3;
	_ =	sdelay $0x1  }
0x2d4: {  	v4 =	vadd.f32 v5, v4;
	_ =	sdelay $0x1  }
0x2d5: {  	v4 =	vmul.f32 $5.000000000e-01, v4;
	_ =	sdelay $0x1  }
0x2d6: {  	(erf) = vrcp.f32 v4;
	_ =	sdelay $0x8  }
0x2d7: {  	v5 =	vpop (erf)  }
0x2d8: {  	v5 =	vmul.f32 v5, v3;
	_ =	sdelay $0x1  }
0x2d9: {  	v4 =	vadd.f32 v5, v4;
	_ =	sdelay $0x1  }
0x2da: {  	v4 =	vmul.f32 $5.000000000e-01, v4;
	_ =	sdelay $0x1  }
0x2db: {  	(erf) = vrcp.f32 v4;
	_ =	sdelay $0x8  }
0x2dc: {  	v5 =	vpop (erf)  }
0x2dd: {  	v5 =	vmul.f32 v5, v3;
	_ =	sdelay $0x1  }
0x2de: {  	v4 =	vadd.f32 v5, v4;
	_ =	sdelay $0x1  }
0x2df: {  	v4 =	vmul.f32 $5.000000000e-01, v4;
	_ =	sdelay $0x1  }
0x2e0: {  	(erf) = vrcp.f32 v4;
	_ =	sdelay $0x8  }
0x2e1: {  	v5 =	vpop (erf)  }
0x2e2: {  	v5 =	vmul.f32 v5, v3;
	_ =	sdelay $0x1  }
0x2e3: {  	v4 =	vadd.f32 v5, v4;
	_ =	sdelay $0x1  }
0x2e4: {  	v4 =	vmul.f32 $5.000000000e-01, v4;
	_ =	sdelay $0x1  }
0x2e5: {  	(erf) = vrcp.f32 v4;
	_ =	sdelay $0x8  }
0x2e6: {  	v5 =	vpop (erf)  }
0x2e7: {  	v5 =	vmul.f32 v5, v3;
	_ =	sdelay $0x1  }
0x2e8: {  	v4 =	vadd.f32 v5, v4;
	_ =	sdelay $0x1  }
0x2e9: {  	v4 =	vmul.f32 $5.000000000e-01, v4;
	_ =	sdelay $0x1  }
0x2ea: {  	(erf) = vrcp.f32 v4;
	_ =	sdelay $0x8  }
0x2eb: {  	v5 =	vpop (erf)  }
0x2ec: {  	v5 =	vmul.f32 v5, v3;
	_ =	sdelay $0x1  }
0x2ed: {  	v4 =	vadd.f32 v5, v4;
	_ =	sdelay $0x1  }
0x2ee: {  	v4 =	vmul.f32 $5.000000000e-01, v4;
	_ =	sdelay $0x1  }
0x2ef: {  	(erf) = vrcp.f32 v4;
	_ =	sdelay $0x8  }
0x2f0: {  	v5 =	vpop (erf)  }
0x2f1: {  	v5 =	vmul.f32 v5, v3;
	_ =	sdelay $0x1  }
0x2f2: {  	v4 =	vadd.f32 v5, v4;
	_ =	sdelay $0x1  }
0x2f3: {  	v4 =	vmul.f32 $5.000000000e-01, v4;
	_ =	sdelay $0x1  }
0x2f4: {  	(erf) = vrcp.f32 v4;
	_ =	sdelay $0x8  }
0x2f5: {  	v5 =	vpop (erf)  }
0x2f6: {  	v5 =	vmul.f32 v5, v3;
	_ =	sdelay $0x1  }
0x2f7: {  	v4 =	vadd.f32 v5, v4;
	_ =	sdelay $0x1  }
0x2f8: {  	v4 =	vmul.f32 $5.000000000e-01, v4;
	_ =	sdelay $0x1  }
0x2f9: {  	(erf) = vrcp.f32 v4;
	_ =	sdelay $0x8  }
0x2fa: {  	vm15 =	vgt.f32 v3, $5.000000000e-01;
	v3 =	vpop (erf)  }
0x2fb: {  	v4 =	vnsel vm15, $0x0, v3  }
0x2fc: {  	s11 =	simm.s32 $0x80;
	s19 =	simm.s32 $0x400;
	[tilespmem:s21+$0x2980] =	vst v4  }
.LBB2_14:
0x2fd: {  	p2 =	sne.s32 s19, $0x9E00;
	v3 =	vld [tilespmem:s11+$0x2980];
	[tilespmem:s21+$0x2990] =	vst v4  }
0x2fe: {  	[tilespmem:s21+$0x29A0] =	vst v4  }
0x2ff: {  	[tilespmem:s21+$0x29B0] =	vst v4  }
0x300: {  	[tilespmem:s21+$0x29C0] =	vst v4  }
0x301: {  	[tilespmem:s21+$0x29D0] =	vst v4  }
0x302: {  	v5 =	vmul.f32 $1.562500000e-02, v3;
	[tilespmem:s21+$0x29E0] =	vst v4  }
0x303: {  	[tilespmem:s21+$0x29F0] =	vst v4;
	s21 =	smov.u32 s11  }
0x304: {  	v4 =	vadd.f32 $8.000000000e+00, v5;
	_ =	sdelay $0x1  }
0x305: {  	(erf) = vrcp.f32 v4;
	_ =	sdelay $0x8  }
0x306: {  	v5 =	vpop (erf)  }
0x307: {  	v5 =	vmul.f32 v5, v3;
	_ =	sdelay $0x1  }
0x308: {  	v4 =	vadd.f32 v5, v4;
	_ =	sdelay $0x1  }
0x309: {  	v4 =	vmul.f32 $5.000000000e-01, v4;
	_ =	sdelay $0x1  }
0x30a: {  	(erf) = vrcp.f32 v4;
	_ =	sdelay $0x8  }
0x30b: {  	v5 =	vpop (erf)  }
0x30c: {  	v5 =	vmul.f32 v5, v3;
	_ =	sdelay $0x1  }
0x30d: {  	v4 =	vadd.f32 v5, v4;
	_ =	sdelay $0x1  }
0x30e: {  	v4 =	vmul.f32 $5.000000000e-01, v4;
	_ =	sdelay $0x1  }
0x30f: {  	(erf) = vrcp.f32 v4;
	_ =	sdelay $0x8  }
0x310: {  	v5 =	vpop (erf)  }
0x311: {  	v5 =	vmul.f32 v5, v3;
	_ =	sdelay $0x1  }
0x312: {  	v4 =	vadd.f32 v5, v4;
	_ =	sdelay $0x1  }
0x313: {  	v4 =	vmul.f32 $5.000000000e-01, v4;
	_ =	sdelay $0x1  }
0x314: {  	(erf) = vrcp.f32 v4;
	_ =	sdelay $0x8  }
0x315: {  	v5 =	vpop (erf)  }
0x316: {  	v5 =	vmul.f32 v5, v3;
	_ =	sdelay $0x1  }
0x317: {  	v4 =	vadd.f32 v5, v4;
	_ =	sdelay $0x1  }
0x318: {  	v4 =	vmul.f32 $5.000000000e-01, v4;
	_ =	sdelay $0x1  }
0x319: {  	(erf) = vrcp.f32 v4;
	_ =	sdelay $0x8  }
0x31a: {  	v5 =	vpop (erf)  }
0x31b: {  	v5 =	vmul.f32 v5, v3;
	_ =	sdelay $0x1  }
0x31c: {  	v4 =	vadd.f32 v5, v4;
	_ =	sdelay $0x1  }
0x31d: {  	v4 =	vmul.f32 $5.000000000e-01, v4;
	_ =	sdelay $0x1  }
0x31e: {  	(erf) = vrcp.f32 v4;
	_ =	sdelay $0x8  }
0x31f: {  	v5 =	vpop (erf)  }
0x320: {  	v5 =	vmul.f32 v5, v3;
	_ =	sdelay $0x1  }
0x321: {  	v4 =	vadd.f32 v5, v4;
	_ =	sdelay $0x1  }
0x322: {  	v4 =	vmul.f32 $5.000000000e-01, v4;
	_ =	sdelay $0x1  }
0x323: {  	(erf) = vrcp.f32 v4;
	_ =	sdelay $0x8  }
0x324: {  	v5 =	vpop (erf)  }
0x325: {  	v5 =	vmul.f32 v5, v3;
	_ =	sdelay $0x1  }
0x326: {  	v4 =	vadd.f32 v5, v4;
	_ =	sdelay $0x1  }
0x327: {  	v4 =	vmul.f32 $5.000000000e-01, v4;
	_ =	sdelay $0x1  }
0x328: {  	(erf) = vrcp.f32 v4;
	_ =	sdelay $0x8  }
0x329: {  	v5 =	vpop (erf)  }
0x32a: {  	v5 =	vmul.f32 v5, v3;
	_ =	sdelay $0x1  }
0x32b: {  	v4 =	vadd.f32 v5, v4;
	_ =	sdelay $0x1  }
0x32c: {  	v4 =	vmul.f32 $5.000000000e-01, v4;
	_ =	sdelay $0x1  }
0x32d: {  	(erf) = vrcp.f32 v4;
	_ =	sdelay $0x8  }
0x32e: {  	v5 =	vpop (erf)  }
0x32f: {  	v5 =	vmul.f32 v5, v3;
	_ =	sdelay $0x1  }
0x330: {  	v4 =	vadd.f32 v5, v4;
	_ =	sdelay $0x1  }
0x331: {  	v4 =	vmul.f32 $5.000000000e-01, v4;
	_ =	sdelay $0x1  }
0x332: {  	(erf) = vrcp.f32 v4;
	_ =	sdelay $0x6  }
.Ltmp6:
0x333: {  	(pc) =	sbr.rel @p2 .LBB2_14-.Ltmp6, $4  }
0x334: {  	_ = 	snop  }
0x335: {  	vm0 =	vgt.f32 v3, $5.000000000e-01;
	v3 =	vpop (erf)  }
0x336: {  	v4 =	vnsel vm0, $0x0, v3  }
0x337: {  	s11 =	sshra.s32 s19, $0x2;
	s19 =	sadd.s32 $0x200, s19;
	[tilespmem:s21+$0x2980] =	vst v4  }
0x338: {  	v3 =	vld [tilespmem:s11+$0x2980];
	_ =	sdelay $0x4  }
0x339: {  	v5 =	vmul.f32 $1.562500000e-02, v3;
	_ =	sdelay $0x1  }
0x33a: {  	v5 =	vadd.f32 $8.000000000e+00, v5;
	_ =	sdelay $0x1  }
0x33b: {  	(erf) = vrcp.f32 v5;
	_ =	sdelay $0x8  }
0x33c: {  	v6 =	vpop (erf)  }
0x33d: {  	v6 =	vmul.f32 v6, v3;
	_ =	sdelay $0x1  }
0x33e: {  	v5 =	vadd.f32 v6, v5;
	_ =	sdelay $0x1  }
0x33f: {  	v5 =	vmul.f32 $5.000000000e-01, v5;
	_ =	sdelay $0x1  }
0x340: {  	(erf) = vrcp.f32 v5;
	_ =	sdelay $0x8  }
0x341: {  	v6 =	vpop (erf)  }
0x342: {  	v6 =	vmul.f32 v6, v3;
	_ =	sdelay $0x1  }
0x343: {  	v5 =	vadd.f32 v6, v5;
	_ =	sdelay $0x1  }
0x344: {  	v5 =	vmul.f32 $5.000000000e-01, v5;
	_ =	sdelay $0x1  }
0x345: {  	(erf) = vrcp.f32 v5;
	_ =	sdelay $0x8  }
0x346: {  	v6 =	vpop (erf)  }
0x347: {  	v6 =	vmul.f32 v6, v3;
	_ =	sdelay $0x1  }
0x348: {  	v5 =	vadd.f32 v6, v5;
	_ =	sdelay $0x1  }
0x349: {  	v5 =	vmul.f32 $5.000000000e-01, v5;
	_ =	sdelay $0x1  }
0x34a: {  	(erf) = vrcp.f32 v5;
	_ =	sdelay $0x8  }
0x34b: {  	v6 =	vpop (erf)  }
0x34c: {  	v6 =	vmul.f32 v6, v3;
	_ =	sdelay $0x1  }
0x34d: {  	v5 =	vadd.f32 v6, v5;
	_ =	sdelay $0x1  }
0x34e: {  	v5 =	vmul.f32 $5.000000000e-01, v5;
	_ =	sdelay $0x1  }
0x34f: {  	(erf) = vrcp.f32 v5;
	_ =	sdelay $0x8  }
0x350: {  	v6 =	vpop (erf)  }
0x351: {  	v6 =	vmul.f32 v6, v3;
	_ =	sdelay $0x1  }
0x352: {  	v5 =	vadd.f32 v6, v5;
	_ =	sdelay $0x1  }
0x353: {  	v5 =	vmul.f32 $5.000000000e-01, v5;
	_ =	sdelay $0x1  }
0x354: {  	(erf) = vrcp.f32 v5;
	_ =	sdelay $0x8  }
0x355: {  	v6 =	vpop (erf)  }
0x356: {  	v6 =	vmul.f32 v6, v3;
	_ =	sdelay $0x1  }
0x357: {  	v5 =	vadd.f32 v6, v5;
	_ =	sdelay $0x1  }
0x358: {  	v5 =	vmul.f32 $5.000000000e-01, v5;
	_ =	sdelay $0x1  }
0x359: {  	(erf) = vrcp.f32 v5;
	_ =	sdelay $0x8  }
0x35a: {  	v6 =	vpop (erf)  }
0x35b: {  	v6 =	vmul.f32 v6, v3;
	_ =	sdelay $0x1  }
0x35c: {  	v5 =	vadd.f32 v6, v5;
	_ =	sdelay $0x1  }
0x35d: {  	v5 =	vmul.f32 $5.000000000e-01, v5;
	_ =	sdelay $0x1  }
0x35e: {  	(erf) = vrcp.f32 v5;
	_ =	sdelay $0x8  }
0x35f: {  	v6 =	vpop (erf)  }
0x360: {  	v6 =	vmul.f32 v6, v3;
	_ =	sdelay $0x1  }
0x361: {  	v5 =	vadd.f32 v6, v5;
	_ =	sdelay $0x1  }
0x362: {  	v5 =	vmul.f32 $5.000000000e-01, v5;
	_ =	sdelay $0x1  }
0x363: {  	(erf) = vrcp.f32 v5;
	_ =	sdelay $0x8  }
0x364: {  	v6 =	vpop (erf)  }
0x365: {  	v6 =	vmul.f32 v6, v3;
	_ =	sdelay $0x1  }
0x366: {  	v5 =	vadd.f32 v6, v5;
	_ =	sdelay $0x1  }
0x367: {  	v5 =	vmul.f32 $5.000000000e-01, v5;
	_ =	sdelay $0x1  }
0x368: {  	(erf) = vrcp.f32 v5;
	_ =	sdelay $0x3  }
0x369: {  	[tilespmem:s21+$0x2990] =	vst v4  }
0x36a: {  	[tilespmem:s21+$0x29A0] =	vst v4  }
0x36b: {  	[tilespmem:s21+$0x29B0] =	vst v4  }
0x36c: {  	[tilespmem:s21+$0x29C0] =	vst v4  }
0x36d: {  	[tilespmem:s21+$0x29D0] =	vst v4  }
0x36e: {  	[tilespmem:s21+$0x29E0] =	vst v4;
	vm0 =	vgt.f32 v3, $5.000000000e-01;
	v3 =	vpop (erf)  }
0x36f: {  	[tilespmem:s21+$0x29F0] =	vst v4;
	v3 =	vnsel vm0, $0x0, v3  }
0x370: {  	[tilespmem:s11+$0x2980] =	vst v3  }
0x371: {  	[tilespmem:s11+$0x2990] =	vst v3  }
0x372: {  	[tilespmem:s11+$0x29A0] =	vst v3  }
0x373: {  	[tilespmem:s11+$0x29B0] =	vst v3  }
0x374: {  	[tilespmem:s11+$0x29C0] =	vst v3  }
0x375: {  	[tilespmem:s11+$0x29D0] =	vst v3  }
0x376: {  	[tilespmem:s11+$0x29E0] =	vst v3  }
0x377: {  	s21 =	simm.s32 $0x0;
	s13 =	rddreg [dreg:$0x12];
	[tilespmem:s11+$0x29F0] =	vst v3  }
0x378: {  	[hbm4b:s13+s21] =	stream.linear.scatter [tilespmem:s28], [sflag:$0x4], $0x2800, $0x38;
	[tilespmem:$0x1E900] =	vst v63  }
0x379: {  	_ =	swait.ge [sflag:s24], $0x2800  }
0x37a: {  	[sflag:s24] =	ssyncset.done $0x0  }
0x37b: {  	[sflag:s24] =	ssyncadd.s32 $0xFFFFD800  }
0x37c: {  	[spmem:s15] =	stream.linear.scatter [tilespmem:s23], [sflag:$0x4], $0x2800, $0x38;
	[tilespmem:$0x1E900] =	vst v63  }
0x37d: {  	_ =	swait.ge [sflag:s24], $0x2800  }
0x37e: {  	[sflag:s24] =	ssyncset.done $0x0  }
0x37f: {  	[sflag:s24] =	ssyncadd.s32 $0xFFFFD800  }
0x380: {  	[tilespmem:s28], [sflag:$0x4] =	stream.linear.gather [spmem:s16], $0x2800, $0x38;
	[tilespmem:$0x1E900] =	vst v63  }
0x381: {  	_ =	swait.ge [sflag:s24], $0x2800  }
0x382: {  	[sflag:s24] =	ssyncset.done $0x0  }
0x383: {  	s21 =	simm.s32 $0x0;
	[sflag:s24] =	ssyncadd.s32 $0xFFFFD800  }
0x384: {  	v3 =	vld [tilespmem:s21+$0x2980];
	_ =	sdelay $0x4  }
0x385: {  	v4 =	vmul.f32 $1.562500000e-02, v3;
	_ =	sdelay $0x1  }
0x386: {  	v4 =	vadd.f32 $8.000000000e+00, v4;
	_ =	sdelay $0x1  }
0x387: {  	(erf) = vrcp.f32 v4;
	_ =	sdelay $0x8  }
0x388: {  	v5 =	vpop (erf)  }
0x389: {  	v5 =	vmul.f32 v5, v3;
	_ =	sdelay $0x1  }
0x38a: {  	v4 =	vadd.f32 v5, v4;
	_ =	sdelay $0x1  }
0x38b: {  	v4 =	vmul.f32 $5.000000000e-01, v4;
	_ =	sdelay $0x1  }
0x38c: {  	(erf) = vrcp.f32 v4;
	_ =	sdelay $0x8  }
0x38d: {  	v5 =	vpop (erf)  }
0x38e: {  	v5 =	vmul.f32 v5, v3;
	_ =	sdelay $0x1  }
0x38f: {  	v4 =	vadd.f32 v5, v4;
	_ =	sdelay $0x1  }
0x390: {  	v4 =	vmul.f32 $5.000000000e-01, v4;
	_ =	sdelay $0x1  }
0x391: {  	(erf) = vrcp.f32 v4;
	_ =	sdelay $0x8  }
0x392: {  	v5 =	vpop (erf)  }
0x393: {  	v5 =	vmul.f32 v5, v3;
	_ =	sdelay $0x1  }
0x394: {  	v4 =	vadd.f32 v5, v4;
	_ =	sdelay $0x1  }
0x395: {  	v4 =	vmul.f32 $5.000000000e-01, v4;
	_ =	sdelay $0x1  }
0x396: {  	(erf) = vrcp.f32 v4;
	_ =	sdelay $0x8  }
0x397: {  	v5 =	vpop (erf)  }
0x398: {  	v5 =	vmul.f32 v5, v3;
	_ =	sdelay $0x1  }
0x399: {  	v4 =	vadd.f32 v5, v4;
	_ =	sdelay $0x1  }
0x39a: {  	v4 =	vmul.f32 $5.000000000e-01, v4;
	_ =	sdelay $0x1  }
0x39b: {  	(erf) = vrcp.f32 v4;
	_ =	sdelay $0x8  }
0x39c: {  	v5 =	vpop (erf)  }
0x39d: {  	v5 =	vmul.f32 v5, v3;
	_ =	sdelay $0x1  }
0x39e: {  	v4 =	vadd.f32 v5, v4;
	_ =	sdelay $0x1  }
0x39f: {  	v4 =	vmul.f32 $5.000000000e-01, v4;
	_ =	sdelay $0x1  }
0x3a0: {  	(erf) = vrcp.f32 v4;
	_ =	sdelay $0x8  }
0x3a1: {  	v5 =	vpop (erf)  }
0x3a2: {  	v5 =	vmul.f32 v5, v3;
	_ =	sdelay $0x1  }
0x3a3: {  	v4 =	vadd.f32 v5, v4;
	_ =	sdelay $0x1  }
0x3a4: {  	v4 =	vmul.f32 $5.000000000e-01, v4;
	_ =	sdelay $0x1  }
0x3a5: {  	(erf) = vrcp.f32 v4;
	_ =	sdelay $0x8  }
0x3a6: {  	v5 =	vpop (erf)  }
0x3a7: {  	v5 =	vmul.f32 v5, v3;
	_ =	sdelay $0x1  }
0x3a8: {  	v4 =	vadd.f32 v5, v4;
	_ =	sdelay $0x1  }
0x3a9: {  	v4 =	vmul.f32 $5.000000000e-01, v4;
	_ =	sdelay $0x1  }
0x3aa: {  	(erf) = vrcp.f32 v4;
	_ =	sdelay $0x8  }
0x3ab: {  	v5 =	vpop (erf)  }
0x3ac: {  	v5 =	vmul.f32 v5, v3;
	_ =	sdelay $0x1  }
0x3ad: {  	v4 =	vadd.f32 v5, v4;
	_ =	sdelay $0x1  }
0x3ae: {  	v4 =	vmul.f32 $5.000000000e-01, v4;
	_ =	sdelay $0x1  }
0x3af: {  	(erf) = vrcp.f32 v4;
	_ =	sdelay $0x8  }
0x3b0: {  	v5 =	vpop (erf)  }
0x3b1: {  	v5 =	vmul.f32 v5, v3;
	_ =	sdelay $0x1  }
0x3b2: {  	v4 =	vadd.f32 v5, v4;
	_ =	sdelay $0x1  }
0x3b3: {  	v4 =	vmul.f32 $5.000000000e-01, v4;
	_ =	sdelay $0x1  }
0x3b4: {  	(erf) = vrcp.f32 v4;
	_ =	sdelay $0x8  }
0x3b5: {  	vm15 =	vgt.f32 v3, $5.000000000e-01;
	v3 =	vpop (erf)  }
0x3b6: {  	v4 =	vnsel vm15, $0x0, v3  }
0x3b7: {  	s19 =	simm.s32 $0x400;
	s11 =	simm.s32 $0x80;
	[tilespmem:s21+$0x2980] =	vst v4  }
.LBB2_16:
0x3b8: {  	p2 =	sne.s32 s19, $0x9E00;
	v3 =	vld [tilespmem:s11+$0x2980];
	[tilespmem:s21+$0x2990] =	vst v4  }
0x3b9: {  	[tilespmem:s21+$0x29A0] =	vst v4  }
0x3ba: {  	[tilespmem:s21+$0x29B0] =	vst v4  }
0x3bb: {  	[tilespmem:s21+$0x29C0] =	vst v4  }
0x3bc: {  	[tilespmem:s21+$0x29D0] =	vst v4  }
0x3bd: {  	v5 =	vmul.f32 $1.562500000e-02, v3;
	[tilespmem:s21+$0x29E0] =	vst v4  }
0x3be: {  	[tilespmem:s21+$0x29F0] =	vst v4;
	s21 =	smov.u32 s11  }
0x3bf: {  	v4 =	vadd.f32 $8.000000000e+00, v5;
	_ =	sdelay $0x1  }
0x3c0: {  	(erf) = vrcp.f32 v4;
	_ =	sdelay $0x8  }
0x3c1: {  	v5 =	vpop (erf)  }
0x3c2: {  	v5 =	vmul.f32 v5, v3;
	_ =	sdelay $0x1  }
0x3c3: {  	v4 =	vadd.f32 v5, v4;
	_ =	sdelay $0x1  }
0x3c4: {  	v4 =	vmul.f32 $5.000000000e-01, v4;
	_ =	sdelay $0x1  }
0x3c5: {  	(erf) = vrcp.f32 v4;
	_ =	sdelay $0x8  }
0x3c6: {  	v5 =	vpop (erf)  }
0x3c7: {  	v5 =	vmul.f32 v5, v3;
	_ =	sdelay $0x1  }
0x3c8: {  	v4 =	vadd.f32 v5, v4;
	_ =	sdelay $0x1  }
0x3c9: {  	v4 =	vmul.f32 $5.000000000e-01, v4;
	_ =	sdelay $0x1  }
0x3ca: {  	(erf) = vrcp.f32 v4;
	_ =	sdelay $0x8  }
0x3cb: {  	v5 =	vpop (erf)  }
0x3cc: {  	v5 =	vmul.f32 v5, v3;
	_ =	sdelay $0x1  }
0x3cd: {  	v4 =	vadd.f32 v5, v4;
	_ =	sdelay $0x1  }
0x3ce: {  	v4 =	vmul.f32 $5.000000000e-01, v4;
	_ =	sdelay $0x1  }
0x3cf: {  	(erf) = vrcp.f32 v4;
	_ =	sdelay $0x8  }
0x3d0: {  	v5 =	vpop (erf)  }
0x3d1: {  	v5 =	vmul.f32 v5, v3;
	_ =	sdelay $0x1  }
0x3d2: {  	v4 =	vadd.f32 v5, v4;
	_ =	sdelay $0x1  }
0x3d3: {  	v4 =	vmul.f32 $5.000000000e-01, v4;
	_ =	sdelay $0x1  }
0x3d4: {  	(erf) = vrcp.f32 v4;
	_ =	sdelay $0x8  }
0x3d5: {  	v5 =	vpop (erf)  }
0x3d6: {  	v5 =	vmul.f32 v5, v3;
	_ =	sdelay $0x1  }
0x3d7: {  	v4 =	vadd.f32 v5, v4;
	_ =	sdelay $0x1  }
0x3d8: {  	v4 =	vmul.f32 $5.000000000e-01, v4;
	_ =	sdelay $0x1  }
0x3d9: {  	(erf) = vrcp.f32 v4;
	_ =	sdelay $0x8  }
0x3da: {  	v5 =	vpop (erf)  }
0x3db: {  	v5 =	vmul.f32 v5, v3;
	_ =	sdelay $0x1  }
0x3dc: {  	v4 =	vadd.f32 v5, v4;
	_ =	sdelay $0x1  }
0x3dd: {  	v4 =	vmul.f32 $5.000000000e-01, v4;
	_ =	sdelay $0x1  }
0x3de: {  	(erf) = vrcp.f32 v4;
	_ =	sdelay $0x8  }
0x3df: {  	v5 =	vpop (erf)  }
0x3e0: {  	v5 =	vmul.f32 v5, v3;
	_ =	sdelay $0x1  }
0x3e1: {  	v4 =	vadd.f32 v5, v4;
	_ =	sdelay $0x1  }
0x3e2: {  	v4 =	vmul.f32 $5.000000000e-01, v4;
	_ =	sdelay $0x1  }
0x3e3: {  	(erf) = vrcp.f32 v4;
	_ =	sdelay $0x8  }
0x3e4: {  	v5 =	vpop (erf)  }
0x3e5: {  	v5 =	vmul.f32 v5, v3;
	_ =	sdelay $0x1  }
0x3e6: {  	v4 =	vadd.f32 v5, v4;
	_ =	sdelay $0x1  }
0x3e7: {  	v4 =	vmul.f32 $5.000000000e-01, v4;
	_ =	sdelay $0x1  }
0x3e8: {  	(erf) = vrcp.f32 v4;
	_ =	sdelay $0x8  }
0x3e9: {  	v5 =	vpop (erf)  }
0x3ea: {  	v5 =	vmul.f32 v5, v3;
	_ =	sdelay $0x1  }
0x3eb: {  	v4 =	vadd.f32 v5, v4;
	_ =	sdelay $0x1  }
0x3ec: {  	v4 =	vmul.f32 $5.000000000e-01, v4;
	_ =	sdelay $0x1  }
0x3ed: {  	(erf) = vrcp.f32 v4;
	_ =	sdelay $0x6  }
.Ltmp7:
0x3ee: {  	(pc) =	sbr.rel @p2 .LBB2_16-.Ltmp7, $4  }
0x3ef: {  	_ = 	snop  }
0x3f0: {  	vm0 =	vgt.f32 v3, $5.000000000e-01;
	v3 =	vpop (erf)  }
0x3f1: {  	v4 =	vnsel vm0, $0x0, v3  }
0x3f2: {  	s11 =	sshra.s32 s19, $0x2;
	s19 =	sadd.s32 $0x200, s19;
	[tilespmem:s21+$0x2980] =	vst v4  }
0x3f3: {  	v3 =	vld [tilespmem:s11+$0x2980];
	_ =	sdelay $0x4  }
0x3f4: {  	v5 =	vmul.f32 $1.562500000e-02, v3;
	_ =	sdelay $0x1  }
0x3f5: {  	v5 =	vadd.f32 $8.000000000e+00, v5;
	_ =	sdelay $0x1  }
0x3f6: {  	(erf) = vrcp.f32 v5;
	_ =	sdelay $0x8  }
0x3f7: {  	v6 =	vpop (erf)  }
0x3f8: {  	v6 =	vmul.f32 v6, v3;
	_ =	sdelay $0x1  }
0x3f9: {  	v5 =	vadd.f32 v6, v5;
	_ =	sdelay $0x1  }
0x3fa: {  	v5 =	vmul.f32 $5.000000000e-01, v5;
	_ =	sdelay $0x1  }
0x3fb: {  	(erf) = vrcp.f32 v5;
	_ =	sdelay $0x8  }
0x3fc: {  	v6 =	vpop (erf)  }
0x3fd: {  	v6 =	vmul.f32 v6, v3;
	_ =	sdelay $0x1  }
0x3fe: {  	v5 =	vadd.f32 v6, v5;
	_ =	sdelay $0x1  }
0x3ff: {  	v5 =	vmul.f32 $5.000000000e-01, v5;
	_ =	sdelay $0x1  }
0x400: {  	(erf) = vrcp.f32 v5;
	_ =	sdelay $0x8  }
0x401: {  	v6 =	vpop (erf)  }
0x402: {  	v6 =	vmul.f32 v6, v3;
	_ =	sdelay $0x1  }
0x403: {  	v5 =	vadd.f32 v6, v5;
	_ =	sdelay $0x1  }
0x404: {  	v5 =	vmul.f32 $5.000000000e-01, v5;
	_ =	sdelay $0x1  }
0x405: {  	(erf) = vrcp.f32 v5;
	_ =	sdelay $0x8  }
0x406: {  	v6 =	vpop (erf)  }
0x407: {  	v6 =	vmul.f32 v6, v3;
	_ =	sdelay $0x1  }
0x408: {  	v5 =	vadd.f32 v6, v5;
	_ =	sdelay $0x1  }
0x409: {  	v5 =	vmul.f32 $5.000000000e-01, v5;
	_ =	sdelay $0x1  }
0x40a: {  	(erf) = vrcp.f32 v5;
	_ =	sdelay $0x8  }
0x40b: {  	v6 =	vpop (erf)  }
0x40c: {  	v6 =	vmul.f32 v6, v3;
	_ =	sdelay $0x1  }
0x40d: {  	v5 =	vadd.f32 v6, v5;
	_ =	sdelay $0x1  }
0x40e: {  	v5 =	vmul.f32 $5.000000000e-01, v5;
	_ =	sdelay $0x1  }
0x40f: {  	(erf) = vrcp.f32 v5;
	_ =	sdelay $0x8  }
0x410: {  	v6 =	vpop (erf)  }
0x411: {  	v6 =	vmul.f32 v6, v3;
	_ =	sdelay $0x1  }
0x412: {  	v5 =	vadd.f32 v6, v5;
	_ =	sdelay $0x1  }
0x413: {  	v5 =	vmul.f32 $5.000000000e-01, v5;
	_ =	sdelay $0x1  }
0x414: {  	(erf) = vrcp.f32 v5;
	_ =	sdelay $0x8  }
0x415: {  	v6 =	vpop (erf)  }
0x416: {  	v6 =	vmul.f32 v6, v3;
	_ =	sdelay $0x1  }
0x417: {  	v5 =	vadd.f32 v6, v5;
	_ =	sdelay $0x1  }
0x418: {  	v5 =	vmul.f32 $5.000000000e-01, v5;
	_ =	sdelay $0x1  }
0x419: {  	(erf) = vrcp.f32 v5;
	_ =	sdelay $0x8  }
0x41a: {  	v6 =	vpop (erf)  }
0x41b: {  	v6 =	vmul.f32 v6, v3;
	_ =	sdelay $0x1  }
0x41c: {  	v5 =	vadd.f32 v6, v5;
	_ =	sdelay $0x1  }
0x41d: {  	v5 =	vmul.f32 $5.000000000e-01, v5;
	_ =	sdelay $0x1  }
0x41e: {  	(erf) = vrcp.f32 v5;
	_ =	sdelay $0x8  }
0x41f: {  	v6 =	vpop (erf)  }
0x420: {  	v6 =	vmul.f32 v6, v3;
	_ =	sdelay $0x1  }
0x421: {  	v5 =	vadd.f32 v6, v5;
	_ =	sdelay $0x1  }
0x422: {  	v5 =	vmul.f32 $5.000000000e-01, v5;
	_ =	sdelay $0x1  }
0x423: {  	(erf) = vrcp.f32 v5;
	_ =	sdelay $0x3  }
0x424: {  	[tilespmem:s21+$0x2990] =	vst v4  }
0x425: {  	[tilespmem:s21+$0x29A0] =	vst v4  }
0x426: {  	[tilespmem:s21+$0x29B0] =	vst v4  }
0x427: {  	[tilespmem:s21+$0x29C0] =	vst v4  }
0x428: {  	[tilespmem:s21+$0x29D0] =	vst v4  }
0x429: {  	[tilespmem:s21+$0x29E0] =	vst v4;
	vm0 =	vgt.f32 v3, $5.000000000e-01;
	v3 =	vpop (erf)  }
0x42a: {  	[tilespmem:s21+$0x29F0] =	vst v4;
	v3 =	vnsel vm0, $0x0, v3  }
0x42b: {  	[tilespmem:s11+$0x2980] =	vst v3  }
0x42c: {  	[tilespmem:s11+$0x2990] =	vst v3  }
0x42d: {  	[tilespmem:s11+$0x29A0] =	vst v3  }
0x42e: {  	[tilespmem:s11+$0x29B0] =	vst v3  }
0x42f: {  	[tilespmem:s11+$0x29C0] =	vst v3  }
0x430: {  	[tilespmem:s11+$0x29D0] =	vst v3  }
0x431: {  	[tilespmem:s11+$0x29E0] =	vst v3  }
0x432: {  	s21 =	simm.s32 $0x0;
	s13 =	rddreg [dreg:$0x14];
	[tilespmem:s11+$0x29F0] =	vst v3  }
0x433: {  	[hbm4b:s13+s21] =	stream.linear.scatter [tilespmem:s28], [sflag:$0x4], $0x2800, $0x38;
	[tilespmem:$0x1E900] =	vst v63  }
0x434: {  	_ =	swait.ge [sflag:s24], $0x2800  }
0x435: {  	[sflag:s24] =	ssyncset.done $0x0  }
0x436: {  	[sflag:s24] =	ssyncadd.s32 $0xFFFFD800  }
0x437: {  	[spmem:s16] =	stream.linear.scatter [tilespmem:s23], [sflag:$0x4], $0x2800, $0x38;
	[tilespmem:$0x1E900] =	vst v63  }
0x438: {  	_ =	swait.ge [sflag:s24], $0x2800  }
0x439: {  	[sflag:s24] =	ssyncset.done $0x0  }
0x43a: {  	[sflag:s24] =	ssyncadd.s32 $0xFFFFD800  }
0x43b: {  	[tilespmem:s28], [sflag:$0x4] =	stream.linear.gather [spmem:s17], $0x2800, $0x38;
	[tilespmem:$0x1E900] =	vst v63  }
0x43c: {  	_ =	swait.ge [sflag:s24], $0x2800  }
0x43d: {  	[sflag:s24] =	ssyncset.done $0x0  }
0x43e: {  	s21 =	simm.s32 $0x0;
	[sflag:s24] =	ssyncadd.s32 $0xFFFFD800  }
0x43f: {  	v3 =	vld [tilespmem:s21+$0x2980];
	_ =	sdelay $0x4  }
0x440: {  	v4 =	vmul.f32 $1.562500000e-02, v3;
	_ =	sdelay $0x1  }
0x441: {  	v4 =	vadd.f32 $8.000000000e+00, v4;
	_ =	sdelay $0x1  }
0x442: {  	(erf) = vrcp.f32 v4;
	_ =	sdelay $0x8  }
0x443: {  	v5 =	vpop (erf)  }
0x444: {  	v5 =	vmul.f32 v5, v3;
	_ =	sdelay $0x1  }
0x445: {  	v4 =	vadd.f32 v5, v4;
	_ =	sdelay $0x1  }
0x446: {  	v4 =	vmul.f32 $5.000000000e-01, v4;
	_ =	sdelay $0x1  }
0x447: {  	(erf) = vrcp.f32 v4;
	_ =	sdelay $0x8  }
0x448: {  	v5 =	vpop (erf)  }
0x449: {  	v5 =	vmul.f32 v5, v3;
	_ =	sdelay $0x1  }
0x44a: {  	v4 =	vadd.f32 v5, v4;
	_ =	sdelay $0x1  }
0x44b: {  	v4 =	vmul.f32 $5.000000000e-01, v4;
	_ =	sdelay $0x1  }
0x44c: {  	(erf) = vrcp.f32 v4;
	_ =	sdelay $0x8  }
0x44d: {  	v5 =	vpop (erf)  }
0x44e: {  	v5 =	vmul.f32 v5, v3;
	_ =	sdelay $0x1  }
0x44f: {  	v4 =	vadd.f32 v5, v4;
	_ =	sdelay $0x1  }
0x450: {  	v4 =	vmul.f32 $5.000000000e-01, v4;
	_ =	sdelay $0x1  }
0x451: {  	(erf) = vrcp.f32 v4;
	_ =	sdelay $0x8  }
0x452: {  	v5 =	vpop (erf)  }
0x453: {  	v5 =	vmul.f32 v5, v3;
	_ =	sdelay $0x1  }
0x454: {  	v4 =	vadd.f32 v5, v4;
	_ =	sdelay $0x1  }
0x455: {  	v4 =	vmul.f32 $5.000000000e-01, v4;
	_ =	sdelay $0x1  }
0x456: {  	(erf) = vrcp.f32 v4;
	_ =	sdelay $0x8  }
0x457: {  	v5 =	vpop (erf)  }
0x458: {  	v5 =	vmul.f32 v5, v3;
	_ =	sdelay $0x1  }
0x459: {  	v4 =	vadd.f32 v5, v4;
	_ =	sdelay $0x1  }
0x45a: {  	v4 =	vmul.f32 $5.000000000e-01, v4;
	_ =	sdelay $0x1  }
0x45b: {  	(erf) = vrcp.f32 v4;
	_ =	sdelay $0x8  }
0x45c: {  	v5 =	vpop (erf)  }
0x45d: {  	v5 =	vmul.f32 v5, v3;
	_ =	sdelay $0x1  }
0x45e: {  	v4 =	vadd.f32 v5, v4;
	_ =	sdelay $0x1  }
0x45f: {  	v4 =	vmul.f32 $5.000000000e-01, v4;
	_ =	sdelay $0x1  }
0x460: {  	(erf) = vrcp.f32 v4;
	_ =	sdelay $0x8  }
0x461: {  	v5 =	vpop (erf)  }
0x462: {  	v5 =	vmul.f32 v5, v3;
	_ =	sdelay $0x1  }
0x463: {  	v4 =	vadd.f32 v5, v4;
	_ =	sdelay $0x1  }
0x464: {  	v4 =	vmul.f32 $5.000000000e-01, v4;
	_ =	sdelay $0x1  }
0x465: {  	(erf) = vrcp.f32 v4;
	_ =	sdelay $0x8  }
0x466: {  	v5 =	vpop (erf)  }
0x467: {  	v5 =	vmul.f32 v5, v3;
	_ =	sdelay $0x1  }
0x468: {  	v4 =	vadd.f32 v5, v4;
	_ =	sdelay $0x1  }
0x469: {  	v4 =	vmul.f32 $5.000000000e-01, v4;
	_ =	sdelay $0x1  }
0x46a: {  	(erf) = vrcp.f32 v4;
	_ =	sdelay $0x8  }
0x46b: {  	v5 =	vpop (erf)  }
0x46c: {  	v5 =	vmul.f32 v5, v3;
	_ =	sdelay $0x1  }
0x46d: {  	v4 =	vadd.f32 v5, v4;
	_ =	sdelay $0x1  }
0x46e: {  	v4 =	vmul.f32 $5.000000000e-01, v4;
	_ =	sdelay $0x1  }
0x46f: {  	(erf) = vrcp.f32 v4;
	_ =	sdelay $0x8  }
0x470: {  	vm15 =	vgt.f32 v3, $5.000000000e-01;
	v3 =	vpop (erf)  }
0x471: {  	v4 =	vnsel vm15, $0x0, v3  }
0x472: {  	s19 =	simm.s32 $0x400;
	s11 =	simm.s32 $0x80;
	[tilespmem:s21+$0x2980] =	vst v4  }
.LBB2_18:
0x473: {  	p2 =	sne.s32 s19, $0x9E00;
	v3 =	vld [tilespmem:s11+$0x2980];
	[tilespmem:s21+$0x2990] =	vst v4  }
0x474: {  	[tilespmem:s21+$0x29A0] =	vst v4  }
0x475: {  	[tilespmem:s21+$0x29B0] =	vst v4  }
0x476: {  	[tilespmem:s21+$0x29C0] =	vst v4  }
0x477: {  	[tilespmem:s21+$0x29D0] =	vst v4  }
0x478: {  	v5 =	vmul.f32 $1.562500000e-02, v3;
	[tilespmem:s21+$0x29E0] =	vst v4  }
0x479: {  	[tilespmem:s21+$0x29F0] =	vst v4;
	s21 =	smov.u32 s11  }
0x47a: {  	v4 =	vadd.f32 $8.000000000e+00, v5;
	_ =	sdelay $0x1  }
0x47b: {  	(erf) = vrcp.f32 v4;
	_ =	sdelay $0x8  }
0x47c: {  	v5 =	vpop (erf)  }
0x47d: {  	v5 =	vmul.f32 v5, v3;
	_ =	sdelay $0x1  }
0x47e: {  	v4 =	vadd.f32 v5, v4;
	_ =	sdelay $0x1  }
0x47f: {  	v4 =	vmul.f32 $5.000000000e-01, v4;
	_ =	sdelay $0x1  }
0x480: {  	(erf) = vrcp.f32 v4;
	_ =	sdelay $0x8  }
0x481: {  	v5 =	vpop (erf)  }
0x482: {  	v5 =	vmul.f32 v5, v3;
	_ =	sdelay $0x1  }
0x483: {  	v4 =	vadd.f32 v5, v4;
	_ =	sdelay $0x1  }
0x484: {  	v4 =	vmul.f32 $5.000000000e-01, v4;
	_ =	sdelay $0x1  }
0x485: {  	(erf) = vrcp.f32 v4;
	_ =	sdelay $0x8  }
0x486: {  	v5 =	vpop (erf)  }
0x487: {  	v5 =	vmul.f32 v5, v3;
	_ =	sdelay $0x1  }
0x488: {  	v4 =	vadd.f32 v5, v4;
	_ =	sdelay $0x1  }
0x489: {  	v4 =	vmul.f32 $5.000000000e-01, v4;
	_ =	sdelay $0x1  }
0x48a: {  	(erf) = vrcp.f32 v4;
	_ =	sdelay $0x8  }
0x48b: {  	v5 =	vpop (erf)  }
0x48c: {  	v5 =	vmul.f32 v5, v3;
	_ =	sdelay $0x1  }
0x48d: {  	v4 =	vadd.f32 v5, v4;
	_ =	sdelay $0x1  }
0x48e: {  	v4 =	vmul.f32 $5.000000000e-01, v4;
	_ =	sdelay $0x1  }
0x48f: {  	(erf) = vrcp.f32 v4;
	_ =	sdelay $0x8  }
0x490: {  	v5 =	vpop (erf)  }
0x491: {  	v5 =	vmul.f32 v5, v3;
	_ =	sdelay $0x1  }
0x492: {  	v4 =	vadd.f32 v5, v4;
	_ =	sdelay $0x1  }
0x493: {  	v4 =	vmul.f32 $5.000000000e-01, v4;
	_ =	sdelay $0x1  }
0x494: {  	(erf) = vrcp.f32 v4;
	_ =	sdelay $0x8  }
0x495: {  	v5 =	vpop (erf)  }
0x496: {  	v5 =	vmul.f32 v5, v3;
	_ =	sdelay $0x1  }
0x497: {  	v4 =	vadd.f32 v5, v4;
	_ =	sdelay $0x1  }
0x498: {  	v4 =	vmul.f32 $5.000000000e-01, v4;
	_ =	sdelay $0x1  }
0x499: {  	(erf) = vrcp.f32 v4;
	_ =	sdelay $0x8  }
0x49a: {  	v5 =	vpop (erf)  }
0x49b: {  	v5 =	vmul.f32 v5, v3;
	_ =	sdelay $0x1  }
0x49c: {  	v4 =	vadd.f32 v5, v4;
	_ =	sdelay $0x1  }
0x49d: {  	v4 =	vmul.f32 $5.000000000e-01, v4;
	_ =	sdelay $0x1  }
0x49e: {  	(erf) = vrcp.f32 v4;
	_ =	sdelay $0x8  }
0x49f: {  	v5 =	vpop (erf)  }
0x4a0: {  	v5 =	vmul.f32 v5, v3;
	_ =	sdelay $0x1  }
0x4a1: {  	v4 =	vadd.f32 v5, v4;
	_ =	sdelay $0x1  }
0x4a2: {  	v4 =	vmul.f32 $5.000000000e-01, v4;
	_ =	sdelay $0x1  }
0x4a3: {  	(erf) = vrcp.f32 v4;
	_ =	sdelay $0x8  }
0x4a4: {  	v5 =	vpop (erf)  }
0x4a5: {  	v5 =	vmul.f32 v5, v3;
	_ =	sdelay $0x1  }
0x4a6: {  	v4 =	vadd.f32 v5, v4;
	_ =	sdelay $0x1  }
0x4a7: {  	v4 =	vmul.f32 $5.000000000e-01, v4;
	_ =	sdelay $0x1  }
0x4a8: {  	(erf) = vrcp.f32 v4;
	_ =	sdelay $0x6  }
.Ltmp8:
0x4a9: {  	(pc) =	sbr.rel @p2 .LBB2_18-.Ltmp8, $4  }
0x4aa: {  	_ = 	snop  }
0x4ab: {  	vm0 =	vgt.f32 v3, $5.000000000e-01;
	v3 =	vpop (erf)  }
0x4ac: {  	v4 =	vnsel vm0, $0x0, v3  }
0x4ad: {  	s11 =	sshra.s32 s19, $0x2;
	s19 =	sadd.s32 $0x200, s19;
	[tilespmem:s21+$0x2980] =	vst v4  }
0x4ae: {  	v3 =	vld [tilespmem:s11+$0x2980];
	_ =	sdelay $0x4  }
0x4af: {  	v5 =	vmul.f32 $1.562500000e-02, v3;
	_ =	sdelay $0x1  }
0x4b0: {  	v5 =	vadd.f32 $8.000000000e+00, v5;
	_ =	sdelay $0x1  }
0x4b1: {  	(erf) = vrcp.f32 v5;
	_ =	sdelay $0x8  }
0x4b2: {  	v6 =	vpop (erf)  }
0x4b3: {  	v6 =	vmul.f32 v6, v3;
	_ =	sdelay $0x1  }
0x4b4: {  	v5 =	vadd.f32 v6, v5;
	_ =	sdelay $0x1  }
0x4b5: {  	v5 =	vmul.f32 $5.000000000e-01, v5;
	_ =	sdelay $0x1  }
0x4b6: {  	(erf) = vrcp.f32 v5;
	_ =	sdelay $0x8  }
0x4b7: {  	v6 =	vpop (erf)  }
0x4b8: {  	v6 =	vmul.f32 v6, v3;
	_ =	sdelay $0x1  }
0x4b9: {  	v5 =	vadd.f32 v6, v5;
	_ =	sdelay $0x1  }
0x4ba: {  	v5 =	vmul.f32 $5.000000000e-01, v5;
	_ =	sdelay $0x1  }
0x4bb: {  	(erf) = vrcp.f32 v5;
	_ =	sdelay $0x8  }
0x4bc: {  	v6 =	vpop (erf)  }
0x4bd: {  	v6 =	vmul.f32 v6, v3;
	_ =	sdelay $0x1  }
0x4be: {  	v5 =	vadd.f32 v6, v5;
	_ =	sdelay $0x1  }
0x4bf: {  	v5 =	vmul.f32 $5.000000000e-01, v5;
	_ =	sdelay $0x1  }
0x4c0: {  	(erf) = vrcp.f32 v5;
	_ =	sdelay $0x8  }
0x4c1: {  	v6 =	vpop (erf)  }
0x4c2: {  	v6 =	vmul.f32 v6, v3;
	_ =	sdelay $0x1  }
0x4c3: {  	v5 =	vadd.f32 v6, v5;
	_ =	sdelay $0x1  }
0x4c4: {  	v5 =	vmul.f32 $5.000000000e-01, v5;
	_ =	sdelay $0x1  }
0x4c5: {  	(erf) = vrcp.f32 v5;
	_ =	sdelay $0x8  }
0x4c6: {  	v6 =	vpop (erf)  }
0x4c7: {  	v6 =	vmul.f32 v6, v3;
	_ =	sdelay $0x1  }
0x4c8: {  	v5 =	vadd.f32 v6, v5;
	_ =	sdelay $0x1  }
0x4c9: {  	v5 =	vmul.f32 $5.000000000e-01, v5;
	_ =	sdelay $0x1  }
0x4ca: {  	(erf) = vrcp.f32 v5;
	_ =	sdelay $0x8  }
0x4cb: {  	v6 =	vpop (erf)  }
0x4cc: {  	v6 =	vmul.f32 v6, v3;
	_ =	sdelay $0x1  }
0x4cd: {  	v5 =	vadd.f32 v6, v5;
	_ =	sdelay $0x1  }
0x4ce: {  	v5 =	vmul.f32 $5.000000000e-01, v5;
	_ =	sdelay $0x1  }
0x4cf: {  	(erf) = vrcp.f32 v5;
	_ =	sdelay $0x8  }
0x4d0: {  	v6 =	vpop (erf)  }
0x4d1: {  	v6 =	vmul.f32 v6, v3;
	_ =	sdelay $0x1  }
0x4d2: {  	v5 =	vadd.f32 v6, v5;
	_ =	sdelay $0x1  }
0x4d3: {  	v5 =	vmul.f32 $5.000000000e-01, v5;
	_ =	sdelay $0x1  }
0x4d4: {  	(erf) = vrcp.f32 v5;
	_ =	sdelay $0x8  }
0x4d5: {  	v6 =	vpop (erf)  }
0x4d6: {  	v6 =	vmul.f32 v6, v3;
	_ =	sdelay $0x1  }
0x4d7: {  	v5 =	vadd.f32 v6, v5;
	_ =	sdelay $0x1  }
0x4d8: {  	v5 =	vmul.f32 $5.000000000e-01, v5;
	_ =	sdelay $0x1  }
0x4d9: {  	(erf) = vrcp.f32 v5;
	_ =	sdelay $0x8  }
0x4da: {  	v6 =	vpop (erf)  }
0x4db: {  	v6 =	vmul.f32 v6, v3;
	_ =	sdelay $0x1  }
0x4dc: {  	v5 =	vadd.f32 v6, v5;
	_ =	sdelay $0x1  }
0x4dd: {  	v5 =	vmul.f32 $5.000000000e-01, v5;
	_ =	sdelay $0x1  }
0x4de: {  	(erf) = vrcp.f32 v5;
	_ =	sdelay $0x3  }
0x4df: {  	[tilespmem:s21+$0x2990] =	vst v4  }
0x4e0: {  	[tilespmem:s21+$0x29A0] =	vst v4  }
0x4e1: {  	[tilespmem:s21+$0x29B0] =	vst v4  }
0x4e2: {  	[tilespmem:s21+$0x29C0] =	vst v4  }
0x4e3: {  	[tilespmem:s21+$0x29D0] =	vst v4  }
0x4e4: {  	[tilespmem:s21+$0x29E0] =	vst v4;
	vm0 =	vgt.f32 v3, $5.000000000e-01;
	v3 =	vpop (erf)  }
0x4e5: {  	[tilespmem:s21+$0x29F0] =	vst v4;
	v3 =	vnsel vm0, $0x0, v3  }
0x4e6: {  	[tilespmem:s11+$0x2980] =	vst v3  }
0x4e7: {  	[tilespmem:s11+$0x2990] =	vst v3  }
0x4e8: {  	[tilespmem:s11+$0x29A0] =	vst v3  }
0x4e9: {  	[tilespmem:s11+$0x29B0] =	vst v3  }
0x4ea: {  	[tilespmem:s11+$0x29C0] =	vst v3  }
0x4eb: {  	[tilespmem:s11+$0x29D0] =	vst v3  }
0x4ec: {  	[tilespmem:s11+$0x29E0] =	vst v3  }
0x4ed: {  	s21 =	simm.s32 $0x0;
	s13 =	rddreg [dreg:$0x16];
	[tilespmem:s11+$0x29F0] =	vst v3  }
0x4ee: {  	[hbm4b:s13+s21] =	stream.linear.scatter [tilespmem:s28], [sflag:$0x4], $0x2800, $0x38;
	[tilespmem:$0x1E900] =	vst v63  }
0x4ef: {  	_ =	swait.ge [sflag:s24], $0x2800  }
0x4f0: {  	[sflag:s24] =	ssyncset.done $0x0  }
0x4f1: {  	[sflag:s24] =	ssyncadd.s32 $0xFFFFD800  }
0x4f2: {  	[spmem:s17] =	stream.linear.scatter [tilespmem:s23], [sflag:$0x4], $0x2800, $0x38;
	[tilespmem:$0x1E900] =	vst v63  }
0x4f3: {  	_ =	swait.ge [sflag:s24], $0x2800  }
0x4f4: {  	[sflag:s24] =	ssyncset.done $0x0  }
0x4f5: {  	[sflag:s24] =	ssyncadd.s32 $0xFFFFD800  }
0x4f6: {  	[tilespmem:s28], [sflag:$0x4] =	stream.linear.gather [spmem:s18], $0x2800, $0x38;
	[tilespmem:$0x1E900] =	vst v63  }
0x4f7: {  	_ =	swait.ge [sflag:s24], $0x2800  }
0x4f8: {  	[sflag:s24] =	ssyncset.done $0x0  }
0x4f9: {  	s21 =	simm.s32 $0x0;
	[sflag:s24] =	ssyncadd.s32 $0xFFFFD800  }
0x4fa: {  	v3 =	vld [tilespmem:s21+$0x2980];
	_ =	sdelay $0x4  }
0x4fb: {  	v4 =	vmul.f32 $1.562500000e-02, v3;
	_ =	sdelay $0x1  }
0x4fc: {  	v4 =	vadd.f32 $8.000000000e+00, v4;
	_ =	sdelay $0x1  }
0x4fd: {  	(erf) = vrcp.f32 v4;
	_ =	sdelay $0x8  }
0x4fe: {  	v5 =	vpop (erf)  }
0x4ff: {  	v5 =	vmul.f32 v5, v3;
	_ =	sdelay $0x1  }
0x500: {  	v4 =	vadd.f32 v5, v4;
	_ =	sdelay $0x1  }
0x501: {  	v4 =	vmul.f32 $5.000000000e-01, v4;
	_ =	sdelay $0x1  }
0x502: {  	(erf) = vrcp.f32 v4;
	_ =	sdelay $0x8  }
0x503: {  	v5 =	vpop (erf)  }
0x504: {  	v5 =	vmul.f32 v5, v3;
	_ =	sdelay $0x1  }
0x505: {  	v4 =	vadd.f32 v5, v4;
	_ =	sdelay $0x1  }
0x506: {  	v4 =	vmul.f32 $5.000000000e-01, v4;
	_ =	sdelay $0x1  }
0x507: {  	(erf) = vrcp.f32 v4;
	_ =	sdelay $0x8  }
0x508: {  	v5 =	vpop (erf)  }
0x509: {  	v5 =	vmul.f32 v5, v3;
	_ =	sdelay $0x1  }
0x50a: {  	v4 =	vadd.f32 v5, v4;
	_ =	sdelay $0x1  }
0x50b: {  	v4 =	vmul.f32 $5.000000000e-01, v4;
	_ =	sdelay $0x1  }
0x50c: {  	(erf) = vrcp.f32 v4;
	_ =	sdelay $0x8  }
0x50d: {  	v5 =	vpop (erf)  }
0x50e: {  	v5 =	vmul.f32 v5, v3;
	_ =	sdelay $0x1  }
0x50f: {  	v4 =	vadd.f32 v5, v4;
	_ =	sdelay $0x1  }
0x510: {  	v4 =	vmul.f32 $5.000000000e-01, v4;
	_ =	sdelay $0x1  }
0x511: {  	(erf) = vrcp.f32 v4;
	_ =	sdelay $0x8  }
0x512: {  	v5 =	vpop (erf)  }
0x513: {  	v5 =	vmul.f32 v5, v3;
	_ =	sdelay $0x1  }
0x514: {  	v4 =	vadd.f32 v5, v4;
	_ =	sdelay $0x1  }
0x515: {  	v4 =	vmul.f32 $5.000000000e-01, v4;
	_ =	sdelay $0x1  }
0x516: {  	(erf) = vrcp.f32 v4;
	_ =	sdelay $0x8  }
0x517: {  	v5 =	vpop (erf)  }
0x518: {  	v5 =	vmul.f32 v5, v3;
	_ =	sdelay $0x1  }
0x519: {  	v4 =	vadd.f32 v5, v4;
	_ =	sdelay $0x1  }
0x51a: {  	v4 =	vmul.f32 $5.000000000e-01, v4;
	_ =	sdelay $0x1  }
0x51b: {  	(erf) = vrcp.f32 v4;
	_ =	sdelay $0x8  }
0x51c: {  	v5 =	vpop (erf)  }
0x51d: {  	v5 =	vmul.f32 v5, v3;
	_ =	sdelay $0x1  }
0x51e: {  	v4 =	vadd.f32 v5, v4;
	_ =	sdelay $0x1  }
0x51f: {  	v4 =	vmul.f32 $5.000000000e-01, v4;
	_ =	sdelay $0x1  }
0x520: {  	(erf) = vrcp.f32 v4;
	_ =	sdelay $0x8  }
0x521: {  	v5 =	vpop (erf)  }
0x522: {  	v5 =	vmul.f32 v5, v3;
	_ =	sdelay $0x1  }
0x523: {  	v4 =	vadd.f32 v5, v4;
	_ =	sdelay $0x1  }
0x524: {  	v4 =	vmul.f32 $5.000000000e-01, v4;
	_ =	sdelay $0x1  }
0x525: {  	(erf) = vrcp.f32 v4;
	_ =	sdelay $0x8  }
0x526: {  	v5 =	vpop (erf)  }
0x527: {  	v5 =	vmul.f32 v5, v3;
	_ =	sdelay $0x1  }
0x528: {  	v4 =	vadd.f32 v5, v4;
	_ =	sdelay $0x1  }
0x529: {  	v4 =	vmul.f32 $5.000000000e-01, v4;
	_ =	sdelay $0x1  }
0x52a: {  	(erf) = vrcp.f32 v4;
	_ =	sdelay $0x8  }
0x52b: {  	vm15 =	vgt.f32 v3, $5.000000000e-01;
	v3 =	vpop (erf)  }
0x52c: {  	v4 =	vnsel vm15, $0x0, v3  }
0x52d: {  	s19 =	simm.s32 $0x400;
	s11 =	simm.s32 $0x80;
	[tilespmem:s21+$0x2980] =	vst v4  }
.LBB2_20:
0x52e: {  	p2 =	sne.s32 s19, $0x9E00;
	v3 =	vld [tilespmem:s11+$0x2980];
	[tilespmem:s21+$0x2990] =	vst v4  }
0x52f: {  	[tilespmem:s21+$0x29A0] =	vst v4  }
0x530: {  	[tilespmem:s21+$0x29B0] =	vst v4  }
0x531: {  	[tilespmem:s21+$0x29C0] =	vst v4  }
0x532: {  	[tilespmem:s21+$0x29D0] =	vst v4  }
0x533: {  	v5 =	vmul.f32 $1.562500000e-02, v3;
	[tilespmem:s21+$0x29E0] =	vst v4  }
0x534: {  	[tilespmem:s21+$0x29F0] =	vst v4;
	s21 =	smov.u32 s11  }
0x535: {  	v4 =	vadd.f32 $8.000000000e+00, v5;
	_ =	sdelay $0x1  }
0x536: {  	(erf) = vrcp.f32 v4;
	_ =	sdelay $0x8  }
0x537: {  	v5 =	vpop (erf)  }
0x538: {  	v5 =	vmul.f32 v5, v3;
	_ =	sdelay $0x1  }
0x539: {  	v4 =	vadd.f32 v5, v4;
	_ =	sdelay $0x1  }
0x53a: {  	v4 =	vmul.f32 $5.000000000e-01, v4;
	_ =	sdelay $0x1  }
0x53b: {  	(erf) = vrcp.f32 v4;
	_ =	sdelay $0x8  }
0x53c: {  	v5 =	vpop (erf)  }
0x53d: {  	v5 =	vmul.f32 v5, v3;
	_ =	sdelay $0x1  }
0x53e: {  	v4 =	vadd.f32 v5, v4;
	_ =	sdelay $0x1  }
0x53f: {  	v4 =	vmul.f32 $5.000000000e-01, v4;
	_ =	sdelay $0x1  }
0x540: {  	(erf) = vrcp.f32 v4;
	_ =	sdelay $0x8  }
0x541: {  	v5 =	vpop (erf)  }
0x542: {  	v5 =	vmul.f32 v5, v3;
	_ =	sdelay $0x1  }
0x543: {  	v4 =	vadd.f32 v5, v4;
	_ =	sdelay $0x1  }
0x544: {  	v4 =	vmul.f32 $5.000000000e-01, v4;
	_ =	sdelay $0x1  }
0x545: {  	(erf) = vrcp.f32 v4;
	_ =	sdelay $0x8  }
0x546: {  	v5 =	vpop (erf)  }
0x547: {  	v5 =	vmul.f32 v5, v3;
	_ =	sdelay $0x1  }
0x548: {  	v4 =	vadd.f32 v5, v4;
	_ =	sdelay $0x1  }
0x549: {  	v4 =	vmul.f32 $5.000000000e-01, v4;
	_ =	sdelay $0x1  }
0x54a: {  	(erf) = vrcp.f32 v4;
	_ =	sdelay $0x8  }
0x54b: {  	v5 =	vpop (erf)  }
0x54c: {  	v5 =	vmul.f32 v5, v3;
	_ =	sdelay $0x1  }
0x54d: {  	v4 =	vadd.f32 v5, v4;
	_ =	sdelay $0x1  }
0x54e: {  	v4 =	vmul.f32 $5.000000000e-01, v4;
	_ =	sdelay $0x1  }
0x54f: {  	(erf) = vrcp.f32 v4;
	_ =	sdelay $0x8  }
0x550: {  	v5 =	vpop (erf)  }
0x551: {  	v5 =	vmul.f32 v5, v3;
	_ =	sdelay $0x1  }
0x552: {  	v4 =	vadd.f32 v5, v4;
	_ =	sdelay $0x1  }
0x553: {  	v4 =	vmul.f32 $5.000000000e-01, v4;
	_ =	sdelay $0x1  }
0x554: {  	(erf) = vrcp.f32 v4;
	_ =	sdelay $0x8  }
0x555: {  	v5 =	vpop (erf)  }
0x556: {  	v5 =	vmul.f32 v5, v3;
	_ =	sdelay $0x1  }
0x557: {  	v4 =	vadd.f32 v5, v4;
	_ =	sdelay $0x1  }
0x558: {  	v4 =	vmul.f32 $5.000000000e-01, v4;
	_ =	sdelay $0x1  }
0x559: {  	(erf) = vrcp.f32 v4;
	_ =	sdelay $0x8  }
0x55a: {  	v5 =	vpop (erf)  }
0x55b: {  	v5 =	vmul.f32 v5, v3;
	_ =	sdelay $0x1  }
0x55c: {  	v4 =	vadd.f32 v5, v4;
	_ =	sdelay $0x1  }
0x55d: {  	v4 =	vmul.f32 $5.000000000e-01, v4;
	_ =	sdelay $0x1  }
0x55e: {  	(erf) = vrcp.f32 v4;
	_ =	sdelay $0x8  }
0x55f: {  	v5 =	vpop (erf)  }
0x560: {  	v5 =	vmul.f32 v5, v3;
	_ =	sdelay $0x1  }
0x561: {  	v4 =	vadd.f32 v5, v4;
	_ =	sdelay $0x1  }
0x562: {  	v4 =	vmul.f32 $5.000000000e-01, v4;
	_ =	sdelay $0x1  }
0x563: {  	(erf) = vrcp.f32 v4;
	_ =	sdelay $0x6  }
.Ltmp9:
0x564: {  	(pc) =	sbr.rel @p2 .LBB2_20-.Ltmp9, $4  }
0x565: {  	_ = 	snop  }
0x566: {  	vm0 =	vgt.f32 v3, $5.000000000e-01;
	v3 =	vpop (erf)  }
0x567: {  	v4 =	vnsel vm0, $0x0, v3  }
0x568: {  	s11 =	sshra.s32 s19, $0x2;
	s19 =	sadd.s32 $0x200, s19;
	[tilespmem:s21+$0x2980] =	vst v4  }
0x569: {  	v3 =	vld [tilespmem:s11+$0x2980];
	_ =	sdelay $0x4  }
0x56a: {  	v5 =	vmul.f32 $1.562500000e-02, v3;
	_ =	sdelay $0x1  }
0x56b: {  	v5 =	vadd.f32 $8.000000000e+00, v5;
	_ =	sdelay $0x1  }
0x56c: {  	(erf) = vrcp.f32 v5;
	_ =	sdelay $0x8  }
0x56d: {  	v6 =	vpop (erf)  }
0x56e: {  	v6 =	vmul.f32 v6, v3;
	_ =	sdelay $0x1  }
0x56f: {  	v5 =	vadd.f32 v6, v5;
	_ =	sdelay $0x1  }
0x570: {  	v5 =	vmul.f32 $5.000000000e-01, v5;
	_ =	sdelay $0x1  }
0x571: {  	(erf) = vrcp.f32 v5;
	_ =	sdelay $0x8  }
0x572: {  	v56 =	vpop (erf)  }
0x573: {  	v6 =	vmul.f32 v56, v3;
	_ =	sdelay $0x1  }
0x574: {  	v5 =	vadd.f32 v6, v5;
	_ =	sdelay $0x1  }
0x575: {  	v5 =	vmul.f32 $5.000000000e-01, v5;
	_ =	sdelay $0x1  }
0x576: {  	(erf) = vrcp.f32 v5;
	_ =	sdelay $0x8  }
0x577: {  	v57 =	vpop (erf)  }
0x578: {  	v6 =	vmul.f32 v57, v3;
	_ =	sdelay $0x1  }
0x579: {  	v5 =	vadd.f32 v6, v5;
	_ =	sdelay $0x1  }
0x57a: {  	v5 =	vmul.f32 $5.000000000e-01, v5;
	_ =	sdelay $0x1  }
0x57b: {  	(erf) = vrcp.f32 v5;
	_ =	sdelay $0x8  }
0x57c: {  	v58 =	vpop (erf)  }
0x57d: {  	v6 =	vmul.f32 v58, v3;
	_ =	sdelay $0x1  }
0x57e: {  	v5 =	vadd.f32 v6, v5;
	_ =	sdelay $0x1  }
0x57f: {  	v5 =	vmul.f32 $5.000000000e-01, v5;
	_ =	sdelay $0x1  }
0x580: {  	(erf) = vrcp.f32 v5;
	_ =	sdelay $0x8  }
0x581: {  	v59 =	vpop (erf)  }
0x582: {  	v6 =	vmul.f32 v59, v3;
	_ =	sdelay $0x1  }
0x583: {  	v5 =	vadd.f32 v6, v5;
	_ =	sdelay $0x1  }
0x584: {  	v5 =	vmul.f32 $5.000000000e-01, v5;
	_ =	sdelay $0x1  }
0x585: {  	(erf) = vrcp.f32 v5;
	_ =	sdelay $0x8  }
0x586: {  	v60 =	vpop (erf)  }
0x587: {  	v6 =	vmul.f32 v60, v3;
	_ =	sdelay $0x1  }
0x588: {  	v5 =	vadd.f32 v6, v5;
	_ =	sdelay $0x1  }
0x589: {  	v5 =	vmul.f32 $5.000000000e-01, v5;
	_ =	sdelay $0x1  }
0x58a: {  	(erf) = vrcp.f32 v5;
	_ =	sdelay $0x8  }
0x58b: {  	v61 =	vpop (erf)  }
0x58c: {  	v6 =	vmul.f32 v61, v3;
	_ =	sdelay $0x1  }
0x58d: {  	v5 =	vadd.f32 v6, v5;
	_ =	sdelay $0x1  }
0x58e: {  	v5 =	vmul.f32 $5.000000000e-01, v5;
	_ =	sdelay $0x1  }
0x58f: {  	(erf) = vrcp.f32 v5;
	_ =	sdelay $0x8  }
0x590: {  	v62 =	vpop (erf)  }
0x591: {  	v6 =	vmul.f32 v62, v3;
	_ =	sdelay $0x1  }
0x592: {  	v5 =	vadd.f32 v6, v5;
	_ =	sdelay $0x1  }
0x593: {  	v5 =	vmul.f32 $5.000000000e-01, v5;
	_ =	sdelay $0x1  }
0x594: {  	(erf) = vrcp.f32 v5;
	_ =	sdelay $0x8  }
0x595: {  	v63 =	vpop (erf)  }
0x596: {  	v6 =	vmul.f32 v63, v3;
	_ =	sdelay $0x1  }
0x597: {  	v5 =	vadd.f32 v6, v5;
	_ =	sdelay $0x1  }
0x598: {  	v5 =	vmul.f32 $5.000000000e-01, v5;
	_ =	sdelay $0x1  }
0x599: {  	(erf) = vrcp.f32 v5;
	_ =	sdelay $0x3  }
0x59a: {  	[tilespmem:s21+$0x2990] =	vst v4  }
0x59b: {  	[tilespmem:s21+$0x29A0] =	vst v4  }
0x59c: {  	[tilespmem:s21+$0x29B0] =	vst v4  }
0x59d: {  	[tilespmem:s21+$0x29C0] =	vst v4  }
0x59e: {  	[tilespmem:s21+$0x29D0] =	vst v4  }
0x59f: {  	[tilespmem:s21+$0x29E0] =	vst v4;
	vm0 =	vgt.f32 v3, $5.000000000e-01;
	v3 =	vpop (erf)  }
0x5a0: {  	[tilespmem:s21+$0x29F0] =	vst v4;
	v3 =	vnsel vm0, $0x0, v3  }
0x5a1: {  	[tilespmem:s11+$0x2980] =	vst v3  }
0x5a2: {  	[tilespmem:s11+$0x2990] =	vst v3  }
0x5a3: {  	[tilespmem:s11+$0x29A0] =	vst v3  }
0x5a4: {  	[tilespmem:s11+$0x29B0] =	vst v3  }
0x5a5: {  	[tilespmem:s11+$0x29C0] =	vst v3  }
0x5a6: {  	[tilespmem:s11+$0x29D0] =	vst v3  }
0x5a7: {  	[tilespmem:s11+$0x29E0] =	vst v3  }
0x5a8: {  	s21 =	rddreg [dreg:$0x18];
	[tilespmem:s11+$0x29F0] =	vst v3  }
0x5a9: {  	[hbm4b:s21+s6] =	stream.linear.scatter [tilespmem:s28], [sflag:$0x4], $0x2800, $0x38;
	[tilespmem:$0x1E900] =	vst v63  }
0x5aa: {  	_ =	swait.ge [sflag:s24], $0x2800  }
0x5ab: {  	[sflag:s24] =	ssyncset.done $0x0  }
.Ltmp10:
0x5ac: {  	[sflag:s24] =	ssyncadd.s32 $0xFFFFD800;
	(pc) =	sbr.rel @p1 .LBB2_25-.Ltmp10, $4  }
0x5ad: {  	[spmem:s18] =	stream.linear.scatter [tilespmem:s23], [sflag:$0x4], $0x2800, $0x38;
	[tilespmem:$0x1E900] =	vst v63  }
0x5ae: {  	_ =	swait.ge [sflag:s24], $0x2800  }
0x5af: {  	[sflag:s24] =	ssyncset.done $0x0  }
0x5b0: {  	[sflag:s24] =	ssyncadd.s32 $0xFFFFD800  }
0x5b1: {  	s11 =	rddreg [dreg:$0xb]  }
0x5b2: {  	[tilespmem:s28], [sflag:$0x4] =	stream.linear.gather [spmem:s11], $0x2800, $0x38;
	[tilespmem:$0x1E900] =	vst v63  }
0x5b3: {  	_ =	swait.ge [sflag:s24], $0x2800  }
0x5b4: {  	[sflag:s24] =	ssyncset.done $0x0  }
0x5b5: {  	s21 =	simm.s32 $0x0;
	[sflag:s24] =	ssyncadd.s32 $0xFFFFD800  }
0x5b6: {  	v3 =	vld [tilespmem:s21+$0x2980];
	_ =	sdelay $0x4  }
0x5b7: {  	v4 =	vmul.f32 $1.562500000e-02, v3;
	_ =	sdelay $0x1  }
0x5b8: {  	v4 =	vadd.f32 $8.000000000e+00, v4;
	_ =	sdelay $0x1  }
0x5b9: {  	(erf) = vrcp.f32 v4;
	_ =	sdelay $0x8  }
0x5ba: {  	v5 =	vpop (erf)  }
0x5bb: {  	v5 =	vmul.f32 v5, v3;
	_ =	sdelay $0x1  }
0x5bc: {  	v4 =	vadd.f32 v5, v4;
	_ =	sdelay $0x1  }
0x5bd: {  	v4 =	vmul.f32 $5.000000000e-01, v4;
	_ =	sdelay $0x1  }
0x5be: {  	(erf) = vrcp.f32 v4;
	_ =	sdelay $0x8  }
0x5bf: {  	v5 =	vpop (erf)  }
0x5c0: {  	v5 =	vmul.f32 v5, v3;
	_ =	sdelay $0x1  }
0x5c1: {  	v4 =	vadd.f32 v5, v4;
	_ =	sdelay $0x1  }
0x5c2: {  	v4 =	vmul.f32 $5.000000000e-01, v4;
	_ =	sdelay $0x1  }
0x5c3: {  	(erf) = vrcp.f32 v4;
	_ =	sdelay $0x8  }
0x5c4: {  	v5 =	vpop (erf)  }
0x5c5: {  	v5 =	vmul.f32 v5, v3;
	_ =	sdelay $0x1  }
0x5c6: {  	v4 =	vadd.f32 v5, v4;
	_ =	sdelay $0x1  }
0x5c7: {  	v4 =	vmul.f32 $5.000000000e-01, v4;
	_ =	sdelay $0x1  }
0x5c8: {  	(erf) = vrcp.f32 v4;
	_ =	sdelay $0x8  }
0x5c9: {  	v5 =	vpop (erf)  }
0x5ca: {  	v5 =	vmul.f32 v5, v3;
	_ =	sdelay $0x1  }
0x5cb: {  	v4 =	vadd.f32 v5, v4;
	_ =	sdelay $0x1  }
0x5cc: {  	v4 =	vmul.f32 $5.000000000e-01, v4;
	_ =	sdelay $0x1  }
0x5cd: {  	(erf) = vrcp.f32 v4;
	_ =	sdelay $0x8  }
0x5ce: {  	v5 =	vpop (erf)  }
0x5cf: {  	v5 =	vmul.f32 v5, v3;
	_ =	sdelay $0x1  }
0x5d0: {  	v4 =	vadd.f32 v5, v4;
	_ =	sdelay $0x1  }
0x5d1: {  	v4 =	vmul.f32 $5.000000000e-01, v4;
	_ =	sdelay $0x1  }
0x5d2: {  	(erf) = vrcp.f32 v4;
	_ =	sdelay $0x8  }
0x5d3: {  	v5 =	vpop (erf)  }
0x5d4: {  	v5 =	vmul.f32 v5, v3;
	_ =	sdelay $0x1  }
0x5d5: {  	v4 =	vadd.f32 v5, v4;
	_ =	sdelay $0x1  }
0x5d6: {  	v4 =	vmul.f32 $5.000000000e-01, v4;
	_ =	sdelay $0x1  }
0x5d7: {  	(erf) = vrcp.f32 v4;
	_ =	sdelay $0x8  }
0x5d8: {  	v5 =	vpop (erf)  }
0x5d9: {  	v5 =	vmul.f32 v5, v3;
	_ =	sdelay $0x1  }
0x5da: {  	v4 =	vadd.f32 v5, v4;
	_ =	sdelay $0x1  }
0x5db: {  	v4 =	vmul.f32 $5.000000000e-01, v4;
	_ =	sdelay $0x1  }
0x5dc: {  	(erf) = vrcp.f32 v4;
	_ =	sdelay $0x8  }
0x5dd: {  	v5 =	vpop (erf)  }
0x5de: {  	v5 =	vmul.f32 v5, v3;
	_ =	sdelay $0x1  }
0x5df: {  	v4 =	vadd.f32 v5, v4;
	_ =	sdelay $0x1  }
0x5e0: {  	v4 =	vmul.f32 $5.000000000e-01, v4;
	_ =	sdelay $0x1  }
0x5e1: {  	(erf) = vrcp.f32 v4;
	_ =	sdelay $0x8  }
0x5e2: {  	v5 =	vpop (erf)  }
0x5e3: {  	v5 =	vmul.f32 v5, v3;
	_ =	sdelay $0x1  }
0x5e4: {  	v4 =	vadd.f32 v5, v4;
	_ =	sdelay $0x1  }
0x5e5: {  	v4 =	vmul.f32 $5.000000000e-01, v4;
	_ =	sdelay $0x1  }
0x5e6: {  	(erf) = vrcp.f32 v4;
	_ =	sdelay $0x8  }
0x5e7: {  	vm0 =	vgt.f32 v3, $5.000000000e-01;
	v3 =	vpop (erf)  }
0x5e8: {  	v4 =	vnsel vm0, $0x0, v3  }
0x5e9: {  	s19 =	simm.s32 $0x400;
	s11 =	simm.s32 $0x80;
	[tilespmem:s21+$0x2980] =	vst v4  }
.LBB2_23:
0x5ea: {  	p2 =	sne.s32 s19, $0x9E00;
	v3 =	vld [tilespmem:s11+$0x2980];
	[tilespmem:s21+$0x2990] =	vst v4  }
0x5eb: {  	[tilespmem:s21+$0x29A0] =	vst v4  }
0x5ec: {  	[tilespmem:s21+$0x29B0] =	vst v4  }
0x5ed: {  	[tilespmem:s21+$0x29C0] =	vst v4  }
0x5ee: {  	[tilespmem:s21+$0x29D0] =	vst v4  }
0x5ef: {  	v5 =	vmul.f32 $1.562500000e-02, v3;
	[tilespmem:s21+$0x29E0] =	vst v4  }
0x5f0: {  	[tilespmem:s21+$0x29F0] =	vst v4;
	s21 =	smov.u32 s11  }
0x5f1: {  	v4 =	vadd.f32 $8.000000000e+00, v5;
	_ =	sdelay $0x1  }
0x5f2: {  	(erf) = vrcp.f32 v4;
	_ =	sdelay $0x8  }
0x5f3: {  	v5 =	vpop (erf)  }
0x5f4: {  	v5 =	vmul.f32 v5, v3;
	_ =	sdelay $0x1  }
0x5f5: {  	v4 =	vadd.f32 v5, v4;
	_ =	sdelay $0x1  }
0x5f6: {  	v4 =	vmul.f32 $5.000000000e-01, v4;
	_ =	sdelay $0x1  }
0x5f7: {  	(erf) = vrcp.f32 v4;
	_ =	sdelay $0x8  }
0x5f8: {  	v5 =	vpop (erf)  }
0x5f9: {  	v5 =	vmul.f32 v5, v3;
	_ =	sdelay $0x1  }
0x5fa: {  	v4 =	vadd.f32 v5, v4;
	_ =	sdelay $0x1  }
0x5fb: {  	v4 =	vmul.f32 $5.000000000e-01, v4;
	_ =	sdelay $0x1  }
0x5fc: {  	(erf) = vrcp.f32 v4;
	_ =	sdelay $0x8  }
0x5fd: {  	v5 =	vpop (erf)  }
0x5fe: {  	v5 =	vmul.f32 v5, v3;
	_ =	sdelay $0x1  }
0x5ff: {  	v4 =	vadd.f32 v5, v4;
	_ =	sdelay $0x1  }
0x600: {  	v4 =	vmul.f32 $5.000000000e-01, v4;
	_ =	sdelay $0x1  }
0x601: {  	(erf) = vrcp.f32 v4;
	_ =	sdelay $0x8  }
0x602: {  	v5 =	vpop (erf)  }
0x603: {  	v5 =	vmul.f32 v5, v3;
	_ =	sdelay $0x1  }
0x604: {  	v4 =	vadd.f32 v5, v4;
	_ =	sdelay $0x1  }
0x605: {  	v4 =	vmul.f32 $5.000000000e-01, v4;
	_ =	sdelay $0x1  }
0x606: {  	(erf) = vrcp.f32 v4;
	_ =	sdelay $0x8  }
0x607: {  	v5 =	vpop (erf)  }
0x608: {  	v5 =	vmul.f32 v5, v3;
	_ =	sdelay $0x1  }
0x609: {  	v4 =	vadd.f32 v5, v4;
	_ =	sdelay $0x1  }
0x60a: {  	v4 =	vmul.f32 $5.000000000e-01, v4;
	_ =	sdelay $0x1  }
0x60b: {  	(erf) = vrcp.f32 v4;
	_ =	sdelay $0x8  }
0x60c: {  	v5 =	vpop (erf)  }
0x60d: {  	v5 =	vmul.f32 v5, v3;
	_ =	sdelay $0x1  }
0x60e: {  	v4 =	vadd.f32 v5, v4;
	_ =	sdelay $0x1  }
0x60f: {  	v4 =	vmul.f32 $5.000000000e-01, v4;
	_ =	sdelay $0x1  }
0x610: {  	(erf) = vrcp.f32 v4;
	_ =	sdelay $0x8  }
0x611: {  	v5 =	vpop (erf)  }
0x612: {  	v5 =	vmul.f32 v5, v3;
	_ =	sdelay $0x1  }
0x613: {  	v4 =	vadd.f32 v5, v4;
	_ =	sdelay $0x1  }
0x614: {  	v4 =	vmul.f32 $5.000000000e-01, v4;
	_ =	sdelay $0x1  }
0x615: {  	(erf) = vrcp.f32 v4;
	_ =	sdelay $0x8  }
0x616: {  	v5 =	vpop (erf)  }
0x617: {  	v5 =	vmul.f32 v5, v3;
	_ =	sdelay $0x1  }
0x618: {  	v4 =	vadd.f32 v5, v4;
	_ =	sdelay $0x1  }
0x619: {  	v4 =	vmul.f32 $5.000000000e-01, v4;
	_ =	sdelay $0x1  }
0x61a: {  	(erf) = vrcp.f32 v4;
	_ =	sdelay $0x8  }
0x61b: {  	v5 =	vpop (erf)  }
0x61c: {  	v5 =	vmul.f32 v5, v3;
	_ =	sdelay $0x1  }
0x61d: {  	v4 =	vadd.f32 v5, v4;
	_ =	sdelay $0x1  }
0x61e: {  	v4 =	vmul.f32 $5.000000000e-01, v4;
	_ =	sdelay $0x1  }
0x61f: {  	(erf) = vrcp.f32 v4;
	_ =	sdelay $0x6  }
.Ltmp11:
0x620: {  	(pc) =	sbr.rel @p2 .LBB2_23-.Ltmp11, $4  }
0x621: {  	_ = 	snop  }
0x622: {  	vm0 =	vgt.f32 v3, $5.000000000e-01;
	v3 =	vpop (erf)  }
0x623: {  	v4 =	vnsel vm0, $0x0, v3  }
0x624: {  	s11 =	sshra.s32 s19, $0x2;
	s19 =	sadd.s32 $0x200, s19;
	[tilespmem:s21+$0x2980] =	vst v4  }
0x625: {  	v3 =	vld [tilespmem:s11+$0x2980];
	_ =	sdelay $0x4  }
0x626: {  	v5 =	vmul.f32 $1.562500000e-02, v3;
	_ =	sdelay $0x1  }
0x627: {  	v5 =	vadd.f32 $8.000000000e+00, v5;
	_ =	sdelay $0x1  }
0x628: {  	(erf) = vrcp.f32 v5;
	_ =	sdelay $0x8  }
0x629: {  	v6 =	vpop (erf)  }
0x62a: {  	v6 =	vmul.f32 v6, v3;
	_ =	sdelay $0x1  }
0x62b: {  	v5 =	vadd.f32 v6, v5;
	_ =	sdelay $0x1  }
0x62c: {  	v5 =	vmul.f32 $5.000000000e-01, v5;
	_ =	sdelay $0x1  }
0x62d: {  	(erf) = vrcp.f32 v5;
	_ =	sdelay $0x8  }
0x62e: {  	v56 =	vpop (erf)  }
0x62f: {  	v6 =	vmul.f32 v56, v3;
	_ =	sdelay $0x1  }
0x630: {  	v5 =	vadd.f32 v6, v5;
	_ =	sdelay $0x1  }
0x631: {  	v5 =	vmul.f32 $5.000000000e-01, v5;
	_ =	sdelay $0x1  }
0x632: {  	(erf) = vrcp.f32 v5;
	_ =	sdelay $0x8  }
0x633: {  	v57 =	vpop (erf)  }
0x634: {  	v6 =	vmul.f32 v57, v3;
	_ =	sdelay $0x1  }
0x635: {  	v5 =	vadd.f32 v6, v5;
	_ =	sdelay $0x1  }
0x636: {  	v5 =	vmul.f32 $5.000000000e-01, v5;
	_ =	sdelay $0x1  }
0x637: {  	(erf) = vrcp.f32 v5;
	_ =	sdelay $0x8  }
0x638: {  	v58 =	vpop (erf)  }
0x639: {  	v6 =	vmul.f32 v58, v3;
	_ =	sdelay $0x1  }
0x63a: {  	v5 =	vadd.f32 v6, v5;
	_ =	sdelay $0x1  }
0x63b: {  	v5 =	vmul.f32 $5.000000000e-01, v5;
	_ =	sdelay $0x1  }
0x63c: {  	(erf) = vrcp.f32 v5;
	_ =	sdelay $0x8  }
0x63d: {  	v59 =	vpop (erf)  }
0x63e: {  	v6 =	vmul.f32 v59, v3;
	_ =	sdelay $0x1  }
0x63f: {  	v5 =	vadd.f32 v6, v5;
	_ =	sdelay $0x1  }
0x640: {  	v5 =	vmul.f32 $5.000000000e-01, v5;
	_ =	sdelay $0x1  }
0x641: {  	(erf) = vrcp.f32 v5;
	_ =	sdelay $0x8  }
0x642: {  	v60 =	vpop (erf)  }
0x643: {  	v6 =	vmul.f32 v60, v3;
	_ =	sdelay $0x1  }
0x644: {  	v5 =	vadd.f32 v6, v5;
	_ =	sdelay $0x1  }
0x645: {  	v5 =	vmul.f32 $5.000000000e-01, v5;
	_ =	sdelay $0x1  }
0x646: {  	(erf) = vrcp.f32 v5;
	_ =	sdelay $0x8  }
0x647: {  	v61 =	vpop (erf)  }
0x648: {  	v6 =	vmul.f32 v61, v3;
	_ =	sdelay $0x1  }
0x649: {  	v5 =	vadd.f32 v6, v5;
	_ =	sdelay $0x1  }
0x64a: {  	v5 =	vmul.f32 $5.000000000e-01, v5;
	_ =	sdelay $0x1  }
0x64b: {  	(erf) = vrcp.f32 v5;
	_ =	sdelay $0x8  }
0x64c: {  	v62 =	vpop (erf)  }
0x64d: {  	v6 =	vmul.f32 v62, v3;
	_ =	sdelay $0x1  }
0x64e: {  	v5 =	vadd.f32 v6, v5;
	_ =	sdelay $0x1  }
0x64f: {  	v5 =	vmul.f32 $5.000000000e-01, v5;
	_ =	sdelay $0x1  }
0x650: {  	(erf) = vrcp.f32 v5;
	_ =	sdelay $0x8  }
0x651: {  	v63 =	vpop (erf)  }
0x652: {  	v6 =	vmul.f32 v63, v3;
	_ =	sdelay $0x1  }
0x653: {  	v5 =	vadd.f32 v6, v5;
	_ =	sdelay $0x1  }
0x654: {  	v5 =	vmul.f32 $5.000000000e-01, v5;
	_ =	sdelay $0x1  }
0x655: {  	(erf) = vrcp.f32 v5;
	_ =	sdelay $0x3  }
0x656: {  	[tilespmem:s21+$0x2990] =	vst v4  }
0x657: {  	[tilespmem:s21+$0x29A0] =	vst v4  }
0x658: {  	[tilespmem:s21+$0x29B0] =	vst v4  }
0x659: {  	[tilespmem:s21+$0x29C0] =	vst v4  }
0x65a: {  	[tilespmem:s21+$0x29D0] =	vst v4  }
0x65b: {  	[tilespmem:s21+$0x29E0] =	vst v4;
	vm0 =	vgt.f32 v3, $5.000000000e-01;
	v3 =	vpop (erf)  }
0x65c: {  	[tilespmem:s21+$0x29F0] =	vst v4;
	v3 =	vnsel vm0, $0x0, v3  }
0x65d: {  	[tilespmem:s11+$0x2980] =	vst v3  }
0x65e: {  	[tilespmem:s11+$0x2990] =	vst v3  }
0x65f: {  	[tilespmem:s11+$0x29A0] =	vst v3  }
0x660: {  	[tilespmem:s11+$0x29B0] =	vst v3  }
0x661: {  	[tilespmem:s11+$0x29C0] =	vst v3  }
0x662: {  	[tilespmem:s11+$0x29D0] =	vst v3  }
0x663: {  	[tilespmem:s11+$0x29E0] =	vst v3  }
0x664: {  	s19 =	rddreg [dreg:$0x1b];
	[tilespmem:s11+$0x29F0] =	vst v3  }
0x665: {  	[hbm4b:s19+s6] =	stream.linear.scatter [tilespmem:s28], [sflag:$0x4], $0x2800, $0x38;
	[tilespmem:$0x1E900] =	vst v63  }
0x666: {  	_ =	swait.ge [sflag:s24], $0x2800  }
0x667: {  	[sflag:s24] =	ssyncset.done $0x0  }
0x668: {  	s21 =	rddreg [dreg:$0xb];
	[sflag:s24] =	ssyncadd.s32 $0xFFFFD800  }
0x669: {  	[spmem:s21] =	stream.linear.scatter [tilespmem:s23], [sflag:$0x4], $0x2800, $0x38;
	[tilespmem:$0x1E900] =	vst v63  }
0x66a: {  	_ =	swait.ge [sflag:s24], $0x2800  }
0x66b: {  	[sflag:s24] =	ssyncset.done $0x0  }
0x66c: {  	[sflag:s24] =	ssyncadd.s32 $0xFFFFD800  }
.LBB2_25:
0x66d: {  	[bflag:$0x0] =	sbarrier.arrive $0xFFFF;
	s19 =	simm.s32 $0x0;
	s21 =	simm.s32 $0x0  }
.LBB2_26:
0x66e: {  	s11 =	smul.u32 $0x50, s21;
	_ =	sdelay $0x1  }
0x66f: {  	s11 =	sadd.s32 s11, s12  }
0x670: {  	s11 =	sshrl.u32 s11, $0x3  }
0x671: {  	s13 =	sadd.s32 s7, s11  }
0x672: {  	[tilespmem:s19], [sflag:$0x1] =	stream.linear.gather [hbm4b:s13+s19], $0x50, $0x38;
	[tilespmem:$0x1E900] =	vst v63  }
0x673: {  	s14 =	sadd.s32 s1, s11  }
0x674: {  	[tilespmem:s29], [sflag:$0x2] =	stream.linear.gather [hbm4b:s14+s19], $0x50, $0x38;
	[tilespmem:$0x1E900] =	vst v63  }
0x675: {  	s11 =	sadd.s32 s2, s11  }
0x676: {  	[tilespmem:s30], [sflag:$0x3] =	stream.linear.gather [hbm4b:s11+s19], $0x50, $0x38;
	[tilespmem:$0x1E900] =	vst v63  }
0x677: {  	_ =	swait.ge [sflag:s31], $0x50  }
0x678: {  	[sflag:s31] =	ssyncset.done $0x0  }
0x679: {  	[sflag:s31] =	ssyncadd.s32 $0xFFFFFFB0  }
0x67a: {  	_ =	swait.ge [sflag:s0], $0x50  }
0x67b: {  	[sflag:s0] =	ssyncset.done $0x0  }
0x67c: {  	[sflag:s0] =	ssyncadd.s32 $0xFFFFFFB0  }
0x67d: {  	_ =	swait.ge [sflag:s9], $0x50  }
0x67e: {  	[sflag:s9] =	ssyncset.done $0x0  }
0x67f: {  	[sflag:s9] =	ssyncadd.s32 $0xFFFFFFB0  }
0x680: {  	[tilespmem:s28], [sflag:$0x1] =	stream.indirect.gather [hbm4b:s3+s25], $0x80, s29, s25, $0xb8;
	[tilespmem:$0x1E900] =	vst v63  }
0x681: {  	_ = 	snop  }
0x682: {  	[tilespmem:s26], [sflag:$0x2] =	stream.indirect.gather [spmem:s5], $0x80, s30, s25, $0xb8;
	[tilespmem:$0x1E900] =	vst v63  }
0x683: {  	v3 =	vld [tilespmem:$0x80]  }
0x684: {  	v4 =	vld [tilespmem:$0x90]  }
0x685: {  	v5 =	vld [tilespmem:$0xA0]  }
0x686: {  	v6 =	vld [tilespmem:$0xB0]  }
0x687: {  	v7 =	vld [tilespmem:$0xC0]  }
0x688: {  	v3 =	vadd.s32 v0, v3  }
0x689: {  	[tilespmem:$0x80] =	vst v3;
	v3 =	vadd.s32 v0, v4  }
0x68a: {  	[tilespmem:$0x90] =	vst v3;
	v3 =	vadd.s32 v0, v5  }
0x68b: {  	[tilespmem:$0xA0] =	vst v3;
	v3 =	vadd.s32 v0, v6  }
0x68c: {  	[tilespmem:$0xB0] =	vst v3;
	v3 =	vadd.s32 v0, v7  }
0x68d: {  	[tilespmem:$0xC0] =	vst v3  }
0x68e: {  	[tilespmem:s8], [sflag:$0x3] =	stream.indirect.gather [hbm4b:s10+s25], $0x80, s29, s25, $0xb8;
	[tilespmem:$0x1E900] =	vst v63  }
0x68f: {  	_ =	swait.ge [sflag:s31], $0x2800  }
0x690: {  	[sflag:s31] =	ssyncset.done $0x0  }
0x691: {  	[sflag:s31] =	ssyncadd.s32 $0xFFFFD800  }
0x692: {  	_ =	swait.ge [sflag:s0], $0x2800  }
0x693: {  	[sflag:s0] =	ssyncset.done $0x0  }
0x694: {  	[sflag:s0] =	ssyncadd.s32 $0xFFFFD800  }
0x695: {  	_ =	swait.ge [sflag:s9], $0x2800  }
0x696: {  	[sflag:s9] =	ssyncset.done $0x0  }
0x697: {  	s11 =	simm.s32 $0x0;
	[sflag:s9] =	ssyncadd.s32 $0xFFFFD800  }
0x698: {  	v4 =	vld [tilespmem:s11+$0x29F0]  }
0x699: {  	v5 =	vld [tilespmem:s11+$0x51F0]  }
0x69a: {  	v6 =	vld [tilespmem:s11+$0x2980]  }
0x69b: {  	v3 =	vld [tilespmem:s11+$0x180]  }
0x69c: {  	v7 =	vld [tilespmem:s11+$0x5180]  }
0x69d: {  	v8 =	vld [tilespmem:s11+$0x2990]  }
0x69e: {  	v9 =	vld [tilespmem:s11+$0x5190]  }
0x69f: {  	v10 =	vld [tilespmem:s11+$0x51A0]  }
0x6a0: {  	v4 =	vsub.f32 v4, v5;
	v5 =	vld [tilespmem:s11+$0x29A0]  }
0x6a1: {  	v11 =	vld [tilespmem:s11+$0x29B0]  }
0x6a2: {  	v12 =	vld [tilespmem:s11+$0x51B0];
	v6 =	vsub.f32 v6, v7;
	v4 =	vmul.f32 v4, v3  }
0x6a3: {  	v13 =	vld [tilespmem:s11+$0x29C0]  }
0x6a4: {  	v14 =	vld [tilespmem:s11+$0x51C0];
	[tilespmem:s11+$0x79F0] =	vst v4;
	v4 =	vmul.f32 v6, v3;
	v6 =	vsub.f32 v8, v9  }
0x6a5: {  	v7 =	vld [tilespmem:s11+$0x51D0];
	v5 =	vsub.f32 v5, v10  }
0x6a6: {  	[tilespmem:s11+$0x7980] =	vst v4;
	v4 =	vmul.f32 v6, v3;
	v6 =	vld [tilespmem:s11+$0x29D0]  }
0x6a7: {  	v8 =	vld [tilespmem:s11+$0x51E0];
	v10 =	vsub.f32 v11, v12;
	v9 =	vmul.f32 v5, v3  }
0x6a8: {  	s13 =	simm.s32 $0x80;
	[tilespmem:s11+$0x7990] =	vst v4;
	v4 =	vld [tilespmem:s11+$0x29E0]  }
0x6a9: {  	s14 =	simm.s32 $0x400;
	v5 =	vld [tilespmem:s13+$0x29F0];
	[tilespmem:s11+$0x79A0] =	vst v9;
	v9 =	vmul.f32 v10, v3;
	v10 =	vsub.f32 v13, v14  }
.LBB2_27:
0x6aa: {  	p2 =	sne.s32 s14, $0x9E00;
	v11 =	vld [tilespmem:s13+$0x51F0]  }
0x6ab: {  	v12 =	vld [tilespmem:s13+$0x2980];
	[tilespmem:s11+$0x79B0] =	vst v9;
	v9 =	vmul.f32 v10, v3;
	v6 =	vsub.f32 v6, v7  }
0x6ac: {  	v7 =	vld [tilespmem:s13+$0x180]  }
0x6ad: {  	v10 =	vld [tilespmem:s13+$0x5180];
	[tilespmem:s11+$0x79C0] =	vst v9;
	v6 =	vmul.f32 v6, v3;
	v4 =	vsub.f32 v4, v8  }
0x6ae: {  	v8 =	vld [tilespmem:s13+$0x2990]  }
0x6af: {  	v9 =	vld [tilespmem:s13+$0x5190];
	v5 =	vsub.f32 v5, v11;
	[tilespmem:s11+$0x79D0] =	vst v6;
	v11 =	vmul.f32 v4, v3  }
0x6b0: {  	v4 =	vld [tilespmem:s13+$0x29A0]  }
0x6b1: {  	v6 =	vld [tilespmem:s13+$0x51A0];
	v5 =	vmul.f32 v5, v7;
	[tilespmem:s11+$0x79E0] =	vst v11;
	v3 =	vmov v7;
	s11 =	smov.u32 s13  }
0x6b2: {  	v7 =	vsub.f32 v12, v10;
	v10 =	vld [tilespmem:s11+$0x29B0]  }
0x6b3: {  	v11 =	vld [tilespmem:s11+$0x51B0];
	[tilespmem:s11+$0x79F0] =	vst v5  }
0x6b4: {  	v5 =	vmul.f32 v7, v3;
	v7 =	vsub.f32 v8, v9;
	v12 =	vld [tilespmem:s11+$0x29C0]  }
0x6b5: {  	v13 =	vld [tilespmem:s11+$0x51C0]  }
.Ltmp12:
0x6b6: {  	[tilespmem:s11+$0x7980] =	vst v5;
	v5 =	vmul.f32 v7, v3;
	v4 =	vsub.f32 v4, v6;
	v6 =	vld [tilespmem:s11+$0x29D0];
	(pc) =	sbr.rel @p2 .LBB2_27-.Ltmp12, $4  }
0x6b7: {  	v7 =	vld [tilespmem:s11+$0x51D0]  }
0x6b8: {  	[tilespmem:s11+$0x7990] =	vst v5;
	v9 =	vmul.f32 v4, v3;
	v10 =	vsub.f32 v10, v11;
	v4 =	vld [tilespmem:s11+$0x29E0]  }
0x6b9: {  	s13 =	sshra.s32 s14, $0x2;
	v8 =	vld [tilespmem:s11+$0x51E0]  }
0x6ba: {  	s14 =	sadd.s32 $0x200, s14;
	v5 =	vld [tilespmem:s13+$0x29F0];
	[tilespmem:s11+$0x79A0] =	vst v9;
	v9 =	vmul.f32 v10, v3;
	v10 =	vsub.f32 v12, v13  }
0x6bb: {  	v11 =	vld [tilespmem:s13+$0x51F0]  }
0x6bc: {  	v12 =	vld [tilespmem:s13+$0x2980];
	[tilespmem:s11+$0x79B0] =	vst v9;
	v49 =	vmul.f32 v10, v3;
	v6 =	vsub.f32 v6, v7  }
0x6bd: {  	v50 =	vld [tilespmem:s13+$0x180]  }
0x6be: {  	v51 =	vld [tilespmem:s13+$0x5180];
	[tilespmem:s11+$0x79C0] =	vst v49;
	v6 =	vmul.f32 v6, v3;
	v4 =	vsub.f32 v4, v8  }
0x6bf: {  	v9 =	vld [tilespmem:s13+$0x2990]  }
0x6c0: {  	v52 =	vld [tilespmem:s13+$0x5190];
	[tilespmem:s11+$0x79D0] =	vst v6;
	v3 =	vmul.f32 v4, v3  }
0x6c1: {  	v53 =	vld [tilespmem:s13+$0x29A0]  }
0x6c2: {  	v5 =	vsub.f32 v5, v11;
	v6 =	vld [tilespmem:s13+$0x51A0];
	[tilespmem:s11+$0x79E0] =	vst v3  }
0x6c3: {  	v54 =	vld [tilespmem:s13+$0x29B0]  }
0x6c4: {  	v3 =	vmul.f32 v5, v50;
	v7 =	vsub.f32 v12, v51;
	v55 =	vld [tilespmem:s13+$0x51B0]  }
0x6c5: {  	v56 =	vld [tilespmem:s13+$0x29C0]  }
0x6c6: {  	v57 =	vld [tilespmem:s13+$0x51C0];
	[tilespmem:s13+$0x79F0] =	vst v3;
	v3 =	vmul.f32 v7, v50;
	v8 =	vsub.f32 v9, v52  }
0x6c7: {  	v58 =	vld [tilespmem:s13+$0x29D0]  }
0x6c8: {  	v59 =	vld [tilespmem:s13+$0x51D0];
	[tilespmem:s13+$0x7980] =	vst v3;
	v3 =	vmul.f32 v8, v50  }
0x6c9: {  	v13 =	vld [tilespmem:s13+$0x51E0]  }
0x6ca: {  	[tilespmem:s13+$0x7990] =	vst v3;
	v3 =	vld [tilespmem:s13+$0x29E0]  }
0x6cb: {  	v4 =	vsub.f32 v53, v6  }
0x6cc: {  	v5 =	vsub.f32 v54, v55  }
0x6cd: {  	v4 =	vmul.f32 v4, v50;
	v60 =	vsub.f32 v56, v57  }
0x6ce: {  	v61 =	vsub.f32 v58, v59;
	v5 =	vmul.f32 v5, v50  }
0x6cf: {  	[tilespmem:s13+$0x79A0] =	vst v4;
	v62 =	vmul.f32 v60, v50;
	v3 =	vsub.f32 v3, v13  }
0x6d0: {  	v63 =	vmul.f32 v61, v50;
	[tilespmem:s13+$0x79B0] =	vst v5  }
0x6d1: {  	s21 =	sadd.s32 $0x1, s21;
	[tilespmem:s13+$0x79C0] =	vst v62;
	v3 =	vmul.f32 v3, v50  }
0x6d2: {  	p2 =	sne.s32 s21, $0x7D;
	[tilespmem:s13+$0x79D0] =	vst v63  }
.Ltmp13:
0x6d3: {  	[tilespmem:s13+$0x79E0] =	vst v3;
	(pc) =	sbr.rel @p2 .LBB2_26-.Ltmp13, $4  }
0x6d4: {  	[spmem:s4] =	stream.indirect.scatter.add.f32 [tilespmem:s23], [sflag:$0x4], $0x80, s6, s25, $0xb8;
	[tilespmem:$0x1E900] =	vst v63  }
0x6d5: {  	_ =	swait.ge [sflag:s24], $0x2800  }
0x6d6: {  	[sflag:s24] =	ssyncset.done $0x0  }
0x6d7: {  	[sflag:s24] =	ssyncadd.s32 $0xFFFFD800  }
0x6d8: {  	s11 =	stileid.u32;
	[bflag:$0x0] =	sbarrier.arrive $0xFFFF  }
0x6d9: {  	s11 =	sshll.u32 s11, $0x6;
	s13 =	rddreg [dreg:$0x8]  }
0x6da: {  	s14 =	rddreg [dreg:$0xd];
	s11 =	sor.u32 $0x1C04, s11;
	s13 =	sshrl.u32 s13, $0x3  }
0x6db: {  	[hbm:s14], [sflag:s11] =	dma.local [spmem:s13], $0x500  }
0x6dc: {  	_ =	swait.ge [sflag:s24], $0x500  }
0x6dd: {  	[sflag:s24] =	ssyncset.done $0x0;
	s19 =	rddreg [dreg:$0x9]  }
0x6de: {  	s21 =	rddreg [dreg:$0xf];
	[sflag:s24] =	ssyncadd.s32 $0xFFFFFB00;
	s13 =	sshrl.u32 s19, $0x3  }
0x6df: {  	[hbm:s21], [sflag:s11] =	dma.local [spmem:s13], $0x500  }
0x6e0: {  	_ =	swait.ge [sflag:s24], $0x500  }
0x6e1: {  	[sflag:s24] =	ssyncset.done $0x0;
	s19 =	rddreg [dreg:$0xa]  }
0x6e2: {  	s21 =	rddreg [dreg:$0x11];
	[sflag:s24] =	ssyncadd.s32 $0xFFFFFB00;
	s13 =	sshrl.u32 s19, $0x3  }
0x6e3: {  	[hbm:s21], [sflag:s11] =	dma.local [spmem:s13], $0x500  }
0x6e4: {  	_ =	swait.ge [sflag:s24], $0x500  }
0x6e5: {  	[sflag:s24] =	ssyncset.done $0x0  }
0x6e6: {  	s19 =	sshrl.u32 s15, $0x3;
	s21 =	rddreg [dreg:$0x13];
	[sflag:s24] =	ssyncadd.s32 $0xFFFFFB00  }
0x6e7: {  	[hbm:s21], [sflag:s11] =	dma.local [spmem:s19], $0x500  }
0x6e8: {  	_ =	swait.ge [sflag:s24], $0x500  }
0x6e9: {  	[sflag:s24] =	ssyncset.done $0x0  }
0x6ea: {  	s19 =	sshrl.u32 s16, $0x3;
	s21 =	rddreg [dreg:$0x15];
	[sflag:s24] =	ssyncadd.s32 $0xFFFFFB00  }
0x6eb: {  	[hbm:s21], [sflag:s11] =	dma.local [spmem:s19], $0x500  }
0x6ec: {  	_ =	swait.ge [sflag:s24], $0x500  }
0x6ed: {  	[sflag:s24] =	ssyncset.done $0x0  }
0x6ee: {  	s19 =	sshrl.u32 s17, $0x3;
	s21 =	rddreg [dreg:$0x17];
	[sflag:s24] =	ssyncadd.s32 $0xFFFFFB00  }
0x6ef: {  	[hbm:s21], [sflag:s11] =	dma.local [spmem:s19], $0x500  }
0x6f0: {  	_ =	swait.ge [sflag:s24], $0x500  }
0x6f1: {  	[sflag:s24] =	ssyncset.done $0x0  }
0x6f2: {  	s14 =	sshrl.u32 s18, $0x3;
	s19 =	rddreg [dreg:$0x19];
	[sflag:s24] =	ssyncadd.s32 $0xFFFFFB00  }
0x6f3: {  	[hbm:s19], [sflag:s11] =	dma.local [spmem:s14], $0x500  }
0x6f4: {  	_ =	swait.ge [sflag:s24], $0x500  }
0x6f5: {  	[sflag:s24] =	ssyncset.done $0x0;
	s13 =	rddreg [dreg:$0xb]  }
0x6f6: {  	s14 =	rddreg [dreg:$0x1a];
	[sflag:s24] =	ssyncadd.s32 $0xFFFFFB00;
	s13 =	sshrl.u32 @!p1 s13, $0x3  }
0x6f7: {  	[hbm:s14], [sflag:s11] =	dma.local @!p1 [spmem:s13], $0x500  }
0x6f8: {  	s11 =	simm.s32 @!p1 $0x4  }
0x6f9: {  	_ =	swait.ge @!p1 [sflag:s11], $0x500  }
0x6fa: {  	s20 =	sadd.s32 $0x1, s20;
	s21 =	rddreg [dreg:$0x1c]  }
0x6fb: {  	p2 =	sne.s32 s20, s21  }
.Ltmp14:
0x6fc: {  	_ = 	snop;
	(pc) =	sbr.rel @p2 .LBB2_1-.Ltmp14, $3  }
0x6fd: {  	[sflag:s11] =	ssyncset.done @!p1 $0x0  }
0x6fe: {  	[sflag:s11] =	ssyncadd.s32 @!p1 $0xFFFFFB00  }
0x6ff: {  	[bflag:$0x0] =	sbarrier.arrive $0xFFFF;
	_ =	sdelay $0x1  }
0x700: {  	_ =	sfence.sel $0x180000  }
0x701: {  	[bflag:$0x0] =	sbarrier.arrive $0xFFFF  }
0x702: {  	_ =	strace $0x90000047  }
0x703: {  	[bflag:$0x2] =	sbarrier.arrive $0xFFFF  }
0x704: {  	s0 =	rddreg [dreg:$0x6]  }
0x705: {  	s0 =	sadd.s32 @!p0 $0x100000, s0  }
0x706: {  	[sflag:s0] =	ssyncadd.tile.s32 @!p0 $0x1;
	_ =	shalt  }
.Lfunc_end2:
_tile_overlayer_lowered:
.L_overlay_start_2:
0x707: {  	(tag) =	ssettag $0x2  }
0x708: {  	s0 =	rddreg [dreg:$0x0];
	s2 =	stileid.u32  }
0x709: {  	s1 =	rddreg [dreg:$0x1];
	p0 =	sne.s32 s2, $0x0  }
0x70a: {  	s3 =	rddreg [dreg:$0x2];
	[bflag:$0x3] =	sbarrier.arrive $0xFFFF;
	s2 =	simm.s32 @!p0 $0x1C04  }
0x70b: {  	[timem:s3], [sflag:s2] =	dma.local @!p0 [hbm:s0], s1  }
0x70c: {  	s0 =	simm.s32 @!p0 $0x4  }
0x70d: {  	_ =	swait.ge @!p0 [sflag:s0], s1  }
0x70e: {  	s1 =	ssub.s32 @!p0 $0x0, s1;
	[sflag:s0] =	ssyncset.done @!p0 $0x0  }
0x70f: {  	[sflag:s0] =	ssyncadd.s32 @!p0 s1  }
0x710: {  	[bflag:$0x3] =	sbarrier.arrive $0xFFFF  }
0x711: {  	_ =	shalt  }

</sc_bundles>
